<compile_context>
chip_gen: v7x
topology: tpu7x:2x2x1
jax: 0.10.2.dev20260603
libtpu: 0.0.44.dev20260713+nightly
codegen_flags: <defaults>
</compile_context>

<pallas_src>
import functools

import jax
import jax.numpy as jnp
import numpy as np
from jax import lax
from jax.experimental import pallas as pl
from jax.experimental.pallas import tpu as pltpu
from jax.experimental.pallas import tpu_sc as plsc

KNN_K = 32
_EPS = 1e-5



_CAP = 1024

def _dist_tau_body(pc8_ref, pcT8_ref, sqr_ref, sqc_ref, dist_ref, tau_ref,
                   *, n_chunks):
    a = pc8_ref[...]
    bT = pcT8_ref[...]
    g = jnp.dot(a, bT, preferred_element_type=jnp.float32)
    d = (sqc_ref[...] + sqr_ref[...]) - 2.0 * g
    dist_ref[...] = d
    n = d.shape[1]
    c = n // n_chunks
    tau = jnp.min(d[:, 0:c], axis=1, keepdims=True)
    for j in range(1, n_chunks):
        tau = jnp.maximum(tau, jnp.min(d[:, j * c:(j + 1) * c], axis=1,
                                       keepdims=True))
    tau_ref[...] = tau


def _sc_compact(dist, tau):
    n_rows, n = dist.shape
    nc, ns = 2, 16
    nw = nc * ns
    rows_w = n_rows // nw
    n_vr = n // 16
    mesh = plsc.VectorSubcoreMesh(core_axis_name="c", subcore_axis_name="s")

    @functools.partial(
        pl.kernel,
        out_type=(jax.ShapeDtypeStruct((n_rows, _CAP), jnp.float32),
                  jax.ShapeDtypeStruct((n_rows, _CAP), jnp.int32),
                  jax.ShapeDtypeStruct((n_rows,), jnp.int32)),
        mesh=mesh,
        scratch_types=[
            pltpu.VMEM((n,), jnp.float32),
            pltpu.VMEM((n,), jnp.float32),
            pltpu.VMEM((rows_w,), jnp.float32),
            pltpu.VMEM((_CAP,), jnp.float32),
            pltpu.VMEM((_CAP,), jnp.int32),
            pltpu.VMEM((rows_w,), jnp.int32),
            pltpu.SemaphoreType.DMA,
            pltpu.SemaphoreType.DMA,
        ],
        compiler_params=pltpu.CompilerParams(needs_layout_passes=False),
    )
    def compact_kernel(dist_hbm, tau_hbm, cv_hbm, ci_hbm, cnt_hbm,
                       row0, row1, tau_v, cand_v, cand_i, cnt_v, sem0, sem1):
        wid = lax.axis_index("s") * nc + lax.axis_index("c")
        base = wid * rows_w
        pltpu.sync_copy(tau_hbm.at[pl.ds(base, rows_w)], tau_v)
        lane = lax.broadcasted_iota(jnp.int32, (16,), 0)
        mask0 = lane == 0

        def do_row(rr, t_scalar, row_buf):
            t = jnp.full((16,), t_scalar, jnp.float32)
            off = jnp.zeros((16,), jnp.int32)

            def body(v, off):
                vec = row_buf[pl.ds(v * 16, 16)]
                m = vec <= t
                pcnt = plsc.all_reduce_population_count(m)
                pc = plsc.cumsum(m.astype(jnp.int32))
                dest = off + pc - 1
                ok = m & (dest < _CAP)
                plsc.store_scatter(cand_v, [dest], vec, mask=ok)
                plsc.store_scatter(cand_i, [dest], lane + v * 16, mask=ok)
                return off + pcnt

            off = pl.loop(0, n_vr, init_carry=off)(body)
            plsc.store_scatter(cnt_v, [jnp.full((16,), rr, jnp.int32)],
                               off, mask=mask0)
            pltpu.sync_copy(cand_v, cv_hbm.at[base + rr])
            pltpu.sync_copy(cand_i, ci_hbm.at[base + rr])

        bufs = (row0, row1)
        sems = (sem0, sem1)

        @pl.loop(0, rows_w // 16)
        def _(g):
            tvv = tau_v[pl.ds(g * 16, 16)]
            r0 = g * 16
            cp = pltpu.async_copy(dist_hbm.at[base + r0], row0, sem0)
            for j in range(16):
                nxt = None
                if j < 15:
                    nxt = pltpu.async_copy(
                        dist_hbm.at[base + r0 + j + 1],
                        bufs[(j + 1) % 2], sems[(j + 1) % 2])
                cp.wait()
                do_row(r0 + j, tvv[j], bufs[j % 2])
                cp = nxt

        pltpu.sync_copy(cnt_v, cnt_hbm.at[pl.ds(base, rows_w)])

    return compact_kernel(dist, tau)


def _extract_body(cv_ref, ci_ref, cnt_ref, nbr_ref, *, k, cap):
    v = cv_ref[...]
    ci = ci_ref[...]
    cnt = cnt_ref[...]
    lane = jax.lax.broadcasted_iota(jnp.int32, v.shape, 1)
    inf = jnp.float32(np.inf)
    bigi = jnp.int32(2 ** 30)
    d = jnp.where(lane < cnt, v, inf)
    for j in range(k):
        m = jnp.min(d, axis=1, keepdims=True)
        hit = d <= m
        idx = jnp.min(jnp.where(hit, ci, bigi), axis=1, keepdims=True)
        nbr_ref[:, j:j + 1] = idx
        d = jnp.where(ci == idx, inf, d)


def _knn_topk(pc2, k, interpret=False):
    n = pc2.shape[0]
    r = 256 if n % 256 == 0 else n
    pc8 = jnp.concatenate([pc2, jnp.zeros((n, 5), jnp.float32)], axis=1)
    sq = jnp.sum(pc2 ** 2, axis=-1)
    dist, tau = pl.pallas_call(
        functools.partial(_dist_tau_body, n_chunks=32),
        grid=(n // r,),
        in_specs=[
            pl.BlockSpec((r, 8), lambda i: (i, 0)),
            pl.BlockSpec((8, n), lambda i: (0, 0)),
            pl.BlockSpec((1, n), lambda i: (0, 0)),
            pl.BlockSpec((r, 1), lambda i: (i, 0)),
        ],
        out_specs=[pl.BlockSpec((r, n), lambda i: (i, 0)),
                   pl.BlockSpec((r, 1), lambda i: (i, 0))],
        out_shape=[jax.ShapeDtypeStruct((n, n), jnp.float32),
                   jax.ShapeDtypeStruct((n, 1), jnp.float32)],
        interpret=interpret,
    )(pc8, pc8.T, sq[None, :], sq[:, None])
    cv, ci, cnt = _sc_compact(dist, tau.reshape(n))
    return pl.pallas_call(
        functools.partial(_extract_body, k=k, cap=_CAP),
        grid=(n // r,),
        in_specs=[
            pl.BlockSpec((r, _CAP), lambda i: (i, 0)),
            pl.BlockSpec((r, _CAP), lambda i: (i, 0)),
            pl.BlockSpec((r, 1), lambda i: (i, 0)),
        ],
        out_specs=pl.BlockSpec((r, k), lambda i: (i, 0)),
        out_shape=jax.ShapeDtypeStruct((n, k), jnp.int32),
        interpret=interpret,
    )(cv, ci, cnt.reshape(n, 1).astype(jnp.int32))



def _sc_gather(table, idx):
    n, d = table.shape
    e = idx.shape[0]
    nc, ns = 2, 16
    nw = nc * ns
    per_w = e // nw
    ch = 128
    n_ch = per_w // ch
    mesh = plsc.VectorSubcoreMesh(core_axis_name="c", subcore_axis_name="s")

    @functools.partial(
        pl.kernel,
        out_type=jax.ShapeDtypeStruct((e, d), jnp.float32),
        mesh=mesh,
        scratch_types=[
            pltpu.VMEM((per_w,), jnp.int32),
            pltpu.VMEM((ch, d), jnp.float32),
            pltpu.VMEM((ch, d), jnp.float32),
            pltpu.SemaphoreType.DMA,
            pltpu.SemaphoreType.DMA,
        ],
        compiler_params=pltpu.CompilerParams(use_tc_tiling_on_sc=False),
    )
    def gather_kernel(table_hbm, idx_hbm, out_hbm, idx_v, buf0, buf1, sem0, sem1):
        wid = lax.axis_index("s") * nc + lax.axis_index("c")
        base = wid * per_w
        pltpu.sync_copy(idx_hbm.at[pl.ds(base, per_w)], idx_v)

        @pl.loop(0, n_ch, step=2)
        def _(c):
            cp0 = pltpu.async_copy(
                table_hbm.at[idx_v.at[pl.ds(c * ch, ch)]], buf0, sem0)
            cp1 = pltpu.async_copy(
                table_hbm.at[idx_v.at[pl.ds((c + 1) * ch, ch)]], buf1, sem1)
            cp0.wait()
            pltpu.sync_copy(buf0, out_hbm.at[pl.ds(base + c * ch, ch)])
            cp1.wait()
            pltpu.sync_copy(buf1, out_hbm.at[pl.ds(base + (c + 1) * ch, ch)])

    return gather_kernel(table, idx)



def _norm_lrelu(y, acc_s, acc_q, inv_n):
    mean = acc_s[0:1, :] * inv_n
    var = acc_q[0:1, :] * inv_n - mean * mean
    z = (y - mean) * jax.lax.rsqrt(var + _EPS)
    return jnp.where(z >= 0, z, 0.1 * z)


def _stage_body(g_ref, aux_ref, w1a_ref, w1b_ref, b1_ref, w2_ref, b2_ref,
                w3_ref, b3_ref, *refs, k, n_edges, nodes_blk, cout, stage1):
    if stage1:
        out_ref, ef_ref = refs[0], refs[1]
        accs = refs[2:]
    else:
        out_ref = refs[0]
        accs = refs[1:]
    a1s, a1q, a2s, a2q, a3s, a3q = accs
    p = pl.program_id(0)
    i = pl.program_id(1)
    inv_n = jnp.float32(1.0 / n_edges)

    if stage1:
        own = jnp.broadcast_to(aux_ref[...][:, None, :],
                               (nodes_blk, k, 3)).reshape(nodes_blk * k, 3)
        ef = g_ref[...][:, 0:3] - own
        ef_ref[...] = ef
    else:
        ef = aux_ref[...]

    def y1():
        return (jnp.dot(g_ref[...], w1a_ref[...], preferred_element_type=jnp.float32)
                + jnp.dot(ef, w1b_ref[...], preferred_element_type=jnp.float32)
                + b1_ref[...])

    def y2():
        z1 = _norm_lrelu(y1(), a1s, a1q, inv_n)
        return jnp.dot(z1, w2_ref[...], preferred_element_type=jnp.float32) + b2_ref[...]

    def y3():
        z2 = _norm_lrelu(y2(), a2s, a2q, inv_n)
        return jnp.dot(z2, w3_ref[...], preferred_element_type=jnp.float32) + b3_ref[...]

    @pl.when((p == 0) & (i == 0))
    def _():
        a1s[...] = jnp.zeros_like(a1s)
        a1q[...] = jnp.zeros_like(a1q)

    @pl.when((p == 1) & (i == 0))
    def _():
        a2s[...] = jnp.zeros_like(a2s)
        a2q[...] = jnp.zeros_like(a2q)

    @pl.when((p == 2) & (i == 0))
    def _():
        a3s[...] = jnp.zeros_like(a3s)
        a3q[...] = jnp.zeros_like(a3q)

    @pl.when(p == 0)
    def _():
        y = y1()
        a1s[0:1, :] += jnp.sum(y, axis=0, keepdims=True)
        a1q[0:1, :] += jnp.sum(y * y, axis=0, keepdims=True)
        out_ref[...] = jnp.zeros_like(out_ref)

    @pl.when(p == 1)
    def _():
        y = y2()
        a2s[0:1, :] += jnp.sum(y, axis=0, keepdims=True)
        a2q[0:1, :] += jnp.sum(y * y, axis=0, keepdims=True)
        out_ref[...] = jnp.zeros_like(out_ref)

    @pl.when(p == 2)
    def _():
        y = y3()
        a3s[0:1, :] += jnp.sum(y, axis=0, keepdims=True)
        a3q[0:1, :] += jnp.sum(y * y, axis=0, keepdims=True)
        out_ref[...] = jnp.zeros_like(out_ref)

    @pl.when(p == 3)
    def _():
        z3 = _norm_lrelu(y3(), a3s, a3q, inv_n)
        out_ref[...] = jnp.max(z3.reshape(nodes_blk, k, cout), axis=1)


def _set_conv_stage(g, aux, w1a, w1b, b1, w2, b2, w3, b3, k, stage1,
                    interpret=False):
    n_edges, cs = g.shape
    cout = w1a.shape[1]
    nodes = n_edges // k
    nodes_blk = min(128, nodes)
    e_blk = nodes_blk * k
    nb = n_edges // e_blk
    acc = lambda: pltpu.VMEM((8, cout), jnp.float32)
    if stage1:
        aux_spec = pl.BlockSpec((nodes_blk, 3), lambda p, i: (i, 0))
        out_shape = (jax.ShapeDtypeStruct((nodes, cout), jnp.float32),
                     jax.ShapeDtypeStruct((n_edges, 3), jnp.float32))
        out_specs = (pl.BlockSpec((nodes_blk, cout), lambda p, i: (i, 0)),
                     pl.BlockSpec((e_blk, 3), lambda p, i: (i, 0)))
    else:
        aux_spec = pl.BlockSpec((e_blk, 3), lambda p, i: (i, 0))
        out_shape = jax.ShapeDtypeStruct((nodes, cout), jnp.float32)
        out_specs = pl.BlockSpec((nodes_blk, cout), lambda p, i: (i, 0))
    return pl.pallas_call(
        functools.partial(_stage_body, k=k, n_edges=n_edges,
                          nodes_blk=nodes_blk, cout=cout, stage1=stage1),
        grid=(4, nb),
        in_specs=[
            pl.BlockSpec((e_blk, cs), lambda p, i: (i, 0)),
            aux_spec,
            pl.BlockSpec(w1a.shape, lambda p, i: (0, 0)),
            pl.BlockSpec(w1b.shape, lambda p, i: (0, 0)),
            pl.BlockSpec((1, cout), lambda p, i: (0, 0)),
            pl.BlockSpec((w2.shape[1], cout), lambda p, i: (0, 0)),
            pl.BlockSpec((1, cout), lambda p, i: (0, 0)),
            pl.BlockSpec((w3.shape[1], cout), lambda p, i: (0, 0)),
            pl.BlockSpec((1, cout), lambda p, i: (0, 0)),
        ],
        out_specs=out_specs,
        out_shape=out_shape,
        scratch_shapes=[acc(), acc(), acc(), acc(), acc(), acc()],
        interpret=interpret,
    )(g, aux, w1a, w1b, b1[None, :], w2.T, b2[None, :], w3.T, b3[None, :])



def _encoder(pc, fea, weights, k, interpret=False, jnp_gather=False):
    n = pc.shape[1]
    pc2 = pc[0]
    fea2 = fea[0]
    neighbors = _knn_topk(pc2, k, interpret=interpret)
    edges = neighbors.reshape(-1)
    table1 = jnp.concatenate(
        [pc2, fea2, jnp.zeros((n, 10), jnp.float32)], axis=1)

    gather = (lambda t: t[edges]) if jnp_gather else (lambda t: _sc_gather(t, edges))

    g1 = gather(table1)
    w1, b1, w2, b2, w3, b3 = weights[0:6]
    w1a = jnp.zeros((16, w1.shape[0]), jnp.float32).at[0:6, :].set(w1[:, 0:6].T)
    sig, ef = _set_conv_stage(g1, pc2, w1a, w1[:, 6:9].T, b1, w2, b2, w3, b3,
                              k, True, interpret=interpret)
    for s in (1, 2):
        w1, b1, w2, b2, w3, b3 = weights[6 * s:6 * s + 6]
        g = gather(sig)
        cs = sig.shape[1]
        sig = _set_conv_stage(g, ef, w1[:, :cs].T, w1[:, cs:].T, b1, w2, b2,
                              w3, b3, k, False, interpret=interpret)
    x = jnp.swapaxes(sig, 0, 1)[None]
    return x, edges, ef


def kernel(pc, fea, W11, b11, W12, b12, W13, b13, W21, b21, W22, b22, W23,
           b23, W31, b31, W32, b32, W33, b33):
    weights = (W11, b11, W12, b12, W13, b13, W21, b21, W22, b22, W23, b23,
               W31, b31, W32, b32, W33, b33)
    return _encoder(pc, fea, weights, KNN_K)

# --- scband reference (transcript-rebuilt; emitter-appended) ---
"""Pipeline reference for scband-flot-encoder-67327907332133 (READ-ONLY COPY).

The authoritative reference and input builder live on the scoring server;
editing this copy changes nothing except your own understanding.
"""

import jax, jax.numpy as jnp
import numpy as np

B, N, K = 1, 8192, 32
IN_DIM = 6
NAMES = ["W11","W12","W13","W21","W22","W23","W31","W32","W33"]
DIMS = [(IN_DIM+3,32),(32,32),(32,32),(32+3,64),(64,64),(64,64),(64+3,128),(128,128),(128,128)]

def setup_inputs(seed: int = 0):
    key = jax.random.key(seed)
    ks = jax.random.split(key, 2 + 2*len(DIMS))
    inp = {"pc": jax.random.normal(ks[0], (B, N, 3), dtype=jnp.float32),
           "fea": jax.random.normal(ks[1], (B, N, 3), dtype=jnp.float32)}
    for i, (name, (din, dout)) in enumerate(zip(NAMES, DIMS)):
        inp[name] = jax.random.normal(ks[2+2*i], (dout, din), dtype=jnp.float32) / np.sqrt(din)
        inp["b" + name[1:]] = jax.random.normal(ks[3+2*i], (dout,), dtype=jnp.float32) * 0.01
    return inp

def construct_graph(pc, k):
    # kNN graph: pairwise squared distances + top-k smallest (equivalent to
    # torch.argsort(dist)[:, :, :k] up to ties), plus relative-coordinate edge feats.
    b, n, _ = pc.shape
    sq = jnp.sum(pc ** 2, axis=-1, keepdims=True)
    dist = sq + jnp.swapaxes(sq, 1, 2) - 2.0 * jnp.einsum("bnd,bmd->bnm", pc, pc)
    _, neighbors = jax.lax.top_k(-dist, k)  # [b, n, k]
    nbr_pts = jax.vmap(lambda p, idx: p[idx])(pc, neighbors)  # [b, n, k, 3]
    edge_feats = (nbr_pts - pc[:, :, None, :]).reshape(b * n * k, 3)
    edges = (neighbors + (jnp.arange(b) * n)[:, None, None]).reshape(-1)  # global indices [b*n*k]
    return edges, edge_feats

def set_conv(signal, edges, edge_feats, k, layers):
    # PointNet++-like SetConv: gather neighbor feats, concat relative coords,
    # 3 x (Linear -> InstanceNorm over (n,k) -> LeakyReLU(0.1)), max over neighbors.
    b, n, c = signal.shape
    sig = signal.reshape(b * n, c)
    sig = jnp.concatenate([sig[edges], edge_feats], axis=-1)
    sig = sig.reshape(b, n, k, c + 3)
    for W, bb in layers:
        sig = sig @ W.T + bb
        mean = jnp.mean(sig, axis=(1, 2), keepdims=True)
        var = jnp.var(sig, axis=(1, 2), keepdims=True)
        sig = (sig - mean) * jax.lax.rsqrt(var + 1e-5)
        sig = jnp.where(sig >= 0, sig, 0.1 * sig)
    return jnp.max(sig, axis=2)

def reference(pc, fea, W11, b11, W12, b12, W13, b13, W21, b21, W22, b22, W23, b23, W31, b31, W32, b32, W33, b33):
    edges, edge_feats = construct_graph(pc, K)
    x = jnp.concatenate([pc, fea], axis=-1)
    x = set_conv(x, edges, edge_feats, K, [(W11, b11), (W12, b12), (W13, b13)])
    x = set_conv(x, edges, edge_feats, K, [(W21, b21), (W22, b22), (W23, b23)])
    x = set_conv(x, edges, edge_feats, K, [(W31, b31), (W32, b32), (W33, b33)])
    x = jnp.swapaxes(x, 1, 2)  # [B, 128, N]
    return (x, edges, edge_feats)

if __name__ == "__main__":
    import jax
    _d = setup_inputs()
    print(jax.jit(kernel)(*tuple(_d.values())))

</pallas_src>

<mosaic_0001>
#map = affine_map<(d0, d1) -> (0, 0)>
#map1 = affine_map<(d0, d1) -> (0)>
module attributes {stable_mosaic.version = 14 : i64} {
  func.func @compact_kernel(%arg0: i32, %arg1: i32, %arg2: memref<8192x8192xf32, #tpu.memory_space<hbm>>, %arg3: memref<8192xf32, #tpu.memory_space<hbm>>, %arg4: memref<8192x1024xf32, #tpu.memory_space<hbm>>, %arg5: memref<8192x1024xi32, #tpu.memory_space<hbm>>, %arg6: memref<8192xi32, #tpu.memory_space<hbm>>, %arg7: memref<8192xf32, #tpu.memory_space<vmem>>, %arg8: memref<8192xf32, #tpu.memory_space<vmem>>, %arg9: memref<256xf32, #tpu.memory_space<vmem>>, %arg10: memref<1024xf32, #tpu.memory_space<vmem>>, %arg11: memref<1024xi32, #tpu.memory_space<vmem>>, %arg12: memref<256xi32, #tpu.memory_space<vmem>>, %arg13: memref<!tpu.dma_semaphore, #tpu.memory_space<semaphore_mem>>, %arg14: memref<!tpu.dma_semaphore, #tpu.memory_space<semaphore_mem>>) attributes {dimension_semantics = [#tpu.dimension_semantics<core_parallel>, #tpu.dimension_semantics<subcore_parallel>], iteration_bounds = array<i64: 2, 16>, scalar_prefetch = 0 : i64, scratch_operands = 8 : i64, tpu.core_type = #tpu.core_type<sc_vector_subcore>, window_params = [{transform_indices = #map}, {transform_indices = #map1}, {transform_indices = #map}, {transform_indices = #map}, {transform_indices = #map1}]} {
    %mul3A = arith.constant 2 : i32
    %mul3A_0 = arith.muli %arg1, %mul3A : i32
    %add3A = arith.addi %mul3A_0, %arg0 : i32
    %mul3A_1 = arith.constant 256 : i32
    %mul3A_2 = arith.muli %add3A, %mul3A_1 : i32
    "tpu.region"() ({
      %run_scoped3A = tpu.sem_alloc : memref<!tpu.dma_semaphore, #tpu.memory_space<semaphore_mem>>
      %dma_start3A = tpu.memref_slice %arg3[%mul3A_2] : memref<8192xf32, #tpu.memory_space<hbm>> -> memref<256xf32, #tpu.memory_space<hbm>>
      %dma_start3A_9 = tpu.memref_slice %arg3[%mul3A_2] : memref<8192xf32, #tpu.memory_space<hbm>> -> memref<256xf32, #tpu.memory_space<hbm>>
      tpu.enqueue_dma source(%dma_start3A_9 : memref<256xf32, #tpu.memory_space<hbm>>) target(%arg9 : memref<256xf32, #tpu.memory_space<vmem>>) target_semaphore(%run_scoped3A : memref<!tpu.dma_semaphore, #tpu.memory_space<semaphore_mem>>)
      %dma_wait3A = tpu.memref_slice %arg3[%mul3A_2] : memref<8192xf32, #tpu.memory_space<hbm>> -> memref<256xf32, #tpu.memory_space<hbm>>
      %dma_wait3A_10 = tpu.memref_slice %arg3[%mul3A_2] : memref<8192xf32, #tpu.memory_space<hbm>> -> memref<256xf32, #tpu.memory_space<hbm>>
      tpu.wait_dma2 semaphore(%run_scoped3A : memref<!tpu.dma_semaphore, #tpu.memory_space<semaphore_mem>>) src(%dma_wait3A_10 : memref<256xf32, #tpu.memory_space<hbm>>) dst(%arg9 : memref<256xf32, #tpu.memory_space<vmem>>)
      tpu.yield
    }) : () -> ()
    %iota3A = tpu.iota {dimensions = array<i32: 0>} : vector<16xi32>
    %eq3A = arith.constant 0 : i32
    %eq3A_3 = vector.broadcast %eq3A : i32 to vector<16xi32>
    %eq3A_4 = arith.cmpi eq, %iota3A, %eq3A_3 : vector<16xi32>
    %scan3A = arith.constant 0 : i32
    %scan3A_5 = arith.constant 16 : i32
    %scan3A_6 = arith.addi %scan3A, %scan3A_5 : i32
    %scan3A_7 = arith.constant 1 : i32
    scf.for %scan3A_9 = %scan3A to %scan3A_6 step %scan3A_7  : i32 {
      %mul3A_10 = arith.constant 1 : i32
      %mul3A_11 = arith.muli %scan3A_9, %mul3A_10 : i32
      %add3A_12 = arith.constant 0 : i32
      %add3A_13 = arith.addi %add3A_12, %mul3A_11 : i32
      %mul3A_14 = arith.constant 16 : i32
      %mul3A_15 = arith.muli %add3A_13, %mul3A_14 : i32
      %get3A = arith.index_cast %mul3A_15 : i32 to index
      %get3A_16 = tpu.vector_load %arg9[%get3A] {strides = array<i32>} : memref<256xf32, #tpu.memory_space<vmem>>, vector<16xf32>,
      %mul3A_17 = arith.constant 16 : i32
      %mul3A_18 = arith.muli %add3A_13, %mul3A_17 : i32
      %add3A_19 = arith.addi %mul3A_2, %mul3A_18 : i32
      %dma_start3A = arith.constant 0 : i32
      %dma_start3A_20 = tpu.memref_slice %arg2[%add3A_19, %dma_start3A] : memref<8192x8192xf32, #tpu.memory_space<hbm>> -> memref<1x8192xf32, #tpu.memory_space<hbm>>
      %dma_start3A_21 = tpu.memref_squeeze %dma_start3A_20 : memref<1x8192xf32, #tpu.memory_space<hbm>> -> memref<8192xf32, #tpu.memory_space<hbm>>
      %dma_start3A_22 = arith.constant 0 : i32
      %dma_start3A_23 = tpu.memref_slice %arg2[%add3A_19, %dma_start3A_22] : memref<8192x8192xf32, #tpu.memory_space<hbm>> -> memref<1x8192xf32, #tpu.memory_space<hbm>>
      %dma_start3A_24 = tpu.memref_squeeze %dma_start3A_23 : memref<1x8192xf32, #tpu.memory_space<hbm>> -> memref<8192xf32, #tpu.memory_space<hbm>>
      tpu.enqueue_dma source(%dma_start3A_24 : memref<8192xf32, #tpu.memory_space<hbm>>) target(%arg7 : memref<8192xf32, #tpu.memory_space<vmem>>) target_semaphore(%arg13 : memref<!tpu.dma_semaphore, #tpu.memory_space<semaphore_mem>>)
      %add3A_25 = arith.addi %mul3A_2, %mul3A_18 : i32
      %add3A_26 = arith.constant 0 : i32
      %add3A_27 = arith.addi %add3A_25, %add3A_26 : i32
      %add3A_28 = arith.constant 1 : i32
      %add3A_29 = arith.addi %add3A_27, %add3A_28 : i32
      %dma_start3A_30 = arith.constant 0 : i32
      %dma_start3A_31 = tpu.memref_slice %arg2[%add3A_29, %dma_start3A_30] : memref<8192x8192xf32, #tpu.memory_space<hbm>> -> memref<1x8192xf32, #tpu.memory_space<hbm>>
      %dma_start3A_32 = tpu.memref_squeeze %dma_start3A_31 : memref<1x8192xf32, #tpu.memory_space<hbm>> -> memref<8192xf32, #tpu.memory_space<hbm>>
      %dma_start3A_33 = arith.constant 0 : i32
      %dma_start3A_34 = tpu.memref_slice %arg2[%add3A_29, %dma_start3A_33] : memref<8192x8192xf32, #tpu.memory_space<hbm>> -> memref<1x8192xf32, #tpu.memory_space<hbm>>
      %dma_start3A_35 = tpu.memref_squeeze %dma_start3A_34 : memref<1x8192xf32, #tpu.memory_space<hbm>> -> memref<8192xf32, #tpu.memory_space<hbm>>
      tpu.enqueue_dma source(%dma_start3A_35 : memref<8192xf32, #tpu.memory_space<hbm>>) target(%arg8 : memref<8192xf32, #tpu.memory_space<vmem>>) target_semaphore(%arg14 : memref<!tpu.dma_semaphore, #tpu.memory_space<semaphore_mem>>)
      %dma_wait3A = arith.constant 0 : i32
      %dma_wait3A_36 = tpu.memref_slice %arg2[%add3A_19, %dma_wait3A] : memref<8192x8192xf32, #tpu.memory_space<hbm>> -> memref<1x8192xf32, #tpu.memory_space<hbm>>
      %dma_wait3A_37 = tpu.memref_squeeze %dma_wait3A_36 : memref<1x8192xf32, #tpu.memory_space<hbm>> -> memref<8192xf32, #tpu.memory_space<hbm>>
      %dma_wait3A_38 = arith.constant 0 : i32
      %dma_wait3A_39 = tpu.memref_slice %arg2[%add3A_19, %dma_wait3A_38] : memref<8192x8192xf32, #tpu.memory_space<hbm>> -> memref<1x8192xf32, #tpu.memory_space<hbm>>
      %dma_wait3A_40 = tpu.memref_squeeze %dma_wait3A_39 : memref<1x8192xf32, #tpu.memory_space<hbm>> -> memref<8192xf32, #tpu.memory_space<hbm>>
      tpu.wait_dma2 semaphore(%arg13 : memref<!tpu.dma_semaphore, #tpu.memory_space<semaphore_mem>>) src(%dma_wait3A_40 : memref<8192xf32, #tpu.memory_space<hbm>>) dst(%arg7 : memref<8192xf32, #tpu.memory_space<vmem>>)
      %add3A_41 = arith.constant 0 : i32
      %add3A_42 = arith.addi %mul3A_18, %add3A_41 : i32
      %slice3A = vector.extract_strided_slice %get3A_16 {offsets = [0], sizes = [1], strides = [1]} : vector<16xf32> to vector<1xf32>
      %squeeze3A = vector.extract %slice3A[0] : f32 from vector<1xf32>
      %broadcast_in_dim3A = vector.broadcast %squeeze3A : f32 to vector<16xf32>
      %broadcast_in_dim3A_43 = arith.constant 0 : i32
      %broadcast_in_dim3A_44 = vector.broadcast %broadcast_in_dim3A_43 : i32 to vector<16xi32>
      %scan3A_45 = arith.constant 0 : i32
      %scan3A_46 = arith.constant 512 : i32
      %scan3A_47 = arith.addi %scan3A_45, %scan3A_46 : i32
      %scan3A_48 = arith.constant 1 : i32
      %scan3A_49 = scf.for %scan3A_538 = %scan3A_45 to %scan3A_47 step %scan3A_48 iter_args(%scan3A_539 = %broadcast_in_dim3A_44) -> (vector<16xi32>)  : i32 {
        %mul3A_540 = arith.constant 1 : i32
        %mul3A_541 = arith.muli %scan3A_538, %mul3A_540 : i32
        %add3A_542 = arith.constant 0 : i32
        %add3A_543 = arith.addi %add3A_542, %mul3A_541 : i32
        %mul3A_544 = arith.constant 16 : i32
        %mul3A_545 = arith.muli %add3A_543, %mul3A_544 : i32
        %get3A_546 = arith.index_cast %mul3A_545 : i32 to index
        %get3A_547 = tpu.vector_load %arg7[%get3A_546] {strides = array<i32>} : memref<8192xf32, #tpu.memory_space<vmem>>, vector<16xf32>,
        %le3A = arith.cmpf ole, %get3A_547, %broadcast_in_dim3A : vector<16xf32>
        %all_reduce_population_count3A = tpu.all_reduce %le3A {dim = 0 : i64, kind = #tpu.reduction_kind<sum>} : vector<16xi1> -> vector<16xi32>
        %convert_element_type3A = arith.extui %le3A : vector<16xi1> to vector<16xi32>
        %broadcast_in_dim3A_548 = arith.constant true
        %broadcast_in_dim3A_549 = vector.broadcast %broadcast_in_dim3A_548 : i1 to vector<16xi1>
        %masked_cumsum3A = tpu.scan <sum>, %convert_element_type3A masked %broadcast_in_dim3A_549 : vector<16xi32>, vector<16xi1> -> vector<16xi32>
        %add3A_550 = arith.addi %scan3A_539, %masked_cumsum3A : vector<16xi32>
        %sub3A = arith.constant 1 : i32
        %sub3A_551 = vector.broadcast %sub3A : i32 to vector<16xi32>
        %sub3A_552 = arith.subi %add3A_550, %sub3A_551 : vector<16xi32>
        %lt3A = arith.constant 1024 : i32
        %lt3A_553 = vector.broadcast %lt3A : i32 to vector<16xi32>
        %lt3A_554 = arith.cmpi slt, %sub3A_552, %lt3A_553 : vector<16xi32>
        %and3A = arith.andi %le3A, %lt3A_554 : vector<16xi1>
        tpu.vector_store_idx %arg10[%sub3A_552], %get3A_547 masked %and3A : memref<1024xf32, #tpu.memory_space<vmem>>[vector<16xi32>], vector<16xf32>, vector<16xi1>
        %mul3A_555 = arith.constant 16 : i32
        %mul3A_556 = arith.muli %add3A_543, %mul3A_555 : i32
        %add3A_557 = vector.broadcast %mul3A_556 : i32 to vector<16xi32>
        %add3A_558 = arith.addi %iota3A, %add3A_557 : vector<16xi32>
        tpu.vector_store_idx %arg11[%sub3A_552], %add3A_558 masked %and3A : memref<1024xi32, #tpu.memory_space<vmem>>[vector<16xi32>], vector<16xi32>, vector<16xi1>
        %add3A_559 = arith.addi %scan3A_539, %all_reduce_population_count3A : vector<16xi32>
        scf.yield %add3A_559 : vector<16xi32>
      }
      %scan3A_50 = arith.constant 512 : i32
      %broadcast_in_dim3A_51 = vector.broadcast %add3A_42 : i32 to vector<16xi32>
      tpu.vector_store_idx %arg12[%broadcast_in_dim3A_51], %scan3A_49 masked %eq3A_4 : memref<256xi32, #tpu.memory_space<vmem>>[vector<16xi32>], vector<16xi32>, vector<16xi1>
      %add3A_52 = arith.addi %mul3A_2, %add3A_42 : i32
      "tpu.region"() ({
        %run_scoped3A = tpu.sem_alloc : memref<!tpu.dma_semaphore, #tpu.memory_space<semaphore_mem>>
        %dma_start3A_538 = arith.constant 0 : i32
        %dma_start3A_539 = tpu.memref_slice %arg4[%add3A_52, %dma_start3A_538] : memref<8192x1024xf32, #tpu.memory_space<hbm>> -> memref<1x1024xf32, #tpu.memory_space<hbm>>
        %dma_start3A_540 = tpu.memref_squeeze %dma_start3A_539 : memref<1x1024xf32, #tpu.memory_space<hbm>> -> memref<1024xf32, #tpu.memory_space<hbm>>
        %dma_start3A_541 = arith.constant 0 : i32
        %dma_start3A_542 = tpu.memref_slice %arg4[%add3A_52, %dma_start3A_541] : memref<8192x1024xf32, #tpu.memory_space<hbm>> -> memref<1x1024xf32, #tpu.memory_space<hbm>>
        %dma_start3A_543 = tpu.memref_squeeze %dma_start3A_542 : memref<1x1024xf32, #tpu.memory_space<hbm>> -> memref<1024xf32, #tpu.memory_space<hbm>>
        tpu.enqueue_dma source(%arg10 : memref<1024xf32, #tpu.memory_space<vmem>>) target(%dma_start3A_543 : memref<1024xf32, #tpu.memory_space<hbm>>) target_semaphore(%run_scoped3A : memref<!tpu.dma_semaphore, #tpu.memory_space<semaphore_mem>>)
        %dma_wait3A_544 = arith.constant 0 : i32
        %dma_wait3A_545 = tpu.memref_slice %arg4[%add3A_52, %dma_wait3A_544] : memref<8192x1024xf32, #tpu.memory_space<hbm>> -> memref<1x1024xf32, #tpu.memory_space<hbm>>
        %dma_wait3A_546 = tpu.memref_squeeze %dma_wait3A_545 : memref<1x1024xf32, #tpu.memory_space<hbm>> -> memref<1024xf32, #tpu.memory_space<hbm>>
        %dma_wait3A_547 = arith.constant 0 : i32
        %dma_wait3A_548 = tpu.memref_slice %arg4[%add3A_52, %dma_wait3A_547] : memref<8192x1024xf32, #tpu.memory_space<hbm>> -> memref<1x1024xf32, #tpu.memory_space<hbm>>
        %dma_wait3A_549 = tpu.memref_squeeze %dma_wait3A_548 : memref<1x1024xf32, #tpu.memory_space<hbm>> -> memref<1024xf32, #tpu.memory_space<hbm>>
        tpu.wait_dma2 semaphore(%run_scoped3A : memref<!tpu.dma_semaphore, #tpu.memory_space<semaphore_mem>>) src(%arg10 : memref<1024xf32, #tpu.memory_space<vmem>>) dst(%dma_wait3A_549 : memref<1024xf32, #tpu.memory_space<hbm>>)
        tpu.yield
      }) : () -> ()
      %add3A_53 = arith.addi %mul3A_2, %add3A_42 : i32
      "tpu.region"() ({
        %run_scoped3A = tpu.sem_alloc : memref<!tpu.dma_semaphore, #tpu.memory_space<semaphore_mem>>
        %dma_start3A_538 = arith.constant 0 : i32
        %dma_start3A_539 = tpu.memref_slice %arg5[%add3A_53, %dma_start3A_538] : memref<8192x1024xi32, #tpu.memory_space<hbm>> -> memref<1x1024xi32, #tpu.memory_space<hbm>>
        %dma_start3A_540 = tpu.memref_squeeze %dma_start3A_539 : memref<1x1024xi32, #tpu.memory_space<hbm>> -> memref<1024xi32, #tpu.memory_space<hbm>>
        %dma_start3A_541 = arith.constant 0 : i32
        %dma_start3A_542 = tpu.memref_slice %arg5[%add3A_53, %dma_start3A_541] : memref<8192x1024xi32, #tpu.memory_space<hbm>> -> memref<1x1024xi32, #tpu.memory_space<hbm>>
        %dma_start3A_543 = tpu.memref_squeeze %dma_start3A_542 : memref<1x1024xi32, #tpu.memory_space<hbm>> -> memref<1024xi32, #tpu.memory_space<hbm>>
        tpu.enqueue_dma source(%arg11 : memref<1024xi32, #tpu.memory_space<vmem>>) target(%dma_start3A_543 : memref<1024xi32, #tpu.memory_space<hbm>>) target_semaphore(%run_scoped3A : memref<!tpu.dma_semaphore, #tpu.memory_space<semaphore_mem>>)
        %dma_wait3A_544 = arith.constant 0 : i32
        %dma_wait3A_545 = tpu.memref_slice %arg5[%add3A_53, %dma_wait3A_544] : memref<8192x1024xi32, #tpu.memory_space<hbm>> -> memref<1x1024xi32, #tpu.memory_space<hbm>>
        %dma_wait3A_546 = tpu.memref_squeeze %dma_wait3A_545 : memref<1x1024xi32, #tpu.memory_space<hbm>> -> memref<1024xi32, #tpu.memory_space<hbm>>
        %dma_wait3A_547 = arith.constant 0 : i32
        %dma_wait3A_548 = tpu.memref_slice %arg5[%add3A_53, %dma_wait3A_547] : memref<8192x1024xi32, #tpu.memory_space<hbm>> -> memref<1x1024xi32, #tpu.memory_space<hbm>>
        %dma_wait3A_549 = tpu.memref_squeeze %dma_wait3A_548 : memref<1x1024xi32, #tpu.memory_space<hbm>> -> memref<1024xi32, #tpu.memory_space<hbm>>
        tpu.wait_dma2 semaphore(%run_scoped3A : memref<!tpu.dma_semaphore, #tpu.memory_space<semaphore_mem>>) src(%arg11 : memref<1024xi32, #tpu.memory_space<vmem>>) dst(%dma_wait3A_549 : memref<1024xi32, #tpu.memory_space<hbm>>)
        tpu.yield
      }) : () -> ()
      %add3A_54 = arith.addi %mul3A_2, %mul3A_18 : i32
      %add3A_55 = arith.constant 1 : i32
      %add3A_56 = arith.addi %add3A_54, %add3A_55 : i32
      %add3A_57 = arith.constant 1 : i32
      %add3A_58 = arith.addi %add3A_56, %add3A_57 : i32
      %dma_start3A_59 = arith.constant 0 : i32
      %dma_start3A_60 = tpu.memref_slice %arg2[%add3A_58, %dma_start3A_59] : memref<8192x8192xf32, #tpu.memory_space<hbm>> -> memref<1x8192xf32, #tpu.memory_space<hbm>>
      %dma_start3A_61 = tpu.memref_squeeze %dma_start3A_60 : memref<1x8192xf32, #tpu.memory_space<hbm>> -> memref<8192xf32, #tpu.memory_space<hbm>>
      %dma_start3A_62 = arith.constant 0 : i32
      %dma_start3A_63 = tpu.memref_slice %arg2[%add3A_58, %dma_start3A_62] : memref<8192x8192xf32, #tpu.memory_space<hbm>> -> memref<1x8192xf32, #tpu.memory_space<hbm>>
      %dma_start3A_64 = tpu.memref_squeeze %dma_start3A_63 : memref<1x8192xf32, #tpu.memory_space<hbm>> -> memref<8192xf32, #tpu.memory_space<hbm>>
      tpu.enqueue_dma source(%dma_start3A_64 : memref<8192xf32, #tpu.memory_space<hbm>>) target(%arg7 : memref<8192xf32, #tpu.memory_space<vmem>>) target_semaphore(%arg13 : memref<!tpu.dma_semaphore, #tpu.memory_space<semaphore_mem>>)
      %dma_wait3A_65 = arith.constant 0 : i32
      %dma_wait3A_66 = tpu.memref_slice %arg2[%add3A_29, %dma_wait3A_65] : memref<8192x8192xf32, #tpu.memory_space<hbm>> -> memref<1x8192xf32, #tpu.memory_space<hbm>>
      %dma_wait3A_67 = tpu.memref_squeeze %dma_wait3A_66 : memref<1x8192xf32, #tpu.memory_space<hbm>> -> memref<8192xf32, #tpu.memory_space<hbm>>
      %dma_wait3A_68 = arith.constant 0 : i32
      %dma_wait3A_69 = tpu.memref_slice %arg2[%add3A_29, %dma_wait3A_68] : memref<8192x8192xf32, #tpu.memory_space<hbm>> -> memref<1x8192xf32, #tpu.memory_space<hbm>>
      %dma_wait3A_70 = tpu.memref_squeeze %dma_wait3A_69 : memref<1x8192xf32, #tpu.memory_space<hbm>> -> memref<8192xf32, #tpu.memory_space<hbm>>
      tpu.wait_dma2 semaphore(%arg14 : memref<!tpu.dma_semaphore, #tpu.memory_space<semaphore_mem>>) src(%dma_wait3A_70 : memref<8192xf32, #tpu.memory_space<hbm>>) dst(%arg8 : memref<8192xf32, #tpu.memory_space<vmem>>)
      %add3A_71 = arith.constant 1 : i32
      %add3A_72 = arith.addi %mul3A_18, %add3A_71 : i32
      %slice3A_73 = vector.extract_strided_slice %get3A_16 {offsets = [1], sizes = [1], strides = [1]} : vector<16xf32> to vector<1xf32>
      %squeeze3A_74 = vector.extract %slice3A_73[0] : f32 from vector<1xf32>
      %broadcast_in_dim3A_75 = vector.broadcast %squeeze3A_74 : f32 to vector<16xf32>
      %broadcast_in_dim3A_76 = arith.constant 0 : i32
      %broadcast_in_dim3A_77 = vector.broadcast %broadcast_in_dim3A_76 : i32 to vector<16xi32>
      %scan3A_78 = arith.constant 0 : i32
      %scan3A_79 = arith.constant 512 : i32
      %scan3A_80 = arith.addi %scan3A_78, %scan3A_79 : i32
      %scan3A_81 = arith.constant 1 : i32
      %scan3A_82 = scf.for %scan3A_538 = %scan3A_78 to %scan3A_80 step %scan3A_81 iter_args(%scan3A_539 = %broadcast_in_dim3A_77) -> (vector<16xi32>)  : i32 {
        %mul3A_540 = arith.constant 1 : i32
        %mul3A_541 = arith.muli %scan3A_538, %mul3A_540 : i32
        %add3A_542 = arith.constant 0 : i32
        %add3A_543 = arith.addi %add3A_542, %mul3A_541 : i32
        %mul3A_544 = arith.constant 16 : i32
        %mul3A_545 = arith.muli %add3A_543, %mul3A_544 : i32
        %get3A_546 = arith.index_cast %mul3A_545 : i32 to index
        %get3A_547 = tpu.vector_load %arg8[%get3A_546] {strides = array<i32>} : memref<8192xf32, #tpu.memory_space<vmem>>, vector<16xf32>,
        %le3A = arith.cmpf ole, %get3A_547, %broadcast_in_dim3A_75 : vector<16xf32>
        %all_reduce_population_count3A = tpu.all_reduce %le3A {dim = 0 : i64, kind = #tpu.reduction_kind<sum>} : vector<16xi1> -> vector<16xi32>
        %convert_element_type3A = arith.extui %le3A : vector<16xi1> to vector<16xi32>
        %broadcast_in_dim3A_548 = arith.constant true
        %broadcast_in_dim3A_549 = vector.broadcast %broadcast_in_dim3A_548 : i1 to vector<16xi1>
        %masked_cumsum3A = tpu.scan <sum>, %convert_element_type3A masked %broadcast_in_dim3A_549 : vector<16xi32>, vector<16xi1> -> vector<16xi32>
        %add3A_550 = arith.addi %scan3A_539, %masked_cumsum3A : vector<16xi32>
        %sub3A = arith.constant 1 : i32
        %sub3A_551 = vector.broadcast %sub3A : i32 to vector<16xi32>
        %sub3A_552 = arith.subi %add3A_550, %sub3A_551 : vector<16xi32>
        %lt3A = arith.constant 1024 : i32
        %lt3A_553 = vector.broadcast %lt3A : i32 to vector<16xi32>
        %lt3A_554 = arith.cmpi slt, %sub3A_552, %lt3A_553 : vector<16xi32>
        %and3A = arith.andi %le3A, %lt3A_554 : vector<16xi1>
        tpu.vector_store_idx %arg10[%sub3A_552], %get3A_547 masked %and3A : memref<1024xf32, #tpu.memory_space<vmem>>[vector<16xi32>], vector<16xf32>, vector<16xi1>
        %mul3A_555 = arith.constant 16 : i32
        %mul3A_556 = arith.muli %add3A_543, %mul3A_555 : i32
        %add3A_557 = vector.broadcast %mul3A_556 : i32 to vector<16xi32>
        %add3A_558 = arith.addi %iota3A, %add3A_557 : vector<16xi32>
        tpu.vector_store_idx %arg11[%sub3A_552], %add3A_558 masked %and3A : memref<1024xi32, #tpu.memory_space<vmem>>[vector<16xi32>], vector<16xi32>, vector<16xi1>
        %add3A_559 = arith.addi %scan3A_539, %all_reduce_population_count3A : vector<16xi32>
        scf.yield %add3A_559 : vector<16xi32>
      }
      %scan3A_83 = arith.constant 512 : i32
      %broadcast_in_dim3A_84 = vector.broadcast %add3A_72 : i32 to vector<16xi32>
      tpu.vector_store_idx %arg12[%broadcast_in_dim3A_84], %scan3A_82 masked %eq3A_4 : memref<256xi32, #tpu.memory_space<vmem>>[vector<16xi32>], vector<16xi32>, vector<16xi1>
      %add3A_85 = arith.addi %mul3A_2, %add3A_72 : i32
      "tpu.region"() ({
        %run_scoped3A = tpu.sem_alloc : memref<!tpu.dma_semaphore, #tpu.memory_space<semaphore_mem>>
        %dma_start3A_538 = arith.constant 0 : i32
        %dma_start3A_539 = tpu.memref_slice %arg4[%add3A_85, %dma_start3A_538] : memref<8192x1024xf32, #tpu.memory_space<hbm>> -> memref<1x1024xf32, #tpu.memory_space<hbm>>
        %dma_start3A_540 = tpu.memref_squeeze %dma_start3A_539 : memref<1x1024xf32, #tpu.memory_space<hbm>> -> memref<1024xf32, #tpu.memory_space<hbm>>
        %dma_start3A_541 = arith.constant 0 : i32
        %dma_start3A_542 = tpu.memref_slice %arg4[%add3A_85, %dma_start3A_541] : memref<8192x1024xf32, #tpu.memory_space<hbm>> -> memref<1x1024xf32, #tpu.memory_space<hbm>>
        %dma_start3A_543 = tpu.memref_squeeze %dma_start3A_542 : memref<1x1024xf32, #tpu.memory_space<hbm>> -> memref<1024xf32, #tpu.memory_space<hbm>>
        tpu.enqueue_dma source(%arg10 : memref<1024xf32, #tpu.memory_space<vmem>>) target(%dma_start3A_543 : memref<1024xf32, #tpu.memory_space<hbm>>) target_semaphore(%run_scoped3A : memref<!tpu.dma_semaphore, #tpu.memory_space<semaphore_mem>>)
        %dma_wait3A_544 = arith.constant 0 : i32
        %dma_wait3A_545 = tpu.memref_slice %arg4[%add3A_85, %dma_wait3A_544] : memref<8192x1024xf32, #tpu.memory_space<hbm>> -> memref<1x1024xf32, #tpu.memory_space<hbm>>
        %dma_wait3A_546 = tpu.memref_squeeze %dma_wait3A_545 : memref<1x1024xf32, #tpu.memory_space<hbm>> -> memref<1024xf32, #tpu.memory_space<hbm>>
        %dma_wait3A_547 = arith.constant 0 : i32
        %dma_wait3A_548 = tpu.memref_slice %arg4[%add3A_85, %dma_wait3A_547] : memref<8192x1024xf32, #tpu.memory_space<hbm>> -> memref<1x1024xf32, #tpu.memory_space<hbm>>
        %dma_wait3A_549 = tpu.memref_squeeze %dma_wait3A_548 : memref<1x1024xf32, #tpu.memory_space<hbm>> -> memref<1024xf32, #tpu.memory_space<hbm>>
        tpu.wait_dma2 semaphore(%run_scoped3A : memref<!tpu.dma_semaphore, #tpu.memory_space<semaphore_mem>>) src(%arg10 : memref<1024xf32, #tpu.memory_space<vmem>>) dst(%dma_wait3A_549 : memref<1024xf32, #tpu.memory_space<hbm>>)
        tpu.yield
      }) : () -> ()
      %add3A_86 = arith.addi %mul3A_2, %add3A_72 : i32
      "tpu.region"() ({
        %run_scoped3A = tpu.sem_alloc : memref<!tpu.dma_semaphore, #tpu.memory_space<semaphore_mem>>
        %dma_start3A_538 = arith.constant 0 : i32
        %dma_start3A_539 = tpu.memref_slice %arg5[%add3A_86, %dma_start3A_538] : memref<8192x1024xi32, #tpu.memory_space<hbm>> -> memref<1x1024xi32, #tpu.memory_space<hbm>>
        %dma_start3A_540 = tpu.memref_squeeze %dma_start3A_539 : memref<1x1024xi32, #tpu.memory_space<hbm>> -> memref<1024xi32, #tpu.memory_space<hbm>>
        %dma_start3A_541 = arith.constant 0 : i32
        %dma_start3A_542 = tpu.memref_slice %arg5[%add3A_86, %dma_start3A_541] : memref<8192x1024xi32, #tpu.memory_space<hbm>> -> memref<1x1024xi32, #tpu.memory_space<hbm>>
        %dma_start3A_543 = tpu.memref_squeeze %dma_start3A_542 : memref<1x1024xi32, #tpu.memory_space<hbm>> -> memref<1024xi32, #tpu.memory_space<hbm>>
        tpu.enqueue_dma source(%arg11 : memref<1024xi32, #tpu.memory_space<vmem>>) target(%dma_start3A_543 : memref<1024xi32, #tpu.memory_space<hbm>>) target_semaphore(%run_scoped3A : memref<!tpu.dma_semaphore, #tpu.memory_space<semaphore_mem>>)
        %dma_wait3A_544 = arith.constant 0 : i32
        %dma_wait3A_545 = tpu.memref_slice %arg5[%add3A_86, %dma_wait3A_544] : memref<8192x1024xi32, #tpu.memory_space<hbm>> -> memref<1x1024xi32, #tpu.memory_space<hbm>>
        %dma_wait3A_546 = tpu.memref_squeeze %dma_wait3A_545 : memref<1x1024xi32, #tpu.memory_space<hbm>> -> memref<1024xi32, #tpu.memory_space<hbm>>
        %dma_wait3A_547 = arith.constant 0 : i32
        %dma_wait3A_548 = tpu.memref_slice %arg5[%add3A_86, %dma_wait3A_547] : memref<8192x1024xi32, #tpu.memory_space<hbm>> -> memref<1x1024xi32, #tpu.memory_space<hbm>>
        %dma_wait3A_549 = tpu.memref_squeeze %dma_wait3A_548 : memref<1x1024xi32, #tpu.memory_space<hbm>> -> memref<1024xi32, #tpu.memory_space<hbm>>
        tpu.wait_dma2 semaphore(%run_scoped3A : memref<!tpu.dma_semaphore, #tpu.memory_space<semaphore_mem>>) src(%arg11 : memref<1024xi32, #tpu.memory_space<vmem>>) dst(%dma_wait3A_549 : memref<1024xi32, #tpu.memory_space<hbm>>)
        tpu.yield
      }) : () -> ()
      %add3A_87 = arith.addi %mul3A_2, %mul3A_18 : i32
      %add3A_88 = arith.constant 2 : i32
      %add3A_89 = arith.addi %add3A_87, %add3A_88 : i32
      %add3A_90 = arith.constant 1 : i32
      %add3A_91 = arith.addi %add3A_89, %add3A_90 : i32
      %dma_start3A_92 = arith.constant 0 : i32
      %dma_start3A_93 = tpu.memref_slice %arg2[%add3A_91, %dma_start3A_92] : memref<8192x8192xf32, #tpu.memory_space<hbm>> -> memref<1x8192xf32, #tpu.memory_space<hbm>>
      %dma_start3A_94 = tpu.memref_squeeze %dma_start3A_93 : memref<1x8192xf32, #tpu.memory_space<hbm>> -> memref<8192xf32, #tpu.memory_space<hbm>>
      %dma_start3A_95 = arith.constant 0 : i32
      %dma_start3A_96 = tpu.memref_slice %arg2[%add3A_91, %dma_start3A_95] : memref<8192x8192xf32, #tpu.memory_space<hbm>> -> memref<1x8192xf32, #tpu.memory_space<hbm>>
      %dma_start3A_97 = tpu.memref_squeeze %dma_start3A_96 : memref<1x8192xf32, #tpu.memory_space<hbm>> -> memref<8192xf32, #tpu.memory_space<hbm>>
      tpu.enqueue_dma source(%dma_start3A_97 : memref<8192xf32, #tpu.memory_space<hbm>>) target(%arg8 : memref<8192xf32, #tpu.memory_space<vmem>>) target_semaphore(%arg14 : memref<!tpu.dma_semaphore, #tpu.memory_space<semaphore_mem>>)
      %dma_wait3A_98 = arith.constant 0 : i32
      %dma_wait3A_99 = tpu.memref_slice %arg2[%add3A_58, %dma_wait3A_98] : memref<8192x8192xf32, #tpu.memory_space<hbm>> -> memref<1x8192xf32, #tpu.memory_space<hbm>>
      %dma_wait3A_100 = tpu.memref_squeeze %dma_wait3A_99 : memref<1x8192xf32, #tpu.memory_space<hbm>> -> memref<8192xf32, #tpu.memory_space<hbm>>
      %dma_wait3A_101 = arith.constant 0 : i32
      %dma_wait3A_102 = tpu.memref_slice %arg2[%add3A_58, %dma_wait3A_101] : memref<8192x8192xf32, #tpu.memory_space<hbm>> -> memref<1x8192xf32, #tpu.memory_space<hbm>>
      %dma_wait3A_103 = tpu.memref_squeeze %dma_wait3A_102 : memref<1x8192xf32, #tpu.memory_space<hbm>> -> memref<8192xf32, #tpu.memory_space<hbm>>
      tpu.wait_dma2 semaphore(%arg13 : memref<!tpu.dma_semaphore, #tpu.memory_space<semaphore_mem>>) src(%dma_wait3A_103 : memref<8192xf32, #tpu.memory_space<hbm>>) dst(%arg7 : memref<8192xf32, #tpu.memory_space<vmem>>)
      %add3A_104 = arith.constant 2 : i32
      %add3A_105 = arith.addi %mul3A_18, %add3A_104 : i32
      %slice3A_106 = vector.extract_strided_slice %get3A_16 {offsets = [2], sizes = [1], strides = [1]} : vector<16xf32> to vector<1xf32>
      %squeeze3A_107 = vector.extract %slice3A_106[0] : f32 from vector<1xf32>
      %broadcast_in_dim3A_108 = vector.broadcast %squeeze3A_107 : f32 to vector<16xf32>
      %broadcast_in_dim3A_109 = arith.constant 0 : i32
      %broadcast_in_dim3A_110 = vector.broadcast %broadcast_in_dim3A_109 : i32 to vector<16xi32>
      %scan3A_111 = arith.constant 0 : i32
      %scan3A_112 = arith.constant 512 : i32
      %scan3A_113 = arith.addi %scan3A_111, %scan3A_112 : i32
      %scan3A_114 = arith.constant 1 : i32
      %scan3A_115 = scf.for %scan3A_538 = %scan3A_111 to %scan3A_113 step %scan3A_114 iter_args(%scan3A_539 = %broadcast_in_dim3A_110) -> (vector<16xi32>)  : i32 {
        %mul3A_540 = arith.constant 1 : i32
        %mul3A_541 = arith.muli %scan3A_538, %mul3A_540 : i32
        %add3A_542 = arith.constant 0 : i32
        %add3A_543 = arith.addi %add3A_542, %mul3A_541 : i32
        %mul3A_544 = arith.constant 16 : i32
        %mul3A_545 = arith.muli %add3A_543, %mul3A_544 : i32
        %get3A_546 = arith.index_cast %mul3A_545 : i32 to index
        %get3A_547 = tpu.vector_load %arg7[%get3A_546] {strides = array<i32>} : memref<8192xf32, #tpu.memory_space<vmem>>, vector<16xf32>,
        %le3A = arith.cmpf ole, %get3A_547, %broadcast_in_dim3A_108 : vector<16xf32>
        %all_reduce_population_count3A = tpu.all_reduce %le3A {dim = 0 : i64, kind = #tpu.reduction_kind<sum>} : vector<16xi1> -> vector<16xi32>
        %convert_element_type3A = arith.extui %le3A : vector<16xi1> to vector<16xi32>
        %broadcast_in_dim3A_548 = arith.constant true
        %broadcast_in_dim3A_549 = vector.broadcast %broadcast_in_dim3A_548 : i1 to vector<16xi1>
        %masked_cumsum3A = tpu.scan <sum>, %convert_element_type3A masked %broadcast_in_dim3A_549 : vector<16xi32>, vector<16xi1> -> vector<16xi32>
        %add3A_550 = arith.addi %scan3A_539, %masked_cumsum3A : vector<16xi32>
        %sub3A = arith.constant 1 : i32
        %sub3A_551 = vector.broadcast %sub3A : i32 to vector<16xi32>
        %sub3A_552 = arith.subi %add3A_550, %sub3A_551 : vector<16xi32>
        %lt3A = arith.constant 1024 : i32
        %lt3A_553 = vector.broadcast %lt3A : i32 to vector<16xi32>
        %lt3A_554 = arith.cmpi slt, %sub3A_552, %lt3A_553 : vector<16xi32>
        %and3A = arith.andi %le3A, %lt3A_554 : vector<16xi1>
        tpu.vector_store_idx %arg10[%sub3A_552], %get3A_547 masked %and3A : memref<1024xf32, #tpu.memory_space<vmem>>[vector<16xi32>], vector<16xf32>, vector<16xi1>
        %mul3A_555 = arith.constant 16 : i32
        %mul3A_556 = arith.muli %add3A_543, %mul3A_555 : i32
        %add3A_557 = vector.broadcast %mul3A_556 : i32 to vector<16xi32>
        %add3A_558 = arith.addi %iota3A, %add3A_557 : vector<16xi32>
        tpu.vector_store_idx %arg11[%sub3A_552], %add3A_558 masked %and3A : memref<1024xi32, #tpu.memory_space<vmem>>[vector<16xi32>], vector<16xi32>, vector<16xi1>
        %add3A_559 = arith.addi %scan3A_539, %all_reduce_population_count3A : vector<16xi32>
        scf.yield %add3A_559 : vector<16xi32>
      }
      %scan3A_116 = arith.constant 512 : i32
      %broadcast_in_dim3A_117 = vector.broadcast %add3A_105 : i32 to vector<16xi32>
      tpu.vector_store_idx %arg12[%broadcast_in_dim3A_117], %scan3A_115 masked %eq3A_4 : memref<256xi32, #tpu.memory_space<vmem>>[vector<16xi32>], vector<16xi32>, vector<16xi1>
      %add3A_118 = arith.addi %mul3A_2, %add3A_105 : i32
      "tpu.region"() ({
        %run_scoped3A = tpu.sem_alloc : memref<!tpu.dma_semaphore, #tpu.memory_space<semaphore_mem>>
        %dma_start3A_538 = arith.constant 0 : i32
        %dma_start3A_539 = tpu.memref_slice %arg4[%add3A_118, %dma_start3A_538] : memref<8192x1024xf32, #tpu.memory_space<hbm>> -> memref<1x1024xf32, #tpu.memory_space<hbm>>
        %dma_start3A_540 = tpu.memref_squeeze %dma_start3A_539 : memref<1x1024xf32, #tpu.memory_space<hbm>> -> memref<1024xf32, #tpu.memory_space<hbm>>
        %dma_start3A_541 = arith.constant 0 : i32
        %dma_start3A_542 = tpu.memref_slice %arg4[%add3A_118, %dma_start3A_541] : memref<8192x1024xf32, #tpu.memory_space<hbm>> -> memref<1x1024xf32, #tpu.memory_space<hbm>>
        %dma_start3A_543 = tpu.memref_squeeze %dma_start3A_542 : memref<1x1024xf32, #tpu.memory_space<hbm>> -> memref<1024xf32, #tpu.memory_space<hbm>>
        tpu.enqueue_dma source(%arg10 : memref<1024xf32, #tpu.memory_space<vmem>>) target(%dma_start3A_543 : memref<1024xf32, #tpu.memory_space<hbm>>) target_semaphore(%run_scoped3A : memref<!tpu.dma_semaphore, #tpu.memory_space<semaphore_mem>>)
        %dma_wait3A_544 = arith.constant 0 : i32
        %dma_wait3A_545 = tpu.memref_slice %arg4[%add3A_118, %dma_wait3A_544] : memref<8192x1024xf32, #tpu.memory_space<hbm>> -> memref<1x1024xf32, #tpu.memory_space<hbm>>
        %dma_wait3A_546 = tpu.memref_squeeze %dma_wait3A_545 : memref<1x1024xf32, #tpu.memory_space<hbm>> -> memref<1024xf32, #tpu.memory_space<hbm>>
        %dma_wait3A_547 = arith.constant 0 : i32
        %dma_wait3A_548 = tpu.memref_slice %arg4[%add3A_118, %dma_wait3A_547] : memref<8192x1024xf32, #tpu.memory_space<hbm>> -> memref<1x1024xf32, #tpu.memory_space<hbm>>
        %dma_wait3A_549 = tpu.memref_squeeze %dma_wait3A_548 : memref<1x1024xf32, #tpu.memory_space<hbm>> -> memref<1024xf32, #tpu.memory_space<hbm>>
        tpu.wait_dma2 semaphore(%run_scoped3A : memref<!tpu.dma_semaphore, #tpu.memory_space<semaphore_mem>>) src(%arg10 : memref<1024xf32, #tpu.memory_space<vmem>>) dst(%dma_wait3A_549 : memref<1024xf32, #tpu.memory_space<hbm>>)
        tpu.yield
      }) : () -> ()
      %add3A_119 = arith.addi %mul3A_2, %add3A_105 : i32
      "tpu.region"() ({
        %run_scoped3A = tpu.sem_alloc : memref<!tpu.dma_semaphore, #tpu.memory_space<semaphore_mem>>
        %dma_start3A_538 = arith.constant 0 : i32
        %dma_start3A_539 = tpu.memref_slice %arg5[%add3A_119, %dma_start3A_538] : memref<8192x1024xi32, #tpu.memory_space<hbm>> -> memref<1x1024xi32, #tpu.memory_space<hbm>>
        %dma_start3A_540 = tpu.memref_squeeze %dma_start3A_539 : memref<1x1024xi32, #tpu.memory_space<hbm>> -> memref<1024xi32, #tpu.memory_space<hbm>>
        %dma_start3A_541 = arith.constant 0 : i32
        %dma_start3A_542 = tpu.memref_slice %arg5[%add3A_119, %dma_start3A_541] : memref<8192x1024xi32, #tpu.memory_space<hbm>> -> memref<1x1024xi32, #tpu.memory_space<hbm>>
        %dma_start3A_543 = tpu.memref_squeeze %dma_start3A_542 : memref<1x1024xi32, #tpu.memory_space<hbm>> -> memref<1024xi32, #tpu.memory_space<hbm>>
        tpu.enqueue_dma source(%arg11 : memref<1024xi32, #tpu.memory_space<vmem>>) target(%dma_start3A_543 : memref<1024xi32, #tpu.memory_space<hbm>>) target_semaphore(%run_scoped3A : memref<!tpu.dma_semaphore, #tpu.memory_space<semaphore_mem>>)
        %dma_wait3A_544 = arith.constant 0 : i32
        %dma_wait3A_545 = tpu.memref_slice %arg5[%add3A_119, %dma_wait3A_544] : memref<8192x1024xi32, #tpu.memory_space<hbm>> -> memref<1x1024xi32, #tpu.memory_space<hbm>>
        %dma_wait3A_546 = tpu.memref_squeeze %dma_wait3A_545 : memref<1x1024xi32, #tpu.memory_space<hbm>> -> memref<1024xi32, #tpu.memory_space<hbm>>
        %dma_wait3A_547 = arith.constant 0 : i32
        %dma_wait3A_548 = tpu.memref_slice %arg5[%add3A_119, %dma_wait3A_547] : memref<8192x1024xi32, #tpu.memory_space<hbm>> -> memref<1x1024xi32, #tpu.memory_space<hbm>>
        %dma_wait3A_549 = tpu.memref_squeeze %dma_wait3A_548 : memref<1x1024xi32, #tpu.memory_space<hbm>> -> memref<1024xi32, #tpu.memory_space<hbm>>
        tpu.wait_dma2 semaphore(%run_scoped3A : memref<!tpu.dma_semaphore, #tpu.memory_space<semaphore_mem>>) src(%arg11 : memref<1024xi32, #tpu.memory_space<vmem>>) dst(%dma_wait3A_549 : memref<1024xi32, #tpu.memory_space<hbm>>)
        tpu.yield
      }) : () -> ()
      %add3A_120 = arith.addi %mul3A_2, %mul3A_18 : i32
      %add3A_121 = arith.constant 3 : i32
      %add3A_122 = arith.addi %add3A_120, %add3A_121 : i32
      %add3A_123 = arith.constant 1 : i32
      %add3A_124 = arith.addi %add3A_122, %add3A_123 : i32
      %dma_start3A_125 = arith.constant 0 : i32
      %dma_start3A_126 = tpu.memref_slice %arg2[%add3A_124, %dma_start3A_125] : memref<8192x8192xf32, #tpu.memory_space<hbm>> -> memref<1x8192xf32, #tpu.memory_space<hbm>>
      %dma_start3A_127 = tpu.memref_squeeze %dma_start3A_126 : memref<1x8192xf32, #tpu.memory_space<hbm>> -> memref<8192xf32, #tpu.memory_space<hbm>>
      %dma_start3A_128 = arith.constant 0 : i32
      %dma_start3A_129 = tpu.memref_slice %arg2[%add3A_124, %dma_start3A_128] : memref<8192x8192xf32, #tpu.memory_space<hbm>> -> memref<1x8192xf32, #tpu.memory_space<hbm>>
      %dma_start3A_130 = tpu.memref_squeeze %dma_start3A_129 : memref<1x8192xf32, #tpu.memory_space<hbm>> -> memref<8192xf32, #tpu.memory_space<hbm>>
      tpu.enqueue_dma source(%dma_start3A_130 : memref<8192xf32, #tpu.memory_space<hbm>>) target(%arg7 : memref<8192xf32, #tpu.memory_space<vmem>>) target_semaphore(%arg13 : memref<!tpu.dma_semaphore, #tpu.memory_space<semaphore_mem>>)
      %dma_wait3A_131 = arith.constant 0 : i32
      %dma_wait3A_132 = tpu.memref_slice %arg2[%add3A_91, %dma_wait3A_131] : memref<8192x8192xf32, #tpu.memory_space<hbm>> -> memref<1x8192xf32, #tpu.memory_space<hbm>>
      %dma_wait3A_133 = tpu.memref_squeeze %dma_wait3A_132 : memref<1x8192xf32, #tpu.memory_space<hbm>> -> memref<8192xf32, #tpu.memory_space<hbm>>
      %dma_wait3A_134 = arith.constant 0 : i32
      %dma_wait3A_135 = tpu.memref_slice %arg2[%add3A_91, %dma_wait3A_134] : memref<8192x8192xf32, #tpu.memory_space<hbm>> -> memref<1x8192xf32, #tpu.memory_space<hbm>>
      %dma_wait3A_136 = tpu.memref_squeeze %dma_wait3A_135 : memref<1x8192xf32, #tpu.memory_space<hbm>> -> memref<8192xf32, #tpu.memory_space<hbm>>
      tpu.wait_dma2 semaphore(%arg14 : memref<!tpu.dma_semaphore, #tpu.memory_space<semaphore_mem>>) src(%dma_wait3A_136 : memref<8192xf32, #tpu.memory_space<hbm>>) dst(%arg8 : memref<8192xf32, #tpu.memory_space<vmem>>)
      %add3A_137 = arith.constant 3 : i32
      %add3A_138 = arith.addi %mul3A_18, %add3A_137 : i32
      %slice3A_139 = vector.extract_strided_slice %get3A_16 {offsets = [3], sizes = [1], strides = [1]} : vector<16xf32> to vector<1xf32>
      %squeeze3A_140 = vector.extract %slice3A_139[0] : f32 from vector<1xf32>
      %broadcast_in_dim3A_141 = vector.broadcast %squeeze3A_140 : f32 to vector<16xf32>
      %broadcast_in_dim3A_142 = arith.constant 0 : i32
      %broadcast_in_dim3A_143 = vector.broadcast %broadcast_in_dim3A_142 : i32 to vector<16xi32>
      %scan3A_144 = arith.constant 0 : i32
      %scan3A_145 = arith.constant 512 : i32
      %scan3A_146 = arith.addi %scan3A_144, %scan3A_145 : i32
      %scan3A_147 = arith.constant 1 : i32
      %scan3A_148 = scf.for %scan3A_538 = %scan3A_144 to %scan3A_146 step %scan3A_147 iter_args(%scan3A_539 = %broadcast_in_dim3A_143) -> (vector<16xi32>)  : i32 {
        %mul3A_540 = arith.constant 1 : i32
        %mul3A_541 = arith.muli %scan3A_538, %mul3A_540 : i32
        %add3A_542 = arith.constant 0 : i32
        %add3A_543 = arith.addi %add3A_542, %mul3A_541 : i32
        %mul3A_544 = arith.constant 16 : i32
        %mul3A_545 = arith.muli %add3A_543, %mul3A_544 : i32
        %get3A_546 = arith.index_cast %mul3A_545 : i32 to index
        %get3A_547 = tpu.vector_load %arg8[%get3A_546] {strides = array<i32>} : memref<8192xf32, #tpu.memory_space<vmem>>, vector<16xf32>,
        %le3A = arith.cmpf ole, %get3A_547, %broadcast_in_dim3A_141 : vector<16xf32>
        %all_reduce_population_count3A = tpu.all_reduce %le3A {dim = 0 : i64, kind = #tpu.reduction_kind<sum>} : vector<16xi1> -> vector<16xi32>
        %convert_element_type3A = arith.extui %le3A : vector<16xi1> to vector<16xi32>
        %broadcast_in_dim3A_548 = arith.constant true
        %broadcast_in_dim3A_549 = vector.broadcast %broadcast_in_dim3A_548 : i1 to vector<16xi1>
        %masked_cumsum3A = tpu.scan <sum>, %convert_element_type3A masked %broadcast_in_dim3A_549 : vector<16xi32>, vector<16xi1> -> vector<16xi32>
        %add3A_550 = arith.addi %scan3A_539, %masked_cumsum3A : vector<16xi32>
        %sub3A = arith.constant 1 : i32
        %sub3A_551 = vector.broadcast %sub3A : i32 to vector<16xi32>
        %sub3A_552 = arith.subi %add3A_550, %sub3A_551 : vector<16xi32>
        %lt3A = arith.constant 1024 : i32
        %lt3A_553 = vector.broadcast %lt3A : i32 to vector<16xi32>
        %lt3A_554 = arith.cmpi slt, %sub3A_552, %lt3A_553 : vector<16xi32>
        %and3A = arith.andi %le3A, %lt3A_554 : vector<16xi1>
        tpu.vector_store_idx %arg10[%sub3A_552], %get3A_547 masked %and3A : memref<1024xf32, #tpu.memory_space<vmem>>[vector<16xi32>], vector<16xf32>, vector<16xi1>
        %mul3A_555 = arith.constant 16 : i32
        %mul3A_556 = arith.muli %add3A_543, %mul3A_555 : i32
        %add3A_557 = vector.broadcast %mul3A_556 : i32 to vector<16xi32>
        %add3A_558 = arith.addi %iota3A, %add3A_557 : vector<16xi32>
        tpu.vector_store_idx %arg11[%sub3A_552], %add3A_558 masked %and3A : memref<1024xi32, #tpu.memory_space<vmem>>[vector<16xi32>], vector<16xi32>, vector<16xi1>
        %add3A_559 = arith.addi %scan3A_539, %all_reduce_population_count3A : vector<16xi32>
        scf.yield %add3A_559 : vector<16xi32>
      }
      %scan3A_149 = arith.constant 512 : i32
      %broadcast_in_dim3A_150 = vector.broadcast %add3A_138 : i32 to vector<16xi32>
      tpu.vector_store_idx %arg12[%broadcast_in_dim3A_150], %scan3A_148 masked %eq3A_4 : memref<256xi32, #tpu.memory_space<vmem>>[vector<16xi32>], vector<16xi32>, vector<16xi1>
      %add3A_151 = arith.addi %mul3A_2, %add3A_138 : i32
      "tpu.region"() ({
        %run_scoped3A = tpu.sem_alloc : memref<!tpu.dma_semaphore, #tpu.memory_space<semaphore_mem>>
        %dma_start3A_538 = arith.constant 0 : i32
        %dma_start3A_539 = tpu.memref_slice %arg4[%add3A_151, %dma_start3A_538] : memref<8192x1024xf32, #tpu.memory_space<hbm>> -> memref<1x1024xf32, #tpu.memory_space<hbm>>
        %dma_start3A_540 = tpu.memref_squeeze %dma_start3A_539 : memref<1x1024xf32, #tpu.memory_space<hbm>> -> memref<1024xf32, #tpu.memory_space<hbm>>
        %dma_start3A_541 = arith.constant 0 : i32
        %dma_start3A_542 = tpu.memref_slice %arg4[%add3A_151, %dma_start3A_541] : memref<8192x1024xf32, #tpu.memory_space<hbm>> -> memref<1x1024xf32, #tpu.memory_space<hbm>>
        %dma_start3A_543 = tpu.memref_squeeze %dma_start3A_542 : memref<1x1024xf32, #tpu.memory_space<hbm>> -> memref<1024xf32, #tpu.memory_space<hbm>>
        tpu.enqueue_dma source(%arg10 : memref<1024xf32, #tpu.memory_space<vmem>>) target(%dma_start3A_543 : memref<1024xf32, #tpu.memory_space<hbm>>) target_semaphore(%run_scoped3A : memref<!tpu.dma_semaphore, #tpu.memory_space<semaphore_mem>>)
        %dma_wait3A_544 = arith.constant 0 : i32
        %dma_wait3A_545 = tpu.memref_slice %arg4[%add3A_151, %dma_wait3A_544] : memref<8192x1024xf32, #tpu.memory_space<hbm>> -> memref<1x1024xf32, #tpu.memory_space<hbm>>
        %dma_wait3A_546 = tpu.memref_squeeze %dma_wait3A_545 : memref<1x1024xf32, #tpu.memory_space<hbm>> -> memref<1024xf32, #tpu.memory_space<hbm>>
        %dma_wait3A_547 = arith.constant 0 : i32
        %dma_wait3A_548 = tpu.memref_slice %arg4[%add3A_151, %dma_wait3A_547] : memref<8192x1024xf32, #tpu.memory_space<hbm>> -> memref<1x1024xf32, #tpu.memory_space<hbm>>
        %dma_wait3A_549 = tpu.memref_squeeze %dma_wait3A_548 : memref<1x1024xf32, #tpu.memory_space<hbm>> -> memref<1024xf32, #tpu.memory_space<hbm>>
        tpu.wait_dma2 semaphore(%run_scoped3A : memref<!tpu.dma_semaphore, #tpu.memory_space<semaphore_mem>>) src(%arg10 : memref<1024xf32, #tpu.memory_space<vmem>>) dst(%dma_wait3A_549 : memref<1024xf32, #tpu.memory_space<hbm>>)
        tpu.yield
      }) : () -> ()
      %add3A_152 = arith.addi %mul3A_2, %add3A_138 : i32
      "tpu.region"() ({
        %run_scoped3A = tpu.sem_alloc : memref<!tpu.dma_semaphore, #tpu.memory_space<semaphore_mem>>
        %dma_start3A_538 = arith.constant 0 : i32
        %dma_start3A_539 = tpu.memref_slice %arg5[%add3A_152, %dma_start3A_538] : memref<8192x1024xi32, #tpu.memory_space<hbm>> -> memref<1x1024xi32, #tpu.memory_space<hbm>>
        %dma_start3A_540 = tpu.memref_squeeze %dma_start3A_539 : memref<1x1024xi32, #tpu.memory_space<hbm>> -> memref<1024xi32, #tpu.memory_space<hbm>>
        %dma_start3A_541 = arith.constant 0 : i32
        %dma_start3A_542 = tpu.memref_slice %arg5[%add3A_152, %dma_start3A_541] : memref<8192x1024xi32, #tpu.memory_space<hbm>> -> memref<1x1024xi32, #tpu.memory_space<hbm>>
        %dma_start3A_543 = tpu.memref_squeeze %dma_start3A_542 : memref<1x1024xi32, #tpu.memory_space<hbm>> -> memref<1024xi32, #tpu.memory_space<hbm>>
        tpu.enqueue_dma source(%arg11 : memref<1024xi32, #tpu.memory_space<vmem>>) target(%dma_start3A_543 : memref<1024xi32, #tpu.memory_space<hbm>>) target_semaphore(%run_scoped3A : memref<!tpu.dma_semaphore, #tpu.memory_space<semaphore_mem>>)
        %dma_wait3A_544 = arith.constant 0 : i32
        %dma_wait3A_545 = tpu.memref_slice %arg5[%add3A_152, %dma_wait3A_544] : memref<8192x1024xi32, #tpu.memory_space<hbm>> -> memref<1x1024xi32, #tpu.memory_space<hbm>>
        %dma_wait3A_546 = tpu.memref_squeeze %dma_wait3A_545 : memref<1x1024xi32, #tpu.memory_space<hbm>> -> memref<1024xi32, #tpu.memory_space<hbm>>
        %dma_wait3A_547 = arith.constant 0 : i32
        %dma_wait3A_548 = tpu.memref_slice %arg5[%add3A_152, %dma_wait3A_547] : memref<8192x1024xi32, #tpu.memory_space<hbm>> -> memref<1x1024xi32, #tpu.memory_space<hbm>>
        %dma_wait3A_549 = tpu.memref_squeeze %dma_wait3A_548 : memref<1x1024xi32, #tpu.memory_space<hbm>> -> memref<1024xi32, #tpu.memory_space<hbm>>
        tpu.wait_dma2 semaphore(%run_scoped3A : memref<!tpu.dma_semaphore, #tpu.memory_space<semaphore_mem>>) src(%arg11 : memref<1024xi32, #tpu.memory_space<vmem>>) dst(%dma_wait3A_549 : memref<1024xi32, #tpu.memory_space<hbm>>)
        tpu.yield
      }) : () -> ()
      %add3A_153 = arith.addi %mul3A_2, %mul3A_18 : i32
      %add3A_154 = arith.constant 4 : i32
      %add3A_155 = arith.addi %add3A_153, %add3A_154 : i32
      %add3A_156 = arith.constant 1 : i32
      %add3A_157 = arith.addi %add3A_155, %add3A_156 : i32
      %dma_start3A_158 = arith.constant 0 : i32
      %dma_start3A_159 = tpu.memref_slice %arg2[%add3A_157, %dma_start3A_158] : memref<8192x8192xf32, #tpu.memory_space<hbm>> -> memref<1x8192xf32, #tpu.memory_space<hbm>>
      %dma_start3A_160 = tpu.memref_squeeze %dma_start3A_159 : memref<1x8192xf32, #tpu.memory_space<hbm>> -> memref<8192xf32, #tpu.memory_space<hbm>>
      %dma_start3A_161 = arith.constant 0 : i32
      %dma_start3A_162 = tpu.memref_slice %arg2[%add3A_157, %dma_start3A_161] : memref<8192x8192xf32, #tpu.memory_space<hbm>> -> memref<1x8192xf32, #tpu.memory_space<hbm>>
      %dma_start3A_163 = tpu.memref_squeeze %dma_start3A_162 : memref<1x8192xf32, #tpu.memory_space<hbm>> -> memref<8192xf32, #tpu.memory_space<hbm>>
      tpu.enqueue_dma source(%dma_start3A_163 : memref<8192xf32, #tpu.memory_space<hbm>>) target(%arg8 : memref<8192xf32, #tpu.memory_space<vmem>>) target_semaphore(%arg14 : memref<!tpu.dma_semaphore, #tpu.memory_space<semaphore_mem>>)
      %dma_wait3A_164 = arith.constant 0 : i32
      %dma_wait3A_165 = tpu.memref_slice %arg2[%add3A_124, %dma_wait3A_164] : memref<8192x8192xf32, #tpu.memory_space<hbm>> -> memref<1x8192xf32, #tpu.memory_space<hbm>>
      %dma_wait3A_166 = tpu.memref_squeeze %dma_wait3A_165 : memref<1x8192xf32, #tpu.memory_space<hbm>> -> memref<8192xf32, #tpu.memory_space<hbm>>
      %dma_wait3A_167 = arith.constant 0 : i32
      %dma_wait3A_168 = tpu.memref_slice %arg2[%add3A_124, %dma_wait3A_167] : memref<8192x8192xf32, #tpu.memory_space<hbm>> -> memref<1x8192xf32, #tpu.memory_space<hbm>>
      %dma_wait3A_169 = tpu.memref_squeeze %dma_wait3A_168 : memref<1x8192xf32, #tpu.memory_space<hbm>> -> memref<8192xf32, #tpu.memory_space<hbm>>
      tpu.wait_dma2 semaphore(%arg13 : memref<!tpu.dma_semaphore, #tpu.memory_space<semaphore_mem>>) src(%dma_wait3A_169 : memref<8192xf32, #tpu.memory_space<hbm>>) dst(%arg7 : memref<8192xf32, #tpu.memory_space<vmem>>)
      %add3A_170 = arith.constant 4 : i32
      %add3A_171 = arith.addi %mul3A_18, %add3A_170 : i32
      %slice3A_172 = vector.extract_strided_slice %get3A_16 {offsets = [4], sizes = [1], strides = [1]} : vector<16xf32> to vector<1xf32>
      %squeeze3A_173 = vector.extract %slice3A_172[0] : f32 from vector<1xf32>
      %broadcast_in_dim3A_174 = vector.broadcast %squeeze3A_173 : f32 to vector<16xf32>
      %broadcast_in_dim3A_175 = arith.constant 0 : i32
      %broadcast_in_dim3A_176 = vector.broadcast %broadcast_in_dim3A_175 : i32 to vector<16xi32>
      %scan3A_177 = arith.constant 0 : i32
      %scan3A_178 = arith.constant 512 : i32
      %scan3A_179 = arith.addi %scan3A_177, %scan3A_178 : i32
      %scan3A_180 = arith.constant 1 : i32
      %scan3A_181 = scf.for %scan3A_538 = %scan3A_177 to %scan3A_179 step %scan3A_180 iter_args(%scan3A_539 = %broadcast_in_dim3A_176) -> (vector<16xi32>)  : i32 {
        %mul3A_540 = arith.constant 1 : i32
        %mul3A_541 = arith.muli %scan3A_538, %mul3A_540 : i32
        %add3A_542 = arith.constant 0 : i32
        %add3A_543 = arith.addi %add3A_542, %mul3A_541 : i32
        %mul3A_544 = arith.constant 16 : i32
        %mul3A_545 = arith.muli %add3A_543, %mul3A_544 : i32
        %get3A_546 = arith.index_cast %mul3A_545 : i32 to index
        %get3A_547 = tpu.vector_load %arg7[%get3A_546] {strides = array<i32>} : memref<8192xf32, #tpu.memory_space<vmem>>, vector<16xf32>,
        %le3A = arith.cmpf ole, %get3A_547, %broadcast_in_dim3A_174 : vector<16xf32>
        %all_reduce_population_count3A = tpu.all_reduce %le3A {dim = 0 : i64, kind = #tpu.reduction_kind<sum>} : vector<16xi1> -> vector<16xi32>
        %convert_element_type3A = arith.extui %le3A : vector<16xi1> to vector<16xi32>
        %broadcast_in_dim3A_548 = arith.constant true
        %broadcast_in_dim3A_549 = vector.broadcast %broadcast_in_dim3A_548 : i1 to vector<16xi1>
        %masked_cumsum3A = tpu.scan <sum>, %convert_element_type3A masked %broadcast_in_dim3A_549 : vector<16xi32>, vector<16xi1> -> vector<16xi32>
        %add3A_550 = arith.addi %scan3A_539, %masked_cumsum3A : vector<16xi32>
        %sub3A = arith.constant 1 : i32
        %sub3A_551 = vector.broadcast %sub3A : i32 to vector<16xi32>
        %sub3A_552 = arith.subi %add3A_550, %sub3A_551 : vector<16xi32>
        %lt3A = arith.constant 1024 : i32
        %lt3A_553 = vector.broadcast %lt3A : i32 to vector<16xi32>
        %lt3A_554 = arith.cmpi slt, %sub3A_552, %lt3A_553 : vector<16xi32>
        %and3A = arith.andi %le3A, %lt3A_554 : vector<16xi1>
        tpu.vector_store_idx %arg10[%sub3A_552], %get3A_547 masked %and3A : memref<1024xf32, #tpu.memory_space<vmem>>[vector<16xi32>], vector<16xf32>, vector<16xi1>
        %mul3A_555 = arith.constant 16 : i32
        %mul3A_556 = arith.muli %add3A_543, %mul3A_555 : i32
        %add3A_557 = vector.broadcast %mul3A_556 : i32 to vector<16xi32>
        %add3A_558 = arith.addi %iota3A, %add3A_557 : vector<16xi32>
        tpu.vector_store_idx %arg11[%sub3A_552], %add3A_558 masked %and3A : memref<1024xi32, #tpu.memory_space<vmem>>[vector<16xi32>], vector<16xi32>, vector<16xi1>
        %add3A_559 = arith.addi %scan3A_539, %all_reduce_population_count3A : vector<16xi32>
        scf.yield %add3A_559 : vector<16xi32>
      }
      %scan3A_182 = arith.constant 512 : i32
      %broadcast_in_dim3A_183 = vector.broadcast %add3A_171 : i32 to vector<16xi32>
      tpu.vector_store_idx %arg12[%broadcast_in_dim3A_183], %scan3A_181 masked %eq3A_4 : memref<256xi32, #tpu.memory_space<vmem>>[vector<16xi32>], vector<16xi32>, vector<16xi1>
      %add3A_184 = arith.addi %mul3A_2, %add3A_171 : i32
      "tpu.region"() ({
        %run_scoped3A = tpu.sem_alloc : memref<!tpu.dma_semaphore, #tpu.memory_space<semaphore_mem>>
        %dma_start3A_538 = arith.constant 0 : i32
        %dma_start3A_539 = tpu.memref_slice %arg4[%add3A_184, %dma_start3A_538] : memref<8192x1024xf32, #tpu.memory_space<hbm>> -> memref<1x1024xf32, #tpu.memory_space<hbm>>
        %dma_start3A_540 = tpu.memref_squeeze %dma_start3A_539 : memref<1x1024xf32, #tpu.memory_space<hbm>> -> memref<1024xf32, #tpu.memory_space<hbm>>
        %dma_start3A_541 = arith.constant 0 : i32
        %dma_start3A_542 = tpu.memref_slice %arg4[%add3A_184, %dma_start3A_541] : memref<8192x1024xf32, #tpu.memory_space<hbm>> -> memref<1x1024xf32, #tpu.memory_space<hbm>>
        %dma_start3A_543 = tpu.memref_squeeze %dma_start3A_542 : memref<1x1024xf32, #tpu.memory_space<hbm>> -> memref<1024xf32, #tpu.memory_space<hbm>>
        tpu.enqueue_dma source(%arg10 : memref<1024xf32, #tpu.memory_space<vmem>>) target(%dma_start3A_543 : memref<1024xf32, #tpu.memory_space<hbm>>) target_semaphore(%run_scoped3A : memref<!tpu.dma_semaphore, #tpu.memory_space<semaphore_mem>>)
        %dma_wait3A_544 = arith.constant 0 : i32
        %dma_wait3A_545 = tpu.memref_slice %arg4[%add3A_184, %dma_wait3A_544] : memref<8192x1024xf32, #tpu.memory_space<hbm>> -> memref<1x1024xf32, #tpu.memory_space<hbm>>
        %dma_wait3A_546 = tpu.memref_squeeze %dma_wait3A_545 : memref<1x1024xf32, #tpu.memory_space<hbm>> -> memref<1024xf32, #tpu.memory_space<hbm>>
        %dma_wait3A_547 = arith.constant 0 : i32
        %dma_wait3A_548 = tpu.memref_slice %arg4[%add3A_184, %dma_wait3A_547] : memref<8192x1024xf32, #tpu.memory_space<hbm>> -> memref<1x1024xf32, #tpu.memory_space<hbm>>
        %dma_wait3A_549 = tpu.memref_squeeze %dma_wait3A_548 : memref<1x1024xf32, #tpu.memory_space<hbm>> -> memref<1024xf32, #tpu.memory_space<hbm>>
        tpu.wait_dma2 semaphore(%run_scoped3A : memref<!tpu.dma_semaphore, #tpu.memory_space<semaphore_mem>>) src(%arg10 : memref<1024xf32, #tpu.memory_space<vmem>>) dst(%dma_wait3A_549 : memref<1024xf32, #tpu.memory_space<hbm>>)
        tpu.yield
      }) : () -> ()
      %add3A_185 = arith.addi %mul3A_2, %add3A_171 : i32
      "tpu.region"() ({
        %run_scoped3A = tpu.sem_alloc : memref<!tpu.dma_semaphore, #tpu.memory_space<semaphore_mem>>
        %dma_start3A_538 = arith.constant 0 : i32
        %dma_start3A_539 = tpu.memref_slice %arg5[%add3A_185, %dma_start3A_538] : memref<8192x1024xi32, #tpu.memory_space<hbm>> -> memref<1x1024xi32, #tpu.memory_space<hbm>>
        %dma_start3A_540 = tpu.memref_squeeze %dma_start3A_539 : memref<1x1024xi32, #tpu.memory_space<hbm>> -> memref<1024xi32, #tpu.memory_space<hbm>>
        %dma_start3A_541 = arith.constant 0 : i32
        %dma_start3A_542 = tpu.memref_slice %arg5[%add3A_185, %dma_start3A_541] : memref<8192x1024xi32, #tpu.memory_space<hbm>> -> memref<1x1024xi32, #tpu.memory_space<hbm>>
        %dma_start3A_543 = tpu.memref_squeeze %dma_start3A_542 : memref<1x1024xi32, #tpu.memory_space<hbm>> -> memref<1024xi32, #tpu.memory_space<hbm>>
        tpu.enqueue_dma source(%arg11 : memref<1024xi32, #tpu.memory_space<vmem>>) target(%dma_start3A_543 : memref<1024xi32, #tpu.memory_space<hbm>>) target_semaphore(%run_scoped3A : memref<!tpu.dma_semaphore, #tpu.memory_space<semaphore_mem>>)
        %dma_wait3A_544 = arith.constant 0 : i32
        %dma_wait3A_545 = tpu.memref_slice %arg5[%add3A_185, %dma_wait3A_544] : memref<8192x1024xi32, #tpu.memory_space<hbm>> -> memref<1x1024xi32, #tpu.memory_space<hbm>>
        %dma_wait3A_546 = tpu.memref_squeeze %dma_wait3A_545 : memref<1x1024xi32, #tpu.memory_space<hbm>> -> memref<1024xi32, #tpu.memory_space<hbm>>
        %dma_wait3A_547 = arith.constant 0 : i32
        %dma_wait3A_548 = tpu.memref_slice %arg5[%add3A_185, %dma_wait3A_547] : memref<8192x1024xi32, #tpu.memory_space<hbm>> -> memref<1x1024xi32, #tpu.memory_space<hbm>>
        %dma_wait3A_549 = tpu.memref_squeeze %dma_wait3A_548 : memref<1x1024xi32, #tpu.memory_space<hbm>> -> memref<1024xi32, #tpu.memory_space<hbm>>
        tpu.wait_dma2 semaphore(%run_scoped3A : memref<!tpu.dma_semaphore, #tpu.memory_space<semaphore_mem>>) src(%arg11 : memref<1024xi32, #tpu.memory_space<vmem>>) dst(%dma_wait3A_549 : memref<1024xi32, #tpu.memory_space<hbm>>)
        tpu.yield
      }) : () -> ()
      %add3A_186 = arith.addi %mul3A_2, %mul3A_18 : i32
      %add3A_187 = arith.constant 5 : i32
      %add3A_188 = arith.addi %add3A_186, %add3A_187 : i32
      %add3A_189 = arith.constant 1 : i32
      %add3A_190 = arith.addi %add3A_188, %add3A_189 : i32
      %dma_start3A_191 = arith.constant 0 : i32
      %dma_start3A_192 = tpu.memref_slice %arg2[%add3A_190, %dma_start3A_191] : memref<8192x8192xf32, #tpu.memory_space<hbm>> -> memref<1x8192xf32, #tpu.memory_space<hbm>>
      %dma_start3A_193 = tpu.memref_squeeze %dma_start3A_192 : memref<1x8192xf32, #tpu.memory_space<hbm>> -> memref<8192xf32, #tpu.memory_space<hbm>>
      %dma_start3A_194 = arith.constant 0 : i32
      %dma_start3A_195 = tpu.memref_slice %arg2[%add3A_190, %dma_start3A_194] : memref<8192x8192xf32, #tpu.memory_space<hbm>> -> memref<1x8192xf32, #tpu.memory_space<hbm>>
      %dma_start3A_196 = tpu.memref_squeeze %dma_start3A_195 : memref<1x8192xf32, #tpu.memory_space<hbm>> -> memref<8192xf32, #tpu.memory_space<hbm>>
      tpu.enqueue_dma source(%dma_start3A_196 : memref<8192xf32, #tpu.memory_space<hbm>>) target(%arg7 : memref<8192xf32, #tpu.memory_space<vmem>>) target_semaphore(%arg13 : memref<!tpu.dma_semaphore, #tpu.memory_space<semaphore_mem>>)
      %dma_wait3A_197 = arith.constant 0 : i32
      %dma_wait3A_198 = tpu.memref_slice %arg2[%add3A_157, %dma_wait3A_197] : memref<8192x8192xf32, #tpu.memory_space<hbm>> -> memref<1x8192xf32, #tpu.memory_space<hbm>>
      %dma_wait3A_199 = tpu.memref_squeeze %dma_wait3A_198 : memref<1x8192xf32, #tpu.memory_space<hbm>> -> memref<8192xf32, #tpu.memory_space<hbm>>
      %dma_wait3A_200 = arith.constant 0 : i32
      %dma_wait3A_201 = tpu.memref_slice %arg2[%add3A_157, %dma_wait3A_200] : memref<8192x8192xf32, #tpu.memory_space<hbm>> -> memref<1x8192xf32, #tpu.memory_space<hbm>>
      %dma_wait3A_202 = tpu.memref_squeeze %dma_wait3A_201 : memref<1x8192xf32, #tpu.memory_space<hbm>> -> memref<8192xf32, #tpu.memory_space<hbm>>
      tpu.wait_dma2 semaphore(%arg14 : memref<!tpu.dma_semaphore, #tpu.memory_space<semaphore_mem>>) src(%dma_wait3A_202 : memref<8192xf32, #tpu.memory_space<hbm>>) dst(%arg8 : memref<8192xf32, #tpu.memory_space<vmem>>)
      %add3A_203 = arith.constant 5 : i32
      %add3A_204 = arith.addi %mul3A_18, %add3A_203 : i32
      %slice3A_205 = vector.extract_strided_slice %get3A_16 {offsets = [5], sizes = [1], strides = [1]} : vector<16xf32> to vector<1xf32>
      %squeeze3A_206 = vector.extract %slice3A_205[0] : f32 from vector<1xf32>
      %broadcast_in_dim3A_207 = vector.broadcast %squeeze3A_206 : f32 to vector<16xf32>
      %broadcast_in_dim3A_208 = arith.constant 0 : i32
      %broadcast_in_dim3A_209 = vector.broadcast %broadcast_in_dim3A_208 : i32 to vector<16xi32>
      %scan3A_210 = arith.constant 0 : i32
      %scan3A_211 = arith.constant 512 : i32
      %scan3A_212 = arith.addi %scan3A_210, %scan3A_211 : i32
      %scan3A_213 = arith.constant 1 : i32
      %scan3A_214 = scf.for %scan3A_538 = %scan3A_210 to %scan3A_212 step %scan3A_213 iter_args(%scan3A_539 = %broadcast_in_dim3A_209) -> (vector<16xi32>)  : i32 {
        %mul3A_540 = arith.constant 1 : i32
        %mul3A_541 = arith.muli %scan3A_538, %mul3A_540 : i32
        %add3A_542 = arith.constant 0 : i32
        %add3A_543 = arith.addi %add3A_542, %mul3A_541 : i32
        %mul3A_544 = arith.constant 16 : i32
        %mul3A_545 = arith.muli %add3A_543, %mul3A_544 : i32
        %get3A_546 = arith.index_cast %mul3A_545 : i32 to index
        %get3A_547 = tpu.vector_load %arg8[%get3A_546] {strides = array<i32>} : memref<8192xf32, #tpu.memory_space<vmem>>, vector<16xf32>,
        %le3A = arith.cmpf ole, %get3A_547, %broadcast_in_dim3A_207 : vector<16xf32>
        %all_reduce_population_count3A = tpu.all_reduce %le3A {dim = 0 : i64, kind = #tpu.reduction_kind<sum>} : vector<16xi1> -> vector<16xi32>
        %convert_element_type3A = arith.extui %le3A : vector<16xi1> to vector<16xi32>
        %broadcast_in_dim3A_548 = arith.constant true
        %broadcast_in_dim3A_549 = vector.broadcast %broadcast_in_dim3A_548 : i1 to vector<16xi1>
        %masked_cumsum3A = tpu.scan <sum>, %convert_element_type3A masked %broadcast_in_dim3A_549 : vector<16xi32>, vector<16xi1> -> vector<16xi32>
        %add3A_550 = arith.addi %scan3A_539, %masked_cumsum3A : vector<16xi32>
        %sub3A = arith.constant 1 : i32
        %sub3A_551 = vector.broadcast %sub3A : i32 to vector<16xi32>
        %sub3A_552 = arith.subi %add3A_550, %sub3A_551 : vector<16xi32>
        %lt3A = arith.constant 1024 : i32
        %lt3A_553 = vector.broadcast %lt3A : i32 to vector<16xi32>
        %lt3A_554 = arith.cmpi slt, %sub3A_552, %lt3A_553 : vector<16xi32>
        %and3A = arith.andi %le3A, %lt3A_554 : vector<16xi1>
        tpu.vector_store_idx %arg10[%sub3A_552], %get3A_547 masked %and3A : memref<1024xf32, #tpu.memory_space<vmem>>[vector<16xi32>], vector<16xf32>, vector<16xi1>
        %mul3A_555 = arith.constant 16 : i32
        %mul3A_556 = arith.muli %add3A_543, %mul3A_555 : i32
        %add3A_557 = vector.broadcast %mul3A_556 : i32 to vector<16xi32>
        %add3A_558 = arith.addi %iota3A, %add3A_557 : vector<16xi32>
        tpu.vector_store_idx %arg11[%sub3A_552], %add3A_558 masked %and3A : memref<1024xi32, #tpu.memory_space<vmem>>[vector<16xi32>], vector<16xi32>, vector<16xi1>
        %add3A_559 = arith.addi %scan3A_539, %all_reduce_population_count3A : vector<16xi32>
        scf.yield %add3A_559 : vector<16xi32>
      }
      %scan3A_215 = arith.constant 512 : i32
      %broadcast_in_dim3A_216 = vector.broadcast %add3A_204 : i32 to vector<16xi32>
      tpu.vector_store_idx %arg12[%broadcast_in_dim3A_216], %scan3A_214 masked %eq3A_4 : memref<256xi32, #tpu.memory_space<vmem>>[vector<16xi32>], vector<16xi32>, vector<16xi1>
      %add3A_217 = arith.addi %mul3A_2, %add3A_204 : i32
      "tpu.region"() ({
        %run_scoped3A = tpu.sem_alloc : memref<!tpu.dma_semaphore, #tpu.memory_space<semaphore_mem>>
        %dma_start3A_538 = arith.constant 0 : i32
        %dma_start3A_539 = tpu.memref_slice %arg4[%add3A_217, %dma_start3A_538] : memref<8192x1024xf32, #tpu.memory_space<hbm>> -> memref<1x1024xf32, #tpu.memory_space<hbm>>
        %dma_start3A_540 = tpu.memref_squeeze %dma_start3A_539 : memref<1x1024xf32, #tpu.memory_space<hbm>> -> memref<1024xf32, #tpu.memory_space<hbm>>
        %dma_start3A_541 = arith.constant 0 : i32
        %dma_start3A_542 = tpu.memref_slice %arg4[%add3A_217, %dma_start3A_541] : memref<8192x1024xf32, #tpu.memory_space<hbm>> -> memref<1x1024xf32, #tpu.memory_space<hbm>>
        %dma_start3A_543 = tpu.memref_squeeze %dma_start3A_542 : memref<1x1024xf32, #tpu.memory_space<hbm>> -> memref<1024xf32, #tpu.memory_space<hbm>>
        tpu.enqueue_dma source(%arg10 : memref<1024xf32, #tpu.memory_space<vmem>>) target(%dma_start3A_543 : memref<1024xf32, #tpu.memory_space<hbm>>) target_semaphore(%run_scoped3A : memref<!tpu.dma_semaphore, #tpu.memory_space<semaphore_mem>>)
        %dma_wait3A_544 = arith.constant 0 : i32
        %dma_wait3A_545 = tpu.memref_slice %arg4[%add3A_217, %dma_wait3A_544] : memref<8192x1024xf32, #tpu.memory_space<hbm>> -> memref<1x1024xf32, #tpu.memory_space<hbm>>
        %dma_wait3A_546 = tpu.memref_squeeze %dma_wait3A_545 : memref<1x1024xf32, #tpu.memory_space<hbm>> -> memref<1024xf32, #tpu.memory_space<hbm>>
        %dma_wait3A_547 = arith.constant 0 : i32
        %dma_wait3A_548 = tpu.memref_slice %arg4[%add3A_217, %dma_wait3A_547] : memref<8192x1024xf32, #tpu.memory_space<hbm>> -> memref<1x1024xf32, #tpu.memory_space<hbm>>
        %dma_wait3A_549 = tpu.memref_squeeze %dma_wait3A_548 : memref<1x1024xf32, #tpu.memory_space<hbm>> -> memref<1024xf32, #tpu.memory_space<hbm>>
        tpu.wait_dma2 semaphore(%run_scoped3A : memref<!tpu.dma_semaphore, #tpu.memory_space<semaphore_mem>>) src(%arg10 : memref<1024xf32, #tpu.memory_space<vmem>>) dst(%dma_wait3A_549 : memref<1024xf32, #tpu.memory_space<hbm>>)
        tpu.yield
      }) : () -> ()
      %add3A_218 = arith.addi %mul3A_2, %add3A_204 : i32
      "tpu.region"() ({
        %run_scoped3A = tpu.sem_alloc : memref<!tpu.dma_semaphore, #tpu.memory_space<semaphore_mem>>
        %dma_start3A_538 = arith.constant 0 : i32
        %dma_start3A_539 = tpu.memref_slice %arg5[%add3A_218, %dma_start3A_538] : memref<8192x1024xi32, #tpu.memory_space<hbm>> -> memref<1x1024xi32, #tpu.memory_space<hbm>>
        %dma_start3A_540 = tpu.memref_squeeze %dma_start3A_539 : memref<1x1024xi32, #tpu.memory_space<hbm>> -> memref<1024xi32, #tpu.memory_space<hbm>>
        %dma_start3A_541 = arith.constant 0 : i32
        %dma_start3A_542 = tpu.memref_slice %arg5[%add3A_218, %dma_start3A_541] : memref<8192x1024xi32, #tpu.memory_space<hbm>> -> memref<1x1024xi32, #tpu.memory_space<hbm>>
        %dma_start3A_543 = tpu.memref_squeeze %dma_start3A_542 : memref<1x1024xi32, #tpu.memory_space<hbm>> -> memref<1024xi32, #tpu.memory_space<hbm>>
        tpu.enqueue_dma source(%arg11 : memref<1024xi32, #tpu.memory_space<vmem>>) target(%dma_start3A_543 : memref<1024xi32, #tpu.memory_space<hbm>>) target_semaphore(%run_scoped3A : memref<!tpu.dma_semaphore, #tpu.memory_space<semaphore_mem>>)
        %dma_wait3A_544 = arith.constant 0 : i32
        %dma_wait3A_545 = tpu.memref_slice %arg5[%add3A_218, %dma_wait3A_544] : memref<8192x1024xi32, #tpu.memory_space<hbm>> -> memref<1x1024xi32, #tpu.memory_space<hbm>>
        %dma_wait3A_546 = tpu.memref_squeeze %dma_wait3A_545 : memref<1x1024xi32, #tpu.memory_space<hbm>> -> memref<1024xi32, #tpu.memory_space<hbm>>
        %dma_wait3A_547 = arith.constant 0 : i32
        %dma_wait3A_548 = tpu.memref_slice %arg5[%add3A_218, %dma_wait3A_547] : memref<8192x1024xi32, #tpu.memory_space<hbm>> -> memref<1x1024xi32, #tpu.memory_space<hbm>>
        %dma_wait3A_549 = tpu.memref_squeeze %dma_wait3A_548 : memref<1x1024xi32, #tpu.memory_space<hbm>> -> memref<1024xi32, #tpu.memory_space<hbm>>
        tpu.wait_dma2 semaphore(%run_scoped3A : memref<!tpu.dma_semaphore, #tpu.memory_space<semaphore_mem>>) src(%arg11 : memref<1024xi32, #tpu.memory_space<vmem>>) dst(%dma_wait3A_549 : memref<1024xi32, #tpu.memory_space<hbm>>)
        tpu.yield
      }) : () -> ()
      %add3A_219 = arith.addi %mul3A_2, %mul3A_18 : i32
      %add3A_220 = arith.constant 6 : i32
      %add3A_221 = arith.addi %add3A_219, %add3A_220 : i32
      %add3A_222 = arith.constant 1 : i32
      %add3A_223 = arith.addi %add3A_221, %add3A_222 : i32
      %dma_start3A_224 = arith.constant 0 : i32
      %dma_start3A_225 = tpu.memref_slice %arg2[%add3A_223, %dma_start3A_224] : memref<8192x8192xf32, #tpu.memory_space<hbm>> -> memref<1x8192xf32, #tpu.memory_space<hbm>>
      %dma_start3A_226 = tpu.memref_squeeze %dma_start3A_225 : memref<1x8192xf32, #tpu.memory_space<hbm>> -> memref<8192xf32, #tpu.memory_space<hbm>>
      %dma_start3A_227 = arith.constant 0 : i32
      %dma_start3A_228 = tpu.memref_slice %arg2[%add3A_223, %dma_start3A_227] : memref<8192x8192xf32, #tpu.memory_space<hbm>> -> memref<1x8192xf32, #tpu.memory_space<hbm>>
      %dma_start3A_229 = tpu.memref_squeeze %dma_start3A_228 : memref<1x8192xf32, #tpu.memory_space<hbm>> -> memref<8192xf32, #tpu.memory_space<hbm>>
      tpu.enqueue_dma source(%dma_start3A_229 : memref<8192xf32, #tpu.memory_space<hbm>>) target(%arg8 : memref<8192xf32, #tpu.memory_space<vmem>>) target_semaphore(%arg14 : memref<!tpu.dma_semaphore, #tpu.memory_space<semaphore_mem>>)
      %dma_wait3A_230 = arith.constant 0 : i32
      %dma_wait3A_231 = tpu.memref_slice %arg2[%add3A_190, %dma_wait3A_230] : memref<8192x8192xf32, #tpu.memory_space<hbm>> -> memref<1x8192xf32, #tpu.memory_space<hbm>>
      %dma_wait3A_232 = tpu.memref_squeeze %dma_wait3A_231 : memref<1x8192xf32, #tpu.memory_space<hbm>> -> memref<8192xf32, #tpu.memory_space<hbm>>
      %dma_wait3A_233 = arith.constant 0 : i32
      %dma_wait3A_234 = tpu.memref_slice %arg2[%add3A_190, %dma_wait3A_233] : memref<8192x8192xf32, #tpu.memory_space<hbm>> -> memref<1x8192xf32, #tpu.memory_space<hbm>>
      %dma_wait3A_235 = tpu.memref_squeeze %dma_wait3A_234 : memref<1x8192xf32, #tpu.memory_space<hbm>> -> memref<8192xf32, #tpu.memory_space<hbm>>
      tpu.wait_dma2 semaphore(%arg13 : memref<!tpu.dma_semaphore, #tpu.memory_space<semaphore_mem>>) src(%dma_wait3A_235 : memref<8192xf32, #tpu.memory_space<hbm>>) dst(%arg7 : memref<8192xf32, #tpu.memory_space<vmem>>)
      %add3A_236 = arith.constant 6 : i32
      %add3A_237 = arith.addi %mul3A_18, %add3A_236 : i32
      %slice3A_238 = vector.extract_strided_slice %get3A_16 {offsets = [6], sizes = [1], strides = [1]} : vector<16xf32> to vector<1xf32>
      %squeeze3A_239 = vector.extract %slice3A_238[0] : f32 from vector<1xf32>
      %broadcast_in_dim3A_240 = vector.broadcast %squeeze3A_239 : f32 to vector<16xf32>
      %broadcast_in_dim3A_241 = arith.constant 0 : i32
      %broadcast_in_dim3A_242 = vector.broadcast %broadcast_in_dim3A_241 : i32 to vector<16xi32>
      %scan3A_243 = arith.constant 0 : i32
      %scan3A_244 = arith.constant 512 : i32
      %scan3A_245 = arith.addi %scan3A_243, %scan3A_244 : i32
      %scan3A_246 = arith.constant 1 : i32
      %scan3A_247 = scf.for %scan3A_538 = %scan3A_243 to %scan3A_245 step %scan3A_246 iter_args(%scan3A_539 = %broadcast_in_dim3A_242) -> (vector<16xi32>)  : i32 {
        %mul3A_540 = arith.constant 1 : i32
        %mul3A_541 = arith.muli %scan3A_538, %mul3A_540 : i32
        %add3A_542 = arith.constant 0 : i32
        %add3A_543 = arith.addi %add3A_542, %mul3A_541 : i32
        %mul3A_544 = arith.constant 16 : i32
        %mul3A_545 = arith.muli %add3A_543, %mul3A_544 : i32
        %get3A_546 = arith.index_cast %mul3A_545 : i32 to index
        %get3A_547 = tpu.vector_load %arg7[%get3A_546] {strides = array<i32>} : memref<8192xf32, #tpu.memory_space<vmem>>, vector<16xf32>,
        %le3A = arith.cmpf ole, %get3A_547, %broadcast_in_dim3A_240 : vector<16xf32>
        %all_reduce_population_count3A = tpu.all_reduce %le3A {dim = 0 : i64, kind = #tpu.reduction_kind<sum>} : vector<16xi1> -> vector<16xi32>
        %convert_element_type3A = arith.extui %le3A : vector<16xi1> to vector<16xi32>
        %broadcast_in_dim3A_548 = arith.constant true
        %broadcast_in_dim3A_549 = vector.broadcast %broadcast_in_dim3A_548 : i1 to vector<16xi1>
        %masked_cumsum3A = tpu.scan <sum>, %convert_element_type3A masked %broadcast_in_dim3A_549 : vector<16xi32>, vector<16xi1> -> vector<16xi32>
        %add3A_550 = arith.addi %scan3A_539, %masked_cumsum3A : vector<16xi32>
        %sub3A = arith.constant 1 : i32
        %sub3A_551 = vector.broadcast %sub3A : i32 to vector<16xi32>
        %sub3A_552 = arith.subi %add3A_550, %sub3A_551 : vector<16xi32>
        %lt3A = arith.constant 1024 : i32
        %lt3A_553 = vector.broadcast %lt3A : i32 to vector<16xi32>
        %lt3A_554 = arith.cmpi slt, %sub3A_552, %lt3A_553 : vector<16xi32>
        %and3A = arith.andi %le3A, %lt3A_554 : vector<16xi1>
        tpu.vector_store_idx %arg10[%sub3A_552], %get3A_547 masked %and3A : memref<1024xf32, #tpu.memory_space<vmem>>[vector<16xi32>], vector<16xf32>, vector<16xi1>
        %mul3A_555 = arith.constant 16 : i32
        %mul3A_556 = arith.muli %add3A_543, %mul3A_555 : i32
        %add3A_557 = vector.broadcast %mul3A_556 : i32 to vector<16xi32>
        %add3A_558 = arith.addi %iota3A, %add3A_557 : vector<16xi32>
        tpu.vector_store_idx %arg11[%sub3A_552], %add3A_558 masked %and3A : memref<1024xi32, #tpu.memory_space<vmem>>[vector<16xi32>], vector<16xi32>, vector<16xi1>
        %add3A_559 = arith.addi %scan3A_539, %all_reduce_population_count3A : vector<16xi32>
        scf.yield %add3A_559 : vector<16xi32>
      }
      %scan3A_248 = arith.constant 512 : i32
      %broadcast_in_dim3A_249 = vector.broadcast %add3A_237 : i32 to vector<16xi32>
      tpu.vector_store_idx %arg12[%broadcast_in_dim3A_249], %scan3A_247 masked %eq3A_4 : memref<256xi32, #tpu.memory_space<vmem>>[vector<16xi32>], vector<16xi32>, vector<16xi1>
      %add3A_250 = arith.addi %mul3A_2, %add3A_237 : i32
      "tpu.region"() ({
        %run_scoped3A = tpu.sem_alloc : memref<!tpu.dma_semaphore, #tpu.memory_space<semaphore_mem>>
        %dma_start3A_538 = arith.constant 0 : i32
        %dma_start3A_539 = tpu.memref_slice %arg4[%add3A_250, %dma_start3A_538] : memref<8192x1024xf32, #tpu.memory_space<hbm>> -> memref<1x1024xf32, #tpu.memory_space<hbm>>
        %dma_start3A_540 = tpu.memref_squeeze %dma_start3A_539 : memref<1x1024xf32, #tpu.memory_space<hbm>> -> memref<1024xf32, #tpu.memory_space<hbm>>
        %dma_start3A_541 = arith.constant 0 : i32
        %dma_start3A_542 = tpu.memref_slice %arg4[%add3A_250, %dma_start3A_541] : memref<8192x1024xf32, #tpu.memory_space<hbm>> -> memref<1x1024xf32, #tpu.memory_space<hbm>>
        %dma_start3A_543 = tpu.memref_squeeze %dma_start3A_542 : memref<1x1024xf32, #tpu.memory_space<hbm>> -> memref<1024xf32, #tpu.memory_space<hbm>>
        tpu.enqueue_dma source(%arg10 : memref<1024xf32, #tpu.memory_space<vmem>>) target(%dma_start3A_543 : memref<1024xf32, #tpu.memory_space<hbm>>) target_semaphore(%run_scoped3A : memref<!tpu.dma_semaphore, #tpu.memory_space<semaphore_mem>>)
        %dma_wait3A_544 = arith.constant 0 : i32
        %dma_wait3A_545 = tpu.memref_slice %arg4[%add3A_250, %dma_wait3A_544] : memref<8192x1024xf32, #tpu.memory_space<hbm>> -> memref<1x1024xf32, #tpu.memory_space<hbm>>
        %dma_wait3A_546 = tpu.memref_squeeze %dma_wait3A_545 : memref<1x1024xf32, #tpu.memory_space<hbm>> -> memref<1024xf32, #tpu.memory_space<hbm>>
        %dma_wait3A_547 = arith.constant 0 : i32
        %dma_wait3A_548 = tpu.memref_slice %arg4[%add3A_250, %dma_wait3A_547] : memref<8192x1024xf32, #tpu.memory_space<hbm>> -> memref<1x1024xf32, #tpu.memory_space<hbm>>
        %dma_wait3A_549 = tpu.memref_squeeze %dma_wait3A_548 : memref<1x1024xf32, #tpu.memory_space<hbm>> -> memref<1024xf32, #tpu.memory_space<hbm>>
        tpu.wait_dma2 semaphore(%run_scoped3A : memref<!tpu.dma_semaphore, #tpu.memory_space<semaphore_mem>>) src(%arg10 : memref<1024xf32, #tpu.memory_space<vmem>>) dst(%dma_wait3A_549 : memref<1024xf32, #tpu.memory_space<hbm>>)
        tpu.yield
      }) : () -> ()
      %add3A_251 = arith.addi %mul3A_2, %add3A_237 : i32
      "tpu.region"() ({
        %run_scoped3A = tpu.sem_alloc : memref<!tpu.dma_semaphore, #tpu.memory_space<semaphore_mem>>
        %dma_start3A_538 = arith.constant 0 : i32
        %dma_start3A_539 = tpu.memref_slice %arg5[%add3A_251, %dma_start3A_538] : memref<8192x1024xi32, #tpu.memory_space<hbm>> -> memref<1x1024xi32, #tpu.memory_space<hbm>>
        %dma_start3A_540 = tpu.memref_squeeze %dma_start3A_539 : memref<1x1024xi32, #tpu.memory_space<hbm>> -> memref<1024xi32, #tpu.memory_space<hbm>>
        %dma_start3A_541 = arith.constant 0 : i32
        %dma_start3A_542 = tpu.memref_slice %arg5[%add3A_251, %dma_start3A_541] : memref<8192x1024xi32, #tpu.memory_space<hbm>> -> memref<1x1024xi32, #tpu.memory_space<hbm>>
        %dma_start3A_543 = tpu.memref_squeeze %dma_start3A_542 : memref<1x1024xi32, #tpu.memory_space<hbm>> -> memref<1024xi32, #tpu.memory_space<hbm>>
        tpu.enqueue_dma source(%arg11 : memref<1024xi32, #tpu.memory_space<vmem>>) target(%dma_start3A_543 : memref<1024xi32, #tpu.memory_space<hbm>>) target_semaphore(%run_scoped3A : memref<!tpu.dma_semaphore, #tpu.memory_space<semaphore_mem>>)
        %dma_wait3A_544 = arith.constant 0 : i32
        %dma_wait3A_545 = tpu.memref_slice %arg5[%add3A_251, %dma_wait3A_544] : memref<8192x1024xi32, #tpu.memory_space<hbm>> -> memref<1x1024xi32, #tpu.memory_space<hbm>>
        %dma_wait3A_546 = tpu.memref_squeeze %dma_wait3A_545 : memref<1x1024xi32, #tpu.memory_space<hbm>> -> memref<1024xi32, #tpu.memory_space<hbm>>
        %dma_wait3A_547 = arith.constant 0 : i32
        %dma_wait3A_548 = tpu.memref_slice %arg5[%add3A_251, %dma_wait3A_547] : memref<8192x1024xi32, #tpu.memory_space<hbm>> -> memref<1x1024xi32, #tpu.memory_space<hbm>>
        %dma_wait3A_549 = tpu.memref_squeeze %dma_wait3A_548 : memref<1x1024xi32, #tpu.memory_space<hbm>> -> memref<1024xi32, #tpu.memory_space<hbm>>
        tpu.wait_dma2 semaphore(%run_scoped3A : memref<!tpu.dma_semaphore, #tpu.memory_space<semaphore_mem>>) src(%arg11 : memref<1024xi32, #tpu.memory_space<vmem>>) dst(%dma_wait3A_549 : memref<1024xi32, #tpu.memory_space<hbm>>)
        tpu.yield
      }) : () -> ()
      %add3A_252 = arith.addi %mul3A_2, %mul3A_18 : i32
      %add3A_253 = arith.constant 7 : i32
      %add3A_254 = arith.addi %add3A_252, %add3A_253 : i32
      %add3A_255 = arith.constant 1 : i32
      %add3A_256 = arith.addi %add3A_254, %add3A_255 : i32
      %dma_start3A_257 = arith.constant 0 : i32
      %dma_start3A_258 = tpu.memref_slice %arg2[%add3A_256, %dma_start3A_257] : memref<8192x8192xf32, #tpu.memory_space<hbm>> -> memref<1x8192xf32, #tpu.memory_space<hbm>>
      %dma_start3A_259 = tpu.memref_squeeze %dma_start3A_258 : memref<1x8192xf32, #tpu.memory_space<hbm>> -> memref<8192xf32, #tpu.memory_space<hbm>>
      %dma_start3A_260 = arith.constant 0 : i32
      %dma_start3A_261 = tpu.memref_slice %arg2[%add3A_256, %dma_start3A_260] : memref<8192x8192xf32, #tpu.memory_space<hbm>> -> memref<1x8192xf32, #tpu.memory_space<hbm>>
      %dma_start3A_262 = tpu.memref_squeeze %dma_start3A_261 : memref<1x8192xf32, #tpu.memory_space<hbm>> -> memref<8192xf32, #tpu.memory_space<hbm>>
      tpu.enqueue_dma source(%dma_start3A_262 : memref<8192xf32, #tpu.memory_space<hbm>>) target(%arg7 : memref<8192xf32, #tpu.memory_space<vmem>>) target_semaphore(%arg13 : memref<!tpu.dma_semaphore, #tpu.memory_space<semaphore_mem>>)
      %dma_wait3A_263 = arith.constant 0 : i32
      %dma_wait3A_264 = tpu.memref_slice %arg2[%add3A_223, %dma_wait3A_263] : memref<8192x8192xf32, #tpu.memory_space<hbm>> -> memref<1x8192xf32, #tpu.memory_space<hbm>>
      %dma_wait3A_265 = tpu.memref_squeeze %dma_wait3A_264 : memref<1x8192xf32, #tpu.memory_space<hbm>> -> memref<8192xf32, #tpu.memory_space<hbm>>
      %dma_wait3A_266 = arith.constant 0 : i32
      %dma_wait3A_267 = tpu.memref_slice %arg2[%add3A_223, %dma_wait3A_266] : memref<8192x8192xf32, #tpu.memory_space<hbm>> -> memref<1x8192xf32, #tpu.memory_space<hbm>>
      %dma_wait3A_268 = tpu.memref_squeeze %dma_wait3A_267 : memref<1x8192xf32, #tpu.memory_space<hbm>> -> memref<8192xf32, #tpu.memory_space<hbm>>
      tpu.wait_dma2 semaphore(%arg14 : memref<!tpu.dma_semaphore, #tpu.memory_space<semaphore_mem>>) src(%dma_wait3A_268 : memref<8192xf32, #tpu.memory_space<hbm>>) dst(%arg8 : memref<8192xf32, #tpu.memory_space<vmem>>)
      %add3A_269 = arith.constant 7 : i32
      %add3A_270 = arith.addi %mul3A_18, %add3A_269 : i32
      %slice3A_271 = vector.extract_strided_slice %get3A_16 {offsets = [7], sizes = [1], strides = [1]} : vector<16xf32> to vector<1xf32>
      %squeeze3A_272 = vector.extract %slice3A_271[0] : f32 from vector<1xf32>
      %broadcast_in_dim3A_273 = vector.broadcast %squeeze3A_272 : f32 to vector<16xf32>
      %broadcast_in_dim3A_274 = arith.constant 0 : i32
      %broadcast_in_dim3A_275 = vector.broadcast %broadcast_in_dim3A_274 : i32 to vector<16xi32>
      %scan3A_276 = arith.constant 0 : i32
      %scan3A_277 = arith.constant 512 : i32
      %scan3A_278 = arith.addi %scan3A_276, %scan3A_277 : i32
      %scan3A_279 = arith.constant 1 : i32
      %scan3A_280 = scf.for %scan3A_538 = %scan3A_276 to %scan3A_278 step %scan3A_279 iter_args(%scan3A_539 = %broadcast_in_dim3A_275) -> (vector<16xi32>)  : i32 {
        %mul3A_540 = arith.constant 1 : i32
        %mul3A_541 = arith.muli %scan3A_538, %mul3A_540 : i32
        %add3A_542 = arith.constant 0 : i32
        %add3A_543 = arith.addi %add3A_542, %mul3A_541 : i32
        %mul3A_544 = arith.constant 16 : i32
        %mul3A_545 = arith.muli %add3A_543, %mul3A_544 : i32
        %get3A_546 = arith.index_cast %mul3A_545 : i32 to index
        %get3A_547 = tpu.vector_load %arg8[%get3A_546] {strides = array<i32>} : memref<8192xf32, #tpu.memory_space<vmem>>, vector<16xf32>,
        %le3A = arith.cmpf ole, %get3A_547, %broadcast_in_dim3A_273 : vector<16xf32>
        %all_reduce_population_count3A = tpu.all_reduce %le3A {dim = 0 : i64, kind = #tpu.reduction_kind<sum>} : vector<16xi1> -> vector<16xi32>
        %convert_element_type3A = arith.extui %le3A : vector<16xi1> to vector<16xi32>
        %broadcast_in_dim3A_548 = arith.constant true
        %broadcast_in_dim3A_549 = vector.broadcast %broadcast_in_dim3A_548 : i1 to vector<16xi1>
        %masked_cumsum3A = tpu.scan <sum>, %convert_element_type3A masked %broadcast_in_dim3A_549 : vector<16xi32>, vector<16xi1> -> vector<16xi32>
        %add3A_550 = arith.addi %scan3A_539, %masked_cumsum3A : vector<16xi32>
        %sub3A = arith.constant 1 : i32
        %sub3A_551 = vector.broadcast %sub3A : i32 to vector<16xi32>
        %sub3A_552 = arith.subi %add3A_550, %sub3A_551 : vector<16xi32>
        %lt3A = arith.constant 1024 : i32
        %lt3A_553 = vector.broadcast %lt3A : i32 to vector<16xi32>
        %lt3A_554 = arith.cmpi slt, %sub3A_552, %lt3A_553 : vector<16xi32>
        %and3A = arith.andi %le3A, %lt3A_554 : vector<16xi1>
        tpu.vector_store_idx %arg10[%sub3A_552], %get3A_547 masked %and3A : memref<1024xf32, #tpu.memory_space<vmem>>[vector<16xi32>], vector<16xf32>, vector<16xi1>
        %mul3A_555 = arith.constant 16 : i32
        %mul3A_556 = arith.muli %add3A_543, %mul3A_555 : i32
        %add3A_557 = vector.broadcast %mul3A_556 : i32 to vector<16xi32>
        %add3A_558 = arith.addi %iota3A, %add3A_557 : vector<16xi32>
        tpu.vector_store_idx %arg11[%sub3A_552], %add3A_558 masked %and3A : memref<1024xi32, #tpu.memory_space<vmem>>[vector<16xi32>], vector<16xi32>, vector<16xi1>
        %add3A_559 = arith.addi %scan3A_539, %all_reduce_population_count3A : vector<16xi32>
        scf.yield %add3A_559 : vector<16xi32>
      }
      %scan3A_281 = arith.constant 512 : i32
      %broadcast_in_dim3A_282 = vector.broadcast %add3A_270 : i32 to vector<16xi32>
      tpu.vector_store_idx %arg12[%broadcast_in_dim3A_282], %scan3A_280 masked %eq3A_4 : memref<256xi32, #tpu.memory_space<vmem>>[vector<16xi32>], vector<16xi32>, vector<16xi1>
      %add3A_283 = arith.addi %mul3A_2, %add3A_270 : i32
      "tpu.region"() ({
        %run_scoped3A = tpu.sem_alloc : memref<!tpu.dma_semaphore, #tpu.memory_space<semaphore_mem>>
        %dma_start3A_538 = arith.constant 0 : i32
        %dma_start3A_539 = tpu.memref_slice %arg4[%add3A_283, %dma_start3A_538] : memref<8192x1024xf32, #tpu.memory_space<hbm>> -> memref<1x1024xf32, #tpu.memory_space<hbm>>
        %dma_start3A_540 = tpu.memref_squeeze %dma_start3A_539 : memref<1x1024xf32, #tpu.memory_space<hbm>> -> memref<1024xf32, #tpu.memory_space<hbm>>
        %dma_start3A_541 = arith.constant 0 : i32
        %dma_start3A_542 = tpu.memref_slice %arg4[%add3A_283, %dma_start3A_541] : memref<8192x1024xf32, #tpu.memory_space<hbm>> -> memref<1x1024xf32, #tpu.memory_space<hbm>>
        %dma_start3A_543 = tpu.memref_squeeze %dma_start3A_542 : memref<1x1024xf32, #tpu.memory_space<hbm>> -> memref<1024xf32, #tpu.memory_space<hbm>>
        tpu.enqueue_dma source(%arg10 : memref<1024xf32, #tpu.memory_space<vmem>>) target(%dma_start3A_543 : memref<1024xf32, #tpu.memory_space<hbm>>) target_semaphore(%run_scoped3A : memref<!tpu.dma_semaphore, #tpu.memory_space<semaphore_mem>>)
        %dma_wait3A_544 = arith.constant 0 : i32
        %dma_wait3A_545 = tpu.memref_slice %arg4[%add3A_283, %dma_wait3A_544] : memref<8192x1024xf32, #tpu.memory_space<hbm>> -> memref<1x1024xf32, #tpu.memory_space<hbm>>
        %dma_wait3A_546 = tpu.memref_squeeze %dma_wait3A_545 : memref<1x1024xf32, #tpu.memory_space<hbm>> -> memref<1024xf32, #tpu.memory_space<hbm>>
        %dma_wait3A_547 = arith.constant 0 : i32
        %dma_wait3A_548 = tpu.memref_slice %arg4[%add3A_283, %dma_wait3A_547] : memref<8192x1024xf32, #tpu.memory_space<hbm>> -> memref<1x1024xf32, #tpu.memory_space<hbm>>
        %dma_wait3A_549 = tpu.memref_squeeze %dma_wait3A_548 : memref<1x1024xf32, #tpu.memory_space<hbm>> -> memref<1024xf32, #tpu.memory_space<hbm>>
        tpu.wait_dma2 semaphore(%run_scoped3A : memref<!tpu.dma_semaphore, #tpu.memory_space<semaphore_mem>>) src(%arg10 : memref<1024xf32, #tpu.memory_space<vmem>>) dst(%dma_wait3A_549 : memref<1024xf32, #tpu.memory_space<hbm>>)
        tpu.yield
      }) : () -> ()
      %add3A_284 = arith.addi %mul3A_2, %add3A_270 : i32
      "tpu.region"() ({
        %run_scoped3A = tpu.sem_alloc : memref<!tpu.dma_semaphore, #tpu.memory_space<semaphore_mem>>
        %dma_start3A_538 = arith.constant 0 : i32
        %dma_start3A_539 = tpu.memref_slice %arg5[%add3A_284, %dma_start3A_538] : memref<8192x1024xi32, #tpu.memory_space<hbm>> -> memref<1x1024xi32, #tpu.memory_space<hbm>>
        %dma_start3A_540 = tpu.memref_squeeze %dma_start3A_539 : memref<1x1024xi32, #tpu.memory_space<hbm>> -> memref<1024xi32, #tpu.memory_space<hbm>>
        %dma_start3A_541 = arith.constant 0 : i32
        %dma_start3A_542 = tpu.memref_slice %arg5[%add3A_284, %dma_start3A_541] : memref<8192x1024xi32, #tpu.memory_space<hbm>> -> memref<1x1024xi32, #tpu.memory_space<hbm>>
        %dma_start3A_543 = tpu.memref_squeeze %dma_start3A_542 : memref<1x1024xi32, #tpu.memory_space<hbm>> -> memref<1024xi32, #tpu.memory_space<hbm>>
        tpu.enqueue_dma source(%arg11 : memref<1024xi32, #tpu.memory_space<vmem>>) target(%dma_start3A_543 : memref<1024xi32, #tpu.memory_space<hbm>>) target_semaphore(%run_scoped3A : memref<!tpu.dma_semaphore, #tpu.memory_space<semaphore_mem>>)
        %dma_wait3A_544 = arith.constant 0 : i32
        %dma_wait3A_545 = tpu.memref_slice %arg5[%add3A_284, %dma_wait3A_544] : memref<8192x1024xi32, #tpu.memory_space<hbm>> -> memref<1x1024xi32, #tpu.memory_space<hbm>>
        %dma_wait3A_546 = tpu.memref_squeeze %dma_wait3A_545 : memref<1x1024xi32, #tpu.memory_space<hbm>> -> memref<1024xi32, #tpu.memory_space<hbm>>
        %dma_wait3A_547 = arith.constant 0 : i32
        %dma_wait3A_548 = tpu.memref_slice %arg5[%add3A_284, %dma_wait3A_547] : memref<8192x1024xi32, #tpu.memory_space<hbm>> -> memref<1x1024xi32, #tpu.memory_space<hbm>>
        %dma_wait3A_549 = tpu.memref_squeeze %dma_wait3A_548 : memref<1x1024xi32, #tpu.memory_space<hbm>> -> memref<1024xi32, #tpu.memory_space<hbm>>
        tpu.wait_dma2 semaphore(%run_scoped3A : memref<!tpu.dma_semaphore, #tpu.memory_space<semaphore_mem>>) src(%arg11 : memref<1024xi32, #tpu.memory_space<vmem>>) dst(%dma_wait3A_549 : memref<1024xi32, #tpu.memory_space<hbm>>)
        tpu.yield
      }) : () -> ()
      %add3A_285 = arith.addi %mul3A_2, %mul3A_18 : i32
      %add3A_286 = arith.constant 8 : i32
      %add3A_287 = arith.addi %add3A_285, %add3A_286 : i32
      %add3A_288 = arith.constant 1 : i32
      %add3A_289 = arith.addi %add3A_287, %add3A_288 : i32
      %dma_start3A_290 = arith.constant 0 : i32
      %dma_start3A_291 = tpu.memref_slice %arg2[%add3A_289, %dma_start3A_290] : memref<8192x8192xf32, #tpu.memory_space<hbm>> -> memref<1x8192xf32, #tpu.memory_space<hbm>>
      %dma_start3A_292 = tpu.memref_squeeze %dma_start3A_291 : memref<1x8192xf32, #tpu.memory_space<hbm>> -> memref<8192xf32, #tpu.memory_space<hbm>>
      %dma_start3A_293 = arith.constant 0 : i32
      %dma_start3A_294 = tpu.memref_slice %arg2[%add3A_289, %dma_start3A_293] : memref<8192x8192xf32, #tpu.memory_space<hbm>> -> memref<1x8192xf32, #tpu.memory_space<hbm>>
      %dma_start3A_295 = tpu.memref_squeeze %dma_start3A_294 : memref<1x8192xf32, #tpu.memory_space<hbm>> -> memref<8192xf32, #tpu.memory_space<hbm>>
      tpu.enqueue_dma source(%dma_start3A_295 : memref<8192xf32, #tpu.memory_space<hbm>>) target(%arg8 : memref<8192xf32, #tpu.memory_space<vmem>>) target_semaphore(%arg14 : memref<!tpu.dma_semaphore, #tpu.memory_space<semaphore_mem>>)
      %dma_wait3A_296 = arith.constant 0 : i32
      %dma_wait3A_297 = tpu.memref_slice %arg2[%add3A_256, %dma_wait3A_296] : memref<8192x8192xf32, #tpu.memory_space<hbm>> -> memref<1x8192xf32, #tpu.memory_space<hbm>>
      %dma_wait3A_298 = tpu.memref_squeeze %dma_wait3A_297 : memref<1x8192xf32, #tpu.memory_space<hbm>> -> memref<8192xf32, #tpu.memory_space<hbm>>
      %dma_wait3A_299 = arith.constant 0 : i32
      %dma_wait3A_300 = tpu.memref_slice %arg2[%add3A_256, %dma_wait3A_299] : memref<8192x8192xf32, #tpu.memory_space<hbm>> -> memref<1x8192xf32, #tpu.memory_space<hbm>>
      %dma_wait3A_301 = tpu.memref_squeeze %dma_wait3A_300 : memref<1x8192xf32, #tpu.memory_space<hbm>> -> memref<8192xf32, #tpu.memory_space<hbm>>
      tpu.wait_dma2 semaphore(%arg13 : memref<!tpu.dma_semaphore, #tpu.memory_space<semaphore_mem>>) src(%dma_wait3A_301 : memref<8192xf32, #tpu.memory_space<hbm>>) dst(%arg7 : memref<8192xf32, #tpu.memory_space<vmem>>)
      %add3A_302 = arith.constant 8 : i32
      %add3A_303 = arith.addi %mul3A_18, %add3A_302 : i32
      %slice3A_304 = vector.extract_strided_slice %get3A_16 {offsets = [8], sizes = [1], strides = [1]} : vector<16xf32> to vector<1xf32>
      %squeeze3A_305 = vector.extract %slice3A_304[0] : f32 from vector<1xf32>
      %broadcast_in_dim3A_306 = vector.broadcast %squeeze3A_305 : f32 to vector<16xf32>
      %broadcast_in_dim3A_307 = arith.constant 0 : i32
      %broadcast_in_dim3A_308 = vector.broadcast %broadcast_in_dim3A_307 : i32 to vector<16xi32>
      %scan3A_309 = arith.constant 0 : i32
      %scan3A_310 = arith.constant 512 : i32
      %scan3A_311 = arith.addi %scan3A_309, %scan3A_310 : i32
      %scan3A_312 = arith.constant 1 : i32
      %scan3A_313 = scf.for %scan3A_538 = %scan3A_309 to %scan3A_311 step %scan3A_312 iter_args(%scan3A_539 = %broadcast_in_dim3A_308) -> (vector<16xi32>)  : i32 {
        %mul3A_540 = arith.constant 1 : i32
        %mul3A_541 = arith.muli %scan3A_538, %mul3A_540 : i32
        %add3A_542 = arith.constant 0 : i32
        %add3A_543 = arith.addi %add3A_542, %mul3A_541 : i32
        %mul3A_544 = arith.constant 16 : i32
        %mul3A_545 = arith.muli %add3A_543, %mul3A_544 : i32
        %get3A_546 = arith.index_cast %mul3A_545 : i32 to index
        %get3A_547 = tpu.vector_load %arg7[%get3A_546] {strides = array<i32>} : memref<8192xf32, #tpu.memory_space<vmem>>, vector<16xf32>,
        %le3A = arith.cmpf ole, %get3A_547, %broadcast_in_dim3A_306 : vector<16xf32>
        %all_reduce_population_count3A = tpu.all_reduce %le3A {dim = 0 : i64, kind = #tpu.reduction_kind<sum>} : vector<16xi1> -> vector<16xi32>
        %convert_element_type3A = arith.extui %le3A : vector<16xi1> to vector<16xi32>
        %broadcast_in_dim3A_548 = arith.constant true
        %broadcast_in_dim3A_549 = vector.broadcast %broadcast_in_dim3A_548 : i1 to vector<16xi1>
        %masked_cumsum3A = tpu.scan <sum>, %convert_element_type3A masked %broadcast_in_dim3A_549 : vector<16xi32>, vector<16xi1> -> vector<16xi32>
        %add3A_550 = arith.addi %scan3A_539, %masked_cumsum3A : vector<16xi32>
        %sub3A = arith.constant 1 : i32
        %sub3A_551 = vector.broadcast %sub3A : i32 to vector<16xi32>
        %sub3A_552 = arith.subi %add3A_550, %sub3A_551 : vector<16xi32>
        %lt3A = arith.constant 1024 : i32
        %lt3A_553 = vector.broadcast %lt3A : i32 to vector<16xi32>
        %lt3A_554 = arith.cmpi slt, %sub3A_552, %lt3A_553 : vector<16xi32>
        %and3A = arith.andi %le3A, %lt3A_554 : vector<16xi1>
        tpu.vector_store_idx %arg10[%sub3A_552], %get3A_547 masked %and3A : memref<1024xf32, #tpu.memory_space<vmem>>[vector<16xi32>], vector<16xf32>, vector<16xi1>
        %mul3A_555 = arith.constant 16 : i32
        %mul3A_556 = arith.muli %add3A_543, %mul3A_555 : i32
        %add3A_557 = vector.broadcast %mul3A_556 : i32 to vector<16xi32>
        %add3A_558 = arith.addi %iota3A, %add3A_557 : vector<16xi32>
        tpu.vector_store_idx %arg11[%sub3A_552], %add3A_558 masked %and3A : memref<1024xi32, #tpu.memory_space<vmem>>[vector<16xi32>], vector<16xi32>, vector<16xi1>
        %add3A_559 = arith.addi %scan3A_539, %all_reduce_population_count3A : vector<16xi32>
        scf.yield %add3A_559 : vector<16xi32>
      }
      %scan3A_314 = arith.constant 512 : i32
      %broadcast_in_dim3A_315 = vector.broadcast %add3A_303 : i32 to vector<16xi32>
      tpu.vector_store_idx %arg12[%broadcast_in_dim3A_315], %scan3A_313 masked %eq3A_4 : memref<256xi32, #tpu.memory_space<vmem>>[vector<16xi32>], vector<16xi32>, vector<16xi1>
      %add3A_316 = arith.addi %mul3A_2, %add3A_303 : i32
      "tpu.region"() ({
        %run_scoped3A = tpu.sem_alloc : memref<!tpu.dma_semaphore, #tpu.memory_space<semaphore_mem>>
        %dma_start3A_538 = arith.constant 0 : i32
        %dma_start3A_539 = tpu.memref_slice %arg4[%add3A_316, %dma_start3A_538] : memref<8192x1024xf32, #tpu.memory_space<hbm>> -> memref<1x1024xf32, #tpu.memory_space<hbm>>
        %dma_start3A_540 = tpu.memref_squeeze %dma_start3A_539 : memref<1x1024xf32, #tpu.memory_space<hbm>> -> memref<1024xf32, #tpu.memory_space<hbm>>
        %dma_start3A_541 = arith.constant 0 : i32
        %dma_start3A_542 = tpu.memref_slice %arg4[%add3A_316, %dma_start3A_541] : memref<8192x1024xf32, #tpu.memory_space<hbm>> -> memref<1x1024xf32, #tpu.memory_space<hbm>>
        %dma_start3A_543 = tpu.memref_squeeze %dma_start3A_542 : memref<1x1024xf32, #tpu.memory_space<hbm>> -> memref<1024xf32, #tpu.memory_space<hbm>>
        tpu.enqueue_dma source(%arg10 : memref<1024xf32, #tpu.memory_space<vmem>>) target(%dma_start3A_543 : memref<1024xf32, #tpu.memory_space<hbm>>) target_semaphore(%run_scoped3A : memref<!tpu.dma_semaphore, #tpu.memory_space<semaphore_mem>>)
        %dma_wait3A_544 = arith.constant 0 : i32
        %dma_wait3A_545 = tpu.memref_slice %arg4[%add3A_316, %dma_wait3A_544] : memref<8192x1024xf32, #tpu.memory_space<hbm>> -> memref<1x1024xf32, #tpu.memory_space<hbm>>
        %dma_wait3A_546 = tpu.memref_squeeze %dma_wait3A_545 : memref<1x1024xf32, #tpu.memory_space<hbm>> -> memref<1024xf32, #tpu.memory_space<hbm>>
        %dma_wait3A_547 = arith.constant 0 : i32
        %dma_wait3A_548 = tpu.memref_slice %arg4[%add3A_316, %dma_wait3A_547] : memref<8192x1024xf32, #tpu.memory_space<hbm>> -> memref<1x1024xf32, #tpu.memory_space<hbm>>
        %dma_wait3A_549 = tpu.memref_squeeze %dma_wait3A_548 : memref<1x1024xf32, #tpu.memory_space<hbm>> -> memref<1024xf32, #tpu.memory_space<hbm>>
        tpu.wait_dma2 semaphore(%run_scoped3A : memref<!tpu.dma_semaphore, #tpu.memory_space<semaphore_mem>>) src(%arg10 : memref<1024xf32, #tpu.memory_space<vmem>>) dst(%dma_wait3A_549 : memref<1024xf32, #tpu.memory_space<hbm>>)
        tpu.yield
      }) : () -> ()
      %add3A_317 = arith.addi %mul3A_2, %add3A_303 : i32
      "tpu.region"() ({
        %run_scoped3A = tpu.sem_alloc : memref<!tpu.dma_semaphore, #tpu.memory_space<semaphore_mem>>
        %dma_start3A_538 = arith.constant 0 : i32
        %dma_start3A_539 = tpu.memref_slice %arg5[%add3A_317, %dma_start3A_538] : memref<8192x1024xi32, #tpu.memory_space<hbm>> -> memref<1x1024xi32, #tpu.memory_space<hbm>>
        %dma_start3A_540 = tpu.memref_squeeze %dma_start3A_539 : memref<1x1024xi32, #tpu.memory_space<hbm>> -> memref<1024xi32, #tpu.memory_space<hbm>>
        %dma_start3A_541 = arith.constant 0 : i32
        %dma_start3A_542 = tpu.memref_slice %arg5[%add3A_317, %dma_start3A_541] : memref<8192x1024xi32, #tpu.memory_space<hbm>> -> memref<1x1024xi32, #tpu.memory_space<hbm>>
        %dma_start3A_543 = tpu.memref_squeeze %dma_start3A_542 : memref<1x1024xi32, #tpu.memory_space<hbm>> -> memref<1024xi32, #tpu.memory_space<hbm>>
        tpu.enqueue_dma source(%arg11 : memref<1024xi32, #tpu.memory_space<vmem>>) target(%dma_start3A_543 : memref<1024xi32, #tpu.memory_space<hbm>>) target_semaphore(%run_scoped3A : memref<!tpu.dma_semaphore, #tpu.memory_space<semaphore_mem>>)
        %dma_wait3A_544 = arith.constant 0 : i32
        %dma_wait3A_545 = tpu.memref_slice %arg5[%add3A_317, %dma_wait3A_544] : memref<8192x1024xi32, #tpu.memory_space<hbm>> -> memref<1x1024xi32, #tpu.memory_space<hbm>>
        %dma_wait3A_546 = tpu.memref_squeeze %dma_wait3A_545 : memref<1x1024xi32, #tpu.memory_space<hbm>> -> memref<1024xi32, #tpu.memory_space<hbm>>
        %dma_wait3A_547 = arith.constant 0 : i32
        %dma_wait3A_548 = tpu.memref_slice %arg5[%add3A_317, %dma_wait3A_547] : memref<8192x1024xi32, #tpu.memory_space<hbm>> -> memref<1x1024xi32, #tpu.memory_space<hbm>>
        %dma_wait3A_549 = tpu.memref_squeeze %dma_wait3A_548 : memref<1x1024xi32, #tpu.memory_space<hbm>> -> memref<1024xi32, #tpu.memory_space<hbm>>
        tpu.wait_dma2 semaphore(%run_scoped3A : memref<!tpu.dma_semaphore, #tpu.memory_space<semaphore_mem>>) src(%arg11 : memref<1024xi32, #tpu.memory_space<vmem>>) dst(%dma_wait3A_549 : memref<1024xi32, #tpu.memory_space<hbm>>)
        tpu.yield
      }) : () -> ()
      %add3A_318 = arith.addi %mul3A_2, %mul3A_18 : i32
      %add3A_319 = arith.constant 9 : i32
      %add3A_320 = arith.addi %add3A_318, %add3A_319 : i32
      %add3A_321 = arith.constant 1 : i32
      %add3A_322 = arith.addi %add3A_320, %add3A_321 : i32
      %dma_start3A_323 = arith.constant 0 : i32
      %dma_start3A_324 = tpu.memref_slice %arg2[%add3A_322, %dma_start3A_323] : memref<8192x8192xf32, #tpu.memory_space<hbm>> -> memref<1x8192xf32, #tpu.memory_space<hbm>>
      %dma_start3A_325 = tpu.memref_squeeze %dma_start3A_324 : memref<1x8192xf32, #tpu.memory_space<hbm>> -> memref<8192xf32, #tpu.memory_space<hbm>>
      %dma_start3A_326 = arith.constant 0 : i32
      %dma_start3A_327 = tpu.memref_slice %arg2[%add3A_322, %dma_start3A_326] : memref<8192x8192xf32, #tpu.memory_space<hbm>> -> memref<1x8192xf32, #tpu.memory_space<hbm>>
      %dma_start3A_328 = tpu.memref_squeeze %dma_start3A_327 : memref<1x8192xf32, #tpu.memory_space<hbm>> -> memref<8192xf32, #tpu.memory_space<hbm>>
      tpu.enqueue_dma source(%dma_start3A_328 : memref<8192xf32, #tpu.memory_space<hbm>>) target(%arg7 : memref<8192xf32, #tpu.memory_space<vmem>>) target_semaphore(%arg13 : memref<!tpu.dma_semaphore, #tpu.memory_space<semaphore_mem>>)
      %dma_wait3A_329 = arith.constant 0 : i32
      %dma_wait3A_330 = tpu.memref_slice %arg2[%add3A_289, %dma_wait3A_329] : memref<8192x8192xf32, #tpu.memory_space<hbm>> -> memref<1x8192xf32, #tpu.memory_space<hbm>>
      %dma_wait3A_331 = tpu.memref_squeeze %dma_wait3A_330 : memref<1x8192xf32, #tpu.memory_space<hbm>> -> memref<8192xf32, #tpu.memory_space<hbm>>
      %dma_wait3A_332 = arith.constant 0 : i32
      %dma_wait3A_333 = tpu.memref_slice %arg2[%add3A_289, %dma_wait3A_332] : memref<8192x8192xf32, #tpu.memory_space<hbm>> -> memref<1x8192xf32, #tpu.memory_space<hbm>>
      %dma_wait3A_334 = tpu.memref_squeeze %dma_wait3A_333 : memref<1x8192xf32, #tpu.memory_space<hbm>> -> memref<8192xf32, #tpu.memory_space<hbm>>
      tpu.wait_dma2 semaphore(%arg14 : memref<!tpu.dma_semaphore, #tpu.memory_space<semaphore_mem>>) src(%dma_wait3A_334 : memref<8192xf32, #tpu.memory_space<hbm>>) dst(%arg8 : memref<8192xf32, #tpu.memory_space<vmem>>)
      %add3A_335 = arith.constant 9 : i32
      %add3A_336 = arith.addi %mul3A_18, %add3A_335 : i32
      %slice3A_337 = vector.extract_strided_slice %get3A_16 {offsets = [9], sizes = [1], strides = [1]} : vector<16xf32> to vector<1xf32>
      %squeeze3A_338 = vector.extract %slice3A_337[0] : f32 from vector<1xf32>
      %broadcast_in_dim3A_339 = vector.broadcast %squeeze3A_338 : f32 to vector<16xf32>
      %broadcast_in_dim3A_340 = arith.constant 0 : i32
      %broadcast_in_dim3A_341 = vector.broadcast %broadcast_in_dim3A_340 : i32 to vector<16xi32>
      %scan3A_342 = arith.constant 0 : i32
      %scan3A_343 = arith.constant 512 : i32
      %scan3A_344 = arith.addi %scan3A_342, %scan3A_343 : i32
      %scan3A_345 = arith.constant 1 : i32
      %scan3A_346 = scf.for %scan3A_538 = %scan3A_342 to %scan3A_344 step %scan3A_345 iter_args(%scan3A_539 = %broadcast_in_dim3A_341) -> (vector<16xi32>)  : i32 {
        %mul3A_540 = arith.constant 1 : i32
        %mul3A_541 = arith.muli %scan3A_538, %mul3A_540 : i32
        %add3A_542 = arith.constant 0 : i32
        %add3A_543 = arith.addi %add3A_542, %mul3A_541 : i32
        %mul3A_544 = arith.constant 16 : i32
        %mul3A_545 = arith.muli %add3A_543, %mul3A_544 : i32
        %get3A_546 = arith.index_cast %mul3A_545 : i32 to index
        %get3A_547 = tpu.vector_load %arg8[%get3A_546] {strides = array<i32>} : memref<8192xf32, #tpu.memory_space<vmem>>, vector<16xf32>,
        %le3A = arith.cmpf ole, %get3A_547, %broadcast_in_dim3A_339 : vector<16xf32>
        %all_reduce_population_count3A = tpu.all_reduce %le3A {dim = 0 : i64, kind = #tpu.reduction_kind<sum>} : vector<16xi1> -> vector<16xi32>
        %convert_element_type3A = arith.extui %le3A : vector<16xi1> to vector<16xi32>
        %broadcast_in_dim3A_548 = arith.constant true
        %broadcast_in_dim3A_549 = vector.broadcast %broadcast_in_dim3A_548 : i1 to vector<16xi1>
        %masked_cumsum3A = tpu.scan <sum>, %convert_element_type3A masked %broadcast_in_dim3A_549 : vector<16xi32>, vector<16xi1> -> vector<16xi32>
        %add3A_550 = arith.addi %scan3A_539, %masked_cumsum3A : vector<16xi32>
        %sub3A = arith.constant 1 : i32
        %sub3A_551 = vector.broadcast %sub3A : i32 to vector<16xi32>
        %sub3A_552 = arith.subi %add3A_550, %sub3A_551 : vector<16xi32>
        %lt3A = arith.constant 1024 : i32
        %lt3A_553 = vector.broadcast %lt3A : i32 to vector<16xi32>
        %lt3A_554 = arith.cmpi slt, %sub3A_552, %lt3A_553 : vector<16xi32>
        %and3A = arith.andi %le3A, %lt3A_554 : vector<16xi1>
        tpu.vector_store_idx %arg10[%sub3A_552], %get3A_547 masked %and3A : memref<1024xf32, #tpu.memory_space<vmem>>[vector<16xi32>], vector<16xf32>, vector<16xi1>
        %mul3A_555 = arith.constant 16 : i32
        %mul3A_556 = arith.muli %add3A_543, %mul3A_555 : i32
        %add3A_557 = vector.broadcast %mul3A_556 : i32 to vector<16xi32>
        %add3A_558 = arith.addi %iota3A, %add3A_557 : vector<16xi32>
        tpu.vector_store_idx %arg11[%sub3A_552], %add3A_558 masked %and3A : memref<1024xi32, #tpu.memory_space<vmem>>[vector<16xi32>], vector<16xi32>, vector<16xi1>
        %add3A_559 = arith.addi %scan3A_539, %all_reduce_population_count3A : vector<16xi32>
        scf.yield %add3A_559 : vector<16xi32>
      }
      %scan3A_347 = arith.constant 512 : i32
      %broadcast_in_dim3A_348 = vector.broadcast %add3A_336 : i32 to vector<16xi32>
      tpu.vector_store_idx %arg12[%broadcast_in_dim3A_348], %scan3A_346 masked %eq3A_4 : memref<256xi32, #tpu.memory_space<vmem>>[vector<16xi32>], vector<16xi32>, vector<16xi1>
      %add3A_349 = arith.addi %mul3A_2, %add3A_336 : i32
      "tpu.region"() ({
        %run_scoped3A = tpu.sem_alloc : memref<!tpu.dma_semaphore, #tpu.memory_space<semaphore_mem>>
        %dma_start3A_538 = arith.constant 0 : i32
        %dma_start3A_539 = tpu.memref_slice %arg4[%add3A_349, %dma_start3A_538] : memref<8192x1024xf32, #tpu.memory_space<hbm>> -> memref<1x1024xf32, #tpu.memory_space<hbm>>
        %dma_start3A_540 = tpu.memref_squeeze %dma_start3A_539 : memref<1x1024xf32, #tpu.memory_space<hbm>> -> memref<1024xf32, #tpu.memory_space<hbm>>
        %dma_start3A_541 = arith.constant 0 : i32
        %dma_start3A_542 = tpu.memref_slice %arg4[%add3A_349, %dma_start3A_541] : memref<8192x1024xf32, #tpu.memory_space<hbm>> -> memref<1x1024xf32, #tpu.memory_space<hbm>>
        %dma_start3A_543 = tpu.memref_squeeze %dma_start3A_542 : memref<1x1024xf32, #tpu.memory_space<hbm>> -> memref<1024xf32, #tpu.memory_space<hbm>>
        tpu.enqueue_dma source(%arg10 : memref<1024xf32, #tpu.memory_space<vmem>>) target(%dma_start3A_543 : memref<1024xf32, #tpu.memory_space<hbm>>) target_semaphore(%run_scoped3A : memref<!tpu.dma_semaphore, #tpu.memory_space<semaphore_mem>>)
        %dma_wait3A_544 = arith.constant 0 : i32
        %dma_wait3A_545 = tpu.memref_slice %arg4[%add3A_349, %dma_wait3A_544] : memref<8192x1024xf32, #tpu.memory_space<hbm>> -> memref<1x1024xf32, #tpu.memory_space<hbm>>
        %dma_wait3A_546 = tpu.memref_squeeze %dma_wait3A_545 : memref<1x1024xf32, #tpu.memory_space<hbm>> -> memref<1024xf32, #tpu.memory_space<hbm>>
        %dma_wait3A_547 = arith.constant 0 : i32
        %dma_wait3A_548 = tpu.memref_slice %arg4[%add3A_349, %dma_wait3A_547] : memref<8192x1024xf32, #tpu.memory_space<hbm>> -> memref<1x1024xf32, #tpu.memory_space<hbm>>
        %dma_wait3A_549 = tpu.memref_squeeze %dma_wait3A_548 : memref<1x1024xf32, #tpu.memory_space<hbm>> -> memref<1024xf32, #tpu.memory_space<hbm>>
        tpu.wait_dma2 semaphore(%run_scoped3A : memref<!tpu.dma_semaphore, #tpu.memory_space<semaphore_mem>>) src(%arg10 : memref<1024xf32, #tpu.memory_space<vmem>>) dst(%dma_wait3A_549 : memref<1024xf32, #tpu.memory_space<hbm>>)
        tpu.yield
      }) : () -> ()
      %add3A_350 = arith.addi %mul3A_2, %add3A_336 : i32
      "tpu.region"() ({
        %run_scoped3A = tpu.sem_alloc : memref<!tpu.dma_semaphore, #tpu.memory_space<semaphore_mem>>
        %dma_start3A_538 = arith.constant 0 : i32
        %dma_start3A_539 = tpu.memref_slice %arg5[%add3A_350, %dma_start3A_538] : memref<8192x1024xi32, #tpu.memory_space<hbm>> -> memref<1x1024xi32, #tpu.memory_space<hbm>>
        %dma_start3A_540 = tpu.memref_squeeze %dma_start3A_539 : memref<1x1024xi32, #tpu.memory_space<hbm>> -> memref<1024xi32, #tpu.memory_space<hbm>>
        %dma_start3A_541 = arith.constant 0 : i32
        %dma_start3A_542 = tpu.memref_slice %arg5[%add3A_350, %dma_start3A_541] : memref<8192x1024xi32, #tpu.memory_space<hbm>> -> memref<1x1024xi32, #tpu.memory_space<hbm>>
        %dma_start3A_543 = tpu.memref_squeeze %dma_start3A_542 : memref<1x1024xi32, #tpu.memory_space<hbm>> -> memref<1024xi32, #tpu.memory_space<hbm>>
        tpu.enqueue_dma source(%arg11 : memref<1024xi32, #tpu.memory_space<vmem>>) target(%dma_start3A_543 : memref<1024xi32, #tpu.memory_space<hbm>>) target_semaphore(%run_scoped3A : memref<!tpu.dma_semaphore, #tpu.memory_space<semaphore_mem>>)
        %dma_wait3A_544 = arith.constant 0 : i32
        %dma_wait3A_545 = tpu.memref_slice %arg5[%add3A_350, %dma_wait3A_544] : memref<8192x1024xi32, #tpu.memory_space<hbm>> -> memref<1x1024xi32, #tpu.memory_space<hbm>>
        %dma_wait3A_546 = tpu.memref_squeeze %dma_wait3A_545 : memref<1x1024xi32, #tpu.memory_space<hbm>> -> memref<1024xi32, #tpu.memory_space<hbm>>
        %dma_wait3A_547 = arith.constant 0 : i32
        %dma_wait3A_548 = tpu.memref_slice %arg5[%add3A_350, %dma_wait3A_547] : memref<8192x1024xi32, #tpu.memory_space<hbm>> -> memref<1x1024xi32, #tpu.memory_space<hbm>>
        %dma_wait3A_549 = tpu.memref_squeeze %dma_wait3A_548 : memref<1x1024xi32, #tpu.memory_space<hbm>> -> memref<1024xi32, #tpu.memory_space<hbm>>
        tpu.wait_dma2 semaphore(%run_scoped3A : memref<!tpu.dma_semaphore, #tpu.memory_space<semaphore_mem>>) src(%arg11 : memref<1024xi32, #tpu.memory_space<vmem>>) dst(%dma_wait3A_549 : memref<1024xi32, #tpu.memory_space<hbm>>)
        tpu.yield
      }) : () -> ()
      %add3A_351 = arith.addi %mul3A_2, %mul3A_18 : i32
      %add3A_352 = arith.constant 10 : i32
      %add3A_353 = arith.addi %add3A_351, %add3A_352 : i32
      %add3A_354 = arith.constant 1 : i32
      %add3A_355 = arith.addi %add3A_353, %add3A_354 : i32
      %dma_start3A_356 = arith.constant 0 : i32
      %dma_start3A_357 = tpu.memref_slice %arg2[%add3A_355, %dma_start3A_356] : memref<8192x8192xf32, #tpu.memory_space<hbm>> -> memref<1x8192xf32, #tpu.memory_space<hbm>>
      %dma_start3A_358 = tpu.memref_squeeze %dma_start3A_357 : memref<1x8192xf32, #tpu.memory_space<hbm>> -> memref<8192xf32, #tpu.memory_space<hbm>>
      %dma_start3A_359 = arith.constant 0 : i32
      %dma_start3A_360 = tpu.memref_slice %arg2[%add3A_355, %dma_start3A_359] : memref<8192x8192xf32, #tpu.memory_space<hbm>> -> memref<1x8192xf32, #tpu.memory_space<hbm>>
      %dma_start3A_361 = tpu.memref_squeeze %dma_start3A_360 : memref<1x8192xf32, #tpu.memory_space<hbm>> -> memref<8192xf32, #tpu.memory_space<hbm>>
      tpu.enqueue_dma source(%dma_start3A_361 : memref<8192xf32, #tpu.memory_space<hbm>>) target(%arg8 : memref<8192xf32, #tpu.memory_space<vmem>>) target_semaphore(%arg14 : memref<!tpu.dma_semaphore, #tpu.memory_space<semaphore_mem>>)
      %dma_wait3A_362 = arith.constant 0 : i32
      %dma_wait3A_363 = tpu.memref_slice %arg2[%add3A_322, %dma_wait3A_362] : memref<8192x8192xf32, #tpu.memory_space<hbm>> -> memref<1x8192xf32, #tpu.memory_space<hbm>>
      %dma_wait3A_364 = tpu.memref_squeeze %dma_wait3A_363 : memref<1x8192xf32, #tpu.memory_space<hbm>> -> memref<8192xf32, #tpu.memory_space<hbm>>
      %dma_wait3A_365 = arith.constant 0 : i32
      %dma_wait3A_366 = tpu.memref_slice %arg2[%add3A_322, %dma_wait3A_365] : memref<8192x8192xf32, #tpu.memory_space<hbm>> -> memref<1x8192xf32, #tpu.memory_space<hbm>>
      %dma_wait3A_367 = tpu.memref_squeeze %dma_wait3A_366 : memref<1x8192xf32, #tpu.memory_space<hbm>> -> memref<8192xf32, #tpu.memory_space<hbm>>
      tpu.wait_dma2 semaphore(%arg13 : memref<!tpu.dma_semaphore, #tpu.memory_space<semaphore_mem>>) src(%dma_wait3A_367 : memref<8192xf32, #tpu.memory_space<hbm>>) dst(%arg7 : memref<8192xf32, #tpu.memory_space<vmem>>)
      %add3A_368 = arith.constant 10 : i32
      %add3A_369 = arith.addi %mul3A_18, %add3A_368 : i32
      %slice3A_370 = vector.extract_strided_slice %get3A_16 {offsets = [10], sizes = [1], strides = [1]} : vector<16xf32> to vector<1xf32>
      %squeeze3A_371 = vector.extract %slice3A_370[0] : f32 from vector<1xf32>
      %broadcast_in_dim3A_372 = vector.broadcast %squeeze3A_371 : f32 to vector<16xf32>
      %broadcast_in_dim3A_373 = arith.constant 0 : i32
      %broadcast_in_dim3A_374 = vector.broadcast %broadcast_in_dim3A_373 : i32 to vector<16xi32>
      %scan3A_375 = arith.constant 0 : i32
      %scan3A_376 = arith.constant 512 : i32
      %scan3A_377 = arith.addi %scan3A_375, %scan3A_376 : i32
      %scan3A_378 = arith.constant 1 : i32
      %scan3A_379 = scf.for %scan3A_538 = %scan3A_375 to %scan3A_377 step %scan3A_378 iter_args(%scan3A_539 = %broadcast_in_dim3A_374) -> (vector<16xi32>)  : i32 {
        %mul3A_540 = arith.constant 1 : i32
        %mul3A_541 = arith.muli %scan3A_538, %mul3A_540 : i32
        %add3A_542 = arith.constant 0 : i32
        %add3A_543 = arith.addi %add3A_542, %mul3A_541 : i32
        %mul3A_544 = arith.constant 16 : i32
        %mul3A_545 = arith.muli %add3A_543, %mul3A_544 : i32
        %get3A_546 = arith.index_cast %mul3A_545 : i32 to index
        %get3A_547 = tpu.vector_load %arg7[%get3A_546] {strides = array<i32>} : memref<8192xf32, #tpu.memory_space<vmem>>, vector<16xf32>,
        %le3A = arith.cmpf ole, %get3A_547, %broadcast_in_dim3A_372 : vector<16xf32>
        %all_reduce_population_count3A = tpu.all_reduce %le3A {dim = 0 : i64, kind = #tpu.reduction_kind<sum>} : vector<16xi1> -> vector<16xi32>
        %convert_element_type3A = arith.extui %le3A : vector<16xi1> to vector<16xi32>
        %broadcast_in_dim3A_548 = arith.constant true
        %broadcast_in_dim3A_549 = vector.broadcast %broadcast_in_dim3A_548 : i1 to vector<16xi1>
        %masked_cumsum3A = tpu.scan <sum>, %convert_element_type3A masked %broadcast_in_dim3A_549 : vector<16xi32>, vector<16xi1> -> vector<16xi32>
        %add3A_550 = arith.addi %scan3A_539, %masked_cumsum3A : vector<16xi32>
        %sub3A = arith.constant 1 : i32
        %sub3A_551 = vector.broadcast %sub3A : i32 to vector<16xi32>
        %sub3A_552 = arith.subi %add3A_550, %sub3A_551 : vector<16xi32>
        %lt3A = arith.constant 1024 : i32
        %lt3A_553 = vector.broadcast %lt3A : i32 to vector<16xi32>
        %lt3A_554 = arith.cmpi slt, %sub3A_552, %lt3A_553 : vector<16xi32>
        %and3A = arith.andi %le3A, %lt3A_554 : vector<16xi1>
        tpu.vector_store_idx %arg10[%sub3A_552], %get3A_547 masked %and3A : memref<1024xf32, #tpu.memory_space<vmem>>[vector<16xi32>], vector<16xf32>, vector<16xi1>
        %mul3A_555 = arith.constant 16 : i32
        %mul3A_556 = arith.muli %add3A_543, %mul3A_555 : i32
        %add3A_557 = vector.broadcast %mul3A_556 : i32 to vector<16xi32>
        %add3A_558 = arith.addi %iota3A, %add3A_557 : vector<16xi32>
        tpu.vector_store_idx %arg11[%sub3A_552], %add3A_558 masked %and3A : memref<1024xi32, #tpu.memory_space<vmem>>[vector<16xi32>], vector<16xi32>, vector<16xi1>
        %add3A_559 = arith.addi %scan3A_539, %all_reduce_population_count3A : vector<16xi32>
        scf.yield %add3A_559 : vector<16xi32>
      }
      %scan3A_380 = arith.constant 512 : i32
      %broadcast_in_dim3A_381 = vector.broadcast %add3A_369 : i32 to vector<16xi32>
      tpu.vector_store_idx %arg12[%broadcast_in_dim3A_381], %scan3A_379 masked %eq3A_4 : memref<256xi32, #tpu.memory_space<vmem>>[vector<16xi32>], vector<16xi32>, vector<16xi1>
      %add3A_382 = arith.addi %mul3A_2, %add3A_369 : i32
      "tpu.region"() ({
        %run_scoped3A = tpu.sem_alloc : memref<!tpu.dma_semaphore, #tpu.memory_space<semaphore_mem>>
        %dma_start3A_538 = arith.constant 0 : i32
        %dma_start3A_539 = tpu.memref_slice %arg4[%add3A_382, %dma_start3A_538] : memref<8192x1024xf32, #tpu.memory_space<hbm>> -> memref<1x1024xf32, #tpu.memory_space<hbm>>
        %dma_start3A_540 = tpu.memref_squeeze %dma_start3A_539 : memref<1x1024xf32, #tpu.memory_space<hbm>> -> memref<1024xf32, #tpu.memory_space<hbm>>
        %dma_start3A_541 = arith.constant 0 : i32
        %dma_start3A_542 = tpu.memref_slice %arg4[%add3A_382, %dma_start3A_541] : memref<8192x1024xf32, #tpu.memory_space<hbm>> -> memref<1x1024xf32, #tpu.memory_space<hbm>>
        %dma_start3A_543 = tpu.memref_squeeze %dma_start3A_542 : memref<1x1024xf32, #tpu.memory_space<hbm>> -> memref<1024xf32, #tpu.memory_space<hbm>>
        tpu.enqueue_dma source(%arg10 : memref<1024xf32, #tpu.memory_space<vmem>>) target(%dma_start3A_543 : memref<1024xf32, #tpu.memory_space<hbm>>) target_semaphore(%run_scoped3A : memref<!tpu.dma_semaphore, #tpu.memory_space<semaphore_mem>>)
        %dma_wait3A_544 = arith.constant 0 : i32
        %dma_wait3A_545 = tpu.memref_slice %arg4[%add3A_382, %dma_wait3A_544] : memref<8192x1024xf32, #tpu.memory_space<hbm>> -> memref<1x1024xf32, #tpu.memory_space<hbm>>
        %dma_wait3A_546 = tpu.memref_squeeze %dma_wait3A_545 : memref<1x1024xf32, #tpu.memory_space<hbm>> -> memref<1024xf32, #tpu.memory_space<hbm>>
        %dma_wait3A_547 = arith.constant 0 : i32
        %dma_wait3A_548 = tpu.memref_slice %arg4[%add3A_382, %dma_wait3A_547] : memref<8192x1024xf32, #tpu.memory_space<hbm>> -> memref<1x1024xf32, #tpu.memory_space<hbm>>
        %dma_wait3A_549 = tpu.memref_squeeze %dma_wait3A_548 : memref<1x1024xf32, #tpu.memory_space<hbm>> -> memref<1024xf32, #tpu.memory_space<hbm>>
        tpu.wait_dma2 semaphore(%run_scoped3A : memref<!tpu.dma_semaphore, #tpu.memory_space<semaphore_mem>>) src(%arg10 : memref<1024xf32, #tpu.memory_space<vmem>>) dst(%dma_wait3A_549 : memref<1024xf32, #tpu.memory_space<hbm>>)
        tpu.yield
      }) : () -> ()
      %add3A_383 = arith.addi %mul3A_2, %add3A_369 : i32
      "tpu.region"() ({
        %run_scoped3A = tpu.sem_alloc : memref<!tpu.dma_semaphore, #tpu.memory_space<semaphore_mem>>
        %dma_start3A_538 = arith.constant 0 : i32
        %dma_start3A_539 = tpu.memref_slice %arg5[%add3A_383, %dma_start3A_538] : memref<8192x1024xi32, #tpu.memory_space<hbm>> -> memref<1x1024xi32, #tpu.memory_space<hbm>>
        %dma_start3A_540 = tpu.memref_squeeze %dma_start3A_539 : memref<1x1024xi32, #tpu.memory_space<hbm>> -> memref<1024xi32, #tpu.memory_space<hbm>>
        %dma_start3A_541 = arith.constant 0 : i32
        %dma_start3A_542 = tpu.memref_slice %arg5[%add3A_383, %dma_start3A_541] : memref<8192x1024xi32, #tpu.memory_space<hbm>> -> memref<1x1024xi32, #tpu.memory_space<hbm>>
        %dma_start3A_543 = tpu.memref_squeeze %dma_start3A_542 : memref<1x1024xi32, #tpu.memory_space<hbm>> -> memref<1024xi32, #tpu.memory_space<hbm>>
        tpu.enqueue_dma source(%arg11 : memref<1024xi32, #tpu.memory_space<vmem>>) target(%dma_start3A_543 : memref<1024xi32, #tpu.memory_space<hbm>>) target_semaphore(%run_scoped3A : memref<!tpu.dma_semaphore, #tpu.memory_space<semaphore_mem>>)
        %dma_wait3A_544 = arith.constant 0 : i32
        %dma_wait3A_545 = tpu.memref_slice %arg5[%add3A_383, %dma_wait3A_544] : memref<8192x1024xi32, #tpu.memory_space<hbm>> -> memref<1x1024xi32, #tpu.memory_space<hbm>>
        %dma_wait3A_546 = tpu.memref_squeeze %dma_wait3A_545 : memref<1x1024xi32, #tpu.memory_space<hbm>> -> memref<1024xi32, #tpu.memory_space<hbm>>
        %dma_wait3A_547 = arith.constant 0 : i32
        %dma_wait3A_548 = tpu.memref_slice %arg5[%add3A_383, %dma_wait3A_547] : memref<8192x1024xi32, #tpu.memory_space<hbm>> -> memref<1x1024xi32, #tpu.memory_space<hbm>>
        %dma_wait3A_549 = tpu.memref_squeeze %dma_wait3A_548 : memref<1x1024xi32, #tpu.memory_space<hbm>> -> memref<1024xi32, #tpu.memory_space<hbm>>
        tpu.wait_dma2 semaphore(%run_scoped3A : memref<!tpu.dma_semaphore, #tpu.memory_space<semaphore_mem>>) src(%arg11 : memref<1024xi32, #tpu.memory_space<vmem>>) dst(%dma_wait3A_549 : memref<1024xi32, #tpu.memory_space<hbm>>)
        tpu.yield
      }) : () -> ()
      %add3A_384 = arith.addi %mul3A_2, %mul3A_18 : i32
      %add3A_385 = arith.constant 11 : i32
      %add3A_386 = arith.addi %add3A_384, %add3A_385 : i32
      %add3A_387 = arith.constant 1 : i32
      %add3A_388 = arith.addi %add3A_386, %add3A_387 : i32
      %dma_start3A_389 = arith.constant 0 : i32
      %dma_start3A_390 = tpu.memref_slice %arg2[%add3A_388, %dma_start3A_389] : memref<8192x8192xf32, #tpu.memory_space<hbm>> -> memref<1x8192xf32, #tpu.memory_space<hbm>>
      %dma_start3A_391 = tpu.memref_squeeze %dma_start3A_390 : memref<1x8192xf32, #tpu.memory_space<hbm>> -> memref<8192xf32, #tpu.memory_space<hbm>>
      %dma_start3A_392 = arith.constant 0 : i32
      %dma_start3A_393 = tpu.memref_slice %arg2[%add3A_388, %dma_start3A_392] : memref<8192x8192xf32, #tpu.memory_space<hbm>> -> memref<1x8192xf32, #tpu.memory_space<hbm>>
      %dma_start3A_394 = tpu.memref_squeeze %dma_start3A_393 : memref<1x8192xf32, #tpu.memory_space<hbm>> -> memref<8192xf32, #tpu.memory_space<hbm>>
      tpu.enqueue_dma source(%dma_start3A_394 : memref<8192xf32, #tpu.memory_space<hbm>>) target(%arg7 : memref<8192xf32, #tpu.memory_space<vmem>>) target_semaphore(%arg13 : memref<!tpu.dma_semaphore, #tpu.memory_space<semaphore_mem>>)
      %dma_wait3A_395 = arith.constant 0 : i32
      %dma_wait3A_396 = tpu.memref_slice %arg2[%add3A_355, %dma_wait3A_395] : memref<8192x8192xf32, #tpu.memory_space<hbm>> -> memref<1x8192xf32, #tpu.memory_space<hbm>>
      %dma_wait3A_397 = tpu.memref_squeeze %dma_wait3A_396 : memref<1x8192xf32, #tpu.memory_space<hbm>> -> memref<8192xf32, #tpu.memory_space<hbm>>
      %dma_wait3A_398 = arith.constant 0 : i32
      %dma_wait3A_399 = tpu.memref_slice %arg2[%add3A_355, %dma_wait3A_398] : memref<8192x8192xf32, #tpu.memory_space<hbm>> -> memref<1x8192xf32, #tpu.memory_space<hbm>>
      %dma_wait3A_400 = tpu.memref_squeeze %dma_wait3A_399 : memref<1x8192xf32, #tpu.memory_space<hbm>> -> memref<8192xf32, #tpu.memory_space<hbm>>
      tpu.wait_dma2 semaphore(%arg14 : memref<!tpu.dma_semaphore, #tpu.memory_space<semaphore_mem>>) src(%dma_wait3A_400 : memref<8192xf32, #tpu.memory_space<hbm>>) dst(%arg8 : memref<8192xf32, #tpu.memory_space<vmem>>)
      %add3A_401 = arith.constant 11 : i32
      %add3A_402 = arith.addi %mul3A_18, %add3A_401 : i32
      %slice3A_403 = vector.extract_strided_slice %get3A_16 {offsets = [11], sizes = [1], strides = [1]} : vector<16xf32> to vector<1xf32>
      %squeeze3A_404 = vector.extract %slice3A_403[0] : f32 from vector<1xf32>
      %broadcast_in_dim3A_405 = vector.broadcast %squeeze3A_404 : f32 to vector<16xf32>
      %broadcast_in_dim3A_406 = arith.constant 0 : i32
      %broadcast_in_dim3A_407 = vector.broadcast %broadcast_in_dim3A_406 : i32 to vector<16xi32>
      %scan3A_408 = arith.constant 0 : i32
      %scan3A_409 = arith.constant 512 : i32
      %scan3A_410 = arith.addi %scan3A_408, %scan3A_409 : i32
      %scan3A_411 = arith.constant 1 : i32
      %scan3A_412 = scf.for %scan3A_538 = %scan3A_408 to %scan3A_410 step %scan3A_411 iter_args(%scan3A_539 = %broadcast_in_dim3A_407) -> (vector<16xi32>)  : i32 {
        %mul3A_540 = arith.constant 1 : i32
        %mul3A_541 = arith.muli %scan3A_538, %mul3A_540 : i32
        %add3A_542 = arith.constant 0 : i32
        %add3A_543 = arith.addi %add3A_542, %mul3A_541 : i32
        %mul3A_544 = arith.constant 16 : i32
        %mul3A_545 = arith.muli %add3A_543, %mul3A_544 : i32
        %get3A_546 = arith.index_cast %mul3A_545 : i32 to index
        %get3A_547 = tpu.vector_load %arg8[%get3A_546] {strides = array<i32>} : memref<8192xf32, #tpu.memory_space<vmem>>, vector<16xf32>,
        %le3A = arith.cmpf ole, %get3A_547, %broadcast_in_dim3A_405 : vector<16xf32>
        %all_reduce_population_count3A = tpu.all_reduce %le3A {dim = 0 : i64, kind = #tpu.reduction_kind<sum>} : vector<16xi1> -> vector<16xi32>
        %convert_element_type3A = arith.extui %le3A : vector<16xi1> to vector<16xi32>
        %broadcast_in_dim3A_548 = arith.constant true
        %broadcast_in_dim3A_549 = vector.broadcast %broadcast_in_dim3A_548 : i1 to vector<16xi1>
        %masked_cumsum3A = tpu.scan <sum>, %convert_element_type3A masked %broadcast_in_dim3A_549 : vector<16xi32>, vector<16xi1> -> vector<16xi32>
        %add3A_550 = arith.addi %scan3A_539, %masked_cumsum3A : vector<16xi32>
        %sub3A = arith.constant 1 : i32
        %sub3A_551 = vector.broadcast %sub3A : i32 to vector<16xi32>
        %sub3A_552 = arith.subi %add3A_550, %sub3A_551 : vector<16xi32>
        %lt3A = arith.constant 1024 : i32
        %lt3A_553 = vector.broadcast %lt3A : i32 to vector<16xi32>
        %lt3A_554 = arith.cmpi slt, %sub3A_552, %lt3A_553 : vector<16xi32>
        %and3A = arith.andi %le3A, %lt3A_554 : vector<16xi1>
        tpu.vector_store_idx %arg10[%sub3A_552], %get3A_547 masked %and3A : memref<1024xf32, #tpu.memory_space<vmem>>[vector<16xi32>], vector<16xf32>, vector<16xi1>
        %mul3A_555 = arith.constant 16 : i32
        %mul3A_556 = arith.muli %add3A_543, %mul3A_555 : i32
        %add3A_557 = vector.broadcast %mul3A_556 : i32 to vector<16xi32>
        %add3A_558 = arith.addi %iota3A, %add3A_557 : vector<16xi32>
        tpu.vector_store_idx %arg11[%sub3A_552], %add3A_558 masked %and3A : memref<1024xi32, #tpu.memory_space<vmem>>[vector<16xi32>], vector<16xi32>, vector<16xi1>
        %add3A_559 = arith.addi %scan3A_539, %all_reduce_population_count3A : vector<16xi32>
        scf.yield %add3A_559 : vector<16xi32>
      }
      %scan3A_413 = arith.constant 512 : i32
      %broadcast_in_dim3A_414 = vector.broadcast %add3A_402 : i32 to vector<16xi32>
      tpu.vector_store_idx %arg12[%broadcast_in_dim3A_414], %scan3A_412 masked %eq3A_4 : memref<256xi32, #tpu.memory_space<vmem>>[vector<16xi32>], vector<16xi32>, vector<16xi1>
      %add3A_415 = arith.addi %mul3A_2, %add3A_402 : i32
      "tpu.region"() ({
        %run_scoped3A = tpu.sem_alloc : memref<!tpu.dma_semaphore, #tpu.memory_space<semaphore_mem>>
        %dma_start3A_538 = arith.constant 0 : i32
        %dma_start3A_539 = tpu.memref_slice %arg4[%add3A_415, %dma_start3A_538] : memref<8192x1024xf32, #tpu.memory_space<hbm>> -> memref<1x1024xf32, #tpu.memory_space<hbm>>
        %dma_start3A_540 = tpu.memref_squeeze %dma_start3A_539 : memref<1x1024xf32, #tpu.memory_space<hbm>> -> memref<1024xf32, #tpu.memory_space<hbm>>
        %dma_start3A_541 = arith.constant 0 : i32
        %dma_start3A_542 = tpu.memref_slice %arg4[%add3A_415, %dma_start3A_541] : memref<8192x1024xf32, #tpu.memory_space<hbm>> -> memref<1x1024xf32, #tpu.memory_space<hbm>>
        %dma_start3A_543 = tpu.memref_squeeze %dma_start3A_542 : memref<1x1024xf32, #tpu.memory_space<hbm>> -> memref<1024xf32, #tpu.memory_space<hbm>>
        tpu.enqueue_dma source(%arg10 : memref<1024xf32, #tpu.memory_space<vmem>>) target(%dma_start3A_543 : memref<1024xf32, #tpu.memory_space<hbm>>) target_semaphore(%run_scoped3A : memref<!tpu.dma_semaphore, #tpu.memory_space<semaphore_mem>>)
        %dma_wait3A_544 = arith.constant 0 : i32
        %dma_wait3A_545 = tpu.memref_slice %arg4[%add3A_415, %dma_wait3A_544] : memref<8192x1024xf32, #tpu.memory_space<hbm>> -> memref<1x1024xf32, #tpu.memory_space<hbm>>
        %dma_wait3A_546 = tpu.memref_squeeze %dma_wait3A_545 : memref<1x1024xf32, #tpu.memory_space<hbm>> -> memref<1024xf32, #tpu.memory_space<hbm>>
        %dma_wait3A_547 = arith.constant 0 : i32
        %dma_wait3A_548 = tpu.memref_slice %arg4[%add3A_415, %dma_wait3A_547] : memref<8192x1024xf32, #tpu.memory_space<hbm>> -> memref<1x1024xf32, #tpu.memory_space<hbm>>
        %dma_wait3A_549 = tpu.memref_squeeze %dma_wait3A_548 : memref<1x1024xf32, #tpu.memory_space<hbm>> -> memref<1024xf32, #tpu.memory_space<hbm>>
        tpu.wait_dma2 semaphore(%run_scoped3A : memref<!tpu.dma_semaphore, #tpu.memory_space<semaphore_mem>>) src(%arg10 : memref<1024xf32, #tpu.memory_space<vmem>>) dst(%dma_wait3A_549 : memref<1024xf32, #tpu.memory_space<hbm>>)
        tpu.yield
      }) : () -> ()
      %add3A_416 = arith.addi %mul3A_2, %add3A_402 : i32
      "tpu.region"() ({
        %run_scoped3A = tpu.sem_alloc : memref<!tpu.dma_semaphore, #tpu.memory_space<semaphore_mem>>
        %dma_start3A_538 = arith.constant 0 : i32
        %dma_start3A_539 = tpu.memref_slice %arg5[%add3A_416, %dma_start3A_538] : memref<8192x1024xi32, #tpu.memory_space<hbm>> -> memref<1x1024xi32, #tpu.memory_space<hbm>>
        %dma_start3A_540 = tpu.memref_squeeze %dma_start3A_539 : memref<1x1024xi32, #tpu.memory_space<hbm>> -> memref<1024xi32, #tpu.memory_space<hbm>>
        %dma_start3A_541 = arith.constant 0 : i32
        %dma_start3A_542 = tpu.memref_slice %arg5[%add3A_416, %dma_start3A_541] : memref<8192x1024xi32, #tpu.memory_space<hbm>> -> memref<1x1024xi32, #tpu.memory_space<hbm>>
        %dma_start3A_543 = tpu.memref_squeeze %dma_start3A_542 : memref<1x1024xi32, #tpu.memory_space<hbm>> -> memref<1024xi32, #tpu.memory_space<hbm>>
        tpu.enqueue_dma source(%arg11 : memref<1024xi32, #tpu.memory_space<vmem>>) target(%dma_start3A_543 : memref<1024xi32, #tpu.memory_space<hbm>>) target_semaphore(%run_scoped3A : memref<!tpu.dma_semaphore, #tpu.memory_space<semaphore_mem>>)
        %dma_wait3A_544 = arith.constant 0 : i32
        %dma_wait3A_545 = tpu.memref_slice %arg5[%add3A_416, %dma_wait3A_544] : memref<8192x1024xi32, #tpu.memory_space<hbm>> -> memref<1x1024xi32, #tpu.memory_space<hbm>>
        %dma_wait3A_546 = tpu.memref_squeeze %dma_wait3A_545 : memref<1x1024xi32, #tpu.memory_space<hbm>> -> memref<1024xi32, #tpu.memory_space<hbm>>
        %dma_wait3A_547 = arith.constant 0 : i32
        %dma_wait3A_548 = tpu.memref_slice %arg5[%add3A_416, %dma_wait3A_547] : memref<8192x1024xi32, #tpu.memory_space<hbm>> -> memref<1x1024xi32, #tpu.memory_space<hbm>>
        %dma_wait3A_549 = tpu.memref_squeeze %dma_wait3A_548 : memref<1x1024xi32, #tpu.memory_space<hbm>> -> memref<1024xi32, #tpu.memory_space<hbm>>
        tpu.wait_dma2 semaphore(%run_scoped3A : memref<!tpu.dma_semaphore, #tpu.memory_space<semaphore_mem>>) src(%arg11 : memref<1024xi32, #tpu.memory_space<vmem>>) dst(%dma_wait3A_549 : memref<1024xi32, #tpu.memory_space<hbm>>)
        tpu.yield
      }) : () -> ()
      %add3A_417 = arith.addi %mul3A_2, %mul3A_18 : i32
      %add3A_418 = arith.constant 12 : i32
      %add3A_419 = arith.addi %add3A_417, %add3A_418 : i32
      %add3A_420 = arith.constant 1 : i32
      %add3A_421 = arith.addi %add3A_419, %add3A_420 : i32
      %dma_start3A_422 = arith.constant 0 : i32
      %dma_start3A_423 = tpu.memref_slice %arg2[%add3A_421, %dma_start3A_422] : memref<8192x8192xf32, #tpu.memory_space<hbm>> -> memref<1x8192xf32, #tpu.memory_space<hbm>>
      %dma_start3A_424 = tpu.memref_squeeze %dma_start3A_423 : memref<1x8192xf32, #tpu.memory_space<hbm>> -> memref<8192xf32, #tpu.memory_space<hbm>>
      %dma_start3A_425 = arith.constant 0 : i32
      %dma_start3A_426 = tpu.memref_slice %arg2[%add3A_421, %dma_start3A_425] : memref<8192x8192xf32, #tpu.memory_space<hbm>> -> memref<1x8192xf32, #tpu.memory_space<hbm>>
      %dma_start3A_427 = tpu.memref_squeeze %dma_start3A_426 : memref<1x8192xf32, #tpu.memory_space<hbm>> -> memref<8192xf32, #tpu.memory_space<hbm>>
      tpu.enqueue_dma source(%dma_start3A_427 : memref<8192xf32, #tpu.memory_space<hbm>>) target(%arg8 : memref<8192xf32, #tpu.memory_space<vmem>>) target_semaphore(%arg14 : memref<!tpu.dma_semaphore, #tpu.memory_space<semaphore_mem>>)
      %dma_wait3A_428 = arith.constant 0 : i32
      %dma_wait3A_429 = tpu.memref_slice %arg2[%add3A_388, %dma_wait3A_428] : memref<8192x8192xf32, #tpu.memory_space<hbm>> -> memref<1x8192xf32, #tpu.memory_space<hbm>>
      %dma_wait3A_430 = tpu.memref_squeeze %dma_wait3A_429 : memref<1x8192xf32, #tpu.memory_space<hbm>> -> memref<8192xf32, #tpu.memory_space<hbm>>
      %dma_wait3A_431 = arith.constant 0 : i32
      %dma_wait3A_432 = tpu.memref_slice %arg2[%add3A_388, %dma_wait3A_431] : memref<8192x8192xf32, #tpu.memory_space<hbm>> -> memref<1x8192xf32, #tpu.memory_space<hbm>>
      %dma_wait3A_433 = tpu.memref_squeeze %dma_wait3A_432 : memref<1x8192xf32, #tpu.memory_space<hbm>> -> memref<8192xf32, #tpu.memory_space<hbm>>
      tpu.wait_dma2 semaphore(%arg13 : memref<!tpu.dma_semaphore, #tpu.memory_space<semaphore_mem>>) src(%dma_wait3A_433 : memref<8192xf32, #tpu.memory_space<hbm>>) dst(%arg7 : memref<8192xf32, #tpu.memory_space<vmem>>)
      %add3A_434 = arith.constant 12 : i32
      %add3A_435 = arith.addi %mul3A_18, %add3A_434 : i32
      %slice3A_436 = vector.extract_strided_slice %get3A_16 {offsets = [12], sizes = [1], strides = [1]} : vector<16xf32> to vector<1xf32>
      %squeeze3A_437 = vector.extract %slice3A_436[0] : f32 from vector<1xf32>
      %broadcast_in_dim3A_438 = vector.broadcast %squeeze3A_437 : f32 to vector<16xf32>
      %broadcast_in_dim3A_439 = arith.constant 0 : i32
      %broadcast_in_dim3A_440 = vector.broadcast %broadcast_in_dim3A_439 : i32 to vector<16xi32>
      %scan3A_441 = arith.constant 0 : i32
      %scan3A_442 = arith.constant 512 : i32
      %scan3A_443 = arith.addi %scan3A_441, %scan3A_442 : i32
      %scan3A_444 = arith.constant 1 : i32
      %scan3A_445 = scf.for %scan3A_538 = %scan3A_441 to %scan3A_443 step %scan3A_444 iter_args(%scan3A_539 = %broadcast_in_dim3A_440) -> (vector<16xi32>)  : i32 {
        %mul3A_540 = arith.constant 1 : i32
        %mul3A_541 = arith.muli %scan3A_538, %mul3A_540 : i32
        %add3A_542 = arith.constant 0 : i32
        %add3A_543 = arith.addi %add3A_542, %mul3A_541 : i32
        %mul3A_544 = arith.constant 16 : i32
        %mul3A_545 = arith.muli %add3A_543, %mul3A_544 : i32
        %get3A_546 = arith.index_cast %mul3A_545 : i32 to index
        %get3A_547 = tpu.vector_load %arg7[%get3A_546] {strides = array<i32>} : memref<8192xf32, #tpu.memory_space<vmem>>, vector<16xf32>,
        %le3A = arith.cmpf ole, %get3A_547, %broadcast_in_dim3A_438 : vector<16xf32>
        %all_reduce_population_count3A = tpu.all_reduce %le3A {dim = 0 : i64, kind = #tpu.reduction_kind<sum>} : vector<16xi1> -> vector<16xi32>
        %convert_element_type3A = arith.extui %le3A : vector<16xi1> to vector<16xi32>
        %broadcast_in_dim3A_548 = arith.constant true
        %broadcast_in_dim3A_549 = vector.broadcast %broadcast_in_dim3A_548 : i1 to vector<16xi1>
        %masked_cumsum3A = tpu.scan <sum>, %convert_element_type3A masked %broadcast_in_dim3A_549 : vector<16xi32>, vector<16xi1> -> vector<16xi32>
        %add3A_550 = arith.addi %scan3A_539, %masked_cumsum3A : vector<16xi32>
        %sub3A = arith.constant 1 : i32
        %sub3A_551 = vector.broadcast %sub3A : i32 to vector<16xi32>
        %sub3A_552 = arith.subi %add3A_550, %sub3A_551 : vector<16xi32>
        %lt3A = arith.constant 1024 : i32
        %lt3A_553 = vector.broadcast %lt3A : i32 to vector<16xi32>
        %lt3A_554 = arith.cmpi slt, %sub3A_552, %lt3A_553 : vector<16xi32>
        %and3A = arith.andi %le3A, %lt3A_554 : vector<16xi1>
        tpu.vector_store_idx %arg10[%sub3A_552], %get3A_547 masked %and3A : memref<1024xf32, #tpu.memory_space<vmem>>[vector<16xi32>], vector<16xf32>, vector<16xi1>
        %mul3A_555 = arith.constant 16 : i32
        %mul3A_556 = arith.muli %add3A_543, %mul3A_555 : i32
        %add3A_557 = vector.broadcast %mul3A_556 : i32 to vector<16xi32>
        %add3A_558 = arith.addi %iota3A, %add3A_557 : vector<16xi32>
        tpu.vector_store_idx %arg11[%sub3A_552], %add3A_558 masked %and3A : memref<1024xi32, #tpu.memory_space<vmem>>[vector<16xi32>], vector<16xi32>, vector<16xi1>
        %add3A_559 = arith.addi %scan3A_539, %all_reduce_population_count3A : vector<16xi32>
        scf.yield %add3A_559 : vector<16xi32>
      }
      %scan3A_446 = arith.constant 512 : i32
      %broadcast_in_dim3A_447 = vector.broadcast %add3A_435 : i32 to vector<16xi32>
      tpu.vector_store_idx %arg12[%broadcast_in_dim3A_447], %scan3A_445 masked %eq3A_4 : memref<256xi32, #tpu.memory_space<vmem>>[vector<16xi32>], vector<16xi32>, vector<16xi1>
      %add3A_448 = arith.addi %mul3A_2, %add3A_435 : i32
      "tpu.region"() ({
        %run_scoped3A = tpu.sem_alloc : memref<!tpu.dma_semaphore, #tpu.memory_space<semaphore_mem>>
        %dma_start3A_538 = arith.constant 0 : i32
        %dma_start3A_539 = tpu.memref_slice %arg4[%add3A_448, %dma_start3A_538] : memref<8192x1024xf32, #tpu.memory_space<hbm>> -> memref<1x1024xf32, #tpu.memory_space<hbm>>
        %dma_start3A_540 = tpu.memref_squeeze %dma_start3A_539 : memref<1x1024xf32, #tpu.memory_space<hbm>> -> memref<1024xf32, #tpu.memory_space<hbm>>
        %dma_start3A_541 = arith.constant 0 : i32
        %dma_start3A_542 = tpu.memref_slice %arg4[%add3A_448, %dma_start3A_541] : memref<8192x1024xf32, #tpu.memory_space<hbm>> -> memref<1x1024xf32, #tpu.memory_space<hbm>>
        %dma_start3A_543 = tpu.memref_squeeze %dma_start3A_542 : memref<1x1024xf32, #tpu.memory_space<hbm>> -> memref<1024xf32, #tpu.memory_space<hbm>>
        tpu.enqueue_dma source(%arg10 : memref<1024xf32, #tpu.memory_space<vmem>>) target(%dma_start3A_543 : memref<1024xf32, #tpu.memory_space<hbm>>) target_semaphore(%run_scoped3A : memref<!tpu.dma_semaphore, #tpu.memory_space<semaphore_mem>>)
        %dma_wait3A_544 = arith.constant 0 : i32
        %dma_wait3A_545 = tpu.memref_slice %arg4[%add3A_448, %dma_wait3A_544] : memref<8192x1024xf32, #tpu.memory_space<hbm>> -> memref<1x1024xf32, #tpu.memory_space<hbm>>
        %dma_wait3A_546 = tpu.memref_squeeze %dma_wait3A_545 : memref<1x1024xf32, #tpu.memory_space<hbm>> -> memref<1024xf32, #tpu.memory_space<hbm>>
        %dma_wait3A_547 = arith.constant 0 : i32
        %dma_wait3A_548 = tpu.memref_slice %arg4[%add3A_448, %dma_wait3A_547] : memref<8192x1024xf32, #tpu.memory_space<hbm>> -> memref<1x1024xf32, #tpu.memory_space<hbm>>
        %dma_wait3A_549 = tpu.memref_squeeze %dma_wait3A_548 : memref<1x1024xf32, #tpu.memory_space<hbm>> -> memref<1024xf32, #tpu.memory_space<hbm>>
        tpu.wait_dma2 semaphore(%run_scoped3A : memref<!tpu.dma_semaphore, #tpu.memory_space<semaphore_mem>>) src(%arg10 : memref<1024xf32, #tpu.memory_space<vmem>>) dst(%dma_wait3A_549 : memref<1024xf32, #tpu.memory_space<hbm>>)
        tpu.yield
      }) : () -> ()
      %add3A_449 = arith.addi %mul3A_2, %add3A_435 : i32
      "tpu.region"() ({
        %run_scoped3A = tpu.sem_alloc : memref<!tpu.dma_semaphore, #tpu.memory_space<semaphore_mem>>
        %dma_start3A_538 = arith.constant 0 : i32
        %dma_start3A_539 = tpu.memref_slice %arg5[%add3A_449, %dma_start3A_538] : memref<8192x1024xi32, #tpu.memory_space<hbm>> -> memref<1x1024xi32, #tpu.memory_space<hbm>>
        %dma_start3A_540 = tpu.memref_squeeze %dma_start3A_539 : memref<1x1024xi32, #tpu.memory_space<hbm>> -> memref<1024xi32, #tpu.memory_space<hbm>>
        %dma_start3A_541 = arith.constant 0 : i32
        %dma_start3A_542 = tpu.memref_slice %arg5[%add3A_449, %dma_start3A_541] : memref<8192x1024xi32, #tpu.memory_space<hbm>> -> memref<1x1024xi32, #tpu.memory_space<hbm>>
        %dma_start3A_543 = tpu.memref_squeeze %dma_start3A_542 : memref<1x1024xi32, #tpu.memory_space<hbm>> -> memref<1024xi32, #tpu.memory_space<hbm>>
        tpu.enqueue_dma source(%arg11 : memref<1024xi32, #tpu.memory_space<vmem>>) target(%dma_start3A_543 : memref<1024xi32, #tpu.memory_space<hbm>>) target_semaphore(%run_scoped3A : memref<!tpu.dma_semaphore, #tpu.memory_space<semaphore_mem>>)
        %dma_wait3A_544 = arith.constant 0 : i32
        %dma_wait3A_545 = tpu.memref_slice %arg5[%add3A_449, %dma_wait3A_544] : memref<8192x1024xi32, #tpu.memory_space<hbm>> -> memref<1x1024xi32, #tpu.memory_space<hbm>>
        %dma_wait3A_546 = tpu.memref_squeeze %dma_wait3A_545 : memref<1x1024xi32, #tpu.memory_space<hbm>> -> memref<1024xi32, #tpu.memory_space<hbm>>
        %dma_wait3A_547 = arith.constant 0 : i32
        %dma_wait3A_548 = tpu.memref_slice %arg5[%add3A_449, %dma_wait3A_547] : memref<8192x1024xi32, #tpu.memory_space<hbm>> -> memref<1x1024xi32, #tpu.memory_space<hbm>>
        %dma_wait3A_549 = tpu.memref_squeeze %dma_wait3A_548 : memref<1x1024xi32, #tpu.memory_space<hbm>> -> memref<1024xi32, #tpu.memory_space<hbm>>
        tpu.wait_dma2 semaphore(%run_scoped3A : memref<!tpu.dma_semaphore, #tpu.memory_space<semaphore_mem>>) src(%arg11 : memref<1024xi32, #tpu.memory_space<vmem>>) dst(%dma_wait3A_549 : memref<1024xi32, #tpu.memory_space<hbm>>)
        tpu.yield
      }) : () -> ()
      %add3A_450 = arith.addi %mul3A_2, %mul3A_18 : i32
      %add3A_451 = arith.constant 13 : i32
      %add3A_452 = arith.addi %add3A_450, %add3A_451 : i32
      %add3A_453 = arith.constant 1 : i32
      %add3A_454 = arith.addi %add3A_452, %add3A_453 : i32
      %dma_start3A_455 = arith.constant 0 : i32
      %dma_start3A_456 = tpu.memref_slice %arg2[%add3A_454, %dma_start3A_455] : memref<8192x8192xf32, #tpu.memory_space<hbm>> -> memref<1x8192xf32, #tpu.memory_space<hbm>>
      %dma_start3A_457 = tpu.memref_squeeze %dma_start3A_456 : memref<1x8192xf32, #tpu.memory_space<hbm>> -> memref<8192xf32, #tpu.memory_space<hbm>>
      %dma_start3A_458 = arith.constant 0 : i32
      %dma_start3A_459 = tpu.memref_slice %arg2[%add3A_454, %dma_start3A_458] : memref<8192x8192xf32, #tpu.memory_space<hbm>> -> memref<1x8192xf32, #tpu.memory_space<hbm>>
      %dma_start3A_460 = tpu.memref_squeeze %dma_start3A_459 : memref<1x8192xf32, #tpu.memory_space<hbm>> -> memref<8192xf32, #tpu.memory_space<hbm>>
      tpu.enqueue_dma source(%dma_start3A_460 : memref<8192xf32, #tpu.memory_space<hbm>>) target(%arg7 : memref<8192xf32, #tpu.memory_space<vmem>>) target_semaphore(%arg13 : memref<!tpu.dma_semaphore, #tpu.memory_space<semaphore_mem>>)
      %dma_wait3A_461 = arith.constant 0 : i32
      %dma_wait3A_462 = tpu.memref_slice %arg2[%add3A_421, %dma_wait3A_461] : memref<8192x8192xf32, #tpu.memory_space<hbm>> -> memref<1x8192xf32, #tpu.memory_space<hbm>>
      %dma_wait3A_463 = tpu.memref_squeeze %dma_wait3A_462 : memref<1x8192xf32, #tpu.memory_space<hbm>> -> memref<8192xf32, #tpu.memory_space<hbm>>
      %dma_wait3A_464 = arith.constant 0 : i32
      %dma_wait3A_465 = tpu.memref_slice %arg2[%add3A_421, %dma_wait3A_464] : memref<8192x8192xf32, #tpu.memory_space<hbm>> -> memref<1x8192xf32, #tpu.memory_space<hbm>>
      %dma_wait3A_466 = tpu.memref_squeeze %dma_wait3A_465 : memref<1x8192xf32, #tpu.memory_space<hbm>> -> memref<8192xf32, #tpu.memory_space<hbm>>
      tpu.wait_dma2 semaphore(%arg14 : memref<!tpu.dma_semaphore, #tpu.memory_space<semaphore_mem>>) src(%dma_wait3A_466 : memref<8192xf32, #tpu.memory_space<hbm>>) dst(%arg8 : memref<8192xf32, #tpu.memory_space<vmem>>)
      %add3A_467 = arith.constant 13 : i32
      %add3A_468 = arith.addi %mul3A_18, %add3A_467 : i32
      %slice3A_469 = vector.extract_strided_slice %get3A_16 {offsets = [13], sizes = [1], strides = [1]} : vector<16xf32> to vector<1xf32>
      %squeeze3A_470 = vector.extract %slice3A_469[0] : f32 from vector<1xf32>
      %broadcast_in_dim3A_471 = vector.broadcast %squeeze3A_470 : f32 to vector<16xf32>
      %broadcast_in_dim3A_472 = arith.constant 0 : i32
      %broadcast_in_dim3A_473 = vector.broadcast %broadcast_in_dim3A_472 : i32 to vector<16xi32>
      %scan3A_474 = arith.constant 0 : i32
      %scan3A_475 = arith.constant 512 : i32
      %scan3A_476 = arith.addi %scan3A_474, %scan3A_475 : i32
      %scan3A_477 = arith.constant 1 : i32
      %scan3A_478 = scf.for %scan3A_538 = %scan3A_474 to %scan3A_476 step %scan3A_477 iter_args(%scan3A_539 = %broadcast_in_dim3A_473) -> (vector<16xi32>)  : i32 {
        %mul3A_540 = arith.constant 1 : i32
        %mul3A_541 = arith.muli %scan3A_538, %mul3A_540 : i32
        %add3A_542 = arith.constant 0 : i32
        %add3A_543 = arith.addi %add3A_542, %mul3A_541 : i32
        %mul3A_544 = arith.constant 16 : i32
        %mul3A_545 = arith.muli %add3A_543, %mul3A_544 : i32
        %get3A_546 = arith.index_cast %mul3A_545 : i32 to index
        %get3A_547 = tpu.vector_load %arg8[%get3A_546] {strides = array<i32>} : memref<8192xf32, #tpu.memory_space<vmem>>, vector<16xf32>,
        %le3A = arith.cmpf ole, %get3A_547, %broadcast_in_dim3A_471 : vector<16xf32>
        %all_reduce_population_count3A = tpu.all_reduce %le3A {dim = 0 : i64, kind = #tpu.reduction_kind<sum>} : vector<16xi1> -> vector<16xi32>
        %convert_element_type3A = arith.extui %le3A : vector<16xi1> to vector<16xi32>
        %broadcast_in_dim3A_548 = arith.constant true
        %broadcast_in_dim3A_549 = vector.broadcast %broadcast_in_dim3A_548 : i1 to vector<16xi1>
        %masked_cumsum3A = tpu.scan <sum>, %convert_element_type3A masked %broadcast_in_dim3A_549 : vector<16xi32>, vector<16xi1> -> vector<16xi32>
        %add3A_550 = arith.addi %scan3A_539, %masked_cumsum3A : vector<16xi32>
        %sub3A = arith.constant 1 : i32
        %sub3A_551 = vector.broadcast %sub3A : i32 to vector<16xi32>
        %sub3A_552 = arith.subi %add3A_550, %sub3A_551 : vector<16xi32>
        %lt3A = arith.constant 1024 : i32
        %lt3A_553 = vector.broadcast %lt3A : i32 to vector<16xi32>
        %lt3A_554 = arith.cmpi slt, %sub3A_552, %lt3A_553 : vector<16xi32>
        %and3A = arith.andi %le3A, %lt3A_554 : vector<16xi1>
        tpu.vector_store_idx %arg10[%sub3A_552], %get3A_547 masked %and3A : memref<1024xf32, #tpu.memory_space<vmem>>[vector<16xi32>], vector<16xf32>, vector<16xi1>
        %mul3A_555 = arith.constant 16 : i32
        %mul3A_556 = arith.muli %add3A_543, %mul3A_555 : i32
        %add3A_557 = vector.broadcast %mul3A_556 : i32 to vector<16xi32>
        %add3A_558 = arith.addi %iota3A, %add3A_557 : vector<16xi32>
        tpu.vector_store_idx %arg11[%sub3A_552], %add3A_558 masked %and3A : memref<1024xi32, #tpu.memory_space<vmem>>[vector<16xi32>], vector<16xi32>, vector<16xi1>
        %add3A_559 = arith.addi %scan3A_539, %all_reduce_population_count3A : vector<16xi32>
        scf.yield %add3A_559 : vector<16xi32>
      }
      %scan3A_479 = arith.constant 512 : i32
      %broadcast_in_dim3A_480 = vector.broadcast %add3A_468 : i32 to vector<16xi32>
      tpu.vector_store_idx %arg12[%broadcast_in_dim3A_480], %scan3A_478 masked %eq3A_4 : memref<256xi32, #tpu.memory_space<vmem>>[vector<16xi32>], vector<16xi32>, vector<16xi1>
      %add3A_481 = arith.addi %mul3A_2, %add3A_468 : i32
      "tpu.region"() ({
        %run_scoped3A = tpu.sem_alloc : memref<!tpu.dma_semaphore, #tpu.memory_space<semaphore_mem>>
        %dma_start3A_538 = arith.constant 0 : i32
        %dma_start3A_539 = tpu.memref_slice %arg4[%add3A_481, %dma_start3A_538] : memref<8192x1024xf32, #tpu.memory_space<hbm>> -> memref<1x1024xf32, #tpu.memory_space<hbm>>
        %dma_start3A_540 = tpu.memref_squeeze %dma_start3A_539 : memref<1x1024xf32, #tpu.memory_space<hbm>> -> memref<1024xf32, #tpu.memory_space<hbm>>
        %dma_start3A_541 = arith.constant 0 : i32
        %dma_start3A_542 = tpu.memref_slice %arg4[%add3A_481, %dma_start3A_541] : memref<8192x1024xf32, #tpu.memory_space<hbm>> -> memref<1x1024xf32, #tpu.memory_space<hbm>>
        %dma_start3A_543 = tpu.memref_squeeze %dma_start3A_542 : memref<1x1024xf32, #tpu.memory_space<hbm>> -> memref<1024xf32, #tpu.memory_space<hbm>>
        tpu.enqueue_dma source(%arg10 : memref<1024xf32, #tpu.memory_space<vmem>>) target(%dma_start3A_543 : memref<1024xf32, #tpu.memory_space<hbm>>) target_semaphore(%run_scoped3A : memref<!tpu.dma_semaphore, #tpu.memory_space<semaphore_mem>>)
        %dma_wait3A_544 = arith.constant 0 : i32
        %dma_wait3A_545 = tpu.memref_slice %arg4[%add3A_481, %dma_wait3A_544] : memref<8192x1024xf32, #tpu.memory_space<hbm>> -> memref<1x1024xf32, #tpu.memory_space<hbm>>
        %dma_wait3A_546 = tpu.memref_squeeze %dma_wait3A_545 : memref<1x1024xf32, #tpu.memory_space<hbm>> -> memref<1024xf32, #tpu.memory_space<hbm>>
        %dma_wait3A_547 = arith.constant 0 : i32
        %dma_wait3A_548 = tpu.memref_slice %arg4[%add3A_481, %dma_wait3A_547] : memref<8192x1024xf32, #tpu.memory_space<hbm>> -> memref<1x1024xf32, #tpu.memory_space<hbm>>
        %dma_wait3A_549 = tpu.memref_squeeze %dma_wait3A_548 : memref<1x1024xf32, #tpu.memory_space<hbm>> -> memref<1024xf32, #tpu.memory_space<hbm>>
        tpu.wait_dma2 semaphore(%run_scoped3A : memref<!tpu.dma_semaphore, #tpu.memory_space<semaphore_mem>>) src(%arg10 : memref<1024xf32, #tpu.memory_space<vmem>>) dst(%dma_wait3A_549 : memref<1024xf32, #tpu.memory_space<hbm>>)
        tpu.yield
      }) : () -> ()
      %add3A_482 = arith.addi %mul3A_2, %add3A_468 : i32
      "tpu.region"() ({
        %run_scoped3A = tpu.sem_alloc : memref<!tpu.dma_semaphore, #tpu.memory_space<semaphore_mem>>
        %dma_start3A_538 = arith.constant 0 : i32
        %dma_start3A_539 = tpu.memref_slice %arg5[%add3A_482, %dma_start3A_538] : memref<8192x1024xi32, #tpu.memory_space<hbm>> -> memref<1x1024xi32, #tpu.memory_space<hbm>>
        %dma_start3A_540 = tpu.memref_squeeze %dma_start3A_539 : memref<1x1024xi32, #tpu.memory_space<hbm>> -> memref<1024xi32, #tpu.memory_space<hbm>>
        %dma_start3A_541 = arith.constant 0 : i32
        %dma_start3A_542 = tpu.memref_slice %arg5[%add3A_482, %dma_start3A_541] : memref<8192x1024xi32, #tpu.memory_space<hbm>> -> memref<1x1024xi32, #tpu.memory_space<hbm>>
        %dma_start3A_543 = tpu.memref_squeeze %dma_start3A_542 : memref<1x1024xi32, #tpu.memory_space<hbm>> -> memref<1024xi32, #tpu.memory_space<hbm>>
        tpu.enqueue_dma source(%arg11 : memref<1024xi32, #tpu.memory_space<vmem>>) target(%dma_start3A_543 : memref<1024xi32, #tpu.memory_space<hbm>>) target_semaphore(%run_scoped3A : memref<!tpu.dma_semaphore, #tpu.memory_space<semaphore_mem>>)
        %dma_wait3A_544 = arith.constant 0 : i32
        %dma_wait3A_545 = tpu.memref_slice %arg5[%add3A_482, %dma_wait3A_544] : memref<8192x1024xi32, #tpu.memory_space<hbm>> -> memref<1x1024xi32, #tpu.memory_space<hbm>>
        %dma_wait3A_546 = tpu.memref_squeeze %dma_wait3A_545 : memref<1x1024xi32, #tpu.memory_space<hbm>> -> memref<1024xi32, #tpu.memory_space<hbm>>
        %dma_wait3A_547 = arith.constant 0 : i32
        %dma_wait3A_548 = tpu.memref_slice %arg5[%add3A_482, %dma_wait3A_547] : memref<8192x1024xi32, #tpu.memory_space<hbm>> -> memref<1x1024xi32, #tpu.memory_space<hbm>>
        %dma_wait3A_549 = tpu.memref_squeeze %dma_wait3A_548 : memref<1x1024xi32, #tpu.memory_space<hbm>> -> memref<1024xi32, #tpu.memory_space<hbm>>
        tpu.wait_dma2 semaphore(%run_scoped3A : memref<!tpu.dma_semaphore, #tpu.memory_space<semaphore_mem>>) src(%arg11 : memref<1024xi32, #tpu.memory_space<vmem>>) dst(%dma_wait3A_549 : memref<1024xi32, #tpu.memory_space<hbm>>)
        tpu.yield
      }) : () -> ()
      %add3A_483 = arith.addi %mul3A_2, %mul3A_18 : i32
      %add3A_484 = arith.constant 14 : i32
      %add3A_485 = arith.addi %add3A_483, %add3A_484 : i32
      %add3A_486 = arith.constant 1 : i32
      %add3A_487 = arith.addi %add3A_485, %add3A_486 : i32
      %dma_start3A_488 = arith.constant 0 : i32
      %dma_start3A_489 = tpu.memref_slice %arg2[%add3A_487, %dma_start3A_488] : memref<8192x8192xf32, #tpu.memory_space<hbm>> -> memref<1x8192xf32, #tpu.memory_space<hbm>>
      %dma_start3A_490 = tpu.memref_squeeze %dma_start3A_489 : memref<1x8192xf32, #tpu.memory_space<hbm>> -> memref<8192xf32, #tpu.memory_space<hbm>>
      %dma_start3A_491 = arith.constant 0 : i32
      %dma_start3A_492 = tpu.memref_slice %arg2[%add3A_487, %dma_start3A_491] : memref<8192x8192xf32, #tpu.memory_space<hbm>> -> memref<1x8192xf32, #tpu.memory_space<hbm>>
      %dma_start3A_493 = tpu.memref_squeeze %dma_start3A_492 : memref<1x8192xf32, #tpu.memory_space<hbm>> -> memref<8192xf32, #tpu.memory_space<hbm>>
      tpu.enqueue_dma source(%dma_start3A_493 : memref<8192xf32, #tpu.memory_space<hbm>>) target(%arg8 : memref<8192xf32, #tpu.memory_space<vmem>>) target_semaphore(%arg14 : memref<!tpu.dma_semaphore, #tpu.memory_space<semaphore_mem>>)
      %dma_wait3A_494 = arith.constant 0 : i32
      %dma_wait3A_495 = tpu.memref_slice %arg2[%add3A_454, %dma_wait3A_494] : memref<8192x8192xf32, #tpu.memory_space<hbm>> -> memref<1x8192xf32, #tpu.memory_space<hbm>>
      %dma_wait3A_496 = tpu.memref_squeeze %dma_wait3A_495 : memref<1x8192xf32, #tpu.memory_space<hbm>> -> memref<8192xf32, #tpu.memory_space<hbm>>
      %dma_wait3A_497 = arith.constant 0 : i32
      %dma_wait3A_498 = tpu.memref_slice %arg2[%add3A_454, %dma_wait3A_497] : memref<8192x8192xf32, #tpu.memory_space<hbm>> -> memref<1x8192xf32, #tpu.memory_space<hbm>>
      %dma_wait3A_499 = tpu.memref_squeeze %dma_wait3A_498 : memref<1x8192xf32, #tpu.memory_space<hbm>> -> memref<8192xf32, #tpu.memory_space<hbm>>
      tpu.wait_dma2 semaphore(%arg13 : memref<!tpu.dma_semaphore, #tpu.memory_space<semaphore_mem>>) src(%dma_wait3A_499 : memref<8192xf32, #tpu.memory_space<hbm>>) dst(%arg7 : memref<8192xf32, #tpu.memory_space<vmem>>)
      %add3A_500 = arith.constant 14 : i32
      %add3A_501 = arith.addi %mul3A_18, %add3A_500 : i32
      %slice3A_502 = vector.extract_strided_slice %get3A_16 {offsets = [14], sizes = [1], strides = [1]} : vector<16xf32> to vector<1xf32>
      %squeeze3A_503 = vector.extract %slice3A_502[0] : f32 from vector<1xf32>
      %broadcast_in_dim3A_504 = vector.broadcast %squeeze3A_503 : f32 to vector<16xf32>
      %broadcast_in_dim3A_505 = arith.constant 0 : i32
      %broadcast_in_dim3A_506 = vector.broadcast %broadcast_in_dim3A_505 : i32 to vector<16xi32>
      %scan3A_507 = arith.constant 0 : i32
      %scan3A_508 = arith.constant 512 : i32
      %scan3A_509 = arith.addi %scan3A_507, %scan3A_508 : i32
      %scan3A_510 = arith.constant 1 : i32
      %scan3A_511 = scf.for %scan3A_538 = %scan3A_507 to %scan3A_509 step %scan3A_510 iter_args(%scan3A_539 = %broadcast_in_dim3A_506) -> (vector<16xi32>)  : i32 {
        %mul3A_540 = arith.constant 1 : i32
        %mul3A_541 = arith.muli %scan3A_538, %mul3A_540 : i32
        %add3A_542 = arith.constant 0 : i32
        %add3A_543 = arith.addi %add3A_542, %mul3A_541 : i32
        %mul3A_544 = arith.constant 16 : i32
        %mul3A_545 = arith.muli %add3A_543, %mul3A_544 : i32
        %get3A_546 = arith.index_cast %mul3A_545 : i32 to index
        %get3A_547 = tpu.vector_load %arg7[%get3A_546] {strides = array<i32>} : memref<8192xf32, #tpu.memory_space<vmem>>, vector<16xf32>,
        %le3A = arith.cmpf ole, %get3A_547, %broadcast_in_dim3A_504 : vector<16xf32>
        %all_reduce_population_count3A = tpu.all_reduce %le3A {dim = 0 : i64, kind = #tpu.reduction_kind<sum>} : vector<16xi1> -> vector<16xi32>
        %convert_element_type3A = arith.extui %le3A : vector<16xi1> to vector<16xi32>
        %broadcast_in_dim3A_548 = arith.constant true
        %broadcast_in_dim3A_549 = vector.broadcast %broadcast_in_dim3A_548 : i1 to vector<16xi1>
        %masked_cumsum3A = tpu.scan <sum>, %convert_element_type3A masked %broadcast_in_dim3A_549 : vector<16xi32>, vector<16xi1> -> vector<16xi32>
        %add3A_550 = arith.addi %scan3A_539, %masked_cumsum3A : vector<16xi32>
        %sub3A = arith.constant 1 : i32
        %sub3A_551 = vector.broadcast %sub3A : i32 to vector<16xi32>
        %sub3A_552 = arith.subi %add3A_550, %sub3A_551 : vector<16xi32>
        %lt3A = arith.constant 1024 : i32
        %lt3A_553 = vector.broadcast %lt3A : i32 to vector<16xi32>
        %lt3A_554 = arith.cmpi slt, %sub3A_552, %lt3A_553 : vector<16xi32>
        %and3A = arith.andi %le3A, %lt3A_554 : vector<16xi1>
        tpu.vector_store_idx %arg10[%sub3A_552], %get3A_547 masked %and3A : memref<1024xf32, #tpu.memory_space<vmem>>[vector<16xi32>], vector<16xf32>, vector<16xi1>
        %mul3A_555 = arith.constant 16 : i32
        %mul3A_556 = arith.muli %add3A_543, %mul3A_555 : i32
        %add3A_557 = vector.broadcast %mul3A_556 : i32 to vector<16xi32>
        %add3A_558 = arith.addi %iota3A, %add3A_557 : vector<16xi32>
        tpu.vector_store_idx %arg11[%sub3A_552], %add3A_558 masked %and3A : memref<1024xi32, #tpu.memory_space<vmem>>[vector<16xi32>], vector<16xi32>, vector<16xi1>
        %add3A_559 = arith.addi %scan3A_539, %all_reduce_population_count3A : vector<16xi32>
        scf.yield %add3A_559 : vector<16xi32>
      }
      %scan3A_512 = arith.constant 512 : i32
      %broadcast_in_dim3A_513 = vector.broadcast %add3A_501 : i32 to vector<16xi32>
      tpu.vector_store_idx %arg12[%broadcast_in_dim3A_513], %scan3A_511 masked %eq3A_4 : memref<256xi32, #tpu.memory_space<vmem>>[vector<16xi32>], vector<16xi32>, vector<16xi1>
      %add3A_514 = arith.addi %mul3A_2, %add3A_501 : i32
      "tpu.region"() ({
        %run_scoped3A = tpu.sem_alloc : memref<!tpu.dma_semaphore, #tpu.memory_space<semaphore_mem>>
        %dma_start3A_538 = arith.constant 0 : i32
        %dma_start3A_539 = tpu.memref_slice %arg4[%add3A_514, %dma_start3A_538] : memref<8192x1024xf32, #tpu.memory_space<hbm>> -> memref<1x1024xf32, #tpu.memory_space<hbm>>
        %dma_start3A_540 = tpu.memref_squeeze %dma_start3A_539 : memref<1x1024xf32, #tpu.memory_space<hbm>> -> memref<1024xf32, #tpu.memory_space<hbm>>
        %dma_start3A_541 = arith.constant 0 : i32
        %dma_start3A_542 = tpu.memref_slice %arg4[%add3A_514, %dma_start3A_541] : memref<8192x1024xf32, #tpu.memory_space<hbm>> -> memref<1x1024xf32, #tpu.memory_space<hbm>>
        %dma_start3A_543 = tpu.memref_squeeze %dma_start3A_542 : memref<1x1024xf32, #tpu.memory_space<hbm>> -> memref<1024xf32, #tpu.memory_space<hbm>>
        tpu.enqueue_dma source(%arg10 : memref<1024xf32, #tpu.memory_space<vmem>>) target(%dma_start3A_543 : memref<1024xf32, #tpu.memory_space<hbm>>) target_semaphore(%run_scoped3A : memref<!tpu.dma_semaphore, #tpu.memory_space<semaphore_mem>>)
        %dma_wait3A_544 = arith.constant 0 : i32
        %dma_wait3A_545 = tpu.memref_slice %arg4[%add3A_514, %dma_wait3A_544] : memref<8192x1024xf32, #tpu.memory_space<hbm>> -> memref<1x1024xf32, #tpu.memory_space<hbm>>
        %dma_wait3A_546 = tpu.memref_squeeze %dma_wait3A_545 : memref<1x1024xf32, #tpu.memory_space<hbm>> -> memref<1024xf32, #tpu.memory_space<hbm>>
        %dma_wait3A_547 = arith.constant 0 : i32
        %dma_wait3A_548 = tpu.memref_slice %arg4[%add3A_514, %dma_wait3A_547] : memref<8192x1024xf32, #tpu.memory_space<hbm>> -> memref<1x1024xf32, #tpu.memory_space<hbm>>
        %dma_wait3A_549 = tpu.memref_squeeze %dma_wait3A_548 : memref<1x1024xf32, #tpu.memory_space<hbm>> -> memref<1024xf32, #tpu.memory_space<hbm>>
        tpu.wait_dma2 semaphore(%run_scoped3A : memref<!tpu.dma_semaphore, #tpu.memory_space<semaphore_mem>>) src(%arg10 : memref<1024xf32, #tpu.memory_space<vmem>>) dst(%dma_wait3A_549 : memref<1024xf32, #tpu.memory_space<hbm>>)
        tpu.yield
      }) : () -> ()
      %add3A_515 = arith.addi %mul3A_2, %add3A_501 : i32
      "tpu.region"() ({
        %run_scoped3A = tpu.sem_alloc : memref<!tpu.dma_semaphore, #tpu.memory_space<semaphore_mem>>
        %dma_start3A_538 = arith.constant 0 : i32
        %dma_start3A_539 = tpu.memref_slice %arg5[%add3A_515, %dma_start3A_538] : memref<8192x1024xi32, #tpu.memory_space<hbm>> -> memref<1x1024xi32, #tpu.memory_space<hbm>>
        %dma_start3A_540 = tpu.memref_squeeze %dma_start3A_539 : memref<1x1024xi32, #tpu.memory_space<hbm>> -> memref<1024xi32, #tpu.memory_space<hbm>>
        %dma_start3A_541 = arith.constant 0 : i32
        %dma_start3A_542 = tpu.memref_slice %arg5[%add3A_515, %dma_start3A_541] : memref<8192x1024xi32, #tpu.memory_space<hbm>> -> memref<1x1024xi32, #tpu.memory_space<hbm>>
        %dma_start3A_543 = tpu.memref_squeeze %dma_start3A_542 : memref<1x1024xi32, #tpu.memory_space<hbm>> -> memref<1024xi32, #tpu.memory_space<hbm>>
        tpu.enqueue_dma source(%arg11 : memref<1024xi32, #tpu.memory_space<vmem>>) target(%dma_start3A_543 : memref<1024xi32, #tpu.memory_space<hbm>>) target_semaphore(%run_scoped3A : memref<!tpu.dma_semaphore, #tpu.memory_space<semaphore_mem>>)
        %dma_wait3A_544 = arith.constant 0 : i32
        %dma_wait3A_545 = tpu.memref_slice %arg5[%add3A_515, %dma_wait3A_544] : memref<8192x1024xi32, #tpu.memory_space<hbm>> -> memref<1x1024xi32, #tpu.memory_space<hbm>>
        %dma_wait3A_546 = tpu.memref_squeeze %dma_wait3A_545 : memref<1x1024xi32, #tpu.memory_space<hbm>> -> memref<1024xi32, #tpu.memory_space<hbm>>
        %dma_wait3A_547 = arith.constant 0 : i32
        %dma_wait3A_548 = tpu.memref_slice %arg5[%add3A_515, %dma_wait3A_547] : memref<8192x1024xi32, #tpu.memory_space<hbm>> -> memref<1x1024xi32, #tpu.memory_space<hbm>>
        %dma_wait3A_549 = tpu.memref_squeeze %dma_wait3A_548 : memref<1x1024xi32, #tpu.memory_space<hbm>> -> memref<1024xi32, #tpu.memory_space<hbm>>
        tpu.wait_dma2 semaphore(%run_scoped3A : memref<!tpu.dma_semaphore, #tpu.memory_space<semaphore_mem>>) src(%arg11 : memref<1024xi32, #tpu.memory_space<vmem>>) dst(%dma_wait3A_549 : memref<1024xi32, #tpu.memory_space<hbm>>)
        tpu.yield
      }) : () -> ()
      %dma_wait3A_516 = arith.constant 0 : i32
      %dma_wait3A_517 = tpu.memref_slice %arg2[%add3A_487, %dma_wait3A_516] : memref<8192x8192xf32, #tpu.memory_space<hbm>> -> memref<1x8192xf32, #tpu.memory_space<hbm>>
      %dma_wait3A_518 = tpu.memref_squeeze %dma_wait3A_517 : memref<1x8192xf32, #tpu.memory_space<hbm>> -> memref<8192xf32, #tpu.memory_space<hbm>>
      %dma_wait3A_519 = arith.constant 0 : i32
      %dma_wait3A_520 = tpu.memref_slice %arg2[%add3A_487, %dma_wait3A_519] : memref<8192x8192xf32, #tpu.memory_space<hbm>> -> memref<1x8192xf32, #tpu.memory_space<hbm>>
      %dma_wait3A_521 = tpu.memref_squeeze %dma_wait3A_520 : memref<1x8192xf32, #tpu.memory_space<hbm>> -> memref<8192xf32, #tpu.memory_space<hbm>>
      tpu.wait_dma2 semaphore(%arg14 : memref<!tpu.dma_semaphore, #tpu.memory_space<semaphore_mem>>) src(%dma_wait3A_521 : memref<8192xf32, #tpu.memory_space<hbm>>) dst(%arg8 : memref<8192xf32, #tpu.memory_space<vmem>>)
      %add3A_522 = arith.constant 15 : i32
      %add3A_523 = arith.addi %mul3A_18, %add3A_522 : i32
      %slice3A_524 = vector.extract_strided_slice %get3A_16 {offsets = [15], sizes = [1], strides = [1]} : vector<16xf32> to vector<1xf32>
      %squeeze3A_525 = vector.extract %slice3A_524[0] : f32 from vector<1xf32>
      %broadcast_in_dim3A_526 = vector.broadcast %squeeze3A_525 : f32 to vector<16xf32>
      %broadcast_in_dim3A_527 = arith.constant 0 : i32
      %broadcast_in_dim3A_528 = vector.broadcast %broadcast_in_dim3A_527 : i32 to vector<16xi32>
      %scan3A_529 = arith.constant 0 : i32
      %scan3A_530 = arith.constant 512 : i32
      %scan3A_531 = arith.addi %scan3A_529, %scan3A_530 : i32
      %scan3A_532 = arith.constant 1 : i32
      %scan3A_533 = scf.for %scan3A_538 = %scan3A_529 to %scan3A_531 step %scan3A_532 iter_args(%scan3A_539 = %broadcast_in_dim3A_528) -> (vector<16xi32>)  : i32 {
        %mul3A_540 = arith.constant 1 : i32
        %mul3A_541 = arith.muli %scan3A_538, %mul3A_540 : i32
        %add3A_542 = arith.constant 0 : i32
        %add3A_543 = arith.addi %add3A_542, %mul3A_541 : i32
        %mul3A_544 = arith.constant 16 : i32
        %mul3A_545 = arith.muli %add3A_543, %mul3A_544 : i32
        %get3A_546 = arith.index_cast %mul3A_545 : i32 to index
        %get3A_547 = tpu.vector_load %arg8[%get3A_546] {strides = array<i32>} : memref<8192xf32, #tpu.memory_space<vmem>>, vector<16xf32>,
        %le3A = arith.cmpf ole, %get3A_547, %broadcast_in_dim3A_526 : vector<16xf32>
        %all_reduce_population_count3A = tpu.all_reduce %le3A {dim = 0 : i64, kind = #tpu.reduction_kind<sum>} : vector<16xi1> -> vector<16xi32>
        %convert_element_type3A = arith.extui %le3A : vector<16xi1> to vector<16xi32>
        %broadcast_in_dim3A_548 = arith.constant true
        %broadcast_in_dim3A_549 = vector.broadcast %broadcast_in_dim3A_548 : i1 to vector<16xi1>
        %masked_cumsum3A = tpu.scan <sum>, %convert_element_type3A masked %broadcast_in_dim3A_549 : vector<16xi32>, vector<16xi1> -> vector<16xi32>
        %add3A_550 = arith.addi %scan3A_539, %masked_cumsum3A : vector<16xi32>
        %sub3A = arith.constant 1 : i32
        %sub3A_551 = vector.broadcast %sub3A : i32 to vector<16xi32>
        %sub3A_552 = arith.subi %add3A_550, %sub3A_551 : vector<16xi32>
        %lt3A = arith.constant 1024 : i32
        %lt3A_553 = vector.broadcast %lt3A : i32 to vector<16xi32>
        %lt3A_554 = arith.cmpi slt, %sub3A_552, %lt3A_553 : vector<16xi32>
        %and3A = arith.andi %le3A, %lt3A_554 : vector<16xi1>
        tpu.vector_store_idx %arg10[%sub3A_552], %get3A_547 masked %and3A : memref<1024xf32, #tpu.memory_space<vmem>>[vector<16xi32>], vector<16xf32>, vector<16xi1>
        %mul3A_555 = arith.constant 16 : i32
        %mul3A_556 = arith.muli %add3A_543, %mul3A_555 : i32
        %add3A_557 = vector.broadcast %mul3A_556 : i32 to vector<16xi32>
        %add3A_558 = arith.addi %iota3A, %add3A_557 : vector<16xi32>
        tpu.vector_store_idx %arg11[%sub3A_552], %add3A_558 masked %and3A : memref<1024xi32, #tpu.memory_space<vmem>>[vector<16xi32>], vector<16xi32>, vector<16xi1>
        %add3A_559 = arith.addi %scan3A_539, %all_reduce_population_count3A : vector<16xi32>
        scf.yield %add3A_559 : vector<16xi32>
      }
      %scan3A_534 = arith.constant 512 : i32
      %broadcast_in_dim3A_535 = vector.broadcast %add3A_523 : i32 to vector<16xi32>
      tpu.vector_store_idx %arg12[%broadcast_in_dim3A_535], %scan3A_533 masked %eq3A_4 : memref<256xi32, #tpu.memory_space<vmem>>[vector<16xi32>], vector<16xi32>, vector<16xi1>
      %add3A_536 = arith.addi %mul3A_2, %add3A_523 : i32
      "tpu.region"() ({
        %run_scoped3A = tpu.sem_alloc : memref<!tpu.dma_semaphore, #tpu.memory_space<semaphore_mem>>
        %dma_start3A_538 = arith.constant 0 : i32
        %dma_start3A_539 = tpu.memref_slice %arg4[%add3A_536, %dma_start3A_538] : memref<8192x1024xf32, #tpu.memory_space<hbm>> -> memref<1x1024xf32, #tpu.memory_space<hbm>>
        %dma_start3A_540 = tpu.memref_squeeze %dma_start3A_539 : memref<1x1024xf32, #tpu.memory_space<hbm>> -> memref<1024xf32, #tpu.memory_space<hbm>>
        %dma_start3A_541 = arith.constant 0 : i32
        %dma_start3A_542 = tpu.memref_slice %arg4[%add3A_536, %dma_start3A_541] : memref<8192x1024xf32, #tpu.memory_space<hbm>> -> memref<1x1024xf32, #tpu.memory_space<hbm>>
        %dma_start3A_543 = tpu.memref_squeeze %dma_start3A_542 : memref<1x1024xf32, #tpu.memory_space<hbm>> -> memref<1024xf32, #tpu.memory_space<hbm>>
        tpu.enqueue_dma source(%arg10 : memref<1024xf32, #tpu.memory_space<vmem>>) target(%dma_start3A_543 : memref<1024xf32, #tpu.memory_space<hbm>>) target_semaphore(%run_scoped3A : memref<!tpu.dma_semaphore, #tpu.memory_space<semaphore_mem>>)
        %dma_wait3A_544 = arith.constant 0 : i32
        %dma_wait3A_545 = tpu.memref_slice %arg4[%add3A_536, %dma_wait3A_544] : memref<8192x1024xf32, #tpu.memory_space<hbm>> -> memref<1x1024xf32, #tpu.memory_space<hbm>>
        %dma_wait3A_546 = tpu.memref_squeeze %dma_wait3A_545 : memref<1x1024xf32, #tpu.memory_space<hbm>> -> memref<1024xf32, #tpu.memory_space<hbm>>
        %dma_wait3A_547 = arith.constant 0 : i32
        %dma_wait3A_548 = tpu.memref_slice %arg4[%add3A_536, %dma_wait3A_547] : memref<8192x1024xf32, #tpu.memory_space<hbm>> -> memref<1x1024xf32, #tpu.memory_space<hbm>>
        %dma_wait3A_549 = tpu.memref_squeeze %dma_wait3A_548 : memref<1x1024xf32, #tpu.memory_space<hbm>> -> memref<1024xf32, #tpu.memory_space<hbm>>
        tpu.wait_dma2 semaphore(%run_scoped3A : memref<!tpu.dma_semaphore, #tpu.memory_space<semaphore_mem>>) src(%arg10 : memref<1024xf32, #tpu.memory_space<vmem>>) dst(%dma_wait3A_549 : memref<1024xf32, #tpu.memory_space<hbm>>)
        tpu.yield
      }) : () -> ()
      %add3A_537 = arith.addi %mul3A_2, %add3A_523 : i32
      "tpu.region"() ({
        %run_scoped3A = tpu.sem_alloc : memref<!tpu.dma_semaphore, #tpu.memory_space<semaphore_mem>>
        %dma_start3A_538 = arith.constant 0 : i32
        %dma_start3A_539 = tpu.memref_slice %arg5[%add3A_537, %dma_start3A_538] : memref<8192x1024xi32, #tpu.memory_space<hbm>> -> memref<1x1024xi32, #tpu.memory_space<hbm>>
        %dma_start3A_540 = tpu.memref_squeeze %dma_start3A_539 : memref<1x1024xi32, #tpu.memory_space<hbm>> -> memref<1024xi32, #tpu.memory_space<hbm>>
        %dma_start3A_541 = arith.constant 0 : i32
        %dma_start3A_542 = tpu.memref_slice %arg5[%add3A_537, %dma_start3A_541] : memref<8192x1024xi32, #tpu.memory_space<hbm>> -> memref<1x1024xi32, #tpu.memory_space<hbm>>
        %dma_start3A_543 = tpu.memref_squeeze %dma_start3A_542 : memref<1x1024xi32, #tpu.memory_space<hbm>> -> memref<1024xi32, #tpu.memory_space<hbm>>
        tpu.enqueue_dma source(%arg11 : memref<1024xi32, #tpu.memory_space<vmem>>) target(%dma_start3A_543 : memref<1024xi32, #tpu.memory_space<hbm>>) target_semaphore(%run_scoped3A : memref<!tpu.dma_semaphore, #tpu.memory_space<semaphore_mem>>)
        %dma_wait3A_544 = arith.constant 0 : i32
        %dma_wait3A_545 = tpu.memref_slice %arg5[%add3A_537, %dma_wait3A_544] : memref<8192x1024xi32, #tpu.memory_space<hbm>> -> memref<1x1024xi32, #tpu.memory_space<hbm>>
        %dma_wait3A_546 = tpu.memref_squeeze %dma_wait3A_545 : memref<1x1024xi32, #tpu.memory_space<hbm>> -> memref<1024xi32, #tpu.memory_space<hbm>>
        %dma_wait3A_547 = arith.constant 0 : i32
        %dma_wait3A_548 = tpu.memref_slice %arg5[%add3A_537, %dma_wait3A_547] : memref<8192x1024xi32, #tpu.memory_space<hbm>> -> memref<1x1024xi32, #tpu.memory_space<hbm>>
        %dma_wait3A_549 = tpu.memref_squeeze %dma_wait3A_548 : memref<1x1024xi32, #tpu.memory_space<hbm>> -> memref<1024xi32, #tpu.memory_space<hbm>>
        tpu.wait_dma2 semaphore(%run_scoped3A : memref<!tpu.dma_semaphore, #tpu.memory_space<semaphore_mem>>) src(%arg11 : memref<1024xi32, #tpu.memory_space<vmem>>) dst(%dma_wait3A_549 : memref<1024xi32, #tpu.memory_space<hbm>>)
        tpu.yield
      }) : () -> ()
    }
    %scan3A_8 = arith.constant 16 : i32
    "tpu.region"() ({
      %run_scoped3A = tpu.sem_alloc : memref<!tpu.dma_semaphore, #tpu.memory_space<semaphore_mem>>
      %dma_start3A = tpu.memref_slice %arg6[%mul3A_2] : memref<8192xi32, #tpu.memory_space<hbm>> -> memref<256xi32, #tpu.memory_space<hbm>>
      %dma_start3A_9 = tpu.memref_slice %arg6[%mul3A_2] : memref<8192xi32, #tpu.memory_space<hbm>> -> memref<256xi32, #tpu.memory_space<hbm>>
      tpu.enqueue_dma source(%arg12 : memref<256xi32, #tpu.memory_space<vmem>>) target(%dma_start3A_9 : memref<256xi32, #tpu.memory_space<hbm>>) target_semaphore(%run_scoped3A : memref<!tpu.dma_semaphore, #tpu.memory_space<semaphore_mem>>)
      %dma_wait3A = tpu.memref_slice %arg6[%mul3A_2] : memref<8192xi32, #tpu.memory_space<hbm>> -> memref<256xi32, #tpu.memory_space<hbm>>
      %dma_wait3A_10 = tpu.memref_slice %arg6[%mul3A_2] : memref<8192xi32, #tpu.memory_space<hbm>> -> memref<256xi32, #tpu.memory_space<hbm>>
      tpu.wait_dma2 semaphore(%run_scoped3A : memref<!tpu.dma_semaphore, #tpu.memory_space<semaphore_mem>>) src(%arg12 : memref<256xi32, #tpu.memory_space<vmem>>) dst(%dma_wait3A_10 : memref<256xi32, #tpu.memory_space<hbm>>)
      tpu.yield
    }) : () -> ()
    return
  }
}

#map = affine_map<(d0, d1) -> (0, 0)>
#map1 = affine_map<(d0, d1) -> (0)>
module attributes {stable_mosaic.version = 14 : i64} {
  func.func @gather_kernel(%arg0: i32, %arg1: i32, %arg2: memref<8192x16xf32, #tpu.memory_space<hbm>>, %arg3: memref<262144xi32, #tpu.memory_space<hbm>>, %arg4: memref<262144x16xf32, #tpu.memory_space<hbm>>, %arg5: memref<8192xi32, #tpu.memory_space<vmem>>, %arg6: memref<128x16xf32, #tpu.memory_space<vmem>>, %arg7: memref<128x16xf32, #tpu.memory_space<vmem>>, %arg8: memref<!tpu.dma_semaphore, #tpu.memory_space<semaphore_mem>>, %arg9: memref<!tpu.dma_semaphore, #tpu.memory_space<semaphore_mem>>) attributes {dimension_semantics = [#tpu.dimension_semantics<core_parallel>, #tpu.dimension_semantics<subcore_parallel>], iteration_bounds = array<i64: 2, 16>, scalar_prefetch = 0 : i64, scratch_operands = 5 : i64, tpu.core_type = #tpu.core_type<sc_vector_subcore>, window_params = [{transform_indices = #map}, {transform_indices = #map1}, {transform_indices = #map}]} {
    %mul3A = arith.constant 2 : i32
    %mul3A_0 = arith.muli %arg1, %mul3A : i32
    %add3A = arith.addi %mul3A_0, %arg0 : i32
    %mul3A_1 = arith.constant 8192 : i32
    %mul3A_2 = arith.muli %add3A, %mul3A_1 : i32
    "tpu.region"() ({
      %run_scoped3A = tpu.sem_alloc : memref<!tpu.dma_semaphore, #tpu.memory_space<semaphore_mem>>
      %dma_start3A = tpu.memref_slice %arg3[%mul3A_2] : memref<262144xi32, #tpu.memory_space<hbm>> -> memref<8192xi32, #tpu.memory_space<hbm>>
      %dma_start3A_7 = tpu.memref_slice %arg3[%mul3A_2] : memref<262144xi32, #tpu.memory_space<hbm>> -> memref<8192xi32, #tpu.memory_space<hbm>>
      tpu.enqueue_dma source(%dma_start3A_7 : memref<8192xi32, #tpu.memory_space<hbm>>) target(%arg5 : memref<8192xi32, #tpu.memory_space<vmem>>) target_semaphore(%run_scoped3A : memref<!tpu.dma_semaphore, #tpu.memory_space<semaphore_mem>>)
      %dma_wait3A = tpu.memref_slice %arg3[%mul3A_2] : memref<262144xi32, #tpu.memory_space<hbm>> -> memref<8192xi32, #tpu.memory_space<hbm>>
      %dma_wait3A_8 = tpu.memref_slice %arg3[%mul3A_2] : memref<262144xi32, #tpu.memory_space<hbm>> -> memref<8192xi32, #tpu.memory_space<hbm>>
      tpu.wait_dma2 semaphore(%run_scoped3A : memref<!tpu.dma_semaphore, #tpu.memory_space<semaphore_mem>>) src(%dma_wait3A_8 : memref<8192xi32, #tpu.memory_space<hbm>>) dst(%arg5 : memref<8192xi32, #tpu.memory_space<vmem>>)
      tpu.yield
    }) : () -> ()
    %scan3A = arith.constant 0 : i32
    %scan3A_3 = arith.constant 32 : i32
    %scan3A_4 = arith.addi %scan3A, %scan3A_3 : i32
    %scan3A_5 = arith.constant 1 : i32
    scf.for %scan3A_7 = %scan3A to %scan3A_4 step %scan3A_5  : i32 {
      %mul3A_8 = arith.constant 2 : i32
      %mul3A_9 = arith.muli %scan3A_7, %mul3A_8 : i32
      %add3A_10 = arith.constant 0 : i32
      %add3A_11 = arith.addi %add3A_10, %mul3A_9 : i32
      %mul3A_12 = arith.constant 128 : i32
      %mul3A_13 = arith.muli %add3A_11, %mul3A_12 : i32
      %dma_start3A = tpu.memref_slice %arg5[%mul3A_13] : memref<8192xi32, #tpu.memory_space<vmem>> -> memref<128xi32, #tpu.memory_space<vmem>>
      %dma_start3A_14 = arith.constant 0 : i32
      %dma_start3A_15 = arith.constant 0 : i32
      %dma_start3A_16 = tpu.memref_slice %arg2[%dma_start3A_14, %dma_start3A_15] : memref<8192x16xf32, #tpu.memory_space<hbm>> -> memref<8192x16xf32, #tpu.memory_space<hbm>>
      tpu.enqueue_indirect_dma source(%dma_start3A_16 : memref<8192x16xf32, #tpu.memory_space<hbm>>) target(%arg6 : memref<128x16xf32, #tpu.memory_space<vmem>>) offsets(%dma_start3A : memref<128xi32, #tpu.memory_space<vmem>>) semaphore(%arg8 : memref<!tpu.dma_semaphore, #tpu.memory_space<semaphore_mem>>)
      %add3A_17 = arith.constant 1 : i32
      %add3A_18 = arith.addi %add3A_11, %add3A_17 : i32
      %mul3A_19 = arith.constant 128 : i32
      %mul3A_20 = arith.muli %add3A_18, %mul3A_19 : i32
      %dma_start3A_21 = tpu.memref_slice %arg5[%mul3A_20] : memref<8192xi32, #tpu.memory_space<vmem>> -> memref<128xi32, #tpu.memory_space<vmem>>
      %dma_start3A_22 = arith.constant 0 : i32
      %dma_start3A_23 = arith.constant 0 : i32
      %dma_start3A_24 = tpu.memref_slice %arg2[%dma_start3A_22, %dma_start3A_23] : memref<8192x16xf32, #tpu.memory_space<hbm>> -> memref<8192x16xf32, #tpu.memory_space<hbm>>
      tpu.enqueue_indirect_dma source(%dma_start3A_24 : memref<8192x16xf32, #tpu.memory_space<hbm>>) target(%arg7 : memref<128x16xf32, #tpu.memory_space<vmem>>) offsets(%dma_start3A_21 : memref<128xi32, #tpu.memory_space<vmem>>) semaphore(%arg9 : memref<!tpu.dma_semaphore, #tpu.memory_space<semaphore_mem>>)
      %dma_wait3A = tpu.memref_slice %arg5[%mul3A_13] : memref<8192xi32, #tpu.memory_space<vmem>> -> memref<128xi32, #tpu.memory_space<vmem>>
      %dma_wait3A_25 = arith.constant 0 : i32
      %dma_wait3A_26 = arith.constant 0 : i32
      %dma_wait3A_27 = tpu.memref_slice %arg2[%dma_wait3A_25, %dma_wait3A_26] : memref<8192x16xf32, #tpu.memory_space<hbm>> -> memref<8192x16xf32, #tpu.memory_space<hbm>>
      tpu.wait_indirect_dma semaphore(%arg8 : memref<!tpu.dma_semaphore, #tpu.memory_space<semaphore_mem>>) src(%dma_wait3A_27 : memref<8192x16xf32, #tpu.memory_space<hbm>>) dst(%arg6 : memref<128x16xf32, #tpu.memory_space<vmem>>)
      %mul3A_28 = arith.constant 128 : i32
      %mul3A_29 = arith.muli %add3A_11, %mul3A_28 : i32
      %add3A_30 = arith.addi %mul3A_2, %mul3A_29 : i32
      "tpu.region"() ({
        %run_scoped3A = tpu.sem_alloc : memref<!tpu.dma_semaphore, #tpu.memory_space<semaphore_mem>>
        %dma_start3A_40 = arith.constant 0 : i32
        %dma_start3A_41 = tpu.memref_slice %arg4[%add3A_30, %dma_start3A_40] : memref<262144x16xf32, #tpu.memory_space<hbm>> -> memref<128x16xf32, #tpu.memory_space<hbm>>
        %dma_start3A_42 = arith.constant 0 : i32
        %dma_start3A_43 = tpu.memref_slice %arg4[%add3A_30, %dma_start3A_42] : memref<262144x16xf32, #tpu.memory_space<hbm>> -> memref<128x16xf32, #tpu.memory_space<hbm>>
        tpu.enqueue_dma source(%arg6 : memref<128x16xf32, #tpu.memory_space<vmem>>) target(%dma_start3A_43 : memref<128x16xf32, #tpu.memory_space<hbm>>) target_semaphore(%run_scoped3A : memref<!tpu.dma_semaphore, #tpu.memory_space<semaphore_mem>>)
        %dma_wait3A_44 = arith.constant 0 : i32
        %dma_wait3A_45 = tpu.memref_slice %arg4[%add3A_30, %dma_wait3A_44] : memref<262144x16xf32, #tpu.memory_space<hbm>> -> memref<128x16xf32, #tpu.memory_space<hbm>>
        %dma_wait3A_46 = arith.constant 0 : i32
        %dma_wait3A_47 = tpu.memref_slice %arg4[%add3A_30, %dma_wait3A_46] : memref<262144x16xf32, #tpu.memory_space<hbm>> -> memref<128x16xf32, #tpu.memory_space<hbm>>
        tpu.wait_dma2 semaphore(%run_scoped3A : memref<!tpu.dma_semaphore, #tpu.memory_space<semaphore_mem>>) src(%arg6 : memref<128x16xf32, #tpu.memory_space<vmem>>) dst(%dma_wait3A_47 : memref<128x16xf32, #tpu.memory_space<hbm>>)
        tpu.yield
      }) : () -> ()
      %dma_wait3A_31 = tpu.memref_slice %arg5[%mul3A_20] : memref<8192xi32, #tpu.memory_space<vmem>> -> memref<128xi32, #tpu.memory_space<vmem>>
      %dma_wait3A_32 = arith.constant 0 : i32
      %dma_wait3A_33 = arith.constant 0 : i32
      %dma_wait3A_34 = tpu.memref_slice %arg2[%dma_wait3A_32, %dma_wait3A_33] : memref<8192x16xf32, #tpu.memory_space<hbm>> -> memref<8192x16xf32, #tpu.memory_space<hbm>>
      tpu.wait_indirect_dma semaphore(%arg9 : memref<!tpu.dma_semaphore, #tpu.memory_space<semaphore_mem>>) src(%dma_wait3A_34 : memref<8192x16xf32, #tpu.memory_space<hbm>>) dst(%arg7 : memref<128x16xf32, #tpu.memory_space<vmem>>)
      %add3A_35 = arith.constant 1 : i32
      %add3A_36 = arith.addi %add3A_11, %add3A_35 : i32
      %mul3A_37 = arith.constant 128 : i32
      %mul3A_38 = arith.muli %add3A_36, %mul3A_37 : i32
      %add3A_39 = arith.addi %mul3A_2, %mul3A_38 : i32
      "tpu.region"() ({
        %run_scoped3A = tpu.sem_alloc : memref<!tpu.dma_semaphore, #tpu.memory_space<semaphore_mem>>
        %dma_start3A_40 = arith.constant 0 : i32
        %dma_start3A_41 = tpu.memref_slice %arg4[%add3A_39, %dma_start3A_40] : memref<262144x16xf32, #tpu.memory_space<hbm>> -> memref<128x16xf32, #tpu.memory_space<hbm>>
        %dma_start3A_42 = arith.constant 0 : i32
        %dma_start3A_43 = tpu.memref_slice %arg4[%add3A_39, %dma_start3A_42] : memref<262144x16xf32, #tpu.memory_space<hbm>> -> memref<128x16xf32, #tpu.memory_space<hbm>>
        tpu.enqueue_dma source(%arg7 : memref<128x16xf32, #tpu.memory_space<vmem>>) target(%dma_start3A_43 : memref<128x16xf32, #tpu.memory_space<hbm>>) target_semaphore(%run_scoped3A : memref<!tpu.dma_semaphore, #tpu.memory_space<semaphore_mem>>)
        %dma_wait3A_44 = arith.constant 0 : i32
        %dma_wait3A_45 = tpu.memref_slice %arg4[%add3A_39, %dma_wait3A_44] : memref<262144x16xf32, #tpu.memory_space<hbm>> -> memref<128x16xf32, #tpu.memory_space<hbm>>
        %dma_wait3A_46 = arith.constant 0 : i32
        %dma_wait3A_47 = tpu.memref_slice %arg4[%add3A_39, %dma_wait3A_46] : memref<262144x16xf32, #tpu.memory_space<hbm>> -> memref<128x16xf32, #tpu.memory_space<hbm>>
        tpu.wait_dma2 semaphore(%run_scoped3A : memref<!tpu.dma_semaphore, #tpu.memory_space<semaphore_mem>>) src(%arg7 : memref<128x16xf32, #tpu.memory_space<vmem>>) dst(%dma_wait3A_47 : memref<128x16xf32, #tpu.memory_space<hbm>>)
        tpu.yield
      }) : () -> ()
    }
    %scan3A_6 = arith.constant 32 : i32
    return
  }
}

#map = affine_map<(d0, d1) -> (0, 0)>
#map1 = affine_map<(d0, d1) -> (0)>
module attributes {stable_mosaic.version = 14 : i64} {
  func.func @gather_kernel(%arg0: i32, %arg1: i32, %arg2: memref<8192x32xf32, #tpu.memory_space<hbm>>, %arg3: memref<262144xi32, #tpu.memory_space<hbm>>, %arg4: memref<262144x32xf32, #tpu.memory_space<hbm>>, %arg5: memref<8192xi32, #tpu.memory_space<vmem>>, %arg6: memref<128x32xf32, #tpu.memory_space<vmem>>, %arg7: memref<128x32xf32, #tpu.memory_space<vmem>>, %arg8: memref<!tpu.dma_semaphore, #tpu.memory_space<semaphore_mem>>, %arg9: memref<!tpu.dma_semaphore, #tpu.memory_space<semaphore_mem>>) attributes {dimension_semantics = [#tpu.dimension_semantics<core_parallel>, #tpu.dimension_semantics<subcore_parallel>], iteration_bounds = array<i64: 2, 16>, scalar_prefetch = 0 : i64, scratch_operands = 5 : i64, tpu.core_type = #tpu.core_type<sc_vector_subcore>, window_params = [{transform_indices = #map}, {transform_indices = #map1}, {transform_indices = #map}]} {
    %mul3A = arith.constant 2 : i32
    %mul3A_0 = arith.muli %arg1, %mul3A : i32
    %add3A = arith.addi %mul3A_0, %arg0 : i32
    %mul3A_1 = arith.constant 8192 : i32
    %mul3A_2 = arith.muli %add3A, %mul3A_1 : i32
    "tpu.region"() ({
      %run_scoped3A = tpu.sem_alloc : memref<!tpu.dma_semaphore, #tpu.memory_space<semaphore_mem>>
      %dma_start3A = tpu.memref_slice %arg3[%mul3A_2] : memref<262144xi32, #tpu.memory_space<hbm>> -> memref<8192xi32, #tpu.memory_space<hbm>>
      %dma_start3A_7 = tpu.memref_slice %arg3[%mul3A_2] : memref<262144xi32, #tpu.memory_space<hbm>> -> memref<8192xi32, #tpu.memory_space<hbm>>
      tpu.enqueue_dma source(%dma_start3A_7 : memref<8192xi32, #tpu.memory_space<hbm>>) target(%arg5 : memref<8192xi32, #tpu.memory_space<vmem>>) target_semaphore(%run_scoped3A : memref<!tpu.dma_semaphore, #tpu.memory_space<semaphore_mem>>)
      %dma_wait3A = tpu.memref_slice %arg3[%mul3A_2] : memref<262144xi32, #tpu.memory_space<hbm>> -> memref<8192xi32, #tpu.memory_space<hbm>>
      %dma_wait3A_8 = tpu.memref_slice %arg3[%mul3A_2] : memref<262144xi32, #tpu.memory_space<hbm>> -> memref<8192xi32, #tpu.memory_space<hbm>>
      tpu.wait_dma2 semaphore(%run_scoped3A : memref<!tpu.dma_semaphore, #tpu.memory_space<semaphore_mem>>) src(%dma_wait3A_8 : memref<8192xi32, #tpu.memory_space<hbm>>) dst(%arg5 : memref<8192xi32, #tpu.memory_space<vmem>>)
      tpu.yield
    }) : () -> ()
    %scan3A = arith.constant 0 : i32
    %scan3A_3 = arith.constant 32 : i32
    %scan3A_4 = arith.addi %scan3A, %scan3A_3 : i32
    %scan3A_5 = arith.constant 1 : i32
    scf.for %scan3A_7 = %scan3A to %scan3A_4 step %scan3A_5  : i32 {
      %mul3A_8 = arith.constant 2 : i32
      %mul3A_9 = arith.muli %scan3A_7, %mul3A_8 : i32
      %add3A_10 = arith.constant 0 : i32
      %add3A_11 = arith.addi %add3A_10, %mul3A_9 : i32
      %mul3A_12 = arith.constant 128 : i32
      %mul3A_13 = arith.muli %add3A_11, %mul3A_12 : i32
      %dma_start3A = tpu.memref_slice %arg5[%mul3A_13] : memref<8192xi32, #tpu.memory_space<vmem>> -> memref<128xi32, #tpu.memory_space<vmem>>
      %dma_start3A_14 = arith.constant 0 : i32
      %dma_start3A_15 = arith.constant 0 : i32
      %dma_start3A_16 = tpu.memref_slice %arg2[%dma_start3A_14, %dma_start3A_15] : memref<8192x32xf32, #tpu.memory_space<hbm>> -> memref<8192x32xf32, #tpu.memory_space<hbm>>
      tpu.enqueue_indirect_dma source(%dma_start3A_16 : memref<8192x32xf32, #tpu.memory_space<hbm>>) target(%arg6 : memref<128x32xf32, #tpu.memory_space<vmem>>) offsets(%dma_start3A : memref<128xi32, #tpu.memory_space<vmem>>) semaphore(%arg8 : memref<!tpu.dma_semaphore, #tpu.memory_space<semaphore_mem>>)
      %add3A_17 = arith.constant 1 : i32
      %add3A_18 = arith.addi %add3A_11, %add3A_17 : i32
      %mul3A_19 = arith.constant 128 : i32
      %mul3A_20 = arith.muli %add3A_18, %mul3A_19 : i32
      %dma_start3A_21 = tpu.memref_slice %arg5[%mul3A_20] : memref<8192xi32, #tpu.memory_space<vmem>> -> memref<128xi32, #tpu.memory_space<vmem>>
      %dma_start3A_22 = arith.constant 0 : i32
      %dma_start3A_23 = arith.constant 0 : i32
      %dma_start3A_24 = tpu.memref_slice %arg2[%dma_start3A_22, %dma_start3A_23] : memref<8192x32xf32, #tpu.memory_space<hbm>> -> memref<8192x32xf32, #tpu.memory_space<hbm>>
      tpu.enqueue_indirect_dma source(%dma_start3A_24 : memref<8192x32xf32, #tpu.memory_space<hbm>>) target(%arg7 : memref<128x32xf32, #tpu.memory_space<vmem>>) offsets(%dma_start3A_21 : memref<128xi32, #tpu.memory_space<vmem>>) semaphore(%arg9 : memref<!tpu.dma_semaphore, #tpu.memory_space<semaphore_mem>>)
      %dma_wait3A = tpu.memref_slice %arg5[%mul3A_13] : memref<8192xi32, #tpu.memory_space<vmem>> -> memref<128xi32, #tpu.memory_space<vmem>>
      %dma_wait3A_25 = arith.constant 0 : i32
      %dma_wait3A_26 = arith.constant 0 : i32
      %dma_wait3A_27 = tpu.memref_slice %arg2[%dma_wait3A_25, %dma_wait3A_26] : memref<8192x32xf32, #tpu.memory_space<hbm>> -> memref<8192x32xf32, #tpu.memory_space<hbm>>
      tpu.wait_indirect_dma semaphore(%arg8 : memref<!tpu.dma_semaphore, #tpu.memory_space<semaphore_mem>>) src(%dma_wait3A_27 : memref<8192x32xf32, #tpu.memory_space<hbm>>) dst(%arg6 : memref<128x32xf32, #tpu.memory_space<vmem>>)
      %mul3A_28 = arith.constant 128 : i32
      %mul3A_29 = arith.muli %add3A_11, %mul3A_28 : i32
      %add3A_30 = arith.addi %mul3A_2, %mul3A_29 : i32
      "tpu.region"() ({
        %run_scoped3A = tpu.sem_alloc : memref<!tpu.dma_semaphore, #tpu.memory_space<semaphore_mem>>
        %dma_start3A_40 = arith.constant 0 : i32
        %dma_start3A_41 = tpu.memref_slice %arg4[%add3A_30, %dma_start3A_40] : memref<262144x32xf32, #tpu.memory_space<hbm>> -> memref<128x32xf32, #tpu.memory_space<hbm>>
        %dma_start3A_42 = arith.constant 0 : i32
        %dma_start3A_43 = tpu.memref_slice %arg4[%add3A_30, %dma_start3A_42] : memref<262144x32xf32, #tpu.memory_space<hbm>> -> memref<128x32xf32, #tpu.memory_space<hbm>>
        tpu.enqueue_dma source(%arg6 : memref<128x32xf32, #tpu.memory_space<vmem>>) target(%dma_start3A_43 : memref<128x32xf32, #tpu.memory_space<hbm>>) target_semaphore(%run_scoped3A : memref<!tpu.dma_semaphore, #tpu.memory_space<semaphore_mem>>)
        %dma_wait3A_44 = arith.constant 0 : i32
        %dma_wait3A_45 = tpu.memref_slice %arg4[%add3A_30, %dma_wait3A_44] : memref<262144x32xf32, #tpu.memory_space<hbm>> -> memref<128x32xf32, #tpu.memory_space<hbm>>
        %dma_wait3A_46 = arith.constant 0 : i32
        %dma_wait3A_47 = tpu.memref_slice %arg4[%add3A_30, %dma_wait3A_46] : memref<262144x32xf32, #tpu.memory_space<hbm>> -> memref<128x32xf32, #tpu.memory_space<hbm>>
        tpu.wait_dma2 semaphore(%run_scoped3A : memref<!tpu.dma_semaphore, #tpu.memory_space<semaphore_mem>>) src(%arg6 : memref<128x32xf32, #tpu.memory_space<vmem>>) dst(%dma_wait3A_47 : memref<128x32xf32, #tpu.memory_space<hbm>>)
        tpu.yield
      }) : () -> ()
      %dma_wait3A_31 = tpu.memref_slice %arg5[%mul3A_20] : memref<8192xi32, #tpu.memory_space<vmem>> -> memref<128xi32, #tpu.memory_space<vmem>>
      %dma_wait3A_32 = arith.constant 0 : i32
      %dma_wait3A_33 = arith.constant 0 : i32
      %dma_wait3A_34 = tpu.memref_slice %arg2[%dma_wait3A_32, %dma_wait3A_33] : memref<8192x32xf32, #tpu.memory_space<hbm>> -> memref<8192x32xf32, #tpu.memory_space<hbm>>
      tpu.wait_indirect_dma semaphore(%arg9 : memref<!tpu.dma_semaphore, #tpu.memory_space<semaphore_mem>>) src(%dma_wait3A_34 : memref<8192x32xf32, #tpu.memory_space<hbm>>) dst(%arg7 : memref<128x32xf32, #tpu.memory_space<vmem>>)
      %add3A_35 = arith.constant 1 : i32
      %add3A_36 = arith.addi %add3A_11, %add3A_35 : i32
      %mul3A_37 = arith.constant 128 : i32
      %mul3A_38 = arith.muli %add3A_36, %mul3A_37 : i32
      %add3A_39 = arith.addi %mul3A_2, %mul3A_38 : i32
      "tpu.region"() ({
        %run_scoped3A = tpu.sem_alloc : memref<!tpu.dma_semaphore, #tpu.memory_space<semaphore_mem>>
        %dma_start3A_40 = arith.constant 0 : i32
        %dma_start3A_41 = tpu.memref_slice %arg4[%add3A_39, %dma_start3A_40] : memref<262144x32xf32, #tpu.memory_space<hbm>> -> memref<128x32xf32, #tpu.memory_space<hbm>>
        %dma_start3A_42 = arith.constant 0 : i32
        %dma_start3A_43 = tpu.memref_slice %arg4[%add3A_39, %dma_start3A_42] : memref<262144x32xf32, #tpu.memory_space<hbm>> -> memref<128x32xf32, #tpu.memory_space<hbm>>
        tpu.enqueue_dma source(%arg7 : memref<128x32xf32, #tpu.memory_space<vmem>>) target(%dma_start3A_43 : memref<128x32xf32, #tpu.memory_space<hbm>>) target_semaphore(%run_scoped3A : memref<!tpu.dma_semaphore, #tpu.memory_space<semaphore_mem>>)
        %dma_wait3A_44 = arith.constant 0 : i32
        %dma_wait3A_45 = tpu.memref_slice %arg4[%add3A_39, %dma_wait3A_44] : memref<262144x32xf32, #tpu.memory_space<hbm>> -> memref<128x32xf32, #tpu.memory_space<hbm>>
        %dma_wait3A_46 = arith.constant 0 : i32
        %dma_wait3A_47 = tpu.memref_slice %arg4[%add3A_39, %dma_wait3A_46] : memref<262144x32xf32, #tpu.memory_space<hbm>> -> memref<128x32xf32, #tpu.memory_space<hbm>>
        tpu.wait_dma2 semaphore(%run_scoped3A : memref<!tpu.dma_semaphore, #tpu.memory_space<semaphore_mem>>) src(%arg7 : memref<128x32xf32, #tpu.memory_space<vmem>>) dst(%dma_wait3A_47 : memref<128x32xf32, #tpu.memory_space<hbm>>)
        tpu.yield
      }) : () -> ()
    }
    %scan3A_6 = arith.constant 32 : i32
    return
  }
}

#map = affine_map<(d0, d1) -> (0, 0)>
#map1 = affine_map<(d0, d1) -> (0)>
module attributes {stable_mosaic.version = 14 : i64} {
  func.func @gather_kernel(%arg0: i32, %arg1: i32, %arg2: memref<8192x64xf32, #tpu.memory_space<hbm>>, %arg3: memref<262144xi32, #tpu.memory_space<hbm>>, %arg4: memref<262144x64xf32, #tpu.memory_space<hbm>>, %arg5: memref<8192xi32, #tpu.memory_space<vmem>>, %arg6: memref<128x64xf32, #tpu.memory_space<vmem>>, %arg7: memref<128x64xf32, #tpu.memory_space<vmem>>, %arg8: memref<!tpu.dma_semaphore, #tpu.memory_space<semaphore_mem>>, %arg9: memref<!tpu.dma_semaphore, #tpu.memory_space<semaphore_mem>>) attributes {dimension_semantics = [#tpu.dimension_semantics<core_parallel>, #tpu.dimension_semantics<subcore_parallel>], iteration_bounds = array<i64: 2, 16>, scalar_prefetch = 0 : i64, scratch_operands = 5 : i64, tpu.core_type = #tpu.core_type<sc_vector_subcore>, window_params = [{transform_indices = #map}, {transform_indices = #map1}, {transform_indices = #map}]} {
    %mul3A = arith.constant 2 : i32
    %mul3A_0 = arith.muli %arg1, %mul3A : i32
    %add3A = arith.addi %mul3A_0, %arg0 : i32
    %mul3A_1 = arith.constant 8192 : i32
    %mul3A_2 = arith.muli %add3A, %mul3A_1 : i32
    "tpu.region"() ({
      %run_scoped3A = tpu.sem_alloc : memref<!tpu.dma_semaphore, #tpu.memory_space<semaphore_mem>>
      %dma_start3A = tpu.memref_slice %arg3[%mul3A_2] : memref<262144xi32, #tpu.memory_space<hbm>> -> memref<8192xi32, #tpu.memory_space<hbm>>
      %dma_start3A_7 = tpu.memref_slice %arg3[%mul3A_2] : memref<262144xi32, #tpu.memory_space<hbm>> -> memref<8192xi32, #tpu.memory_space<hbm>>
      tpu.enqueue_dma source(%dma_start3A_7 : memref<8192xi32, #tpu.memory_space<hbm>>) target(%arg5 : memref<8192xi32, #tpu.memory_space<vmem>>) target_semaphore(%run_scoped3A : memref<!tpu.dma_semaphore, #tpu.memory_space<semaphore_mem>>)
      %dma_wait3A = tpu.memref_slice %arg3[%mul3A_2] : memref<262144xi32, #tpu.memory_space<hbm>> -> memref<8192xi32, #tpu.memory_space<hbm>>
      %dma_wait3A_8 = tpu.memref_slice %arg3[%mul3A_2] : memref<262144xi32, #tpu.memory_space<hbm>> -> memref<8192xi32, #tpu.memory_space<hbm>>
      tpu.wait_dma2 semaphore(%run_scoped3A : memref<!tpu.dma_semaphore, #tpu.memory_space<semaphore_mem>>) src(%dma_wait3A_8 : memref<8192xi32, #tpu.memory_space<hbm>>) dst(%arg5 : memref<8192xi32, #tpu.memory_space<vmem>>)
      tpu.yield
    }) : () -> ()
    %scan3A = arith.constant 0 : i32
    %scan3A_3 = arith.constant 32 : i32
    %scan3A_4 = arith.addi %scan3A, %scan3A_3 : i32
    %scan3A_5 = arith.constant 1 : i32
    scf.for %scan3A_7 = %scan3A to %scan3A_4 step %scan3A_5  : i32 {
      %mul3A_8 = arith.constant 2 : i32
      %mul3A_9 = arith.muli %scan3A_7, %mul3A_8 : i32
      %add3A_10 = arith.constant 0 : i32
      %add3A_11 = arith.addi %add3A_10, %mul3A_9 : i32
      %mul3A_12 = arith.constant 128 : i32
      %mul3A_13 = arith.muli %add3A_11, %mul3A_12 : i32
      %dma_start3A = tpu.memref_slice %arg5[%mul3A_13] : memref<8192xi32, #tpu.memory_space<vmem>> -> memref<128xi32, #tpu.memory_space<vmem>>
      %dma_start3A_14 = arith.constant 0 : i32
      %dma_start3A_15 = arith.constant 0 : i32
      %dma_start3A_16 = tpu.memref_slice %arg2[%dma_start3A_14, %dma_start3A_15] : memref<8192x64xf32, #tpu.memory_space<hbm>> -> memref<8192x64xf32, #tpu.memory_space<hbm>>
      tpu.enqueue_indirect_dma source(%dma_start3A_16 : memref<8192x64xf32, #tpu.memory_space<hbm>>) target(%arg6 : memref<128x64xf32, #tpu.memory_space<vmem>>) offsets(%dma_start3A : memref<128xi32, #tpu.memory_space<vmem>>) semaphore(%arg8 : memref<!tpu.dma_semaphore, #tpu.memory_space<semaphore_mem>>)
      %add3A_17 = arith.constant 1 : i32
      %add3A_18 = arith.addi %add3A_11, %add3A_17 : i32
      %mul3A_19 = arith.constant 128 : i32
      %mul3A_20 = arith.muli %add3A_18, %mul3A_19 : i32
      %dma_start3A_21 = tpu.memref_slice %arg5[%mul3A_20] : memref<8192xi32, #tpu.memory_space<vmem>> -> memref<128xi32, #tpu.memory_space<vmem>>
      %dma_start3A_22 = arith.constant 0 : i32
      %dma_start3A_23 = arith.constant 0 : i32
      %dma_start3A_24 = tpu.memref_slice %arg2[%dma_start3A_22, %dma_start3A_23] : memref<8192x64xf32, #tpu.memory_space<hbm>> -> memref<8192x64xf32, #tpu.memory_space<hbm>>
      tpu.enqueue_indirect_dma source(%dma_start3A_24 : memref<8192x64xf32, #tpu.memory_space<hbm>>) target(%arg7 : memref<128x64xf32, #tpu.memory_space<vmem>>) offsets(%dma_start3A_21 : memref<128xi32, #tpu.memory_space<vmem>>) semaphore(%arg9 : memref<!tpu.dma_semaphore, #tpu.memory_space<semaphore_mem>>)
      %dma_wait3A = tpu.memref_slice %arg5[%mul3A_13] : memref<8192xi32, #tpu.memory_space<vmem>> -> memref<128xi32, #tpu.memory_space<vmem>>
      %dma_wait3A_25 = arith.constant 0 : i32
      %dma_wait3A_26 = arith.constant 0 : i32
      %dma_wait3A_27 = tpu.memref_slice %arg2[%dma_wait3A_25, %dma_wait3A_26] : memref<8192x64xf32, #tpu.memory_space<hbm>> -> memref<8192x64xf32, #tpu.memory_space<hbm>>
      tpu.wait_indirect_dma semaphore(%arg8 : memref<!tpu.dma_semaphore, #tpu.memory_space<semaphore_mem>>) src(%dma_wait3A_27 : memref<8192x64xf32, #tpu.memory_space<hbm>>) dst(%arg6 : memref<128x64xf32, #tpu.memory_space<vmem>>)
      %mul3A_28 = arith.constant 128 : i32
      %mul3A_29 = arith.muli %add3A_11, %mul3A_28 : i32
      %add3A_30 = arith.addi %mul3A_2, %mul3A_29 : i32
      "tpu.region"() ({
        %run_scoped3A = tpu.sem_alloc : memref<!tpu.dma_semaphore, #tpu.memory_space<semaphore_mem>>
        %dma_start3A_40 = arith.constant 0 : i32
        %dma_start3A_41 = tpu.memref_slice %arg4[%add3A_30, %dma_start3A_40] : memref<262144x64xf32, #tpu.memory_space<hbm>> -> memref<128x64xf32, #tpu.memory_space<hbm>>
        %dma_start3A_42 = arith.constant 0 : i32
        %dma_start3A_43 = tpu.memref_slice %arg4[%add3A_30, %dma_start3A_42] : memref<262144x64xf32, #tpu.memory_space<hbm>> -> memref<128x64xf32, #tpu.memory_space<hbm>>
        tpu.enqueue_dma source(%arg6 : memref<128x64xf32, #tpu.memory_space<vmem>>) target(%dma_start3A_43 : memref<128x64xf32, #tpu.memory_space<hbm>>) target_semaphore(%run_scoped3A : memref<!tpu.dma_semaphore, #tpu.memory_space<semaphore_mem>>)
        %dma_wait3A_44 = arith.constant 0 : i32
        %dma_wait3A_45 = tpu.memref_slice %arg4[%add3A_30, %dma_wait3A_44] : memref<262144x64xf32, #tpu.memory_space<hbm>> -> memref<128x64xf32, #tpu.memory_space<hbm>>
        %dma_wait3A_46 = arith.constant 0 : i32
        %dma_wait3A_47 = tpu.memref_slice %arg4[%add3A_30, %dma_wait3A_46] : memref<262144x64xf32, #tpu.memory_space<hbm>> -> memref<128x64xf32, #tpu.memory_space<hbm>>
        tpu.wait_dma2 semaphore(%run_scoped3A : memref<!tpu.dma_semaphore, #tpu.memory_space<semaphore_mem>>) src(%arg6 : memref<128x64xf32, #tpu.memory_space<vmem>>) dst(%dma_wait3A_47 : memref<128x64xf32, #tpu.memory_space<hbm>>)
        tpu.yield
      }) : () -> ()
      %dma_wait3A_31 = tpu.memref_slice %arg5[%mul3A_20] : memref<8192xi32, #tpu.memory_space<vmem>> -> memref<128xi32, #tpu.memory_space<vmem>>
      %dma_wait3A_32 = arith.constant 0 : i32
      %dma_wait3A_33 = arith.constant 0 : i32
      %dma_wait3A_34 = tpu.memref_slice %arg2[%dma_wait3A_32, %dma_wait3A_33] : memref<8192x64xf32, #tpu.memory_space<hbm>> -> memref<8192x64xf32, #tpu.memory_space<hbm>>
      tpu.wait_indirect_dma semaphore(%arg9 : memref<!tpu.dma_semaphore, #tpu.memory_space<semaphore_mem>>) src(%dma_wait3A_34 : memref<8192x64xf32, #tpu.memory_space<hbm>>) dst(%arg7 : memref<128x64xf32, #tpu.memory_space<vmem>>)
      %add3A_35 = arith.constant 1 : i32
      %add3A_36 = arith.addi %add3A_11, %add3A_35 : i32
      %mul3A_37 = arith.constant 128 : i32
      %mul3A_38 = arith.muli %add3A_36, %mul3A_37 : i32
      %add3A_39 = arith.addi %mul3A_2, %mul3A_38 : i32
      "tpu.region"() ({
        %run_scoped3A = tpu.sem_alloc : memref<!tpu.dma_semaphore, #tpu.memory_space<semaphore_mem>>
        %dma_start3A_40 = arith.constant 0 : i32
        %dma_start3A_41 = tpu.memref_slice %arg4[%add3A_39, %dma_start3A_40] : memref<262144x64xf32, #tpu.memory_space<hbm>> -> memref<128x64xf32, #tpu.memory_space<hbm>>
        %dma_start3A_42 = arith.constant 0 : i32
        %dma_start3A_43 = tpu.memref_slice %arg4[%add3A_39, %dma_start3A_42] : memref<262144x64xf32, #tpu.memory_space<hbm>> -> memref<128x64xf32, #tpu.memory_space<hbm>>
        tpu.enqueue_dma source(%arg7 : memref<128x64xf32, #tpu.memory_space<vmem>>) target(%dma_start3A_43 : memref<128x64xf32, #tpu.memory_space<hbm>>) target_semaphore(%run_scoped3A : memref<!tpu.dma_semaphore, #tpu.memory_space<semaphore_mem>>)
        %dma_wait3A_44 = arith.constant 0 : i32
        %dma_wait3A_45 = tpu.memref_slice %arg4[%add3A_39, %dma_wait3A_44] : memref<262144x64xf32, #tpu.memory_space<hbm>> -> memref<128x64xf32, #tpu.memory_space<hbm>>
        %dma_wait3A_46 = arith.constant 0 : i32
        %dma_wait3A_47 = tpu.memref_slice %arg4[%add3A_39, %dma_wait3A_46] : memref<262144x64xf32, #tpu.memory_space<hbm>> -> memref<128x64xf32, #tpu.memory_space<hbm>>
        tpu.wait_dma2 semaphore(%run_scoped3A : memref<!tpu.dma_semaphore, #tpu.memory_space<semaphore_mem>>) src(%arg7 : memref<128x64xf32, #tpu.memory_space<vmem>>) dst(%dma_wait3A_47 : memref<128x64xf32, #tpu.memory_space<hbm>>)
        tpu.yield
      }) : () -> ()
    }
    %scan3A_6 = arith.constant 32 : i32
    return
  }
}

module attributes {stable_mosaic.version = 14 : i64} {
  func.func @_dist_tau_body(%arg0: i32, %arg1: memref<256x8xf32, #tpu.memory_space<vmem>>, %arg2: memref<8x8192xf32, #tpu.memory_space<vmem>>, %arg3: memref<1x8192xf32, #tpu.memory_space<vmem>>, %arg4: memref<256x1xf32, #tpu.memory_space<vmem>>, %arg5: memref<256x8192xf32, #tpu.memory_space<vmem>>, %arg6: memref<256x1xf32, #tpu.memory_space<vmem>>) attributes {dimension_semantics = [#tpu.dimension_semantics<arbitrary>], iteration_bounds = array<i64: 32>, scalar_prefetch = 0 : i64, scratch_operands = 0 : i64, tpu.core_type = #tpu.core_type<tc>, window_params = [{transform_indices = @transform_0, window_bounds = array<i64: 256, 8>}, {pipeline_mode = #tpu.pipeline_mode<synchronous>, transform_indices = @transform_1, window_bounds = array<i64: 8, 8192>}, {pipeline_mode = #tpu.pipeline_mode<synchronous>, transform_indices = @transform_2, window_bounds = array<i64: 1, 8192>}, {transform_indices = @transform_3, window_bounds = array<i64: 256, 1>}, {transform_indices = @transform_4, window_bounds = array<i64: 256, 8192>}, {transform_indices = @transform_5, window_bounds = array<i64: 256, 1>}]} {
    %get3A = arith.constant 0 : index
    %get3A_0 = arith.constant 0 : index
    %get3A_1 = vector.load %arg1[%get3A, %get3A_0] : memref<256x8xf32, #tpu.memory_space<vmem>>, vector<256x8xf32>
    %get3A_2 = arith.constant 0 : index
    %get3A_3 = arith.constant 0 : index
    %get3A_4 = vector.load %arg2[%get3A_2, %get3A_3] : memref<8x8192xf32, #tpu.memory_space<vmem>>, vector<8x8192xf32>
    %dot_general3A = arith.constant dense<0.000000e+00> : vector<256x8192xf32>
    %dot_general3A_5 = tpu.matmul %get3A_1, %get3A_4, %dot_general3A {dimension_numbers = #tpu.dot_dimension_numbers<[1], [0], [0], [1], [0, 0, 1, 1], [], []>, transpose_lhs_hint = false} : vector<256x8xf32>, vector<8x8192xf32>, vector<256x8192xf32> -> vector<256x8192xf32>
    %get3A_6 = arith.constant 0 : index
    %get3A_7 = arith.constant 0 : index
    %get3A_8 = vector.load %arg4[%get3A_6, %get3A_7] : memref<256x1xf32, #tpu.memory_space<vmem>>, vector<256x1xf32>
    %get3A_9 = arith.constant 0 : index
    %get3A_10 = arith.constant 0 : index
    %get3A_11 = vector.load %arg3[%get3A_9, %get3A_10] : memref<1x8192xf32, #tpu.memory_space<vmem>>, vector<1x8192xf32>
    %add3A = vector.broadcast %get3A_8 : vector<256x1xf32> to vector<256x8192xf32>
    %add3A_12 = vector.broadcast %get3A_11 : vector<1x8192xf32> to vector<256x8192xf32>
    %add3A_13 = arith.addf %add3A, %add3A_12 : vector<256x8192xf32>
    %mul3A = arith.constant 2.000000e+00 : f32
    %mul3A_14 = vector.broadcast %mul3A : f32 to vector<256x8192xf32>
    %mul3A_15 = arith.mulf %mul3A_14, %dot_general3A_5 : vector<256x8192xf32>
    %sub3A = arith.subf %add3A_13, %mul3A_15 : vector<256x8192xf32>
    %swap3A = arith.constant 0 : index
    %swap3A_16 = arith.constant 0 : index
    %swap3A_17 = vector.load %arg5[%swap3A, %swap3A_16] : memref<256x8192xf32, #tpu.memory_space<vmem>>, vector<256x8192xf32>
    tpu.vector_store %arg5[%swap3A, %swap3A_16], %sub3A {strides = array<i32>} : memref<256x8192xf32, #tpu.memory_space<vmem>>, vector<256x8192xf32>,
    %slice3A = vector.extract_strided_slice %sub3A {offsets = [0, 0], sizes = [256, 256], strides = [1, 1]} : vector<256x8192xf32> to vector<256x256xf32>
    %reduce_min3A = arith.constant dense<0x7F800000> : vector<256xf32>
    %reduce_min3A_18 = vector.multi_reduction <minimumf>, %slice3A, %reduce_min3A [1] : vector<256x256xf32> to vector<256xf32>
    %broadcast_in_dim3A = vector.shape_cast %reduce_min3A_18 : vector<256xf32> to vector<256x1xf32>
    %slice3A_19 = vector.extract_strided_slice %sub3A {offsets = [0, 256], sizes = [256, 256], strides = [1, 1]} : vector<256x8192xf32> to vector<256x256xf32>
    %reduce_min3A_20 = arith.constant dense<0x7F800000> : vector<256xf32>
    %reduce_min3A_21 = vector.multi_reduction <minimumf>, %slice3A_19, %reduce_min3A_20 [1] : vector<256x256xf32> to vector<256xf32>
    %broadcast_in_dim3A_22 = vector.shape_cast %reduce_min3A_21 : vector<256xf32> to vector<256x1xf32>
    %max3A = arith.maximumf %broadcast_in_dim3A, %broadcast_in_dim3A_22 : vector<256x1xf32>
    %slice3A_23 = vector.extract_strided_slice %sub3A {offsets = [0, 512], sizes = [256, 256], strides = [1, 1]} : vector<256x8192xf32> to vector<256x256xf32>
    %reduce_min3A_24 = arith.constant dense<0x7F800000> : vector<256xf32>
    %reduce_min3A_25 = vector.multi_reduction <minimumf>, %slice3A_23, %reduce_min3A_24 [1] : vector<256x256xf32> to vector<256xf32>
    %broadcast_in_dim3A_26 = vector.shape_cast %reduce_min3A_25 : vector<256xf32> to vector<256x1xf32>
    %max3A_27 = arith.maximumf %max3A, %broadcast_in_dim3A_26 : vector<256x1xf32>
    %slice3A_28 = vector.extract_strided_slice %sub3A {offsets = [0, 768], sizes = [256, 256], strides = [1, 1]} : vector<256x8192xf32> to vector<256x256xf32>
    %reduce_min3A_29 = arith.constant dense<0x7F800000> : vector<256xf32>
    %reduce_min3A_30 = vector.multi_reduction <minimumf>, %slice3A_28, %reduce_min3A_29 [1] : vector<256x256xf32> to vector<256xf32>
    %broadcast_in_dim3A_31 = vector.shape_cast %reduce_min3A_30 : vector<256xf32> to vector<256x1xf32>
    %max3A_32 = arith.maximumf %max3A_27, %broadcast_in_dim3A_31 : vector<256x1xf32>
    %slice3A_33 = vector.extract_strided_slice %sub3A {offsets = [0, 1024], sizes = [256, 256], strides = [1, 1]} : vector<256x8192xf32> to vector<256x256xf32>
    %reduce_min3A_34 = arith.constant dense<0x7F800000> : vector<256xf32>
    %reduce_min3A_35 = vector.multi_reduction <minimumf>, %slice3A_33, %reduce_min3A_34 [1] : vector<256x256xf32> to vector<256xf32>
    %broadcast_in_dim3A_36 = vector.shape_cast %reduce_min3A_35 : vector<256xf32> to vector<256x1xf32>
    %max3A_37 = arith.maximumf %max3A_32, %broadcast_in_dim3A_36 : vector<256x1xf32>
    %slice3A_38 = vector.extract_strided_slice %sub3A {offsets = [0, 1280], sizes = [256, 256], strides = [1, 1]} : vector<256x8192xf32> to vector<256x256xf32>
    %reduce_min3A_39 = arith.constant dense<0x7F800000> : vector<256xf32>
    %reduce_min3A_40 = vector.multi_reduction <minimumf>, %slice3A_38, %reduce_min3A_39 [1] : vector<256x256xf32> to vector<256xf32>
    %broadcast_in_dim3A_41 = vector.shape_cast %reduce_min3A_40 : vector<256xf32> to vector<256x1xf32>
    %max3A_42 = arith.maximumf %max3A_37, %broadcast_in_dim3A_41 : vector<256x1xf32>
    %slice3A_43 = vector.extract_strided_slice %sub3A {offsets = [0, 1536], sizes = [256, 256], strides = [1, 1]} : vector<256x8192xf32> to vector<256x256xf32>
    %reduce_min3A_44 = arith.constant dense<0x7F800000> : vector<256xf32>
    %reduce_min3A_45 = vector.multi_reduction <minimumf>, %slice3A_43, %reduce_min3A_44 [1] : vector<256x256xf32> to vector<256xf32>
    %broadcast_in_dim3A_46 = vector.shape_cast %reduce_min3A_45 : vector<256xf32> to vector<256x1xf32>
    %max3A_47 = arith.maximumf %max3A_42, %broadcast_in_dim3A_46 : vector<256x1xf32>
    %slice3A_48 = vector.extract_strided_slice %sub3A {offsets = [0, 1792], sizes = [256, 256], strides = [1, 1]} : vector<256x8192xf32> to vector<256x256xf32>
    %reduce_min3A_49 = arith.constant dense<0x7F800000> : vector<256xf32>
    %reduce_min3A_50 = vector.multi_reduction <minimumf>, %slice3A_48, %reduce_min3A_49 [1] : vector<256x256xf32> to vector<256xf32>
    %broadcast_in_dim3A_51 = vector.shape_cast %reduce_min3A_50 : vector<256xf32> to vector<256x1xf32>
    %max3A_52 = arith.maximumf %max3A_47, %broadcast_in_dim3A_51 : vector<256x1xf32>
    %slice3A_53 = vector.extract_strided_slice %sub3A {offsets = [0, 2048], sizes = [256, 256], strides = [1, 1]} : vector<256x8192xf32> to vector<256x256xf32>
    %reduce_min3A_54 = arith.constant dense<0x7F800000> : vector<256xf32>
    %reduce_min3A_55 = vector.multi_reduction <minimumf>, %slice3A_53, %reduce_min3A_54 [1] : vector<256x256xf32> to vector<256xf32>
    %broadcast_in_dim3A_56 = vector.shape_cast %reduce_min3A_55 : vector<256xf32> to vector<256x1xf32>
    %max3A_57 = arith.maximumf %max3A_52, %broadcast_in_dim3A_56 : vector<256x1xf32>
    %slice3A_58 = vector.extract_strided_slice %sub3A {offsets = [0, 2304], sizes = [256, 256], strides = [1, 1]} : vector<256x8192xf32> to vector<256x256xf32>
    %reduce_min3A_59 = arith.constant dense<0x7F800000> : vector<256xf32>
    %reduce_min3A_60 = vector.multi_reduction <minimumf>, %slice3A_58, %reduce_min3A_59 [1] : vector<256x256xf32> to vector<256xf32>
    %broadcast_in_dim3A_61 = vector.shape_cast %reduce_min3A_60 : vector<256xf32> to vector<256x1xf32>
    %max3A_62 = arith.maximumf %max3A_57, %broadcast_in_dim3A_61 : vector<256x1xf32>
    %slice3A_63 = vector.extract_strided_slice %sub3A {offsets = [0, 2560], sizes = [256, 256], strides = [1, 1]} : vector<256x8192xf32> to vector<256x256xf32>
    %reduce_min3A_64 = arith.constant dense<0x7F800000> : vector<256xf32>
    %reduce_min3A_65 = vector.multi_reduction <minimumf>, %slice3A_63, %reduce_min3A_64 [1] : vector<256x256xf32> to vector<256xf32>
    %broadcast_in_dim3A_66 = vector.shape_cast %reduce_min3A_65 : vector<256xf32> to vector<256x1xf32>
    %max3A_67 = arith.maximumf %max3A_62, %broadcast_in_dim3A_66 : vector<256x1xf32>
    %slice3A_68 = vector.extract_strided_slice %sub3A {offsets = [0, 2816], sizes = [256, 256], strides = [1, 1]} : vector<256x8192xf32> to vector<256x256xf32>
    %reduce_min3A_69 = arith.constant dense<0x7F800000> : vector<256xf32>
    %reduce_min3A_70 = vector.multi_reduction <minimumf>, %slice3A_68, %reduce_min3A_69 [1] : vector<256x256xf32> to vector<256xf32>
    %broadcast_in_dim3A_71 = vector.shape_cast %reduce_min3A_70 : vector<256xf32> to vector<256x1xf32>
    %max3A_72 = arith.maximumf %max3A_67, %broadcast_in_dim3A_71 : vector<256x1xf32>
    %slice3A_73 = vector.extract_strided_slice %sub3A {offsets = [0, 3072], sizes = [256, 256], strides = [1, 1]} : vector<256x8192xf32> to vector<256x256xf32>
    %reduce_min3A_74 = arith.constant dense<0x7F800000> : vector<256xf32>
    %reduce_min3A_75 = vector.multi_reduction <minimumf>, %slice3A_73, %reduce_min3A_74 [1] : vector<256x256xf32> to vector<256xf32>
    %broadcast_in_dim3A_76 = vector.shape_cast %reduce_min3A_75 : vector<256xf32> to vector<256x1xf32>
    %max3A_77 = arith.maximumf %max3A_72, %broadcast_in_dim3A_76 : vector<256x1xf32>
    %slice3A_78 = vector.extract_strided_slice %sub3A {offsets = [0, 3328], sizes = [256, 256], strides = [1, 1]} : vector<256x8192xf32> to vector<256x256xf32>
    %reduce_min3A_79 = arith.constant dense<0x7F800000> : vector<256xf32>
    %reduce_min3A_80 = vector.multi_reduction <minimumf>, %slice3A_78, %reduce_min3A_79 [1] : vector<256x256xf32> to vector<256xf32>
    %broadcast_in_dim3A_81 = vector.shape_cast %reduce_min3A_80 : vector<256xf32> to vector<256x1xf32>
    %max3A_82 = arith.maximumf %max3A_77, %broadcast_in_dim3A_81 : vector<256x1xf32>
    %slice3A_83 = vector.extract_strided_slice %sub3A {offsets = [0, 3584], sizes = [256, 256], strides = [1, 1]} : vector<256x8192xf32> to vector<256x256xf32>
    %reduce_min3A_84 = arith.constant dense<0x7F800000> : vector<256xf32>
    %reduce_min3A_85 = vector.multi_reduction <minimumf>, %slice3A_83, %reduce_min3A_84 [1] : vector<256x256xf32> to vector<256xf32>
    %broadcast_in_dim3A_86 = vector.shape_cast %reduce_min3A_85 : vector<256xf32> to vector<256x1xf32>
    %max3A_87 = arith.maximumf %max3A_82, %broadcast_in_dim3A_86 : vector<256x1xf32>
    %slice3A_88 = vector.extract_strided_slice %sub3A {offsets = [0, 3840], sizes = [256, 256], strides = [1, 1]} : vector<256x8192xf32> to vector<256x256xf32>
    %reduce_min3A_89 = arith.constant dense<0x7F800000> : vector<256xf32>
    %reduce_min3A_90 = vector.multi_reduction <minimumf>, %slice3A_88, %reduce_min3A_89 [1] : vector<256x256xf32> to vector<256xf32>
    %broadcast_in_dim3A_91 = vector.shape_cast %reduce_min3A_90 : vector<256xf32> to vector<256x1xf32>
    %max3A_92 = arith.maximumf %max3A_87, %broadcast_in_dim3A_91 : vector<256x1xf32>
    %slice3A_93 = vector.extract_strided_slice %sub3A {offsets = [0, 4096], sizes = [256, 256], strides = [1, 1]} : vector<256x8192xf32> to vector<256x256xf32>
    %reduce_min3A_94 = arith.constant dense<0x7F800000> : vector<256xf32>
    %reduce_min3A_95 = vector.multi_reduction <minimumf>, %slice3A_93, %reduce_min3A_94 [1] : vector<256x256xf32> to vector<256xf32>
    %broadcast_in_dim3A_96 = vector.shape_cast %reduce_min3A_95 : vector<256xf32> to vector<256x1xf32>
    %max3A_97 = arith.maximumf %max3A_92, %broadcast_in_dim3A_96 : vector<256x1xf32>
    %slice3A_98 = vector.extract_strided_slice %sub3A {offsets = [0, 4352], sizes = [256, 256], strides = [1, 1]} : vector<256x8192xf32> to vector<256x256xf32>
    %reduce_min3A_99 = arith.constant dense<0x7F800000> : vector<256xf32>
    %reduce_min3A_100 = vector.multi_reduction <minimumf>, %slice3A_98, %reduce_min3A_99 [1] : vector<256x256xf32> to vector<256xf32>
    %broadcast_in_dim3A_101 = vector.shape_cast %reduce_min3A_100 : vector<256xf32> to vector<256x1xf32>
    %max3A_102 = arith.maximumf %max3A_97, %broadcast_in_dim3A_101 : vector<256x1xf32>
    %slice3A_103 = vector.extract_strided_slice %sub3A {offsets = [0, 4608], sizes = [256, 256], strides = [1, 1]} : vector<256x8192xf32> to vector<256x256xf32>
    %reduce_min3A_104 = arith.constant dense<0x7F800000> : vector<256xf32>
    %reduce_min3A_105 = vector.multi_reduction <minimumf>, %slice3A_103, %reduce_min3A_104 [1] : vector<256x256xf32> to vector<256xf32>
    %broadcast_in_dim3A_106 = vector.shape_cast %reduce_min3A_105 : vector<256xf32> to vector<256x1xf32>
    %max3A_107 = arith.maximumf %max3A_102, %broadcast_in_dim3A_106 : vector<256x1xf32>
    %slice3A_108 = vector.extract_strided_slice %sub3A {offsets = [0, 4864], sizes = [256, 256], strides = [1, 1]} : vector<256x8192xf32> to vector<256x256xf32>
    %reduce_min3A_109 = arith.constant dense<0x7F800000> : vector<256xf32>
    %reduce_min3A_110 = vector.multi_reduction <minimumf>, %slice3A_108, %reduce_min3A_109 [1] : vector<256x256xf32> to vector<256xf32>
    %broadcast_in_dim3A_111 = vector.shape_cast %reduce_min3A_110 : vector<256xf32> to vector<256x1xf32>
    %max3A_112 = arith.maximumf %max3A_107, %broadcast_in_dim3A_111 : vector<256x1xf32>
    %slice3A_113 = vector.extract_strided_slice %sub3A {offsets = [0, 5120], sizes = [256, 256], strides = [1, 1]} : vector<256x8192xf32> to vector<256x256xf32>
    %reduce_min3A_114 = arith.constant dense<0x7F800000> : vector<256xf32>
    %reduce_min3A_115 = vector.multi_reduction <minimumf>, %slice3A_113, %reduce_min3A_114 [1] : vector<256x256xf32> to vector<256xf32>
    %broadcast_in_dim3A_116 = vector.shape_cast %reduce_min3A_115 : vector<256xf32> to vector<256x1xf32>
    %max3A_117 = arith.maximumf %max3A_112, %broadcast_in_dim3A_116 : vector<256x1xf32>
    %slice3A_118 = vector.extract_strided_slice %sub3A {offsets = [0, 5376], sizes = [256, 256], strides = [1, 1]} : vector<256x8192xf32> to vector<256x256xf32>
    %reduce_min3A_119 = arith.constant dense<0x7F800000> : vector<256xf32>
    %reduce_min3A_120 = vector.multi_reduction <minimumf>, %slice3A_118, %reduce_min3A_119 [1] : vector<256x256xf32> to vector<256xf32>
    %broadcast_in_dim3A_121 = vector.shape_cast %reduce_min3A_120 : vector<256xf32> to vector<256x1xf32>
    %max3A_122 = arith.maximumf %max3A_117, %broadcast_in_dim3A_121 : vector<256x1xf32>
    %slice3A_123 = vector.extract_strided_slice %sub3A {offsets = [0, 5632], sizes = [256, 256], strides = [1, 1]} : vector<256x8192xf32> to vector<256x256xf32>
    %reduce_min3A_124 = arith.constant dense<0x7F800000> : vector<256xf32>
    %reduce_min3A_125 = vector.multi_reduction <minimumf>, %slice3A_123, %reduce_min3A_124 [1] : vector<256x256xf32> to vector<256xf32>
    %broadcast_in_dim3A_126 = vector.shape_cast %reduce_min3A_125 : vector<256xf32> to vector<256x1xf32>
    %max3A_127 = arith.maximumf %max3A_122, %broadcast_in_dim3A_126 : vector<256x1xf32>
    %slice3A_128 = vector.extract_strided_slice %sub3A {offsets = [0, 5888], sizes = [256, 256], strides = [1, 1]} : vector<256x8192xf32> to vector<256x256xf32>
    %reduce_min3A_129 = arith.constant dense<0x7F800000> : vector<256xf32>
    %reduce_min3A_130 = vector.multi_reduction <minimumf>, %slice3A_128, %reduce_min3A_129 [1] : vector<256x256xf32> to vector<256xf32>
    %broadcast_in_dim3A_131 = vector.shape_cast %reduce_min3A_130 : vector<256xf32> to vector<256x1xf32>
    %max3A_132 = arith.maximumf %max3A_127, %broadcast_in_dim3A_131 : vector<256x1xf32>
    %slice3A_133 = vector.extract_strided_slice %sub3A {offsets = [0, 6144], sizes = [256, 256], strides = [1, 1]} : vector<256x8192xf32> to vector<256x256xf32>
    %reduce_min3A_134 = arith.constant dense<0x7F800000> : vector<256xf32>
    %reduce_min3A_135 = vector.multi_reduction <minimumf>, %slice3A_133, %reduce_min3A_134 [1] : vector<256x256xf32> to vector<256xf32>
    %broadcast_in_dim3A_136 = vector.shape_cast %reduce_min3A_135 : vector<256xf32> to vector<256x1xf32>
    %max3A_137 = arith.maximumf %max3A_132, %broadcast_in_dim3A_136 : vector<256x1xf32>
    %slice3A_138 = vector.extract_strided_slice %sub3A {offsets = [0, 6400], sizes = [256, 256], strides = [1, 1]} : vector<256x8192xf32> to vector<256x256xf32>
    %reduce_min3A_139 = arith.constant dense<0x7F800000> : vector<256xf32>
    %reduce_min3A_140 = vector.multi_reduction <minimumf>, %slice3A_138, %reduce_min3A_139 [1] : vector<256x256xf32> to vector<256xf32>
    %broadcast_in_dim3A_141 = vector.shape_cast %reduce_min3A_140 : vector<256xf32> to vector<256x1xf32>
    %max3A_142 = arith.maximumf %max3A_137, %broadcast_in_dim3A_141 : vector<256x1xf32>
    %slice3A_143 = vector.extract_strided_slice %sub3A {offsets = [0, 6656], sizes = [256, 256], strides = [1, 1]} : vector<256x8192xf32> to vector<256x256xf32>
    %reduce_min3A_144 = arith.constant dense<0x7F800000> : vector<256xf32>
    %reduce_min3A_145 = vector.multi_reduction <minimumf>, %slice3A_143, %reduce_min3A_144 [1] : vector<256x256xf32> to vector<256xf32>
    %broadcast_in_dim3A_146 = vector.shape_cast %reduce_min3A_145 : vector<256xf32> to vector<256x1xf32>
    %max3A_147 = arith.maximumf %max3A_142, %broadcast_in_dim3A_146 : vector<256x1xf32>
    %slice3A_148 = vector.extract_strided_slice %sub3A {offsets = [0, 6912], sizes = [256, 256], strides = [1, 1]} : vector<256x8192xf32> to vector<256x256xf32>
    %reduce_min3A_149 = arith.constant dense<0x7F800000> : vector<256xf32>
    %reduce_min3A_150 = vector.multi_reduction <minimumf>, %slice3A_148, %reduce_min3A_149 [1] : vector<256x256xf32> to vector<256xf32>
    %broadcast_in_dim3A_151 = vector.shape_cast %reduce_min3A_150 : vector<256xf32> to vector<256x1xf32>
    %max3A_152 = arith.maximumf %max3A_147, %broadcast_in_dim3A_151 : vector<256x1xf32>
    %slice3A_153 = vector.extract_strided_slice %sub3A {offsets = [0, 7168], sizes = [256, 256], strides = [1, 1]} : vector<256x8192xf32> to vector<256x256xf32>
    %reduce_min3A_154 = arith.constant dense<0x7F800000> : vector<256xf32>
    %reduce_min3A_155 = vector.multi_reduction <minimumf>, %slice3A_153, %reduce_min3A_154 [1] : vector<256x256xf32> to vector<256xf32>
    %broadcast_in_dim3A_156 = vector.shape_cast %reduce_min3A_155 : vector<256xf32> to vector<256x1xf32>
    %max3A_157 = arith.maximumf %max3A_152, %broadcast_in_dim3A_156 : vector<256x1xf32>
    %slice3A_158 = vector.extract_strided_slice %sub3A {offsets = [0, 7424], sizes = [256, 256], strides = [1, 1]} : vector<256x8192xf32> to vector<256x256xf32>
    %reduce_min3A_159 = arith.constant dense<0x7F800000> : vector<256xf32>
    %reduce_min3A_160 = vector.multi_reduction <minimumf>, %slice3A_158, %reduce_min3A_159 [1] : vector<256x256xf32> to vector<256xf32>
    %broadcast_in_dim3A_161 = vector.shape_cast %reduce_min3A_160 : vector<256xf32> to vector<256x1xf32>
    %max3A_162 = arith.maximumf %max3A_157, %broadcast_in_dim3A_161 : vector<256x1xf32>
    %slice3A_163 = vector.extract_strided_slice %sub3A {offsets = [0, 7680], sizes = [256, 256], strides = [1, 1]} : vector<256x8192xf32> to vector<256x256xf32>
    %reduce_min3A_164 = arith.constant dense<0x7F800000> : vector<256xf32>
    %reduce_min3A_165 = vector.multi_reduction <minimumf>, %slice3A_163, %reduce_min3A_164 [1] : vector<256x256xf32> to vector<256xf32>
    %broadcast_in_dim3A_166 = vector.shape_cast %reduce_min3A_165 : vector<256xf32> to vector<256x1xf32>
    %max3A_167 = arith.maximumf %max3A_162, %broadcast_in_dim3A_166 : vector<256x1xf32>
    %slice3A_168 = vector.extract_strided_slice %sub3A {offsets = [0, 7936], sizes = [256, 256], strides = [1, 1]} : vector<256x8192xf32> to vector<256x256xf32>
    %reduce_min3A_169 = arith.constant dense<0x7F800000> : vector<256xf32>
    %reduce_min3A_170 = vector.multi_reduction <minimumf>, %slice3A_168, %reduce_min3A_169 [1] : vector<256x256xf32> to vector<256xf32>
    %broadcast_in_dim3A_171 = vector.shape_cast %reduce_min3A_170 : vector<256xf32> to vector<256x1xf32>
    %max3A_172 = arith.maximumf %max3A_167, %broadcast_in_dim3A_171 : vector<256x1xf32>
    %swap3A_173 = arith.constant 0 : index
    %swap3A_174 = arith.constant 0 : index
    %swap3A_175 = vector.load %arg6[%swap3A_173, %swap3A_174] : memref<256x1xf32, #tpu.memory_space<vmem>>, vector<256x1xf32>
    tpu.vector_store %arg6[%swap3A_173, %swap3A_174], %max3A_172 {strides = array<i32>} : memref<256x1xf32, #tpu.memory_space<vmem>>, vector<256x1xf32>,
    return
  }
  func.func @transform_0(%arg0: i32) -> (i32, i32) {
    %c0_i32 = arith.constant 0 : i32
    %c0_i32_0 = arith.constant 0 : i32
    return %arg0, %c0_i32 : i32, i32
  }
  func.func @transform_1(%arg0: i32) -> (i32, i32) {
    %c0_i32 = arith.constant 0 : i32
    %c0_i32_0 = arith.constant 0 : i32
    %c0_i32_1 = arith.constant 0 : i32
    return %c0_i32, %c0_i32_0 : i32, i32
  }
  func.func @transform_2(%arg0: i32) -> (i32, i32) {
    %c0_i32 = arith.constant 0 : i32
    %c0_i32_0 = arith.constant 0 : i32
    %c0_i32_1 = arith.constant 0 : i32
    return %c0_i32, %c0_i32_0 : i32, i32
  }
  func.func @transform_3(%arg0: i32) -> (i32, i32) {
    %c0_i32 = arith.constant 0 : i32
    %c0_i32_0 = arith.constant 0 : i32
    return %arg0, %c0_i32 : i32, i32
  }
  func.func @transform_4(%arg0: i32) -> (i32, i32) {
    %c0_i32 = arith.constant 0 : i32
    %c0_i32_0 = arith.constant 0 : i32
    return %arg0, %c0_i32 : i32, i32
  }
  func.func @transform_5(%arg0: i32) -> (i32, i32) {
    %c0_i32 = arith.constant 0 : i32
    %c0_i32_0 = arith.constant 0 : i32
    return %arg0, %c0_i32 : i32, i32
  }
}

module attributes {stable_mosaic.version = 14 : i64} {
  func.func @_extract_body(%arg0: i32, %arg1: memref<256x1024xf32, #tpu.memory_space<vmem>>, %arg2: memref<256x1024xi32, #tpu.memory_space<vmem>>, %arg3: memref<256x1xi32, #tpu.memory_space<vmem>>, %arg4: memref<256x32xi32, #tpu.memory_space<vmem>>) attributes {dimension_semantics = [#tpu.dimension_semantics<arbitrary>], iteration_bounds = array<i64: 32>, scalar_prefetch = 0 : i64, scratch_operands = 0 : i64, tpu.core_type = #tpu.core_type<tc>, window_params = [{transform_indices = @transform_0, window_bounds = array<i64: 256, 1024>}, {transform_indices = @transform_1, window_bounds = array<i64: 256, 1024>}, {transform_indices = @transform_2, window_bounds = array<i64: 256, 1>}, {transform_indices = @transform_3, window_bounds = array<i64: 256, 32>}]} {
    %get3A = arith.constant 0 : index
    %get3A_0 = arith.constant 0 : index
    %get3A_1 = vector.load %arg1[%get3A, %get3A_0] : memref<256x1024xf32, #tpu.memory_space<vmem>>, vector<256x1024xf32>
    %get3A_2 = arith.constant 0 : index
    %get3A_3 = arith.constant 0 : index
    %get3A_4 = vector.load %arg2[%get3A_2, %get3A_3] : memref<256x1024xi32, #tpu.memory_space<vmem>>, vector<256x1024xi32>
    %get3A_5 = arith.constant 0 : index
    %get3A_6 = arith.constant 0 : index
    %get3A_7 = vector.load %arg3[%get3A_5, %get3A_6] : memref<256x1xi32, #tpu.memory_space<vmem>>, vector<256x1xi32>
    %iota3A = tpu.iota {dimensions = array<i32: 1>} : vector<256x1024xi32>
    %lt3A = vector.broadcast %get3A_7 : vector<256x1xi32> to vector<256x1024xi32>
    %lt3A_8 = arith.cmpi slt, %iota3A, %lt3A : vector<256x1024xi32>
    %jit3A = arith.constant 0x7F800000 : f32
    %broadcast_in_dim3A = vector.broadcast %jit3A : f32 to vector<256x1024xf32>
    %select_n3A = arith.select %lt3A_8, %get3A_1, %broadcast_in_dim3A : vector<256x1024xi1>, vector<256x1024xf32>
    %reduce_min3A = arith.constant dense<0x7F800000> : vector<256xf32>
    %reduce_min3A_9 = vector.multi_reduction <minimumf>, %select_n3A, %reduce_min3A [1] : vector<256x1024xf32> to vector<256xf32>
    %broadcast_in_dim3A_10 = vector.shape_cast %reduce_min3A_9 : vector<256xf32> to vector<256x1xf32>
    %le3A = vector.broadcast %broadcast_in_dim3A_10 : vector<256x1xf32> to vector<256x1024xf32>
    %le3A_11 = arith.cmpf ole, %select_n3A, %le3A : vector<256x1024xf32>
    %jit3A_12 = arith.constant 1073741824 : i32
    %broadcast_in_dim3A_13 = vector.broadcast %jit3A_12 : i32 to vector<256x1024xi32>
    %select_n3A_14 = arith.select %le3A_11, %get3A_4, %broadcast_in_dim3A_13 : vector<256x1024xi1>, vector<256x1024xi32>
    %reduce_min3A_15 = arith.constant dense<2147483647> : vector<256xi32>
    %reduce_min3A_16 = vector.multi_reduction <minsi>, %select_n3A_14, %reduce_min3A_15 [1] : vector<256x1024xi32> to vector<256xi32>
    %broadcast_in_dim3A_17 = vector.shape_cast %reduce_min3A_16 : vector<256xi32> to vector<256x1xi32>
    %swap3A = arith.constant 0 : index
    %swap3A_18 = arith.constant 0 : index
    %swap3A_19 = vector.load %arg4[%swap3A, %swap3A_18] : memref<256x32xi32, #tpu.memory_space<vmem>>, vector<256x1xi32>
    tpu.vector_store %arg4[%swap3A, %swap3A_18], %broadcast_in_dim3A_17 {strides = array<i32>} : memref<256x32xi32, #tpu.memory_space<vmem>>, vector<256x1xi32>,
    %eq3A = vector.broadcast %broadcast_in_dim3A_17 : vector<256x1xi32> to vector<256x1024xi32>
    %eq3A_20 = arith.cmpi eq, %get3A_4, %eq3A : vector<256x1024xi32>
    %jit3A_21 = arith.constant 0x7F800000 : f32
    %broadcast_in_dim3A_22 = vector.broadcast %jit3A_21 : f32 to vector<256x1024xf32>
    %select_n3A_23 = arith.select %eq3A_20, %broadcast_in_dim3A_22, %select_n3A : vector<256x1024xi1>, vector<256x1024xf32>
    %reduce_min3A_24 = arith.constant dense<0x7F800000> : vector<256xf32>
    %reduce_min3A_25 = vector.multi_reduction <minimumf>, %select_n3A_23, %reduce_min3A_24 [1] : vector<256x1024xf32> to vector<256xf32>
    %broadcast_in_dim3A_26 = vector.shape_cast %reduce_min3A_25 : vector<256xf32> to vector<256x1xf32>
    %le3A_27 = vector.broadcast %broadcast_in_dim3A_26 : vector<256x1xf32> to vector<256x1024xf32>
    %le3A_28 = arith.cmpf ole, %select_n3A_23, %le3A_27 : vector<256x1024xf32>
    %jit3A_29 = arith.constant 1073741824 : i32
    %broadcast_in_dim3A_30 = vector.broadcast %jit3A_29 : i32 to vector<256x1024xi32>
    %select_n3A_31 = arith.select %le3A_28, %get3A_4, %broadcast_in_dim3A_30 : vector<256x1024xi1>, vector<256x1024xi32>
    %reduce_min3A_32 = arith.constant dense<2147483647> : vector<256xi32>
    %reduce_min3A_33 = vector.multi_reduction <minsi>, %select_n3A_31, %reduce_min3A_32 [1] : vector<256x1024xi32> to vector<256xi32>
    %broadcast_in_dim3A_34 = vector.shape_cast %reduce_min3A_33 : vector<256xi32> to vector<256x1xi32>
    %swap3A_35 = arith.constant 0 : index
    %swap3A_36 = arith.constant 1 : index
    %swap3A_37 = vector.load %arg4[%swap3A_35, %swap3A_36] : memref<256x32xi32, #tpu.memory_space<vmem>>, vector<256x1xi32>
    tpu.vector_store %arg4[%swap3A_35, %swap3A_36], %broadcast_in_dim3A_34 {strides = array<i32>} : memref<256x32xi32, #tpu.memory_space<vmem>>, vector<256x1xi32>,
    %eq3A_38 = vector.broadcast %broadcast_in_dim3A_34 : vector<256x1xi32> to vector<256x1024xi32>
    %eq3A_39 = arith.cmpi eq, %get3A_4, %eq3A_38 : vector<256x1024xi32>
    %jit3A_40 = arith.constant 0x7F800000 : f32
    %broadcast_in_dim3A_41 = vector.broadcast %jit3A_40 : f32 to vector<256x1024xf32>
    %select_n3A_42 = arith.select %eq3A_39, %broadcast_in_dim3A_41, %select_n3A_23 : vector<256x1024xi1>, vector<256x1024xf32>
    %reduce_min3A_43 = arith.constant dense<0x7F800000> : vector<256xf32>
    %reduce_min3A_44 = vector.multi_reduction <minimumf>, %select_n3A_42, %reduce_min3A_43 [1] : vector<256x1024xf32> to vector<256xf32>
    %broadcast_in_dim3A_45 = vector.shape_cast %reduce_min3A_44 : vector<256xf32> to vector<256x1xf32>
    %le3A_46 = vector.broadcast %broadcast_in_dim3A_45 : vector<256x1xf32> to vector<256x1024xf32>
    %le3A_47 = arith.cmpf ole, %select_n3A_42, %le3A_46 : vector<256x1024xf32>
    %jit3A_48 = arith.constant 1073741824 : i32
    %broadcast_in_dim3A_49 = vector.broadcast %jit3A_48 : i32 to vector<256x1024xi32>
    %select_n3A_50 = arith.select %le3A_47, %get3A_4, %broadcast_in_dim3A_49 : vector<256x1024xi1>, vector<256x1024xi32>
    %reduce_min3A_51 = arith.constant dense<2147483647> : vector<256xi32>
    %reduce_min3A_52 = vector.multi_reduction <minsi>, %select_n3A_50, %reduce_min3A_51 [1] : vector<256x1024xi32> to vector<256xi32>
    %broadcast_in_dim3A_53 = vector.shape_cast %reduce_min3A_52 : vector<256xi32> to vector<256x1xi32>
    %swap3A_54 = arith.constant 0 : index
    %swap3A_55 = arith.constant 2 : index
    %swap3A_56 = vector.load %arg4[%swap3A_54, %swap3A_55] : memref<256x32xi32, #tpu.memory_space<vmem>>, vector<256x1xi32>
    tpu.vector_store %arg4[%swap3A_54, %swap3A_55], %broadcast_in_dim3A_53 {strides = array<i32>} : memref<256x32xi32, #tpu.memory_space<vmem>>, vector<256x1xi32>,
    %eq3A_57 = vector.broadcast %broadcast_in_dim3A_53 : vector<256x1xi32> to vector<256x1024xi32>
    %eq3A_58 = arith.cmpi eq, %get3A_4, %eq3A_57 : vector<256x1024xi32>
    %jit3A_59 = arith.constant 0x7F800000 : f32
    %broadcast_in_dim3A_60 = vector.broadcast %jit3A_59 : f32 to vector<256x1024xf32>
    %select_n3A_61 = arith.select %eq3A_58, %broadcast_in_dim3A_60, %select_n3A_42 : vector<256x1024xi1>, vector<256x1024xf32>
    %reduce_min3A_62 = arith.constant dense<0x7F800000> : vector<256xf32>
    %reduce_min3A_63 = vector.multi_reduction <minimumf>, %select_n3A_61, %reduce_min3A_62 [1] : vector<256x1024xf32> to vector<256xf32>
    %broadcast_in_dim3A_64 = vector.shape_cast %reduce_min3A_63 : vector<256xf32> to vector<256x1xf32>
    %le3A_65 = vector.broadcast %broadcast_in_dim3A_64 : vector<256x1xf32> to vector<256x1024xf32>
    %le3A_66 = arith.cmpf ole, %select_n3A_61, %le3A_65 : vector<256x1024xf32>
    %jit3A_67 = arith.constant 1073741824 : i32
    %broadcast_in_dim3A_68 = vector.broadcast %jit3A_67 : i32 to vector<256x1024xi32>
    %select_n3A_69 = arith.select %le3A_66, %get3A_4, %broadcast_in_dim3A_68 : vector<256x1024xi1>, vector<256x1024xi32>
    %reduce_min3A_70 = arith.constant dense<2147483647> : vector<256xi32>
    %reduce_min3A_71 = vector.multi_reduction <minsi>, %select_n3A_69, %reduce_min3A_70 [1] : vector<256x1024xi32> to vector<256xi32>
    %broadcast_in_dim3A_72 = vector.shape_cast %reduce_min3A_71 : vector<256xi32> to vector<256x1xi32>
    %swap3A_73 = arith.constant 0 : index
    %swap3A_74 = arith.constant 3 : index
    %swap3A_75 = vector.load %arg4[%swap3A_73, %swap3A_74] : memref<256x32xi32, #tpu.memory_space<vmem>>, vector<256x1xi32>
    tpu.vector_store %arg4[%swap3A_73, %swap3A_74], %broadcast_in_dim3A_72 {strides = array<i32>} : memref<256x32xi32, #tpu.memory_space<vmem>>, vector<256x1xi32>,
    %eq3A_76 = vector.broadcast %broadcast_in_dim3A_72 : vector<256x1xi32> to vector<256x1024xi32>
    %eq3A_77 = arith.cmpi eq, %get3A_4, %eq3A_76 : vector<256x1024xi32>
    %jit3A_78 = arith.constant 0x7F800000 : f32
    %broadcast_in_dim3A_79 = vector.broadcast %jit3A_78 : f32 to vector<256x1024xf32>
    %select_n3A_80 = arith.select %eq3A_77, %broadcast_in_dim3A_79, %select_n3A_61 : vector<256x1024xi1>, vector<256x1024xf32>
    %reduce_min3A_81 = arith.constant dense<0x7F800000> : vector<256xf32>
    %reduce_min3A_82 = vector.multi_reduction <minimumf>, %select_n3A_80, %reduce_min3A_81 [1] : vector<256x1024xf32> to vector<256xf32>
    %broadcast_in_dim3A_83 = vector.shape_cast %reduce_min3A_82 : vector<256xf32> to vector<256x1xf32>
    %le3A_84 = vector.broadcast %broadcast_in_dim3A_83 : vector<256x1xf32> to vector<256x1024xf32>
    %le3A_85 = arith.cmpf ole, %select_n3A_80, %le3A_84 : vector<256x1024xf32>
    %jit3A_86 = arith.constant 1073741824 : i32
    %broadcast_in_dim3A_87 = vector.broadcast %jit3A_86 : i32 to vector<256x1024xi32>
    %select_n3A_88 = arith.select %le3A_85, %get3A_4, %broadcast_in_dim3A_87 : vector<256x1024xi1>, vector<256x1024xi32>
    %reduce_min3A_89 = arith.constant dense<2147483647> : vector<256xi32>
    %reduce_min3A_90 = vector.multi_reduction <minsi>, %select_n3A_88, %reduce_min3A_89 [1] : vector<256x1024xi32> to vector<256xi32>
    %broadcast_in_dim3A_91 = vector.shape_cast %reduce_min3A_90 : vector<256xi32> to vector<256x1xi32>
    %swap3A_92 = arith.constant 0 : index
    %swap3A_93 = arith.constant 4 : index
    %swap3A_94 = vector.load %arg4[%swap3A_92, %swap3A_93] : memref<256x32xi32, #tpu.memory_space<vmem>>, vector<256x1xi32>
    tpu.vector_store %arg4[%swap3A_92, %swap3A_93], %broadcast_in_dim3A_91 {strides = array<i32>} : memref<256x32xi32, #tpu.memory_space<vmem>>, vector<256x1xi32>,
    %eq3A_95 = vector.broadcast %broadcast_in_dim3A_91 : vector<256x1xi32> to vector<256x1024xi32>
    %eq3A_96 = arith.cmpi eq, %get3A_4, %eq3A_95 : vector<256x1024xi32>
    %jit3A_97 = arith.constant 0x7F800000 : f32
    %broadcast_in_dim3A_98 = vector.broadcast %jit3A_97 : f32 to vector<256x1024xf32>
    %select_n3A_99 = arith.select %eq3A_96, %broadcast_in_dim3A_98, %select_n3A_80 : vector<256x1024xi1>, vector<256x1024xf32>
    %reduce_min3A_100 = arith.constant dense<0x7F800000> : vector<256xf32>
    %reduce_min3A_101 = vector.multi_reduction <minimumf>, %select_n3A_99, %reduce_min3A_100 [1] : vector<256x1024xf32> to vector<256xf32>
    %broadcast_in_dim3A_102 = vector.shape_cast %reduce_min3A_101 : vector<256xf32> to vector<256x1xf32>
    %le3A_103 = vector.broadcast %broadcast_in_dim3A_102 : vector<256x1xf32> to vector<256x1024xf32>
    %le3A_104 = arith.cmpf ole, %select_n3A_99, %le3A_103 : vector<256x1024xf32>
    %jit3A_105 = arith.constant 1073741824 : i32
    %broadcast_in_dim3A_106 = vector.broadcast %jit3A_105 : i32 to vector<256x1024xi32>
    %select_n3A_107 = arith.select %le3A_104, %get3A_4, %broadcast_in_dim3A_106 : vector<256x1024xi1>, vector<256x1024xi32>
    %reduce_min3A_108 = arith.constant dense<2147483647> : vector<256xi32>
    %reduce_min3A_109 = vector.multi_reduction <minsi>, %select_n3A_107, %reduce_min3A_108 [1] : vector<256x1024xi32> to vector<256xi32>
    %broadcast_in_dim3A_110 = vector.shape_cast %reduce_min3A_109 : vector<256xi32> to vector<256x1xi32>
    %swap3A_111 = arith.constant 0 : index
    %swap3A_112 = arith.constant 5 : index
    %swap3A_113 = vector.load %arg4[%swap3A_111, %swap3A_112] : memref<256x32xi32, #tpu.memory_space<vmem>>, vector<256x1xi32>
    tpu.vector_store %arg4[%swap3A_111, %swap3A_112], %broadcast_in_dim3A_110 {strides = array<i32>} : memref<256x32xi32, #tpu.memory_space<vmem>>, vector<256x1xi32>,
    %eq3A_114 = vector.broadcast %broadcast_in_dim3A_110 : vector<256x1xi32> to vector<256x1024xi32>
    %eq3A_115 = arith.cmpi eq, %get3A_4, %eq3A_114 : vector<256x1024xi32>
    %jit3A_116 = arith.constant 0x7F800000 : f32
    %broadcast_in_dim3A_117 = vector.broadcast %jit3A_116 : f32 to vector<256x1024xf32>
    %select_n3A_118 = arith.select %eq3A_115, %broadcast_in_dim3A_117, %select_n3A_99 : vector<256x1024xi1>, vector<256x1024xf32>
    %reduce_min3A_119 = arith.constant dense<0x7F800000> : vector<256xf32>
    %reduce_min3A_120 = vector.multi_reduction <minimumf>, %select_n3A_118, %reduce_min3A_119 [1] : vector<256x1024xf32> to vector<256xf32>
    %broadcast_in_dim3A_121 = vector.shape_cast %reduce_min3A_120 : vector<256xf32> to vector<256x1xf32>
    %le3A_122 = vector.broadcast %broadcast_in_dim3A_121 : vector<256x1xf32> to vector<256x1024xf32>
    %le3A_123 = arith.cmpf ole, %select_n3A_118, %le3A_122 : vector<256x1024xf32>
    %jit3A_124 = arith.constant 1073741824 : i32
    %broadcast_in_dim3A_125 = vector.broadcast %jit3A_124 : i32 to vector<256x1024xi32>
    %select_n3A_126 = arith.select %le3A_123, %get3A_4, %broadcast_in_dim3A_125 : vector<256x1024xi1>, vector<256x1024xi32>
    %reduce_min3A_127 = arith.constant dense<2147483647> : vector<256xi32>
    %reduce_min3A_128 = vector.multi_reduction <minsi>, %select_n3A_126, %reduce_min3A_127 [1] : vector<256x1024xi32> to vector<256xi32>
    %broadcast_in_dim3A_129 = vector.shape_cast %reduce_min3A_128 : vector<256xi32> to vector<256x1xi32>
    %swap3A_130 = arith.constant 0 : index
    %swap3A_131 = arith.constant 6 : index
    %swap3A_132 = vector.load %arg4[%swap3A_130, %swap3A_131] : memref<256x32xi32, #tpu.memory_space<vmem>>, vector<256x1xi32>
    tpu.vector_store %arg4[%swap3A_130, %swap3A_131], %broadcast_in_dim3A_129 {strides = array<i32>} : memref<256x32xi32, #tpu.memory_space<vmem>>, vector<256x1xi32>,
    %eq3A_133 = vector.broadcast %broadcast_in_dim3A_129 : vector<256x1xi32> to vector<256x1024xi32>
    %eq3A_134 = arith.cmpi eq, %get3A_4, %eq3A_133 : vector<256x1024xi32>
    %jit3A_135 = arith.constant 0x7F800000 : f32
    %broadcast_in_dim3A_136 = vector.broadcast %jit3A_135 : f32 to vector<256x1024xf32>
    %select_n3A_137 = arith.select %eq3A_134, %broadcast_in_dim3A_136, %select_n3A_118 : vector<256x1024xi1>, vector<256x1024xf32>
    %reduce_min3A_138 = arith.constant dense<0x7F800000> : vector<256xf32>
    %reduce_min3A_139 = vector.multi_reduction <minimumf>, %select_n3A_137, %reduce_min3A_138 [1] : vector<256x1024xf32> to vector<256xf32>
    %broadcast_in_dim3A_140 = vector.shape_cast %reduce_min3A_139 : vector<256xf32> to vector<256x1xf32>
    %le3A_141 = vector.broadcast %broadcast_in_dim3A_140 : vector<256x1xf32> to vector<256x1024xf32>
    %le3A_142 = arith.cmpf ole, %select_n3A_137, %le3A_141 : vector<256x1024xf32>
    %jit3A_143 = arith.constant 1073741824 : i32
    %broadcast_in_dim3A_144 = vector.broadcast %jit3A_143 : i32 to vector<256x1024xi32>
    %select_n3A_145 = arith.select %le3A_142, %get3A_4, %broadcast_in_dim3A_144 : vector<256x1024xi1>, vector<256x1024xi32>
    %reduce_min3A_146 = arith.constant dense<2147483647> : vector<256xi32>
    %reduce_min3A_147 = vector.multi_reduction <minsi>, %select_n3A_145, %reduce_min3A_146 [1] : vector<256x1024xi32> to vector<256xi32>
    %broadcast_in_dim3A_148 = vector.shape_cast %reduce_min3A_147 : vector<256xi32> to vector<256x1xi32>
    %swap3A_149 = arith.constant 0 : index
    %swap3A_150 = arith.constant 7 : index
    %swap3A_151 = vector.load %arg4[%swap3A_149, %swap3A_150] : memref<256x32xi32, #tpu.memory_space<vmem>>, vector<256x1xi32>
    tpu.vector_store %arg4[%swap3A_149, %swap3A_150], %broadcast_in_dim3A_148 {strides = array<i32>} : memref<256x32xi32, #tpu.memory_space<vmem>>, vector<256x1xi32>,
    %eq3A_152 = vector.broadcast %broadcast_in_dim3A_148 : vector<256x1xi32> to vector<256x1024xi32>
    %eq3A_153 = arith.cmpi eq, %get3A_4, %eq3A_152 : vector<256x1024xi32>
    %jit3A_154 = arith.constant 0x7F800000 : f32
    %broadcast_in_dim3A_155 = vector.broadcast %jit3A_154 : f32 to vector<256x1024xf32>
    %select_n3A_156 = arith.select %eq3A_153, %broadcast_in_dim3A_155, %select_n3A_137 : vector<256x1024xi1>, vector<256x1024xf32>
    %reduce_min3A_157 = arith.constant dense<0x7F800000> : vector<256xf32>
    %reduce_min3A_158 = vector.multi_reduction <minimumf>, %select_n3A_156, %reduce_min3A_157 [1] : vector<256x1024xf32> to vector<256xf32>
    %broadcast_in_dim3A_159 = vector.shape_cast %reduce_min3A_158 : vector<256xf32> to vector<256x1xf32>
    %le3A_160 = vector.broadcast %broadcast_in_dim3A_159 : vector<256x1xf32> to vector<256x1024xf32>
    %le3A_161 = arith.cmpf ole, %select_n3A_156, %le3A_160 : vector<256x1024xf32>
    %jit3A_162 = arith.constant 1073741824 : i32
    %broadcast_in_dim3A_163 = vector.broadcast %jit3A_162 : i32 to vector<256x1024xi32>
    %select_n3A_164 = arith.select %le3A_161, %get3A_4, %broadcast_in_dim3A_163 : vector<256x1024xi1>, vector<256x1024xi32>
    %reduce_min3A_165 = arith.constant dense<2147483647> : vector<256xi32>
    %reduce_min3A_166 = vector.multi_reduction <minsi>, %select_n3A_164, %reduce_min3A_165 [1] : vector<256x1024xi32> to vector<256xi32>
    %broadcast_in_dim3A_167 = vector.shape_cast %reduce_min3A_166 : vector<256xi32> to vector<256x1xi32>
    %swap3A_168 = arith.constant 0 : index
    %swap3A_169 = arith.constant 8 : index
    %swap3A_170 = vector.load %arg4[%swap3A_168, %swap3A_169] : memref<256x32xi32, #tpu.memory_space<vmem>>, vector<256x1xi32>
    tpu.vector_store %arg4[%swap3A_168, %swap3A_169], %broadcast_in_dim3A_167 {strides = array<i32>} : memref<256x32xi32, #tpu.memory_space<vmem>>, vector<256x1xi32>,
    %eq3A_171 = vector.broadcast %broadcast_in_dim3A_167 : vector<256x1xi32> to vector<256x1024xi32>
    %eq3A_172 = arith.cmpi eq, %get3A_4, %eq3A_171 : vector<256x1024xi32>
    %jit3A_173 = arith.constant 0x7F800000 : f32
    %broadcast_in_dim3A_174 = vector.broadcast %jit3A_173 : f32 to vector<256x1024xf32>
    %select_n3A_175 = arith.select %eq3A_172, %broadcast_in_dim3A_174, %select_n3A_156 : vector<256x1024xi1>, vector<256x1024xf32>
    %reduce_min3A_176 = arith.constant dense<0x7F800000> : vector<256xf32>
    %reduce_min3A_177 = vector.multi_reduction <minimumf>, %select_n3A_175, %reduce_min3A_176 [1] : vector<256x1024xf32> to vector<256xf32>
    %broadcast_in_dim3A_178 = vector.shape_cast %reduce_min3A_177 : vector<256xf32> to vector<256x1xf32>
    %le3A_179 = vector.broadcast %broadcast_in_dim3A_178 : vector<256x1xf32> to vector<256x1024xf32>
    %le3A_180 = arith.cmpf ole, %select_n3A_175, %le3A_179 : vector<256x1024xf32>
    %jit3A_181 = arith.constant 1073741824 : i32
    %broadcast_in_dim3A_182 = vector.broadcast %jit3A_181 : i32 to vector<256x1024xi32>
    %select_n3A_183 = arith.select %le3A_180, %get3A_4, %broadcast_in_dim3A_182 : vector<256x1024xi1>, vector<256x1024xi32>
    %reduce_min3A_184 = arith.constant dense<2147483647> : vector<256xi32>
    %reduce_min3A_185 = vector.multi_reduction <minsi>, %select_n3A_183, %reduce_min3A_184 [1] : vector<256x1024xi32> to vector<256xi32>
    %broadcast_in_dim3A_186 = vector.shape_cast %reduce_min3A_185 : vector<256xi32> to vector<256x1xi32>
    %swap3A_187 = arith.constant 0 : index
    %swap3A_188 = arith.constant 9 : index
    %swap3A_189 = vector.load %arg4[%swap3A_187, %swap3A_188] : memref<256x32xi32, #tpu.memory_space<vmem>>, vector<256x1xi32>
    tpu.vector_store %arg4[%swap3A_187, %swap3A_188], %broadcast_in_dim3A_186 {strides = array<i32>} : memref<256x32xi32, #tpu.memory_space<vmem>>, vector<256x1xi32>,
    %eq3A_190 = vector.broadcast %broadcast_in_dim3A_186 : vector<256x1xi32> to vector<256x1024xi32>
    %eq3A_191 = arith.cmpi eq, %get3A_4, %eq3A_190 : vector<256x1024xi32>
    %jit3A_192 = arith.constant 0x7F800000 : f32
    %broadcast_in_dim3A_193 = vector.broadcast %jit3A_192 : f32 to vector<256x1024xf32>
    %select_n3A_194 = arith.select %eq3A_191, %broadcast_in_dim3A_193, %select_n3A_175 : vector<256x1024xi1>, vector<256x1024xf32>
    %reduce_min3A_195 = arith.constant dense<0x7F800000> : vector<256xf32>
    %reduce_min3A_196 = vector.multi_reduction <minimumf>, %select_n3A_194, %reduce_min3A_195 [1] : vector<256x1024xf32> to vector<256xf32>
    %broadcast_in_dim3A_197 = vector.shape_cast %reduce_min3A_196 : vector<256xf32> to vector<256x1xf32>
    %le3A_198 = vector.broadcast %broadcast_in_dim3A_197 : vector<256x1xf32> to vector<256x1024xf32>
    %le3A_199 = arith.cmpf ole, %select_n3A_194, %le3A_198 : vector<256x1024xf32>
    %jit3A_200 = arith.constant 1073741824 : i32
    %broadcast_in_dim3A_201 = vector.broadcast %jit3A_200 : i32 to vector<256x1024xi32>
    %select_n3A_202 = arith.select %le3A_199, %get3A_4, %broadcast_in_dim3A_201 : vector<256x1024xi1>, vector<256x1024xi32>
    %reduce_min3A_203 = arith.constant dense<2147483647> : vector<256xi32>
    %reduce_min3A_204 = vector.multi_reduction <minsi>, %select_n3A_202, %reduce_min3A_203 [1] : vector<256x1024xi32> to vector<256xi32>
    %broadcast_in_dim3A_205 = vector.shape_cast %reduce_min3A_204 : vector<256xi32> to vector<256x1xi32>
    %swap3A_206 = arith.constant 0 : index
    %swap3A_207 = arith.constant 10 : index
    %swap3A_208 = vector.load %arg4[%swap3A_206, %swap3A_207] : memref<256x32xi32, #tpu.memory_space<vmem>>, vector<256x1xi32>
    tpu.vector_store %arg4[%swap3A_206, %swap3A_207], %broadcast_in_dim3A_205 {strides = array<i32>} : memref<256x32xi32, #tpu.memory_space<vmem>>, vector<256x1xi32>,
    %eq3A_209 = vector.broadcast %broadcast_in_dim3A_205 : vector<256x1xi32> to vector<256x1024xi32>
    %eq3A_210 = arith.cmpi eq, %get3A_4, %eq3A_209 : vector<256x1024xi32>
    %jit3A_211 = arith.constant 0x7F800000 : f32
    %broadcast_in_dim3A_212 = vector.broadcast %jit3A_211 : f32 to vector<256x1024xf32>
    %select_n3A_213 = arith.select %eq3A_210, %broadcast_in_dim3A_212, %select_n3A_194 : vector<256x1024xi1>, vector<256x1024xf32>
    %reduce_min3A_214 = arith.constant dense<0x7F800000> : vector<256xf32>
    %reduce_min3A_215 = vector.multi_reduction <minimumf>, %select_n3A_213, %reduce_min3A_214 [1] : vector<256x1024xf32> to vector<256xf32>
    %broadcast_in_dim3A_216 = vector.shape_cast %reduce_min3A_215 : vector<256xf32> to vector<256x1xf32>
    %le3A_217 = vector.broadcast %broadcast_in_dim3A_216 : vector<256x1xf32> to vector<256x1024xf32>
    %le3A_218 = arith.cmpf ole, %select_n3A_213, %le3A_217 : vector<256x1024xf32>
    %jit3A_219 = arith.constant 1073741824 : i32
    %broadcast_in_dim3A_220 = vector.broadcast %jit3A_219 : i32 to vector<256x1024xi32>
    %select_n3A_221 = arith.select %le3A_218, %get3A_4, %broadcast_in_dim3A_220 : vector<256x1024xi1>, vector<256x1024xi32>
    %reduce_min3A_222 = arith.constant dense<2147483647> : vector<256xi32>
    %reduce_min3A_223 = vector.multi_reduction <minsi>, %select_n3A_221, %reduce_min3A_222 [1] : vector<256x1024xi32> to vector<256xi32>
    %broadcast_in_dim3A_224 = vector.shape_cast %reduce_min3A_223 : vector<256xi32> to vector<256x1xi32>
    %swap3A_225 = arith.constant 0 : index
    %swap3A_226 = arith.constant 11 : index
    %swap3A_227 = vector.load %arg4[%swap3A_225, %swap3A_226] : memref<256x32xi32, #tpu.memory_space<vmem>>, vector<256x1xi32>
    tpu.vector_store %arg4[%swap3A_225, %swap3A_226], %broadcast_in_dim3A_224 {strides = array<i32>} : memref<256x32xi32, #tpu.memory_space<vmem>>, vector<256x1xi32>,
    %eq3A_228 = vector.broadcast %broadcast_in_dim3A_224 : vector<256x1xi32> to vector<256x1024xi32>
    %eq3A_229 = arith.cmpi eq, %get3A_4, %eq3A_228 : vector<256x1024xi32>
    %jit3A_230 = arith.constant 0x7F800000 : f32
    %broadcast_in_dim3A_231 = vector.broadcast %jit3A_230 : f32 to vector<256x1024xf32>
    %select_n3A_232 = arith.select %eq3A_229, %broadcast_in_dim3A_231, %select_n3A_213 : vector<256x1024xi1>, vector<256x1024xf32>
    %reduce_min3A_233 = arith.constant dense<0x7F800000> : vector<256xf32>
    %reduce_min3A_234 = vector.multi_reduction <minimumf>, %select_n3A_232, %reduce_min3A_233 [1] : vector<256x1024xf32> to vector<256xf32>
    %broadcast_in_dim3A_235 = vector.shape_cast %reduce_min3A_234 : vector<256xf32> to vector<256x1xf32>
    %le3A_236 = vector.broadcast %broadcast_in_dim3A_235 : vector<256x1xf32> to vector<256x1024xf32>
    %le3A_237 = arith.cmpf ole, %select_n3A_232, %le3A_236 : vector<256x1024xf32>
    %jit3A_238 = arith.constant 1073741824 : i32
    %broadcast_in_dim3A_239 = vector.broadcast %jit3A_238 : i32 to vector<256x1024xi32>
    %select_n3A_240 = arith.select %le3A_237, %get3A_4, %broadcast_in_dim3A_239 : vector<256x1024xi1>, vector<256x1024xi32>
    %reduce_min3A_241 = arith.constant dense<2147483647> : vector<256xi32>
    %reduce_min3A_242 = vector.multi_reduction <minsi>, %select_n3A_240, %reduce_min3A_241 [1] : vector<256x1024xi32> to vector<256xi32>
    %broadcast_in_dim3A_243 = vector.shape_cast %reduce_min3A_242 : vector<256xi32> to vector<256x1xi32>
    %swap3A_244 = arith.constant 0 : index
    %swap3A_245 = arith.constant 12 : index
    %swap3A_246 = vector.load %arg4[%swap3A_244, %swap3A_245] : memref<256x32xi32, #tpu.memory_space<vmem>>, vector<256x1xi32>
    tpu.vector_store %arg4[%swap3A_244, %swap3A_245], %broadcast_in_dim3A_243 {strides = array<i32>} : memref<256x32xi32, #tpu.memory_space<vmem>>, vector<256x1xi32>,
    %eq3A_247 = vector.broadcast %broadcast_in_dim3A_243 : vector<256x1xi32> to vector<256x1024xi32>
    %eq3A_248 = arith.cmpi eq, %get3A_4, %eq3A_247 : vector<256x1024xi32>
    %jit3A_249 = arith.constant 0x7F800000 : f32
    %broadcast_in_dim3A_250 = vector.broadcast %jit3A_249 : f32 to vector<256x1024xf32>
    %select_n3A_251 = arith.select %eq3A_248, %broadcast_in_dim3A_250, %select_n3A_232 : vector<256x1024xi1>, vector<256x1024xf32>
    %reduce_min3A_252 = arith.constant dense<0x7F800000> : vector<256xf32>
    %reduce_min3A_253 = vector.multi_reduction <minimumf>, %select_n3A_251, %reduce_min3A_252 [1] : vector<256x1024xf32> to vector<256xf32>
    %broadcast_in_dim3A_254 = vector.shape_cast %reduce_min3A_253 : vector<256xf32> to vector<256x1xf32>
    %le3A_255 = vector.broadcast %broadcast_in_dim3A_254 : vector<256x1xf32> to vector<256x1024xf32>
    %le3A_256 = arith.cmpf ole, %select_n3A_251, %le3A_255 : vector<256x1024xf32>
    %jit3A_257 = arith.constant 1073741824 : i32
    %broadcast_in_dim3A_258 = vector.broadcast %jit3A_257 : i32 to vector<256x1024xi32>
    %select_n3A_259 = arith.select %le3A_256, %get3A_4, %broadcast_in_dim3A_258 : vector<256x1024xi1>, vector<256x1024xi32>
    %reduce_min3A_260 = arith.constant dense<2147483647> : vector<256xi32>
    %reduce_min3A_261 = vector.multi_reduction <minsi>, %select_n3A_259, %reduce_min3A_260 [1] : vector<256x1024xi32> to vector<256xi32>
    %broadcast_in_dim3A_262 = vector.shape_cast %reduce_min3A_261 : vector<256xi32> to vector<256x1xi32>
    %swap3A_263 = arith.constant 0 : index
    %swap3A_264 = arith.constant 13 : index
    %swap3A_265 = vector.load %arg4[%swap3A_263, %swap3A_264] : memref<256x32xi32, #tpu.memory_space<vmem>>, vector<256x1xi32>
    tpu.vector_store %arg4[%swap3A_263, %swap3A_264], %broadcast_in_dim3A_262 {strides = array<i32>} : memref<256x32xi32, #tpu.memory_space<vmem>>, vector<256x1xi32>,
    %eq3A_266 = vector.broadcast %broadcast_in_dim3A_262 : vector<256x1xi32> to vector<256x1024xi32>
    %eq3A_267 = arith.cmpi eq, %get3A_4, %eq3A_266 : vector<256x1024xi32>
    %jit3A_268 = arith.constant 0x7F800000 : f32
    %broadcast_in_dim3A_269 = vector.broadcast %jit3A_268 : f32 to vector<256x1024xf32>
    %select_n3A_270 = arith.select %eq3A_267, %broadcast_in_dim3A_269, %select_n3A_251 : vector<256x1024xi1>, vector<256x1024xf32>
    %reduce_min3A_271 = arith.constant dense<0x7F800000> : vector<256xf32>
    %reduce_min3A_272 = vector.multi_reduction <minimumf>, %select_n3A_270, %reduce_min3A_271 [1] : vector<256x1024xf32> to vector<256xf32>
    %broadcast_in_dim3A_273 = vector.shape_cast %reduce_min3A_272 : vector<256xf32> to vector<256x1xf32>
    %le3A_274 = vector.broadcast %broadcast_in_dim3A_273 : vector<256x1xf32> to vector<256x1024xf32>
    %le3A_275 = arith.cmpf ole, %select_n3A_270, %le3A_274 : vector<256x1024xf32>
    %jit3A_276 = arith.constant 1073741824 : i32
    %broadcast_in_dim3A_277 = vector.broadcast %jit3A_276 : i32 to vector<256x1024xi32>
    %select_n3A_278 = arith.select %le3A_275, %get3A_4, %broadcast_in_dim3A_277 : vector<256x1024xi1>, vector<256x1024xi32>
    %reduce_min3A_279 = arith.constant dense<2147483647> : vector<256xi32>
    %reduce_min3A_280 = vector.multi_reduction <minsi>, %select_n3A_278, %reduce_min3A_279 [1] : vector<256x1024xi32> to vector<256xi32>
    %broadcast_in_dim3A_281 = vector.shape_cast %reduce_min3A_280 : vector<256xi32> to vector<256x1xi32>
    %swap3A_282 = arith.constant 0 : index
    %swap3A_283 = arith.constant 14 : index
    %swap3A_284 = vector.load %arg4[%swap3A_282, %swap3A_283] : memref<256x32xi32, #tpu.memory_space<vmem>>, vector<256x1xi32>
    tpu.vector_store %arg4[%swap3A_282, %swap3A_283], %broadcast_in_dim3A_281 {strides = array<i32>} : memref<256x32xi32, #tpu.memory_space<vmem>>, vector<256x1xi32>,
    %eq3A_285 = vector.broadcast %broadcast_in_dim3A_281 : vector<256x1xi32> to vector<256x1024xi32>
    %eq3A_286 = arith.cmpi eq, %get3A_4, %eq3A_285 : vector<256x1024xi32>
    %jit3A_287 = arith.constant 0x7F800000 : f32
    %broadcast_in_dim3A_288 = vector.broadcast %jit3A_287 : f32 to vector<256x1024xf32>
    %select_n3A_289 = arith.select %eq3A_286, %broadcast_in_dim3A_288, %select_n3A_270 : vector<256x1024xi1>, vector<256x1024xf32>
    %reduce_min3A_290 = arith.constant dense<0x7F800000> : vector<256xf32>
    %reduce_min3A_291 = vector.multi_reduction <minimumf>, %select_n3A_289, %reduce_min3A_290 [1] : vector<256x1024xf32> to vector<256xf32>
    %broadcast_in_dim3A_292 = vector.shape_cast %reduce_min3A_291 : vector<256xf32> to vector<256x1xf32>
    %le3A_293 = vector.broadcast %broadcast_in_dim3A_292 : vector<256x1xf32> to vector<256x1024xf32>
    %le3A_294 = arith.cmpf ole, %select_n3A_289, %le3A_293 : vector<256x1024xf32>
    %jit3A_295 = arith.constant 1073741824 : i32
    %broadcast_in_dim3A_296 = vector.broadcast %jit3A_295 : i32 to vector<256x1024xi32>
    %select_n3A_297 = arith.select %le3A_294, %get3A_4, %broadcast_in_dim3A_296 : vector<256x1024xi1>, vector<256x1024xi32>
    %reduce_min3A_298 = arith.constant dense<2147483647> : vector<256xi32>
    %reduce_min3A_299 = vector.multi_reduction <minsi>, %select_n3A_297, %reduce_min3A_298 [1] : vector<256x1024xi32> to vector<256xi32>
    %broadcast_in_dim3A_300 = vector.shape_cast %reduce_min3A_299 : vector<256xi32> to vector<256x1xi32>
    %swap3A_301 = arith.constant 0 : index
    %swap3A_302 = arith.constant 15 : index
    %swap3A_303 = vector.load %arg4[%swap3A_301, %swap3A_302] : memref<256x32xi32, #tpu.memory_space<vmem>>, vector<256x1xi32>
    tpu.vector_store %arg4[%swap3A_301, %swap3A_302], %broadcast_in_dim3A_300 {strides = array<i32>} : memref<256x32xi32, #tpu.memory_space<vmem>>, vector<256x1xi32>,
    %eq3A_304 = vector.broadcast %broadcast_in_dim3A_300 : vector<256x1xi32> to vector<256x1024xi32>
    %eq3A_305 = arith.cmpi eq, %get3A_4, %eq3A_304 : vector<256x1024xi32>
    %jit3A_306 = arith.constant 0x7F800000 : f32
    %broadcast_in_dim3A_307 = vector.broadcast %jit3A_306 : f32 to vector<256x1024xf32>
    %select_n3A_308 = arith.select %eq3A_305, %broadcast_in_dim3A_307, %select_n3A_289 : vector<256x1024xi1>, vector<256x1024xf32>
    %reduce_min3A_309 = arith.constant dense<0x7F800000> : vector<256xf32>
    %reduce_min3A_310 = vector.multi_reduction <minimumf>, %select_n3A_308, %reduce_min3A_309 [1] : vector<256x1024xf32> to vector<256xf32>
    %broadcast_in_dim3A_311 = vector.shape_cast %reduce_min3A_310 : vector<256xf32> to vector<256x1xf32>
    %le3A_312 = vector.broadcast %broadcast_in_dim3A_311 : vector<256x1xf32> to vector<256x1024xf32>
    %le3A_313 = arith.cmpf ole, %select_n3A_308, %le3A_312 : vector<256x1024xf32>
    %jit3A_314 = arith.constant 1073741824 : i32
    %broadcast_in_dim3A_315 = vector.broadcast %jit3A_314 : i32 to vector<256x1024xi32>
    %select_n3A_316 = arith.select %le3A_313, %get3A_4, %broadcast_in_dim3A_315 : vector<256x1024xi1>, vector<256x1024xi32>
    %reduce_min3A_317 = arith.constant dense<2147483647> : vector<256xi32>
    %reduce_min3A_318 = vector.multi_reduction <minsi>, %select_n3A_316, %reduce_min3A_317 [1] : vector<256x1024xi32> to vector<256xi32>
    %broadcast_in_dim3A_319 = vector.shape_cast %reduce_min3A_318 : vector<256xi32> to vector<256x1xi32>
    %swap3A_320 = arith.constant 0 : index
    %swap3A_321 = arith.constant 16 : index
    %swap3A_322 = vector.load %arg4[%swap3A_320, %swap3A_321] : memref<256x32xi32, #tpu.memory_space<vmem>>, vector<256x1xi32>
    tpu.vector_store %arg4[%swap3A_320, %swap3A_321], %broadcast_in_dim3A_319 {strides = array<i32>} : memref<256x32xi32, #tpu.memory_space<vmem>>, vector<256x1xi32>,
    %eq3A_323 = vector.broadcast %broadcast_in_dim3A_319 : vector<256x1xi32> to vector<256x1024xi32>
    %eq3A_324 = arith.cmpi eq, %get3A_4, %eq3A_323 : vector<256x1024xi32>
    %jit3A_325 = arith.constant 0x7F800000 : f32
    %broadcast_in_dim3A_326 = vector.broadcast %jit3A_325 : f32 to vector<256x1024xf32>
    %select_n3A_327 = arith.select %eq3A_324, %broadcast_in_dim3A_326, %select_n3A_308 : vector<256x1024xi1>, vector<256x1024xf32>
    %reduce_min3A_328 = arith.constant dense<0x7F800000> : vector<256xf32>
    %reduce_min3A_329 = vector.multi_reduction <minimumf>, %select_n3A_327, %reduce_min3A_328 [1] : vector<256x1024xf32> to vector<256xf32>
    %broadcast_in_dim3A_330 = vector.shape_cast %reduce_min3A_329 : vector<256xf32> to vector<256x1xf32>
    %le3A_331 = vector.broadcast %broadcast_in_dim3A_330 : vector<256x1xf32> to vector<256x1024xf32>
    %le3A_332 = arith.cmpf ole, %select_n3A_327, %le3A_331 : vector<256x1024xf32>
    %jit3A_333 = arith.constant 1073741824 : i32
    %broadcast_in_dim3A_334 = vector.broadcast %jit3A_333 : i32 to vector<256x1024xi32>
    %select_n3A_335 = arith.select %le3A_332, %get3A_4, %broadcast_in_dim3A_334 : vector<256x1024xi1>, vector<256x1024xi32>
    %reduce_min3A_336 = arith.constant dense<2147483647> : vector<256xi32>
    %reduce_min3A_337 = vector.multi_reduction <minsi>, %select_n3A_335, %reduce_min3A_336 [1] : vector<256x1024xi32> to vector<256xi32>
    %broadcast_in_dim3A_338 = vector.shape_cast %reduce_min3A_337 : vector<256xi32> to vector<256x1xi32>
    %swap3A_339 = arith.constant 0 : index
    %swap3A_340 = arith.constant 17 : index
    %swap3A_341 = vector.load %arg4[%swap3A_339, %swap3A_340] : memref<256x32xi32, #tpu.memory_space<vmem>>, vector<256x1xi32>
    tpu.vector_store %arg4[%swap3A_339, %swap3A_340], %broadcast_in_dim3A_338 {strides = array<i32>} : memref<256x32xi32, #tpu.memory_space<vmem>>, vector<256x1xi32>,
    %eq3A_342 = vector.broadcast %broadcast_in_dim3A_338 : vector<256x1xi32> to vector<256x1024xi32>
    %eq3A_343 = arith.cmpi eq, %get3A_4, %eq3A_342 : vector<256x1024xi32>
    %jit3A_344 = arith.constant 0x7F800000 : f32
    %broadcast_in_dim3A_345 = vector.broadcast %jit3A_344 : f32 to vector<256x1024xf32>
    %select_n3A_346 = arith.select %eq3A_343, %broadcast_in_dim3A_345, %select_n3A_327 : vector<256x1024xi1>, vector<256x1024xf32>
    %reduce_min3A_347 = arith.constant dense<0x7F800000> : vector<256xf32>
    %reduce_min3A_348 = vector.multi_reduction <minimumf>, %select_n3A_346, %reduce_min3A_347 [1] : vector<256x1024xf32> to vector<256xf32>
    %broadcast_in_dim3A_349 = vector.shape_cast %reduce_min3A_348 : vector<256xf32> to vector<256x1xf32>
    %le3A_350 = vector.broadcast %broadcast_in_dim3A_349 : vector<256x1xf32> to vector<256x1024xf32>
    %le3A_351 = arith.cmpf ole, %select_n3A_346, %le3A_350 : vector<256x1024xf32>
    %jit3A_352 = arith.constant 1073741824 : i32
    %broadcast_in_dim3A_353 = vector.broadcast %jit3A_352 : i32 to vector<256x1024xi32>
    %select_n3A_354 = arith.select %le3A_351, %get3A_4, %broadcast_in_dim3A_353 : vector<256x1024xi1>, vector<256x1024xi32>
    %reduce_min3A_355 = arith.constant dense<2147483647> : vector<256xi32>
    %reduce_min3A_356 = vector.multi_reduction <minsi>, %select_n3A_354, %reduce_min3A_355 [1] : vector<256x1024xi32> to vector<256xi32>
    %broadcast_in_dim3A_357 = vector.shape_cast %reduce_min3A_356 : vector<256xi32> to vector<256x1xi32>
    %swap3A_358 = arith.constant 0 : index
    %swap3A_359 = arith.constant 18 : index
    %swap3A_360 = vector.load %arg4[%swap3A_358, %swap3A_359] : memref<256x32xi32, #tpu.memory_space<vmem>>, vector<256x1xi32>
    tpu.vector_store %arg4[%swap3A_358, %swap3A_359], %broadcast_in_dim3A_357 {strides = array<i32>} : memref<256x32xi32, #tpu.memory_space<vmem>>, vector<256x1xi32>,
    %eq3A_361 = vector.broadcast %broadcast_in_dim3A_357 : vector<256x1xi32> to vector<256x1024xi32>
    %eq3A_362 = arith.cmpi eq, %get3A_4, %eq3A_361 : vector<256x1024xi32>
    %jit3A_363 = arith.constant 0x7F800000 : f32
    %broadcast_in_dim3A_364 = vector.broadcast %jit3A_363 : f32 to vector<256x1024xf32>
    %select_n3A_365 = arith.select %eq3A_362, %broadcast_in_dim3A_364, %select_n3A_346 : vector<256x1024xi1>, vector<256x1024xf32>
    %reduce_min3A_366 = arith.constant dense<0x7F800000> : vector<256xf32>
    %reduce_min3A_367 = vector.multi_reduction <minimumf>, %select_n3A_365, %reduce_min3A_366 [1] : vector<256x1024xf32> to vector<256xf32>
    %broadcast_in_dim3A_368 = vector.shape_cast %reduce_min3A_367 : vector<256xf32> to vector<256x1xf32>
    %le3A_369 = vector.broadcast %broadcast_in_dim3A_368 : vector<256x1xf32> to vector<256x1024xf32>
    %le3A_370 = arith.cmpf ole, %select_n3A_365, %le3A_369 : vector<256x1024xf32>
    %jit3A_371 = arith.constant 1073741824 : i32
    %broadcast_in_dim3A_372 = vector.broadcast %jit3A_371 : i32 to vector<256x1024xi32>
    %select_n3A_373 = arith.select %le3A_370, %get3A_4, %broadcast_in_dim3A_372 : vector<256x1024xi1>, vector<256x1024xi32>
    %reduce_min3A_374 = arith.constant dense<2147483647> : vector<256xi32>
    %reduce_min3A_375 = vector.multi_reduction <minsi>, %select_n3A_373, %reduce_min3A_374 [1] : vector<256x1024xi32> to vector<256xi32>
    %broadcast_in_dim3A_376 = vector.shape_cast %reduce_min3A_375 : vector<256xi32> to vector<256x1xi32>
    %swap3A_377 = arith.constant 0 : index
    %swap3A_378 = arith.constant 19 : index
    %swap3A_379 = vector.load %arg4[%swap3A_377, %swap3A_378] : memref<256x32xi32, #tpu.memory_space<vmem>>, vector<256x1xi32>
    tpu.vector_store %arg4[%swap3A_377, %swap3A_378], %broadcast_in_dim3A_376 {strides = array<i32>} : memref<256x32xi32, #tpu.memory_space<vmem>>, vector<256x1xi32>,
    %eq3A_380 = vector.broadcast %broadcast_in_dim3A_376 : vector<256x1xi32> to vector<256x1024xi32>
    %eq3A_381 = arith.cmpi eq, %get3A_4, %eq3A_380 : vector<256x1024xi32>
    %jit3A_382 = arith.constant 0x7F800000 : f32
    %broadcast_in_dim3A_383 = vector.broadcast %jit3A_382 : f32 to vector<256x1024xf32>
    %select_n3A_384 = arith.select %eq3A_381, %broadcast_in_dim3A_383, %select_n3A_365 : vector<256x1024xi1>, vector<256x1024xf32>
    %reduce_min3A_385 = arith.constant dense<0x7F800000> : vector<256xf32>
    %reduce_min3A_386 = vector.multi_reduction <minimumf>, %select_n3A_384, %reduce_min3A_385 [1] : vector<256x1024xf32> to vector<256xf32>
    %broadcast_in_dim3A_387 = vector.shape_cast %reduce_min3A_386 : vector<256xf32> to vector<256x1xf32>
    %le3A_388 = vector.broadcast %broadcast_in_dim3A_387 : vector<256x1xf32> to vector<256x1024xf32>
    %le3A_389 = arith.cmpf ole, %select_n3A_384, %le3A_388 : vector<256x1024xf32>
    %jit3A_390 = arith.constant 1073741824 : i32
    %broadcast_in_dim3A_391 = vector.broadcast %jit3A_390 : i32 to vector<256x1024xi32>
    %select_n3A_392 = arith.select %le3A_389, %get3A_4, %broadcast_in_dim3A_391 : vector<256x1024xi1>, vector<256x1024xi32>
    %reduce_min3A_393 = arith.constant dense<2147483647> : vector<256xi32>
    %reduce_min3A_394 = vector.multi_reduction <minsi>, %select_n3A_392, %reduce_min3A_393 [1] : vector<256x1024xi32> to vector<256xi32>
    %broadcast_in_dim3A_395 = vector.shape_cast %reduce_min3A_394 : vector<256xi32> to vector<256x1xi32>
    %swap3A_396 = arith.constant 0 : index
    %swap3A_397 = arith.constant 20 : index
    %swap3A_398 = vector.load %arg4[%swap3A_396, %swap3A_397] : memref<256x32xi32, #tpu.memory_space<vmem>>, vector<256x1xi32>
    tpu.vector_store %arg4[%swap3A_396, %swap3A_397], %broadcast_in_dim3A_395 {strides = array<i32>} : memref<256x32xi32, #tpu.memory_space<vmem>>, vector<256x1xi32>,
    %eq3A_399 = vector.broadcast %broadcast_in_dim3A_395 : vector<256x1xi32> to vector<256x1024xi32>
    %eq3A_400 = arith.cmpi eq, %get3A_4, %eq3A_399 : vector<256x1024xi32>
    %jit3A_401 = arith.constant 0x7F800000 : f32
    %broadcast_in_dim3A_402 = vector.broadcast %jit3A_401 : f32 to vector<256x1024xf32>
    %select_n3A_403 = arith.select %eq3A_400, %broadcast_in_dim3A_402, %select_n3A_384 : vector<256x1024xi1>, vector<256x1024xf32>
    %reduce_min3A_404 = arith.constant dense<0x7F800000> : vector<256xf32>
    %reduce_min3A_405 = vector.multi_reduction <minimumf>, %select_n3A_403, %reduce_min3A_404 [1] : vector<256x1024xf32> to vector<256xf32>
    %broadcast_in_dim3A_406 = vector.shape_cast %reduce_min3A_405 : vector<256xf32> to vector<256x1xf32>
    %le3A_407 = vector.broadcast %broadcast_in_dim3A_406 : vector<256x1xf32> to vector<256x1024xf32>
    %le3A_408 = arith.cmpf ole, %select_n3A_403, %le3A_407 : vector<256x1024xf32>
    %jit3A_409 = arith.constant 1073741824 : i32
    %broadcast_in_dim3A_410 = vector.broadcast %jit3A_409 : i32 to vector<256x1024xi32>
    %select_n3A_411 = arith.select %le3A_408, %get3A_4, %broadcast_in_dim3A_410 : vector<256x1024xi1>, vector<256x1024xi32>
    %reduce_min3A_412 = arith.constant dense<2147483647> : vector<256xi32>
    %reduce_min3A_413 = vector.multi_reduction <minsi>, %select_n3A_411, %reduce_min3A_412 [1] : vector<256x1024xi32> to vector<256xi32>
    %broadcast_in_dim3A_414 = vector.shape_cast %reduce_min3A_413 : vector<256xi32> to vector<256x1xi32>
    %swap3A_415 = arith.constant 0 : index
    %swap3A_416 = arith.constant 21 : index
    %swap3A_417 = vector.load %arg4[%swap3A_415, %swap3A_416] : memref<256x32xi32, #tpu.memory_space<vmem>>, vector<256x1xi32>
    tpu.vector_store %arg4[%swap3A_415, %swap3A_416], %broadcast_in_dim3A_414 {strides = array<i32>} : memref<256x32xi32, #tpu.memory_space<vmem>>, vector<256x1xi32>,
    %eq3A_418 = vector.broadcast %broadcast_in_dim3A_414 : vector<256x1xi32> to vector<256x1024xi32>
    %eq3A_419 = arith.cmpi eq, %get3A_4, %eq3A_418 : vector<256x1024xi32>
    %jit3A_420 = arith.constant 0x7F800000 : f32
    %broadcast_in_dim3A_421 = vector.broadcast %jit3A_420 : f32 to vector<256x1024xf32>
    %select_n3A_422 = arith.select %eq3A_419, %broadcast_in_dim3A_421, %select_n3A_403 : vector<256x1024xi1>, vector<256x1024xf32>
    %reduce_min3A_423 = arith.constant dense<0x7F800000> : vector<256xf32>
    %reduce_min3A_424 = vector.multi_reduction <minimumf>, %select_n3A_422, %reduce_min3A_423 [1] : vector<256x1024xf32> to vector<256xf32>
    %broadcast_in_dim3A_425 = vector.shape_cast %reduce_min3A_424 : vector<256xf32> to vector<256x1xf32>
    %le3A_426 = vector.broadcast %broadcast_in_dim3A_425 : vector<256x1xf32> to vector<256x1024xf32>
    %le3A_427 = arith.cmpf ole, %select_n3A_422, %le3A_426 : vector<256x1024xf32>
    %jit3A_428 = arith.constant 1073741824 : i32
    %broadcast_in_dim3A_429 = vector.broadcast %jit3A_428 : i32 to vector<256x1024xi32>
    %select_n3A_430 = arith.select %le3A_427, %get3A_4, %broadcast_in_dim3A_429 : vector<256x1024xi1>, vector<256x1024xi32>
    %reduce_min3A_431 = arith.constant dense<2147483647> : vector<256xi32>
    %reduce_min3A_432 = vector.multi_reduction <minsi>, %select_n3A_430, %reduce_min3A_431 [1] : vector<256x1024xi32> to vector<256xi32>
    %broadcast_in_dim3A_433 = vector.shape_cast %reduce_min3A_432 : vector<256xi32> to vector<256x1xi32>
    %swap3A_434 = arith.constant 0 : index
    %swap3A_435 = arith.constant 22 : index
    %swap3A_436 = vector.load %arg4[%swap3A_434, %swap3A_435] : memref<256x32xi32, #tpu.memory_space<vmem>>, vector<256x1xi32>
    tpu.vector_store %arg4[%swap3A_434, %swap3A_435], %broadcast_in_dim3A_433 {strides = array<i32>} : memref<256x32xi32, #tpu.memory_space<vmem>>, vector<256x1xi32>,
    %eq3A_437 = vector.broadcast %broadcast_in_dim3A_433 : vector<256x1xi32> to vector<256x1024xi32>
    %eq3A_438 = arith.cmpi eq, %get3A_4, %eq3A_437 : vector<256x1024xi32>
    %jit3A_439 = arith.constant 0x7F800000 : f32
    %broadcast_in_dim3A_440 = vector.broadcast %jit3A_439 : f32 to vector<256x1024xf32>
    %select_n3A_441 = arith.select %eq3A_438, %broadcast_in_dim3A_440, %select_n3A_422 : vector<256x1024xi1>, vector<256x1024xf32>
    %reduce_min3A_442 = arith.constant dense<0x7F800000> : vector<256xf32>
    %reduce_min3A_443 = vector.multi_reduction <minimumf>, %select_n3A_441, %reduce_min3A_442 [1] : vector<256x1024xf32> to vector<256xf32>
    %broadcast_in_dim3A_444 = vector.shape_cast %reduce_min3A_443 : vector<256xf32> to vector<256x1xf32>
    %le3A_445 = vector.broadcast %broadcast_in_dim3A_444 : vector<256x1xf32> to vector<256x1024xf32>
    %le3A_446 = arith.cmpf ole, %select_n3A_441, %le3A_445 : vector<256x1024xf32>
    %jit3A_447 = arith.constant 1073741824 : i32
    %broadcast_in_dim3A_448 = vector.broadcast %jit3A_447 : i32 to vector<256x1024xi32>
    %select_n3A_449 = arith.select %le3A_446, %get3A_4, %broadcast_in_dim3A_448 : vector<256x1024xi1>, vector<256x1024xi32>
    %reduce_min3A_450 = arith.constant dense<2147483647> : vector<256xi32>
    %reduce_min3A_451 = vector.multi_reduction <minsi>, %select_n3A_449, %reduce_min3A_450 [1] : vector<256x1024xi32> to vector<256xi32>
    %broadcast_in_dim3A_452 = vector.shape_cast %reduce_min3A_451 : vector<256xi32> to vector<256x1xi32>
    %swap3A_453 = arith.constant 0 : index
    %swap3A_454 = arith.constant 23 : index
    %swap3A_455 = vector.load %arg4[%swap3A_453, %swap3A_454] : memref<256x32xi32, #tpu.memory_space<vmem>>, vector<256x1xi32>
    tpu.vector_store %arg4[%swap3A_453, %swap3A_454], %broadcast_in_dim3A_452 {strides = array<i32>} : memref<256x32xi32, #tpu.memory_space<vmem>>, vector<256x1xi32>,
    %eq3A_456 = vector.broadcast %broadcast_in_dim3A_452 : vector<256x1xi32> to vector<256x1024xi32>
    %eq3A_457 = arith.cmpi eq, %get3A_4, %eq3A_456 : vector<256x1024xi32>
    %jit3A_458 = arith.constant 0x7F800000 : f32
    %broadcast_in_dim3A_459 = vector.broadcast %jit3A_458 : f32 to vector<256x1024xf32>
    %select_n3A_460 = arith.select %eq3A_457, %broadcast_in_dim3A_459, %select_n3A_441 : vector<256x1024xi1>, vector<256x1024xf32>
    %reduce_min3A_461 = arith.constant dense<0x7F800000> : vector<256xf32>
    %reduce_min3A_462 = vector.multi_reduction <minimumf>, %select_n3A_460, %reduce_min3A_461 [1] : vector<256x1024xf32> to vector<256xf32>
    %broadcast_in_dim3A_463 = vector.shape_cast %reduce_min3A_462 : vector<256xf32> to vector<256x1xf32>
    %le3A_464 = vector.broadcast %broadcast_in_dim3A_463 : vector<256x1xf32> to vector<256x1024xf32>
    %le3A_465 = arith.cmpf ole, %select_n3A_460, %le3A_464 : vector<256x1024xf32>
    %jit3A_466 = arith.constant 1073741824 : i32
    %broadcast_in_dim3A_467 = vector.broadcast %jit3A_466 : i32 to vector<256x1024xi32>
    %select_n3A_468 = arith.select %le3A_465, %get3A_4, %broadcast_in_dim3A_467 : vector<256x1024xi1>, vector<256x1024xi32>
    %reduce_min3A_469 = arith.constant dense<2147483647> : vector<256xi32>
    %reduce_min3A_470 = vector.multi_reduction <minsi>, %select_n3A_468, %reduce_min3A_469 [1] : vector<256x1024xi32> to vector<256xi32>
    %broadcast_in_dim3A_471 = vector.shape_cast %reduce_min3A_470 : vector<256xi32> to vector<256x1xi32>
    %swap3A_472 = arith.constant 0 : index
    %swap3A_473 = arith.constant 24 : index
    %swap3A_474 = vector.load %arg4[%swap3A_472, %swap3A_473] : memref<256x32xi32, #tpu.memory_space<vmem>>, vector<256x1xi32>
    tpu.vector_store %arg4[%swap3A_472, %swap3A_473], %broadcast_in_dim3A_471 {strides = array<i32>} : memref<256x32xi32, #tpu.memory_space<vmem>>, vector<256x1xi32>,
    %eq3A_475 = vector.broadcast %broadcast_in_dim3A_471 : vector<256x1xi32> to vector<256x1024xi32>
    %eq3A_476 = arith.cmpi eq, %get3A_4, %eq3A_475 : vector<256x1024xi32>
    %jit3A_477 = arith.constant 0x7F800000 : f32
    %broadcast_in_dim3A_478 = vector.broadcast %jit3A_477 : f32 to vector<256x1024xf32>
    %select_n3A_479 = arith.select %eq3A_476, %broadcast_in_dim3A_478, %select_n3A_460 : vector<256x1024xi1>, vector<256x1024xf32>
    %reduce_min3A_480 = arith.constant dense<0x7F800000> : vector<256xf32>
    %reduce_min3A_481 = vector.multi_reduction <minimumf>, %select_n3A_479, %reduce_min3A_480 [1] : vector<256x1024xf32> to vector<256xf32>
    %broadcast_in_dim3A_482 = vector.shape_cast %reduce_min3A_481 : vector<256xf32> to vector<256x1xf32>
    %le3A_483 = vector.broadcast %broadcast_in_dim3A_482 : vector<256x1xf32> to vector<256x1024xf32>
    %le3A_484 = arith.cmpf ole, %select_n3A_479, %le3A_483 : vector<256x1024xf32>
    %jit3A_485 = arith.constant 1073741824 : i32
    %broadcast_in_dim3A_486 = vector.broadcast %jit3A_485 : i32 to vector<256x1024xi32>
    %select_n3A_487 = arith.select %le3A_484, %get3A_4, %broadcast_in_dim3A_486 : vector<256x1024xi1>, vector<256x1024xi32>
    %reduce_min3A_488 = arith.constant dense<2147483647> : vector<256xi32>
    %reduce_min3A_489 = vector.multi_reduction <minsi>, %select_n3A_487, %reduce_min3A_488 [1] : vector<256x1024xi32> to vector<256xi32>
    %broadcast_in_dim3A_490 = vector.shape_cast %reduce_min3A_489 : vector<256xi32> to vector<256x1xi32>
    %swap3A_491 = arith.constant 0 : index
    %swap3A_492 = arith.constant 25 : index
    %swap3A_493 = vector.load %arg4[%swap3A_491, %swap3A_492] : memref<256x32xi32, #tpu.memory_space<vmem>>, vector<256x1xi32>
    tpu.vector_store %arg4[%swap3A_491, %swap3A_492], %broadcast_in_dim3A_490 {strides = array<i32>} : memref<256x32xi32, #tpu.memory_space<vmem>>, vector<256x1xi32>,
    %eq3A_494 = vector.broadcast %broadcast_in_dim3A_490 : vector<256x1xi32> to vector<256x1024xi32>
    %eq3A_495 = arith.cmpi eq, %get3A_4, %eq3A_494 : vector<256x1024xi32>
    %jit3A_496 = arith.constant 0x7F800000 : f32
    %broadcast_in_dim3A_497 = vector.broadcast %jit3A_496 : f32 to vector<256x1024xf32>
    %select_n3A_498 = arith.select %eq3A_495, %broadcast_in_dim3A_497, %select_n3A_479 : vector<256x1024xi1>, vector<256x1024xf32>
    %reduce_min3A_499 = arith.constant dense<0x7F800000> : vector<256xf32>
    %reduce_min3A_500 = vector.multi_reduction <minimumf>, %select_n3A_498, %reduce_min3A_499 [1] : vector<256x1024xf32> to vector<256xf32>
    %broadcast_in_dim3A_501 = vector.shape_cast %reduce_min3A_500 : vector<256xf32> to vector<256x1xf32>
    %le3A_502 = vector.broadcast %broadcast_in_dim3A_501 : vector<256x1xf32> to vector<256x1024xf32>
    %le3A_503 = arith.cmpf ole, %select_n3A_498, %le3A_502 : vector<256x1024xf32>
    %jit3A_504 = arith.constant 1073741824 : i32
    %broadcast_in_dim3A_505 = vector.broadcast %jit3A_504 : i32 to vector<256x1024xi32>
    %select_n3A_506 = arith.select %le3A_503, %get3A_4, %broadcast_in_dim3A_505 : vector<256x1024xi1>, vector<256x1024xi32>
    %reduce_min3A_507 = arith.constant dense<2147483647> : vector<256xi32>
    %reduce_min3A_508 = vector.multi_reduction <minsi>, %select_n3A_506, %reduce_min3A_507 [1] : vector<256x1024xi32> to vector<256xi32>
    %broadcast_in_dim3A_509 = vector.shape_cast %reduce_min3A_508 : vector<256xi32> to vector<256x1xi32>
    %swap3A_510 = arith.constant 0 : index
    %swap3A_511 = arith.constant 26 : index
    %swap3A_512 = vector.load %arg4[%swap3A_510, %swap3A_511] : memref<256x32xi32, #tpu.memory_space<vmem>>, vector<256x1xi32>
    tpu.vector_store %arg4[%swap3A_510, %swap3A_511], %broadcast_in_dim3A_509 {strides = array<i32>} : memref<256x32xi32, #tpu.memory_space<vmem>>, vector<256x1xi32>,
    %eq3A_513 = vector.broadcast %broadcast_in_dim3A_509 : vector<256x1xi32> to vector<256x1024xi32>
    %eq3A_514 = arith.cmpi eq, %get3A_4, %eq3A_513 : vector<256x1024xi32>
    %jit3A_515 = arith.constant 0x7F800000 : f32
    %broadcast_in_dim3A_516 = vector.broadcast %jit3A_515 : f32 to vector<256x1024xf32>
    %select_n3A_517 = arith.select %eq3A_514, %broadcast_in_dim3A_516, %select_n3A_498 : vector<256x1024xi1>, vector<256x1024xf32>
    %reduce_min3A_518 = arith.constant dense<0x7F800000> : vector<256xf32>
    %reduce_min3A_519 = vector.multi_reduction <minimumf>, %select_n3A_517, %reduce_min3A_518 [1] : vector<256x1024xf32> to vector<256xf32>
    %broadcast_in_dim3A_520 = vector.shape_cast %reduce_min3A_519 : vector<256xf32> to vector<256x1xf32>
    %le3A_521 = vector.broadcast %broadcast_in_dim3A_520 : vector<256x1xf32> to vector<256x1024xf32>
    %le3A_522 = arith.cmpf ole, %select_n3A_517, %le3A_521 : vector<256x1024xf32>
    %jit3A_523 = arith.constant 1073741824 : i32
    %broadcast_in_dim3A_524 = vector.broadcast %jit3A_523 : i32 to vector<256x1024xi32>
    %select_n3A_525 = arith.select %le3A_522, %get3A_4, %broadcast_in_dim3A_524 : vector<256x1024xi1>, vector<256x1024xi32>
    %reduce_min3A_526 = arith.constant dense<2147483647> : vector<256xi32>
    %reduce_min3A_527 = vector.multi_reduction <minsi>, %select_n3A_525, %reduce_min3A_526 [1] : vector<256x1024xi32> to vector<256xi32>
    %broadcast_in_dim3A_528 = vector.shape_cast %reduce_min3A_527 : vector<256xi32> to vector<256x1xi32>
    %swap3A_529 = arith.constant 0 : index
    %swap3A_530 = arith.constant 27 : index
    %swap3A_531 = vector.load %arg4[%swap3A_529, %swap3A_530] : memref<256x32xi32, #tpu.memory_space<vmem>>, vector<256x1xi32>
    tpu.vector_store %arg4[%swap3A_529, %swap3A_530], %broadcast_in_dim3A_528 {strides = array<i32>} : memref<256x32xi32, #tpu.memory_space<vmem>>, vector<256x1xi32>,
    %eq3A_532 = vector.broadcast %broadcast_in_dim3A_528 : vector<256x1xi32> to vector<256x1024xi32>
    %eq3A_533 = arith.cmpi eq, %get3A_4, %eq3A_532 : vector<256x1024xi32>
    %jit3A_534 = arith.constant 0x7F800000 : f32
    %broadcast_in_dim3A_535 = vector.broadcast %jit3A_534 : f32 to vector<256x1024xf32>
    %select_n3A_536 = arith.select %eq3A_533, %broadcast_in_dim3A_535, %select_n3A_517 : vector<256x1024xi1>, vector<256x1024xf32>
    %reduce_min3A_537 = arith.constant dense<0x7F800000> : vector<256xf32>
    %reduce_min3A_538 = vector.multi_reduction <minimumf>, %select_n3A_536, %reduce_min3A_537 [1] : vector<256x1024xf32> to vector<256xf32>
    %broadcast_in_dim3A_539 = vector.shape_cast %reduce_min3A_538 : vector<256xf32> to vector<256x1xf32>
    %le3A_540 = vector.broadcast %broadcast_in_dim3A_539 : vector<256x1xf32> to vector<256x1024xf32>
    %le3A_541 = arith.cmpf ole, %select_n3A_536, %le3A_540 : vector<256x1024xf32>
    %jit3A_542 = arith.constant 1073741824 : i32
    %broadcast_in_dim3A_543 = vector.broadcast %jit3A_542 : i32 to vector<256x1024xi32>
    %select_n3A_544 = arith.select %le3A_541, %get3A_4, %broadcast_in_dim3A_543 : vector<256x1024xi1>, vector<256x1024xi32>
    %reduce_min3A_545 = arith.constant dense<2147483647> : vector<256xi32>
    %reduce_min3A_546 = vector.multi_reduction <minsi>, %select_n3A_544, %reduce_min3A_545 [1] : vector<256x1024xi32> to vector<256xi32>
    %broadcast_in_dim3A_547 = vector.shape_cast %reduce_min3A_546 : vector<256xi32> to vector<256x1xi32>
    %swap3A_548 = arith.constant 0 : index
    %swap3A_549 = arith.constant 28 : index
    %swap3A_550 = vector.load %arg4[%swap3A_548, %swap3A_549] : memref<256x32xi32, #tpu.memory_space<vmem>>, vector<256x1xi32>
    tpu.vector_store %arg4[%swap3A_548, %swap3A_549], %broadcast_in_dim3A_547 {strides = array<i32>} : memref<256x32xi32, #tpu.memory_space<vmem>>, vector<256x1xi32>,
    %eq3A_551 = vector.broadcast %broadcast_in_dim3A_547 : vector<256x1xi32> to vector<256x1024xi32>
    %eq3A_552 = arith.cmpi eq, %get3A_4, %eq3A_551 : vector<256x1024xi32>
    %jit3A_553 = arith.constant 0x7F800000 : f32
    %broadcast_in_dim3A_554 = vector.broadcast %jit3A_553 : f32 to vector<256x1024xf32>
    %select_n3A_555 = arith.select %eq3A_552, %broadcast_in_dim3A_554, %select_n3A_536 : vector<256x1024xi1>, vector<256x1024xf32>
    %reduce_min3A_556 = arith.constant dense<0x7F800000> : vector<256xf32>
    %reduce_min3A_557 = vector.multi_reduction <minimumf>, %select_n3A_555, %reduce_min3A_556 [1] : vector<256x1024xf32> to vector<256xf32>
    %broadcast_in_dim3A_558 = vector.shape_cast %reduce_min3A_557 : vector<256xf32> to vector<256x1xf32>
    %le3A_559 = vector.broadcast %broadcast_in_dim3A_558 : vector<256x1xf32> to vector<256x1024xf32>
    %le3A_560 = arith.cmpf ole, %select_n3A_555, %le3A_559 : vector<256x1024xf32>
    %jit3A_561 = arith.constant 1073741824 : i32
    %broadcast_in_dim3A_562 = vector.broadcast %jit3A_561 : i32 to vector<256x1024xi32>
    %select_n3A_563 = arith.select %le3A_560, %get3A_4, %broadcast_in_dim3A_562 : vector<256x1024xi1>, vector<256x1024xi32>
    %reduce_min3A_564 = arith.constant dense<2147483647> : vector<256xi32>
    %reduce_min3A_565 = vector.multi_reduction <minsi>, %select_n3A_563, %reduce_min3A_564 [1] : vector<256x1024xi32> to vector<256xi32>
    %broadcast_in_dim3A_566 = vector.shape_cast %reduce_min3A_565 : vector<256xi32> to vector<256x1xi32>
    %swap3A_567 = arith.constant 0 : index
    %swap3A_568 = arith.constant 29 : index
    %swap3A_569 = vector.load %arg4[%swap3A_567, %swap3A_568] : memref<256x32xi32, #tpu.memory_space<vmem>>, vector<256x1xi32>
    tpu.vector_store %arg4[%swap3A_567, %swap3A_568], %broadcast_in_dim3A_566 {strides = array<i32>} : memref<256x32xi32, #tpu.memory_space<vmem>>, vector<256x1xi32>,
    %eq3A_570 = vector.broadcast %broadcast_in_dim3A_566 : vector<256x1xi32> to vector<256x1024xi32>
    %eq3A_571 = arith.cmpi eq, %get3A_4, %eq3A_570 : vector<256x1024xi32>
    %jit3A_572 = arith.constant 0x7F800000 : f32
    %broadcast_in_dim3A_573 = vector.broadcast %jit3A_572 : f32 to vector<256x1024xf32>
    %select_n3A_574 = arith.select %eq3A_571, %broadcast_in_dim3A_573, %select_n3A_555 : vector<256x1024xi1>, vector<256x1024xf32>
    %reduce_min3A_575 = arith.constant dense<0x7F800000> : vector<256xf32>
    %reduce_min3A_576 = vector.multi_reduction <minimumf>, %select_n3A_574, %reduce_min3A_575 [1] : vector<256x1024xf32> to vector<256xf32>
    %broadcast_in_dim3A_577 = vector.shape_cast %reduce_min3A_576 : vector<256xf32> to vector<256x1xf32>
    %le3A_578 = vector.broadcast %broadcast_in_dim3A_577 : vector<256x1xf32> to vector<256x1024xf32>
    %le3A_579 = arith.cmpf ole, %select_n3A_574, %le3A_578 : vector<256x1024xf32>
    %jit3A_580 = arith.constant 1073741824 : i32
    %broadcast_in_dim3A_581 = vector.broadcast %jit3A_580 : i32 to vector<256x1024xi32>
    %select_n3A_582 = arith.select %le3A_579, %get3A_4, %broadcast_in_dim3A_581 : vector<256x1024xi1>, vector<256x1024xi32>
    %reduce_min3A_583 = arith.constant dense<2147483647> : vector<256xi32>
    %reduce_min3A_584 = vector.multi_reduction <minsi>, %select_n3A_582, %reduce_min3A_583 [1] : vector<256x1024xi32> to vector<256xi32>
    %broadcast_in_dim3A_585 = vector.shape_cast %reduce_min3A_584 : vector<256xi32> to vector<256x1xi32>
    %swap3A_586 = arith.constant 0 : index
    %swap3A_587 = arith.constant 30 : index
    %swap3A_588 = vector.load %arg4[%swap3A_586, %swap3A_587] : memref<256x32xi32, #tpu.memory_space<vmem>>, vector<256x1xi32>
    tpu.vector_store %arg4[%swap3A_586, %swap3A_587], %broadcast_in_dim3A_585 {strides = array<i32>} : memref<256x32xi32, #tpu.memory_space<vmem>>, vector<256x1xi32>,
    %eq3A_589 = vector.broadcast %broadcast_in_dim3A_585 : vector<256x1xi32> to vector<256x1024xi32>
    %eq3A_590 = arith.cmpi eq, %get3A_4, %eq3A_589 : vector<256x1024xi32>
    %jit3A_591 = arith.constant 0x7F800000 : f32
    %broadcast_in_dim3A_592 = vector.broadcast %jit3A_591 : f32 to vector<256x1024xf32>
    %select_n3A_593 = arith.select %eq3A_590, %broadcast_in_dim3A_592, %select_n3A_574 : vector<256x1024xi1>, vector<256x1024xf32>
    %reduce_min3A_594 = arith.constant dense<0x7F800000> : vector<256xf32>
    %reduce_min3A_595 = vector.multi_reduction <minimumf>, %select_n3A_593, %reduce_min3A_594 [1] : vector<256x1024xf32> to vector<256xf32>
    %broadcast_in_dim3A_596 = vector.shape_cast %reduce_min3A_595 : vector<256xf32> to vector<256x1xf32>
    %le3A_597 = vector.broadcast %broadcast_in_dim3A_596 : vector<256x1xf32> to vector<256x1024xf32>
    %le3A_598 = arith.cmpf ole, %select_n3A_593, %le3A_597 : vector<256x1024xf32>
    %jit3A_599 = arith.constant 1073741824 : i32
    %broadcast_in_dim3A_600 = vector.broadcast %jit3A_599 : i32 to vector<256x1024xi32>
    %select_n3A_601 = arith.select %le3A_598, %get3A_4, %broadcast_in_dim3A_600 : vector<256x1024xi1>, vector<256x1024xi32>
    %reduce_min3A_602 = arith.constant dense<2147483647> : vector<256xi32>
    %reduce_min3A_603 = vector.multi_reduction <minsi>, %select_n3A_601, %reduce_min3A_602 [1] : vector<256x1024xi32> to vector<256xi32>
    %broadcast_in_dim3A_604 = vector.shape_cast %reduce_min3A_603 : vector<256xi32> to vector<256x1xi32>
    %swap3A_605 = arith.constant 0 : index
    %swap3A_606 = arith.constant 31 : index
    %swap3A_607 = vector.load %arg4[%swap3A_605, %swap3A_606] : memref<256x32xi32, #tpu.memory_space<vmem>>, vector<256x1xi32>
    tpu.vector_store %arg4[%swap3A_605, %swap3A_606], %broadcast_in_dim3A_604 {strides = array<i32>} : memref<256x32xi32, #tpu.memory_space<vmem>>, vector<256x1xi32>,
    return
  }
  func.func @transform_0(%arg0: i32) -> (i32, i32) {
    %c0_i32 = arith.constant 0 : i32
    %c0_i32_0 = arith.constant 0 : i32
    return %arg0, %c0_i32 : i32, i32
  }
  func.func @transform_1(%arg0: i32) -> (i32, i32) {
    %c0_i32 = arith.constant 0 : i32
    %c0_i32_0 = arith.constant 0 : i32
    return %arg0, %c0_i32 : i32, i32
  }
  func.func @transform_2(%arg0: i32) -> (i32, i32) {
    %c0_i32 = arith.constant 0 : i32
    %c0_i32_0 = arith.constant 0 : i32
    return %arg0, %c0_i32 : i32, i32
  }
  func.func @transform_3(%arg0: i32) -> (i32, i32) {
    %c0_i32 = arith.constant 0 : i32
    %c0_i32_0 = arith.constant 0 : i32
    return %arg0, %c0_i32 : i32, i32
  }
}

module attributes {stable_mosaic.version = 14 : i64} {
  func.func @_stage_body(%arg0: i32, %arg1: i32, %arg2: memref<4096x16xf32, #tpu.memory_space<vmem>>, %arg3: memref<128x3xf32, #tpu.memory_space<vmem>>, %arg4: memref<16x32xf32, #tpu.memory_space<vmem>>, %arg5: memref<3x32xf32, #tpu.memory_space<vmem>>, %arg6: memref<1x32xf32, #tpu.memory_space<vmem>>, %arg7: memref<32x32xf32, #tpu.memory_space<vmem>>, %arg8: memref<1x32xf32, #tpu.memory_space<vmem>>, %arg9: memref<32x32xf32, #tpu.memory_space<vmem>>, %arg10: memref<1x32xf32, #tpu.memory_space<vmem>>, %arg11: memref<128x32xf32, #tpu.memory_space<vmem>>, %arg12: memref<4096x3xf32, #tpu.memory_space<vmem>>, %arg13: memref<8x32xf32, #tpu.memory_space<vmem>>, %arg14: memref<8x32xf32, #tpu.memory_space<vmem>>, %arg15: memref<8x32xf32, #tpu.memory_space<vmem>>, %arg16: memref<8x32xf32, #tpu.memory_space<vmem>>, %arg17: memref<8x32xf32, #tpu.memory_space<vmem>>, %arg18: memref<8x32xf32, #tpu.memory_space<vmem>>) attributes {dimension_semantics = [#tpu.dimension_semantics<arbitrary>, #tpu.dimension_semantics<arbitrary>], iteration_bounds = array<i64: 4, 64>, scalar_prefetch = 0 : i64, scratch_operands = 6 : i64, tpu.core_type = #tpu.core_type<tc>, window_params = [{transform_indices = @transform_0, window_bounds = array<i64: 4096, 16>}, {transform_indices = @transform_1, window_bounds = array<i64: 128, 3>}, {pipeline_mode = #tpu.pipeline_mode<synchronous>, transform_indices = @transform_2, window_bounds = array<i64: 16, 32>}, {pipeline_mode = #tpu.pipeline_mode<synchronous>, transform_indices = @transform_3, window_bounds = array<i64: 3, 32>}, {pipeline_mode = #tpu.pipeline_mode<synchronous>, transform_indices = @transform_4, window_bounds = array<i64: 1, 32>}, {pipeline_mode = #tpu.pipeline_mode<synchronous>, transform_indices = @transform_5, window_bounds = array<i64: 32, 32>}, {pipeline_mode = #tpu.pipeline_mode<synchronous>, transform_indices = @transform_6, window_bounds = array<i64: 1, 32>}, {pipeline_mode = #tpu.pipeline_mode<synchronous>, transform_indices = @transform_7, window_bounds = array<i64: 32, 32>}, {pipeline_mode = #tpu.pipeline_mode<synchronous>, transform_indices = @transform_8, window_bounds = array<i64: 1, 32>}, {transform_indices = @transform_9, window_bounds = array<i64: 128, 32>}, {transform_indices = @transform_10, window_bounds = array<i64: 4096, 3>}]} {
    %get3A = arith.constant 0 : index
    %get3A_0 = arith.constant 0 : index
    %get3A_1 = vector.load %arg3[%get3A, %get3A_0] : memref<128x3xf32, #tpu.memory_space<vmem>>, vector<128x3xf32>
    %broadcast_in_dim3A = vector.shape_cast %get3A_1 : vector<128x3xf32> to vector<128x1x3xf32>
    %broadcast_in_dim3A_2 = vector.shape_cast %broadcast_in_dim3A : vector<128x1x3xf32> to vector<128x1x3xf32>
    %broadcast_in_dim3A_3 = vector.broadcast %broadcast_in_dim3A_2 : vector<128x1x3xf32> to vector<128x32x3xf32>
    %reshape3A = vector.shape_cast %broadcast_in_dim3A_3 : vector<128x32x3xf32> to vector<4096x3xf32>
    %get3A_4 = arith.constant 0 : index
    %get3A_5 = arith.constant 0 : index
    %get3A_6 = vector.load %arg2[%get3A_4, %get3A_5] : memref<4096x16xf32, #tpu.memory_space<vmem>>, vector<4096x16xf32>
    %slice3A = vector.extract_strided_slice %get3A_6 {offsets = [0, 0], sizes = [4096, 3], strides = [1, 1]} : vector<4096x16xf32> to vector<4096x3xf32>
    %sub3A = arith.subf %slice3A, %reshape3A : vector<4096x3xf32>
    %swap3A = arith.constant 0 : index
    %swap3A_7 = arith.constant 0 : index
    %swap3A_8 = vector.load %arg12[%swap3A, %swap3A_7] : memref<4096x3xf32, #tpu.memory_space<vmem>>, vector<4096x3xf32>
    tpu.vector_store %arg12[%swap3A, %swap3A_7], %sub3A {strides = array<i32>} : memref<4096x3xf32, #tpu.memory_space<vmem>>, vector<4096x3xf32>,
    %eq3A = arith.constant 0 : i32
    %eq3A_9 = arith.cmpi eq, %arg0, %eq3A : i32
    %eq3A_10 = arith.constant 0 : i32
    %eq3A_11 = arith.cmpi eq, %arg1, %eq3A_10 : i32
    %and3A = arith.andi %eq3A_9, %eq3A_11 : i1
    %convert_element_type3A = arith.extui %and3A : i1 to i32
    %cond3A = arith.constant 0 : i32
    %cond3A_12 = arith.cmpi ne, %convert_element_type3A, %cond3A : i32
    scf.if %cond3A_12 {
      %broadcast_in_dim3A_52 = arith.constant 0.000000e+00 : f32
      %broadcast_in_dim3A_53 = vector.broadcast %broadcast_in_dim3A_52 : f32 to vector<8x32xf32>
      %swap3A_54 = arith.constant 0 : index
      %swap3A_55 = arith.constant 0 : index
      %swap3A_56 = vector.load %arg13[%swap3A_54, %swap3A_55] : memref<8x32xf32, #tpu.memory_space<vmem>>, vector<8x32xf32>
      tpu.vector_store %arg13[%swap3A_54, %swap3A_55], %broadcast_in_dim3A_53 {strides = array<i32>} : memref<8x32xf32, #tpu.memory_space<vmem>>, vector<8x32xf32>,
      %broadcast_in_dim3A_57 = arith.constant 0.000000e+00 : f32
      %broadcast_in_dim3A_58 = vector.broadcast %broadcast_in_dim3A_57 : f32 to vector<8x32xf32>
      %swap3A_59 = arith.constant 0 : index
      %swap3A_60 = arith.constant 0 : index
      %swap3A_61 = vector.load %arg14[%swap3A_59, %swap3A_60] : memref<8x32xf32, #tpu.memory_space<vmem>>, vector<8x32xf32>
      tpu.vector_store %arg14[%swap3A_59, %swap3A_60], %broadcast_in_dim3A_58 {strides = array<i32>} : memref<8x32xf32, #tpu.memory_space<vmem>>, vector<8x32xf32>,
    } else {
    }
    %eq3A_13 = arith.constant 1 : i32
    %eq3A_14 = arith.cmpi eq, %arg0, %eq3A_13 : i32
    %eq3A_15 = arith.constant 0 : i32
    %eq3A_16 = arith.cmpi eq, %arg1, %eq3A_15 : i32
    %and3A_17 = arith.andi %eq3A_14, %eq3A_16 : i1
    %convert_element_type3A_18 = arith.extui %and3A_17 : i1 to i32
    %cond3A_19 = arith.constant 0 : i32
    %cond3A_20 = arith.cmpi ne, %convert_element_type3A_18, %cond3A_19 : i32
    scf.if %cond3A_20 {
      %broadcast_in_dim3A_52 = arith.constant 0.000000e+00 : f32
      %broadcast_in_dim3A_53 = vector.broadcast %broadcast_in_dim3A_52 : f32 to vector<8x32xf32>
      %swap3A_54 = arith.constant 0 : index
      %swap3A_55 = arith.constant 0 : index
      %swap3A_56 = vector.load %arg15[%swap3A_54, %swap3A_55] : memref<8x32xf32, #tpu.memory_space<vmem>>, vector<8x32xf32>
      tpu.vector_store %arg15[%swap3A_54, %swap3A_55], %broadcast_in_dim3A_53 {strides = array<i32>} : memref<8x32xf32, #tpu.memory_space<vmem>>, vector<8x32xf32>,
      %broadcast_in_dim3A_57 = arith.constant 0.000000e+00 : f32
      %broadcast_in_dim3A_58 = vector.broadcast %broadcast_in_dim3A_57 : f32 to vector<8x32xf32>
      %swap3A_59 = arith.constant 0 : index
      %swap3A_60 = arith.constant 0 : index
      %swap3A_61 = vector.load %arg16[%swap3A_59, %swap3A_60] : memref<8x32xf32, #tpu.memory_space<vmem>>, vector<8x32xf32>
      tpu.vector_store %arg16[%swap3A_59, %swap3A_60], %broadcast_in_dim3A_58 {strides = array<i32>} : memref<8x32xf32, #tpu.memory_space<vmem>>, vector<8x32xf32>,
    } else {
    }
    %eq3A_21 = arith.constant 2 : i32
    %eq3A_22 = arith.cmpi eq, %arg0, %eq3A_21 : i32
    %eq3A_23 = arith.constant 0 : i32
    %eq3A_24 = arith.cmpi eq, %arg1, %eq3A_23 : i32
    %and3A_25 = arith.andi %eq3A_22, %eq3A_24 : i1
    %convert_element_type3A_26 = arith.extui %and3A_25 : i1 to i32
    %cond3A_27 = arith.constant 0 : i32
    %cond3A_28 = arith.cmpi ne, %convert_element_type3A_26, %cond3A_27 : i32
    scf.if %cond3A_28 {
      %broadcast_in_dim3A_52 = arith.constant 0.000000e+00 : f32
      %broadcast_in_dim3A_53 = vector.broadcast %broadcast_in_dim3A_52 : f32 to vector<8x32xf32>
      %swap3A_54 = arith.constant 0 : index
      %swap3A_55 = arith.constant 0 : index
      %swap3A_56 = vector.load %arg17[%swap3A_54, %swap3A_55] : memref<8x32xf32, #tpu.memory_space<vmem>>, vector<8x32xf32>
      tpu.vector_store %arg17[%swap3A_54, %swap3A_55], %broadcast_in_dim3A_53 {strides = array<i32>} : memref<8x32xf32, #tpu.memory_space<vmem>>, vector<8x32xf32>,
      %broadcast_in_dim3A_57 = arith.constant 0.000000e+00 : f32
      %broadcast_in_dim3A_58 = vector.broadcast %broadcast_in_dim3A_57 : f32 to vector<8x32xf32>
      %swap3A_59 = arith.constant 0 : index
      %swap3A_60 = arith.constant 0 : index
      %swap3A_61 = vector.load %arg18[%swap3A_59, %swap3A_60] : memref<8x32xf32, #tpu.memory_space<vmem>>, vector<8x32xf32>
      tpu.vector_store %arg18[%swap3A_59, %swap3A_60], %broadcast_in_dim3A_58 {strides = array<i32>} : memref<8x32xf32, #tpu.memory_space<vmem>>, vector<8x32xf32>,
    } else {
    }
    %eq3A_29 = arith.constant 0 : i32
    %eq3A_30 = arith.cmpi eq, %arg0, %eq3A_29 : i32
    %convert_element_type3A_31 = arith.extui %eq3A_30 : i1 to i32
    %cond3A_32 = arith.constant 0 : i32
    %cond3A_33 = arith.cmpi ne, %convert_element_type3A_31, %cond3A_32 : i32
    scf.if %cond3A_33 {
      %get3A_52 = arith.constant 0 : index
      %get3A_53 = arith.constant 0 : index
      %get3A_54 = vector.load %arg2[%get3A_52, %get3A_53] : memref<4096x16xf32, #tpu.memory_space<vmem>>, vector<4096x16xf32>
      %get3A_55 = arith.constant 0 : index
      %get3A_56 = arith.constant 0 : index
      %get3A_57 = vector.load %arg4[%get3A_55, %get3A_56] : memref<16x32xf32, #tpu.memory_space<vmem>>, vector<16x32xf32>
      %dot_general3A = arith.constant dense<0.000000e+00> : vector<4096x32xf32>
      %dot_general3A_58 = tpu.matmul %get3A_54, %get3A_57, %dot_general3A {dimension_numbers = #tpu.dot_dimension_numbers<[1], [0], [0], [1], [0, 0, 1, 1], [], []>, transpose_lhs_hint = false} : vector<4096x16xf32>, vector<16x32xf32>, vector<4096x32xf32> -> vector<4096x32xf32>
      %get3A_59 = arith.constant 0 : index
      %get3A_60 = arith.constant 0 : index
      %get3A_61 = vector.load %arg5[%get3A_59, %get3A_60] : memref<3x32xf32, #tpu.memory_space<vmem>>, vector<3x32xf32>
      %dot_general3A_62 = arith.constant dense<0.000000e+00> : vector<4096x32xf32>
      %dot_general3A_63 = tpu.matmul %sub3A, %get3A_61, %dot_general3A_62 {dimension_numbers = #tpu.dot_dimension_numbers<[1], [0], [0], [1], [0, 0, 1, 1], [], []>, transpose_lhs_hint = false} : vector<4096x3xf32>, vector<3x32xf32>, vector<4096x32xf32> -> vector<4096x32xf32>
      %add3A = arith.addf %dot_general3A_58, %dot_general3A_63 : vector<4096x32xf32>
      %get3A_64 = arith.constant 0 : index
      %get3A_65 = arith.constant 0 : index
      %get3A_66 = vector.load %arg6[%get3A_64, %get3A_65] : memref<1x32xf32, #tpu.memory_space<vmem>>, vector<1x32xf32>
      %add3A_67 = vector.broadcast %get3A_66 : vector<1x32xf32> to vector<4096x32xf32>
      %add3A_68 = arith.addf %add3A, %add3A_67 : vector<4096x32xf32>
      %get3A_69 = arith.constant 0 : index
      %get3A_70 = arith.constant 0 : index
      %get3A_71 = vector.load %arg13[%get3A_69, %get3A_70] : memref<8x32xf32, #tpu.memory_space<vmem>>, vector<1x32xf32>
      %reduce_sum3A = arith.constant dense<0.000000e+00> : vector<32xf32>
      %reduce_sum3A_72 = vector.multi_reduction <add>, %add3A_68, %reduce_sum3A [0] : vector<4096x32xf32> to vector<32xf32>
      %broadcast_in_dim3A_73 = vector.shape_cast %reduce_sum3A_72 : vector<32xf32> to vector<1x32xf32>
      %add3A_74 = arith.addf %get3A_71, %broadcast_in_dim3A_73 : vector<1x32xf32>
      %swap3A_75 = arith.constant 0 : index
      %swap3A_76 = arith.constant 0 : index
      %swap3A_77 = vector.load %arg13[%swap3A_75, %swap3A_76] : memref<8x32xf32, #tpu.memory_space<vmem>>, vector<1x32xf32>
      tpu.vector_store %arg13[%swap3A_75, %swap3A_76], %add3A_74 {strides = array<i32>} : memref<8x32xf32, #tpu.memory_space<vmem>>, vector<1x32xf32>,
      %get3A_78 = arith.constant 0 : index
      %get3A_79 = arith.constant 0 : index
      %get3A_80 = vector.load %arg14[%get3A_78, %get3A_79] : memref<8x32xf32, #tpu.memory_space<vmem>>, vector<1x32xf32>
      %mul3A = arith.mulf %add3A_68, %add3A_68 : vector<4096x32xf32>
      %reduce_sum3A_81 = arith.constant dense<0.000000e+00> : vector<32xf32>
      %reduce_sum3A_82 = vector.multi_reduction <add>, %mul3A, %reduce_sum3A_81 [0] : vector<4096x32xf32> to vector<32xf32>
      %broadcast_in_dim3A_83 = vector.shape_cast %reduce_sum3A_82 : vector<32xf32> to vector<1x32xf32>
      %add3A_84 = arith.addf %get3A_80, %broadcast_in_dim3A_83 : vector<1x32xf32>
      %swap3A_85 = arith.constant 0 : index
      %swap3A_86 = arith.constant 0 : index
      %swap3A_87 = vector.load %arg14[%swap3A_85, %swap3A_86] : memref<8x32xf32, #tpu.memory_space<vmem>>, vector<1x32xf32>
      tpu.vector_store %arg14[%swap3A_85, %swap3A_86], %add3A_84 {strides = array<i32>} : memref<8x32xf32, #tpu.memory_space<vmem>>, vector<1x32xf32>,
      %broadcast_in_dim3A_88 = arith.constant 0.000000e+00 : f32
      %broadcast_in_dim3A_89 = vector.broadcast %broadcast_in_dim3A_88 : f32 to vector<128x32xf32>
      %swap3A_90 = arith.constant 0 : index
      %swap3A_91 = arith.constant 0 : index
      %swap3A_92 = vector.load %arg11[%swap3A_90, %swap3A_91] : memref<128x32xf32, #tpu.memory_space<vmem>>, vector<128x32xf32>
      tpu.vector_store %arg11[%swap3A_90, %swap3A_91], %broadcast_in_dim3A_89 {strides = array<i32>} : memref<128x32xf32, #tpu.memory_space<vmem>>, vector<128x32xf32>,
    } else {
    }
    %eq3A_34 = arith.constant 1 : i32
    %eq3A_35 = arith.cmpi eq, %arg0, %eq3A_34 : i32
    %convert_element_type3A_36 = arith.extui %eq3A_35 : i1 to i32
    %cond3A_37 = arith.constant 3.81469727E-6 : f32
    %cond3A_38 = arith.constant 0 : i32
    %cond3A_39 = arith.cmpi ne, %convert_element_type3A_36, %cond3A_38 : i32
    scf.if %cond3A_39 {
      %get3A_52 = arith.constant 0 : index
      %get3A_53 = arith.constant 0 : index
      %get3A_54 = vector.load %arg2[%get3A_52, %get3A_53] : memref<4096x16xf32, #tpu.memory_space<vmem>>, vector<4096x16xf32>
      %get3A_55 = arith.constant 0 : index
      %get3A_56 = arith.constant 0 : index
      %get3A_57 = vector.load %arg4[%get3A_55, %get3A_56] : memref<16x32xf32, #tpu.memory_space<vmem>>, vector<16x32xf32>
      %dot_general3A = arith.constant dense<0.000000e+00> : vector<4096x32xf32>
      %dot_general3A_58 = tpu.matmul %get3A_54, %get3A_57, %dot_general3A {dimension_numbers = #tpu.dot_dimension_numbers<[1], [0], [0], [1], [0, 0, 1, 1], [], []>, transpose_lhs_hint = false} : vector<4096x16xf32>, vector<16x32xf32>, vector<4096x32xf32> -> vector<4096x32xf32>
      %get3A_59 = arith.constant 0 : index
      %get3A_60 = arith.constant 0 : index
      %get3A_61 = vector.load %arg5[%get3A_59, %get3A_60] : memref<3x32xf32, #tpu.memory_space<vmem>>, vector<3x32xf32>
      %dot_general3A_62 = arith.constant dense<0.000000e+00> : vector<4096x32xf32>
      %dot_general3A_63 = tpu.matmul %sub3A, %get3A_61, %dot_general3A_62 {dimension_numbers = #tpu.dot_dimension_numbers<[1], [0], [0], [1], [0, 0, 1, 1], [], []>, transpose_lhs_hint = false} : vector<4096x3xf32>, vector<3x32xf32>, vector<4096x32xf32> -> vector<4096x32xf32>
      %add3A = arith.addf %dot_general3A_58, %dot_general3A_63 : vector<4096x32xf32>
      %get3A_64 = arith.constant 0 : index
      %get3A_65 = arith.constant 0 : index
      %get3A_66 = vector.load %arg6[%get3A_64, %get3A_65] : memref<1x32xf32, #tpu.memory_space<vmem>>, vector<1x32xf32>
      %add3A_67 = vector.broadcast %get3A_66 : vector<1x32xf32> to vector<4096x32xf32>
      %add3A_68 = arith.addf %add3A, %add3A_67 : vector<4096x32xf32>
      %get3A_69 = arith.constant 0 : index
      %get3A_70 = arith.constant 0 : index
      %get3A_71 = vector.load %arg13[%get3A_69, %get3A_70] : memref<8x32xf32, #tpu.memory_space<vmem>>, vector<1x32xf32>
      %mul3A = vector.broadcast %cond3A_37 : f32 to vector<1x32xf32>
      %mul3A_72 = arith.mulf %get3A_71, %mul3A : vector<1x32xf32>
      %get3A_73 = arith.constant 0 : index
      %get3A_74 = arith.constant 0 : index
      %get3A_75 = vector.load %arg14[%get3A_73, %get3A_74] : memref<8x32xf32, #tpu.memory_space<vmem>>, vector<1x32xf32>
      %mul3A_76 = vector.broadcast %cond3A_37 : f32 to vector<1x32xf32>
      %mul3A_77 = arith.mulf %get3A_75, %mul3A_76 : vector<1x32xf32>
      %mul3A_78 = arith.mulf %mul3A_72, %mul3A_72 : vector<1x32xf32>
      %sub3A_79 = arith.subf %mul3A_77, %mul3A_78 : vector<1x32xf32>
      %sub3A_80 = vector.broadcast %mul3A_72 : vector<1x32xf32> to vector<4096x32xf32>
      %sub3A_81 = arith.subf %add3A_68, %sub3A_80 : vector<4096x32xf32>
      %add3A_82 = arith.constant 9.99999974E-6 : f32
      %add3A_83 = vector.broadcast %add3A_82 : f32 to vector<1x32xf32>
      %add3A_84 = arith.addf %sub3A_79, %add3A_83 : vector<1x32xf32>
      %rsqrt3A = math.rsqrt %add3A_84 : vector<1x32xf32>
      %mul3A_85 = vector.broadcast %rsqrt3A : vector<1x32xf32> to vector<4096x32xf32>
      %mul3A_86 = arith.mulf %sub3A_81, %mul3A_85 : vector<4096x32xf32>
      %ge3A = arith.constant 0.000000e+00 : f32
      %ge3A_87 = vector.broadcast %ge3A : f32 to vector<4096x32xf32>
      %ge3A_88 = arith.cmpf oge, %mul3A_86, %ge3A_87 : vector<4096x32xf32>
      %mul3A_89 = arith.constant 1.000000e-01 : f32
      %mul3A_90 = vector.broadcast %mul3A_89 : f32 to vector<4096x32xf32>
      %mul3A_91 = arith.mulf %mul3A_90, %mul3A_86 : vector<4096x32xf32>
      %select_n3A = arith.select %ge3A_88, %mul3A_86, %mul3A_91 : vector<4096x32xi1>, vector<4096x32xf32>
      %get3A_92 = arith.constant 0 : index
      %get3A_93 = arith.constant 0 : index
      %get3A_94 = vector.load %arg7[%get3A_92, %get3A_93] : memref<32x32xf32, #tpu.memory_space<vmem>>, vector<32x32xf32>
      %dot_general3A_95 = arith.constant dense<0.000000e+00> : vector<4096x32xf32>
      %dot_general3A_96 = tpu.matmul %select_n3A, %get3A_94, %dot_general3A_95 {dimension_numbers = #tpu.dot_dimension_numbers<[1], [0], [0], [1], [0, 0, 1, 1], [], []>, transpose_lhs_hint = false} : vector<4096x32xf32>, vector<32x32xf32>, vector<4096x32xf32> -> vector<4096x32xf32>
      %get3A_97 = arith.constant 0 : index
      %get3A_98 = arith.constant 0 : index
      %get3A_99 = vector.load %arg8[%get3A_97, %get3A_98] : memref<1x32xf32, #tpu.memory_space<vmem>>, vector<1x32xf32>
      %add3A_100 = vector.broadcast %get3A_99 : vector<1x32xf32> to vector<4096x32xf32>
      %add3A_101 = arith.addf %dot_general3A_96, %add3A_100 : vector<4096x32xf32>
      %get3A_102 = arith.constant 0 : index
      %get3A_103 = arith.constant 0 : index
      %get3A_104 = vector.load %arg15[%get3A_102, %get3A_103] : memref<8x32xf32, #tpu.memory_space<vmem>>, vector<1x32xf32>
      %reduce_sum3A = arith.constant dense<0.000000e+00> : vector<32xf32>
      %reduce_sum3A_105 = vector.multi_reduction <add>, %add3A_101, %reduce_sum3A [0] : vector<4096x32xf32> to vector<32xf32>
      %broadcast_in_dim3A_106 = vector.shape_cast %reduce_sum3A_105 : vector<32xf32> to vector<1x32xf32>
      %add3A_107 = arith.addf %get3A_104, %broadcast_in_dim3A_106 : vector<1x32xf32>
      %swap3A_108 = arith.constant 0 : index
      %swap3A_109 = arith.constant 0 : index
      %swap3A_110 = vector.load %arg15[%swap3A_108, %swap3A_109] : memref<8x32xf32, #tpu.memory_space<vmem>>, vector<1x32xf32>
      tpu.vector_store %arg15[%swap3A_108, %swap3A_109], %add3A_107 {strides = array<i32>} : memref<8x32xf32, #tpu.memory_space<vmem>>, vector<1x32xf32>,
      %get3A_111 = arith.constant 0 : index
      %get3A_112 = arith.constant 0 : index
      %get3A_113 = vector.load %arg16[%get3A_111, %get3A_112] : memref<8x32xf32, #tpu.memory_space<vmem>>, vector<1x32xf32>
      %mul3A_114 = arith.mulf %add3A_101, %add3A_101 : vector<4096x32xf32>
      %reduce_sum3A_115 = arith.constant dense<0.000000e+00> : vector<32xf32>
      %reduce_sum3A_116 = vector.multi_reduction <add>, %mul3A_114, %reduce_sum3A_115 [0] : vector<4096x32xf32> to vector<32xf32>
      %broadcast_in_dim3A_117 = vector.shape_cast %reduce_sum3A_116 : vector<32xf32> to vector<1x32xf32>
      %add3A_118 = arith.addf %get3A_113, %broadcast_in_dim3A_117 : vector<1x32xf32>
      %swap3A_119 = arith.constant 0 : index
      %swap3A_120 = arith.constant 0 : index
      %swap3A_121 = vector.load %arg16[%swap3A_119, %swap3A_120] : memref<8x32xf32, #tpu.memory_space<vmem>>, vector<1x32xf32>
      tpu.vector_store %arg16[%swap3A_119, %swap3A_120], %add3A_118 {strides = array<i32>} : memref<8x32xf32, #tpu.memory_space<vmem>>, vector<1x32xf32>,
      %broadcast_in_dim3A_122 = arith.constant 0.000000e+00 : f32
      %broadcast_in_dim3A_123 = vector.broadcast %broadcast_in_dim3A_122 : f32 to vector<128x32xf32>
      %swap3A_124 = arith.constant 0 : index
      %swap3A_125 = arith.constant 0 : index
      %swap3A_126 = vector.load %arg11[%swap3A_124, %swap3A_125] : memref<128x32xf32, #tpu.memory_space<vmem>>, vector<128x32xf32>
      tpu.vector_store %arg11[%swap3A_124, %swap3A_125], %broadcast_in_dim3A_123 {strides = array<i32>} : memref<128x32xf32, #tpu.memory_space<vmem>>, vector<128x32xf32>,
    } else {
    }
    %eq3A_40 = arith.constant 2 : i32
    %eq3A_41 = arith.cmpi eq, %arg0, %eq3A_40 : i32
    %convert_element_type3A_42 = arith.extui %eq3A_41 : i1 to i32
    %cond3A_43 = arith.constant 3.81469727E-6 : f32
    %cond3A_44 = arith.constant 0 : i32
    %cond3A_45 = arith.cmpi ne, %convert_element_type3A_42, %cond3A_44 : i32
    scf.if %cond3A_45 {
      %get3A_52 = arith.constant 0 : index
      %get3A_53 = arith.constant 0 : index
      %get3A_54 = vector.load %arg2[%get3A_52, %get3A_53] : memref<4096x16xf32, #tpu.memory_space<vmem>>, vector<4096x16xf32>
      %get3A_55 = arith.constant 0 : index
      %get3A_56 = arith.constant 0 : index
      %get3A_57 = vector.load %arg4[%get3A_55, %get3A_56] : memref<16x32xf32, #tpu.memory_space<vmem>>, vector<16x32xf32>
      %dot_general3A = arith.constant dense<0.000000e+00> : vector<4096x32xf32>
      %dot_general3A_58 = tpu.matmul %get3A_54, %get3A_57, %dot_general3A {dimension_numbers = #tpu.dot_dimension_numbers<[1], [0], [0], [1], [0, 0, 1, 1], [], []>, transpose_lhs_hint = false} : vector<4096x16xf32>, vector<16x32xf32>, vector<4096x32xf32> -> vector<4096x32xf32>
      %get3A_59 = arith.constant 0 : index
      %get3A_60 = arith.constant 0 : index
      %get3A_61 = vector.load %arg5[%get3A_59, %get3A_60] : memref<3x32xf32, #tpu.memory_space<vmem>>, vector<3x32xf32>
      %dot_general3A_62 = arith.constant dense<0.000000e+00> : vector<4096x32xf32>
      %dot_general3A_63 = tpu.matmul %sub3A, %get3A_61, %dot_general3A_62 {dimension_numbers = #tpu.dot_dimension_numbers<[1], [0], [0], [1], [0, 0, 1, 1], [], []>, transpose_lhs_hint = false} : vector<4096x3xf32>, vector<3x32xf32>, vector<4096x32xf32> -> vector<4096x32xf32>
      %add3A = arith.addf %dot_general3A_58, %dot_general3A_63 : vector<4096x32xf32>
      %get3A_64 = arith.constant 0 : index
      %get3A_65 = arith.constant 0 : index
      %get3A_66 = vector.load %arg6[%get3A_64, %get3A_65] : memref<1x32xf32, #tpu.memory_space<vmem>>, vector<1x32xf32>
      %add3A_67 = vector.broadcast %get3A_66 : vector<1x32xf32> to vector<4096x32xf32>
      %add3A_68 = arith.addf %add3A, %add3A_67 : vector<4096x32xf32>
      %get3A_69 = arith.constant 0 : index
      %get3A_70 = arith.constant 0 : index
      %get3A_71 = vector.load %arg13[%get3A_69, %get3A_70] : memref<8x32xf32, #tpu.memory_space<vmem>>, vector<1x32xf32>
      %mul3A = vector.broadcast %cond3A_43 : f32 to vector<1x32xf32>
      %mul3A_72 = arith.mulf %get3A_71, %mul3A : vector<1x32xf32>
      %get3A_73 = arith.constant 0 : index
      %get3A_74 = arith.constant 0 : index
      %get3A_75 = vector.load %arg14[%get3A_73, %get3A_74] : memref<8x32xf32, #tpu.memory_space<vmem>>, vector<1x32xf32>
      %mul3A_76 = vector.broadcast %cond3A_43 : f32 to vector<1x32xf32>
      %mul3A_77 = arith.mulf %get3A_75, %mul3A_76 : vector<1x32xf32>
      %mul3A_78 = arith.mulf %mul3A_72, %mul3A_72 : vector<1x32xf32>
      %sub3A_79 = arith.subf %mul3A_77, %mul3A_78 : vector<1x32xf32>
      %sub3A_80 = vector.broadcast %mul3A_72 : vector<1x32xf32> to vector<4096x32xf32>
      %sub3A_81 = arith.subf %add3A_68, %sub3A_80 : vector<4096x32xf32>
      %add3A_82 = arith.constant 9.99999974E-6 : f32
      %add3A_83 = vector.broadcast %add3A_82 : f32 to vector<1x32xf32>
      %add3A_84 = arith.addf %sub3A_79, %add3A_83 : vector<1x32xf32>
      %rsqrt3A = math.rsqrt %add3A_84 : vector<1x32xf32>
      %mul3A_85 = vector.broadcast %rsqrt3A : vector<1x32xf32> to vector<4096x32xf32>
      %mul3A_86 = arith.mulf %sub3A_81, %mul3A_85 : vector<4096x32xf32>
      %ge3A = arith.constant 0.000000e+00 : f32
      %ge3A_87 = vector.broadcast %ge3A : f32 to vector<4096x32xf32>
      %ge3A_88 = arith.cmpf oge, %mul3A_86, %ge3A_87 : vector<4096x32xf32>
      %mul3A_89 = arith.constant 1.000000e-01 : f32
      %mul3A_90 = vector.broadcast %mul3A_89 : f32 to vector<4096x32xf32>
      %mul3A_91 = arith.mulf %mul3A_90, %mul3A_86 : vector<4096x32xf32>
      %select_n3A = arith.select %ge3A_88, %mul3A_86, %mul3A_91 : vector<4096x32xi1>, vector<4096x32xf32>
      %get3A_92 = arith.constant 0 : index
      %get3A_93 = arith.constant 0 : index
      %get3A_94 = vector.load %arg7[%get3A_92, %get3A_93] : memref<32x32xf32, #tpu.memory_space<vmem>>, vector<32x32xf32>
      %dot_general3A_95 = arith.constant dense<0.000000e+00> : vector<4096x32xf32>
      %dot_general3A_96 = tpu.matmul %select_n3A, %get3A_94, %dot_general3A_95 {dimension_numbers = #tpu.dot_dimension_numbers<[1], [0], [0], [1], [0, 0, 1, 1], [], []>, transpose_lhs_hint = false} : vector<4096x32xf32>, vector<32x32xf32>, vector<4096x32xf32> -> vector<4096x32xf32>
      %get3A_97 = arith.constant 0 : index
      %get3A_98 = arith.constant 0 : index
      %get3A_99 = vector.load %arg8[%get3A_97, %get3A_98] : memref<1x32xf32, #tpu.memory_space<vmem>>, vector<1x32xf32>
      %add3A_100 = vector.broadcast %get3A_99 : vector<1x32xf32> to vector<4096x32xf32>
      %add3A_101 = arith.addf %dot_general3A_96, %add3A_100 : vector<4096x32xf32>
      %get3A_102 = arith.constant 0 : index
      %get3A_103 = arith.constant 0 : index
      %get3A_104 = vector.load %arg15[%get3A_102, %get3A_103] : memref<8x32xf32, #tpu.memory_space<vmem>>, vector<1x32xf32>
      %mul3A_105 = vector.broadcast %cond3A_43 : f32 to vector<1x32xf32>
      %mul3A_106 = arith.mulf %get3A_104, %mul3A_105 : vector<1x32xf32>
      %get3A_107 = arith.constant 0 : index
      %get3A_108 = arith.constant 0 : index
      %get3A_109 = vector.load %arg16[%get3A_107, %get3A_108] : memref<8x32xf32, #tpu.memory_space<vmem>>, vector<1x32xf32>
      %mul3A_110 = vector.broadcast %cond3A_43 : f32 to vector<1x32xf32>
      %mul3A_111 = arith.mulf %get3A_109, %mul3A_110 : vector<1x32xf32>
      %mul3A_112 = arith.mulf %mul3A_106, %mul3A_106 : vector<1x32xf32>
      %sub3A_113 = arith.subf %mul3A_111, %mul3A_112 : vector<1x32xf32>
      %sub3A_114 = vector.broadcast %mul3A_106 : vector<1x32xf32> to vector<4096x32xf32>
      %sub3A_115 = arith.subf %add3A_101, %sub3A_114 : vector<4096x32xf32>
      %add3A_116 = arith.constant 9.99999974E-6 : f32
      %add3A_117 = vector.broadcast %add3A_116 : f32 to vector<1x32xf32>
      %add3A_118 = arith.addf %sub3A_113, %add3A_117 : vector<1x32xf32>
      %rsqrt3A_119 = math.rsqrt %add3A_118 : vector<1x32xf32>
      %mul3A_120 = vector.broadcast %rsqrt3A_119 : vector<1x32xf32> to vector<4096x32xf32>
      %mul3A_121 = arith.mulf %sub3A_115, %mul3A_120 : vector<4096x32xf32>
      %ge3A_122 = arith.constant 0.000000e+00 : f32
      %ge3A_123 = vector.broadcast %ge3A_122 : f32 to vector<4096x32xf32>
      %ge3A_124 = arith.cmpf oge, %mul3A_121, %ge3A_123 : vector<4096x32xf32>
      %mul3A_125 = arith.constant 1.000000e-01 : f32
      %mul3A_126 = vector.broadcast %mul3A_125 : f32 to vector<4096x32xf32>
      %mul3A_127 = arith.mulf %mul3A_126, %mul3A_121 : vector<4096x32xf32>
      %select_n3A_128 = arith.select %ge3A_124, %mul3A_121, %mul3A_127 : vector<4096x32xi1>, vector<4096x32xf32>
      %get3A_129 = arith.constant 0 : index
      %get3A_130 = arith.constant 0 : index
      %get3A_131 = vector.load %arg9[%get3A_129, %get3A_130] : memref<32x32xf32, #tpu.memory_space<vmem>>, vector<32x32xf32>
      %dot_general3A_132 = arith.constant dense<0.000000e+00> : vector<4096x32xf32>
      %dot_general3A_133 = tpu.matmul %select_n3A_128, %get3A_131, %dot_general3A_132 {dimension_numbers = #tpu.dot_dimension_numbers<[1], [0], [0], [1], [0, 0, 1, 1], [], []>, transpose_lhs_hint = false} : vector<4096x32xf32>, vector<32x32xf32>, vector<4096x32xf32> -> vector<4096x32xf32>
      %get3A_134 = arith.constant 0 : index
      %get3A_135 = arith.constant 0 : index
      %get3A_136 = vector.load %arg10[%get3A_134, %get3A_135] : memref<1x32xf32, #tpu.memory_space<vmem>>, vector<1x32xf32>
      %add3A_137 = vector.broadcast %get3A_136 : vector<1x32xf32> to vector<4096x32xf32>
      %add3A_138 = arith.addf %dot_general3A_133, %add3A_137 : vector<4096x32xf32>
      %get3A_139 = arith.constant 0 : index
      %get3A_140 = arith.constant 0 : index
      %get3A_141 = vector.load %arg17[%get3A_139, %get3A_140] : memref<8x32xf32, #tpu.memory_space<vmem>>, vector<1x32xf32>
      %reduce_sum3A = arith.constant dense<0.000000e+00> : vector<32xf32>
      %reduce_sum3A_142 = vector.multi_reduction <add>, %add3A_138, %reduce_sum3A [0] : vector<4096x32xf32> to vector<32xf32>
      %broadcast_in_dim3A_143 = vector.shape_cast %reduce_sum3A_142 : vector<32xf32> to vector<1x32xf32>
      %add3A_144 = arith.addf %get3A_141, %broadcast_in_dim3A_143 : vector<1x32xf32>
      %swap3A_145 = arith.constant 0 : index
      %swap3A_146 = arith.constant 0 : index
      %swap3A_147 = vector.load %arg17[%swap3A_145, %swap3A_146] : memref<8x32xf32, #tpu.memory_space<vmem>>, vector<1x32xf32>
      tpu.vector_store %arg17[%swap3A_145, %swap3A_146], %add3A_144 {strides = array<i32>} : memref<8x32xf32, #tpu.memory_space<vmem>>, vector<1x32xf32>,
      %get3A_148 = arith.constant 0 : index
      %get3A_149 = arith.constant 0 : index
      %get3A_150 = vector.load %arg18[%get3A_148, %get3A_149] : memref<8x32xf32, #tpu.memory_space<vmem>>, vector<1x32xf32>
      %mul3A_151 = arith.mulf %add3A_138, %add3A_138 : vector<4096x32xf32>
      %reduce_sum3A_152 = arith.constant dense<0.000000e+00> : vector<32xf32>
      %reduce_sum3A_153 = vector.multi_reduction <add>, %mul3A_151, %reduce_sum3A_152 [0] : vector<4096x32xf32> to vector<32xf32>
      %broadcast_in_dim3A_154 = vector.shape_cast %reduce_sum3A_153 : vector<32xf32> to vector<1x32xf32>
      %add3A_155 = arith.addf %get3A_150, %broadcast_in_dim3A_154 : vector<1x32xf32>
      %swap3A_156 = arith.constant 0 : index
      %swap3A_157 = arith.constant 0 : index
      %swap3A_158 = vector.load %arg18[%swap3A_156, %swap3A_157] : memref<8x32xf32, #tpu.memory_space<vmem>>, vector<1x32xf32>
      tpu.vector_store %arg18[%swap3A_156, %swap3A_157], %add3A_155 {strides = array<i32>} : memref<8x32xf32, #tpu.memory_space<vmem>>, vector<1x32xf32>,
      %broadcast_in_dim3A_159 = arith.constant 0.000000e+00 : f32
      %broadcast_in_dim3A_160 = vector.broadcast %broadcast_in_dim3A_159 : f32 to vector<128x32xf32>
      %swap3A_161 = arith.constant 0 : index
      %swap3A_162 = arith.constant 0 : index
      %swap3A_163 = vector.load %arg11[%swap3A_161, %swap3A_162] : memref<128x32xf32, #tpu.memory_space<vmem>>, vector<128x32xf32>
      tpu.vector_store %arg11[%swap3A_161, %swap3A_162], %broadcast_in_dim3A_160 {strides = array<i32>} : memref<128x32xf32, #tpu.memory_space<vmem>>, vector<128x32xf32>,
    } else {
    }
    %eq3A_46 = arith.constant 3 : i32
    %eq3A_47 = arith.cmpi eq, %arg0, %eq3A_46 : i32
    %convert_element_type3A_48 = arith.extui %eq3A_47 : i1 to i32
    %cond3A_49 = arith.constant 3.81469727E-6 : f32
    %cond3A_50 = arith.constant 0 : i32
    %cond3A_51 = arith.cmpi ne, %convert_element_type3A_48, %cond3A_50 : i32
    scf.if %cond3A_51 {
      %get3A_52 = arith.constant 0 : index
      %get3A_53 = arith.constant 0 : index
      %get3A_54 = vector.load %arg2[%get3A_52, %get3A_53] : memref<4096x16xf32, #tpu.memory_space<vmem>>, vector<4096x16xf32>
      %get3A_55 = arith.constant 0 : index
      %get3A_56 = arith.constant 0 : index
      %get3A_57 = vector.load %arg4[%get3A_55, %get3A_56] : memref<16x32xf32, #tpu.memory_space<vmem>>, vector<16x32xf32>
      %dot_general3A = arith.constant dense<0.000000e+00> : vector<4096x32xf32>
      %dot_general3A_58 = tpu.matmul %get3A_54, %get3A_57, %dot_general3A {dimension_numbers = #tpu.dot_dimension_numbers<[1], [0], [0], [1], [0, 0, 1, 1], [], []>, transpose_lhs_hint = false} : vector<4096x16xf32>, vector<16x32xf32>, vector<4096x32xf32> -> vector<4096x32xf32>
      %get3A_59 = arith.constant 0 : index
      %get3A_60 = arith.constant 0 : index
      %get3A_61 = vector.load %arg5[%get3A_59, %get3A_60] : memref<3x32xf32, #tpu.memory_space<vmem>>, vector<3x32xf32>
      %dot_general3A_62 = arith.constant dense<0.000000e+00> : vector<4096x32xf32>
      %dot_general3A_63 = tpu.matmul %sub3A, %get3A_61, %dot_general3A_62 {dimension_numbers = #tpu.dot_dimension_numbers<[1], [0], [0], [1], [0, 0, 1, 1], [], []>, transpose_lhs_hint = false} : vector<4096x3xf32>, vector<3x32xf32>, vector<4096x32xf32> -> vector<4096x32xf32>
      %add3A = arith.addf %dot_general3A_58, %dot_general3A_63 : vector<4096x32xf32>
      %get3A_64 = arith.constant 0 : index
      %get3A_65 = arith.constant 0 : index
      %get3A_66 = vector.load %arg6[%get3A_64, %get3A_65] : memref<1x32xf32, #tpu.memory_space<vmem>>, vector<1x32xf32>
      %add3A_67 = vector.broadcast %get3A_66 : vector<1x32xf32> to vector<4096x32xf32>
      %add3A_68 = arith.addf %add3A, %add3A_67 : vector<4096x32xf32>
      %get3A_69 = arith.constant 0 : index
      %get3A_70 = arith.constant 0 : index
      %get3A_71 = vector.load %arg13[%get3A_69, %get3A_70] : memref<8x32xf32, #tpu.memory_space<vmem>>, vector<1x32xf32>
      %mul3A = vector.broadcast %cond3A_49 : f32 to vector<1x32xf32>
      %mul3A_72 = arith.mulf %get3A_71, %mul3A : vector<1x32xf32>
      %get3A_73 = arith.constant 0 : index
      %get3A_74 = arith.constant 0 : index
      %get3A_75 = vector.load %arg14[%get3A_73, %get3A_74] : memref<8x32xf32, #tpu.memory_space<vmem>>, vector<1x32xf32>
      %mul3A_76 = vector.broadcast %cond3A_49 : f32 to vector<1x32xf32>
      %mul3A_77 = arith.mulf %get3A_75, %mul3A_76 : vector<1x32xf32>
      %mul3A_78 = arith.mulf %mul3A_72, %mul3A_72 : vector<1x32xf32>
      %sub3A_79 = arith.subf %mul3A_77, %mul3A_78 : vector<1x32xf32>
      %sub3A_80 = vector.broadcast %mul3A_72 : vector<1x32xf32> to vector<4096x32xf32>
      %sub3A_81 = arith.subf %add3A_68, %sub3A_80 : vector<4096x32xf32>
      %add3A_82 = arith.constant 9.99999974E-6 : f32
      %add3A_83 = vector.broadcast %add3A_82 : f32 to vector<1x32xf32>
      %add3A_84 = arith.addf %sub3A_79, %add3A_83 : vector<1x32xf32>
      %rsqrt3A = math.rsqrt %add3A_84 : vector<1x32xf32>
      %mul3A_85 = vector.broadcast %rsqrt3A : vector<1x32xf32> to vector<4096x32xf32>
      %mul3A_86 = arith.mulf %sub3A_81, %mul3A_85 : vector<4096x32xf32>
      %ge3A = arith.constant 0.000000e+00 : f32
      %ge3A_87 = vector.broadcast %ge3A : f32 to vector<4096x32xf32>
      %ge3A_88 = arith.cmpf oge, %mul3A_86, %ge3A_87 : vector<4096x32xf32>
      %mul3A_89 = arith.constant 1.000000e-01 : f32
      %mul3A_90 = vector.broadcast %mul3A_89 : f32 to vector<4096x32xf32>
      %mul3A_91 = arith.mulf %mul3A_90, %mul3A_86 : vector<4096x32xf32>
      %select_n3A = arith.select %ge3A_88, %mul3A_86, %mul3A_91 : vector<4096x32xi1>, vector<4096x32xf32>
      %get3A_92 = arith.constant 0 : index
      %get3A_93 = arith.constant 0 : index
      %get3A_94 = vector.load %arg7[%get3A_92, %get3A_93] : memref<32x32xf32, #tpu.memory_space<vmem>>, vector<32x32xf32>
      %dot_general3A_95 = arith.constant dense<0.000000e+00> : vector<4096x32xf32>
      %dot_general3A_96 = tpu.matmul %select_n3A, %get3A_94, %dot_general3A_95 {dimension_numbers = #tpu.dot_dimension_numbers<[1], [0], [0], [1], [0, 0, 1, 1], [], []>, transpose_lhs_hint = false} : vector<4096x32xf32>, vector<32x32xf32>, vector<4096x32xf32> -> vector<4096x32xf32>
      %get3A_97 = arith.constant 0 : index
      %get3A_98 = arith.constant 0 : index
      %get3A_99 = vector.load %arg8[%get3A_97, %get3A_98] : memref<1x32xf32, #tpu.memory_space<vmem>>, vector<1x32xf32>
      %add3A_100 = vector.broadcast %get3A_99 : vector<1x32xf32> to vector<4096x32xf32>
      %add3A_101 = arith.addf %dot_general3A_96, %add3A_100 : vector<4096x32xf32>
      %get3A_102 = arith.constant 0 : index
      %get3A_103 = arith.constant 0 : index
      %get3A_104 = vector.load %arg15[%get3A_102, %get3A_103] : memref<8x32xf32, #tpu.memory_space<vmem>>, vector<1x32xf32>
      %mul3A_105 = vector.broadcast %cond3A_49 : f32 to vector<1x32xf32>
      %mul3A_106 = arith.mulf %get3A_104, %mul3A_105 : vector<1x32xf32>
      %get3A_107 = arith.constant 0 : index
      %get3A_108 = arith.constant 0 : index
      %get3A_109 = vector.load %arg16[%get3A_107, %get3A_108] : memref<8x32xf32, #tpu.memory_space<vmem>>, vector<1x32xf32>
      %mul3A_110 = vector.broadcast %cond3A_49 : f32 to vector<1x32xf32>
      %mul3A_111 = arith.mulf %get3A_109, %mul3A_110 : vector<1x32xf32>
      %mul3A_112 = arith.mulf %mul3A_106, %mul3A_106 : vector<1x32xf32>
      %sub3A_113 = arith.subf %mul3A_111, %mul3A_112 : vector<1x32xf32>
      %sub3A_114 = vector.broadcast %mul3A_106 : vector<1x32xf32> to vector<4096x32xf32>
      %sub3A_115 = arith.subf %add3A_101, %sub3A_114 : vector<4096x32xf32>
      %add3A_116 = arith.constant 9.99999974E-6 : f32
      %add3A_117 = vector.broadcast %add3A_116 : f32 to vector<1x32xf32>
      %add3A_118 = arith.addf %sub3A_113, %add3A_117 : vector<1x32xf32>
      %rsqrt3A_119 = math.rsqrt %add3A_118 : vector<1x32xf32>
      %mul3A_120 = vector.broadcast %rsqrt3A_119 : vector<1x32xf32> to vector<4096x32xf32>
      %mul3A_121 = arith.mulf %sub3A_115, %mul3A_120 : vector<4096x32xf32>
      %ge3A_122 = arith.constant 0.000000e+00 : f32
      %ge3A_123 = vector.broadcast %ge3A_122 : f32 to vector<4096x32xf32>
      %ge3A_124 = arith.cmpf oge, %mul3A_121, %ge3A_123 : vector<4096x32xf32>
      %mul3A_125 = arith.constant 1.000000e-01 : f32
      %mul3A_126 = vector.broadcast %mul3A_125 : f32 to vector<4096x32xf32>
      %mul3A_127 = arith.mulf %mul3A_126, %mul3A_121 : vector<4096x32xf32>
      %select_n3A_128 = arith.select %ge3A_124, %mul3A_121, %mul3A_127 : vector<4096x32xi1>, vector<4096x32xf32>
      %get3A_129 = arith.constant 0 : index
      %get3A_130 = arith.constant 0 : index
      %get3A_131 = vector.load %arg9[%get3A_129, %get3A_130] : memref<32x32xf32, #tpu.memory_space<vmem>>, vector<32x32xf32>
      %dot_general3A_132 = arith.constant dense<0.000000e+00> : vector<4096x32xf32>
      %dot_general3A_133 = tpu.matmul %select_n3A_128, %get3A_131, %dot_general3A_132 {dimension_numbers = #tpu.dot_dimension_numbers<[1], [0], [0], [1], [0, 0, 1, 1], [], []>, transpose_lhs_hint = false} : vector<4096x32xf32>, vector<32x32xf32>, vector<4096x32xf32> -> vector<4096x32xf32>
      %get3A_134 = arith.constant 0 : index
      %get3A_135 = arith.constant 0 : index
      %get3A_136 = vector.load %arg10[%get3A_134, %get3A_135] : memref<1x32xf32, #tpu.memory_space<vmem>>, vector<1x32xf32>
      %add3A_137 = vector.broadcast %get3A_136 : vector<1x32xf32> to vector<4096x32xf32>
      %add3A_138 = arith.addf %dot_general3A_133, %add3A_137 : vector<4096x32xf32>
      %get3A_139 = arith.constant 0 : index
      %get3A_140 = arith.constant 0 : index
      %get3A_141 = vector.load %arg17[%get3A_139, %get3A_140] : memref<8x32xf32, #tpu.memory_space<vmem>>, vector<1x32xf32>
      %mul3A_142 = vector.broadcast %cond3A_49 : f32 to vector<1x32xf32>
      %mul3A_143 = arith.mulf %get3A_141, %mul3A_142 : vector<1x32xf32>
      %get3A_144 = arith.constant 0 : index
      %get3A_145 = arith.constant 0 : index
      %get3A_146 = vector.load %arg18[%get3A_144, %get3A_145] : memref<8x32xf32, #tpu.memory_space<vmem>>, vector<1x32xf32>
      %mul3A_147 = vector.broadcast %cond3A_49 : f32 to vector<1x32xf32>
      %mul3A_148 = arith.mulf %get3A_146, %mul3A_147 : vector<1x32xf32>
      %mul3A_149 = arith.mulf %mul3A_143, %mul3A_143 : vector<1x32xf32>
      %sub3A_150 = arith.subf %mul3A_148, %mul3A_149 : vector<1x32xf32>
      %sub3A_151 = vector.broadcast %mul3A_143 : vector<1x32xf32> to vector<4096x32xf32>
      %sub3A_152 = arith.subf %add3A_138, %sub3A_151 : vector<4096x32xf32>
      %add3A_153 = arith.constant 9.99999974E-6 : f32
      %add3A_154 = vector.broadcast %add3A_153 : f32 to vector<1x32xf32>
      %add3A_155 = arith.addf %sub3A_150, %add3A_154 : vector<1x32xf32>
      %rsqrt3A_156 = math.rsqrt %add3A_155 : vector<1x32xf32>
      %mul3A_157 = vector.broadcast %rsqrt3A_156 : vector<1x32xf32> to vector<4096x32xf32>
      %mul3A_158 = arith.mulf %sub3A_152, %mul3A_157 : vector<4096x32xf32>
      %ge3A_159 = arith.constant 0.000000e+00 : f32
      %ge3A_160 = vector.broadcast %ge3A_159 : f32 to vector<4096x32xf32>
      %ge3A_161 = arith.cmpf oge, %mul3A_158, %ge3A_160 : vector<4096x32xf32>
      %mul3A_162 = arith.constant 1.000000e-01 : f32
      %mul3A_163 = vector.broadcast %mul3A_162 : f32 to vector<4096x32xf32>
      %mul3A_164 = arith.mulf %mul3A_163, %mul3A_158 : vector<4096x32xf32>
      %select_n3A_165 = arith.select %ge3A_161, %mul3A_158, %mul3A_164 : vector<4096x32xi1>, vector<4096x32xf32>
      %reshape3A_166 = vector.shape_cast %select_n3A_165 : vector<4096x32xf32> to vector<128x32x32xf32>
      %reduce_max3A = arith.constant dense<0xFF800000> : vector<128x32xf32>
      %reduce_max3A_167 = vector.multi_reduction <maximumf>, %reshape3A_166, %reduce_max3A [1] : vector<128x32x32xf32> to vector<128x32xf32>
      %swap3A_168 = arith.constant 0 : index
      %swap3A_169 = arith.constant 0 : index
      %swap3A_170 = vector.load %arg11[%swap3A_168, %swap3A_169] : memref<128x32xf32, #tpu.memory_space<vmem>>, vector<128x32xf32>
      tpu.vector_store %arg11[%swap3A_168, %swap3A_169], %reduce_max3A_167 {strides = array<i32>} : memref<128x32xf32, #tpu.memory_space<vmem>>, vector<128x32xf32>,
    } else {
    }
    return
  }
  func.func @transform_0(%arg0: i32, %arg1: i32) -> (i32, i32) {
    %c0_i32 = arith.constant 0 : i32
    %c0_i32_0 = arith.constant 0 : i32
    return %arg1, %c0_i32 : i32, i32
  }
  func.func @transform_1(%arg0: i32, %arg1: i32) -> (i32, i32) {
    %c0_i32 = arith.constant 0 : i32
    %c0_i32_0 = arith.constant 0 : i32
    return %arg1, %c0_i32 : i32, i32
  }
  func.func @transform_2(%arg0: i32, %arg1: i32) -> (i32, i32) {
    %c0_i32 = arith.constant 0 : i32
    %c0_i32_0 = arith.constant 0 : i32
    %c0_i32_1 = arith.constant 0 : i32
    return %c0_i32, %c0_i32_0 : i32, i32
  }
  func.func @transform_3(%arg0: i32, %arg1: i32) -> (i32, i32) {
    %c0_i32 = arith.constant 0 : i32
    %c0_i32_0 = arith.constant 0 : i32
    %c0_i32_1 = arith.constant 0 : i32
    return %c0_i32, %c0_i32_0 : i32, i32
  }
  func.func @transform_4(%arg0: i32, %arg1: i32) -> (i32, i32) {
    %c0_i32 = arith.constant 0 : i32
    %c0_i32_0 = arith.constant 0 : i32
    %c0_i32_1 = arith.constant 0 : i32
    return %c0_i32, %c0_i32_0 : i32, i32
  }
  func.func @transform_5(%arg0: i32, %arg1: i32) -> (i32, i32) {
    %c0_i32 = arith.constant 0 : i32
    %c0_i32_0 = arith.constant 0 : i32
    %c0_i32_1 = arith.constant 0 : i32
    return %c0_i32, %c0_i32_0 : i32, i32
  }
  func.func @transform_6(%arg0: i32, %arg1: i32) -> (i32, i32) {
    %c0_i32 = arith.constant 0 : i32
    %c0_i32_0 = arith.constant 0 : i32
    %c0_i32_1 = arith.constant 0 : i32
    return %c0_i32, %c0_i32_0 : i32, i32
  }
  func.func @transform_7(%arg0: i32, %arg1: i32) -> (i32, i32) {
    %c0_i32 = arith.constant 0 : i32
    %c0_i32_0 = arith.constant 0 : i32
    %c0_i32_1 = arith.constant 0 : i32
    return %c0_i32, %c0_i32_0 : i32, i32
  }
  func.func @transform_8(%arg0: i32, %arg1: i32) -> (i32, i32) {
    %c0_i32 = arith.constant 0 : i32
    %c0_i32_0 = arith.constant 0 : i32
    %c0_i32_1 = arith.constant 0 : i32
    return %c0_i32, %c0_i32_0 : i32, i32
  }
  func.func @transform_9(%arg0: i32, %arg1: i32) -> (i32, i32) {
    %c0_i32 = arith.constant 0 : i32
    %c0_i32_0 = arith.constant 0 : i32
    return %arg1, %c0_i32 : i32, i32
  }
  func.func @transform_10(%arg0: i32, %arg1: i32) -> (i32, i32) {
    %c0_i32 = arith.constant 0 : i32
    %c0_i32_0 = arith.constant 0 : i32
    return %arg1, %c0_i32 : i32, i32
  }
}

module attributes {stable_mosaic.version = 14 : i64} {
  func.func @_stage_body(%arg0: i32, %arg1: i32, %arg2: memref<4096x32xf32, #tpu.memory_space<vmem>>, %arg3: memref<4096x3xf32, #tpu.memory_space<vmem>>, %arg4: memref<32x64xf32, #tpu.memory_space<vmem>>, %arg5: memref<3x64xf32, #tpu.memory_space<vmem>>, %arg6: memref<1x64xf32, #tpu.memory_space<vmem>>, %arg7: memref<64x64xf32, #tpu.memory_space<vmem>>, %arg8: memref<1x64xf32, #tpu.memory_space<vmem>>, %arg9: memref<64x64xf32, #tpu.memory_space<vmem>>, %arg10: memref<1x64xf32, #tpu.memory_space<vmem>>, %arg11: memref<128x64xf32, #tpu.memory_space<vmem>>, %arg12: memref<8x64xf32, #tpu.memory_space<vmem>>, %arg13: memref<8x64xf32, #tpu.memory_space<vmem>>, %arg14: memref<8x64xf32, #tpu.memory_space<vmem>>, %arg15: memref<8x64xf32, #tpu.memory_space<vmem>>, %arg16: memref<8x64xf32, #tpu.memory_space<vmem>>, %arg17: memref<8x64xf32, #tpu.memory_space<vmem>>) attributes {dimension_semantics = [#tpu.dimension_semantics<arbitrary>, #tpu.dimension_semantics<arbitrary>], iteration_bounds = array<i64: 4, 64>, scalar_prefetch = 0 : i64, scratch_operands = 6 : i64, tpu.core_type = #tpu.core_type<tc>, window_params = [{transform_indices = @transform_0, window_bounds = array<i64: 4096, 32>}, {transform_indices = @transform_1, window_bounds = array<i64: 4096, 3>}, {pipeline_mode = #tpu.pipeline_mode<synchronous>, transform_indices = @transform_2, window_bounds = array<i64: 32, 64>}, {pipeline_mode = #tpu.pipeline_mode<synchronous>, transform_indices = @transform_3, window_bounds = array<i64: 3, 64>}, {pipeline_mode = #tpu.pipeline_mode<synchronous>, transform_indices = @transform_4, window_bounds = array<i64: 1, 64>}, {pipeline_mode = #tpu.pipeline_mode<synchronous>, transform_indices = @transform_5, window_bounds = array<i64: 64, 64>}, {pipeline_mode = #tpu.pipeline_mode<synchronous>, transform_indices = @transform_6, window_bounds = array<i64: 1, 64>}, {pipeline_mode = #tpu.pipeline_mode<synchronous>, transform_indices = @transform_7, window_bounds = array<i64: 64, 64>}, {pipeline_mode = #tpu.pipeline_mode<synchronous>, transform_indices = @transform_8, window_bounds = array<i64: 1, 64>}, {transform_indices = @transform_9, window_bounds = array<i64: 128, 64>}]} {
    %get3A = arith.constant 0 : index
    %get3A_0 = arith.constant 0 : index
    %get3A_1 = vector.load %arg3[%get3A, %get3A_0] : memref<4096x3xf32, #tpu.memory_space<vmem>>, vector<4096x3xf32>
    %eq3A = arith.constant 0 : i32
    %eq3A_2 = arith.cmpi eq, %arg0, %eq3A : i32
    %eq3A_3 = arith.constant 0 : i32
    %eq3A_4 = arith.cmpi eq, %arg1, %eq3A_3 : i32
    %and3A = arith.andi %eq3A_2, %eq3A_4 : i1
    %convert_element_type3A = arith.extui %and3A : i1 to i32
    %cond3A = arith.constant 0 : i32
    %cond3A_5 = arith.cmpi ne, %convert_element_type3A, %cond3A : i32
    scf.if %cond3A_5 {
      %broadcast_in_dim3A = arith.constant 0.000000e+00 : f32
      %broadcast_in_dim3A_45 = vector.broadcast %broadcast_in_dim3A : f32 to vector<8x64xf32>
      %swap3A = arith.constant 0 : index
      %swap3A_46 = arith.constant 0 : index
      %swap3A_47 = vector.load %arg12[%swap3A, %swap3A_46] : memref<8x64xf32, #tpu.memory_space<vmem>>, vector<8x64xf32>
      tpu.vector_store %arg12[%swap3A, %swap3A_46], %broadcast_in_dim3A_45 {strides = array<i32>} : memref<8x64xf32, #tpu.memory_space<vmem>>, vector<8x64xf32>,
      %broadcast_in_dim3A_48 = arith.constant 0.000000e+00 : f32
      %broadcast_in_dim3A_49 = vector.broadcast %broadcast_in_dim3A_48 : f32 to vector<8x64xf32>
      %swap3A_50 = arith.constant 0 : index
      %swap3A_51 = arith.constant 0 : index
      %swap3A_52 = vector.load %arg13[%swap3A_50, %swap3A_51] : memref<8x64xf32, #tpu.memory_space<vmem>>, vector<8x64xf32>
      tpu.vector_store %arg13[%swap3A_50, %swap3A_51], %broadcast_in_dim3A_49 {strides = array<i32>} : memref<8x64xf32, #tpu.memory_space<vmem>>, vector<8x64xf32>,
    } else {
    }
    %eq3A_6 = arith.constant 1 : i32
    %eq3A_7 = arith.cmpi eq, %arg0, %eq3A_6 : i32
    %eq3A_8 = arith.constant 0 : i32
    %eq3A_9 = arith.cmpi eq, %arg1, %eq3A_8 : i32
    %and3A_10 = arith.andi %eq3A_7, %eq3A_9 : i1
    %convert_element_type3A_11 = arith.extui %and3A_10 : i1 to i32
    %cond3A_12 = arith.constant 0 : i32
    %cond3A_13 = arith.cmpi ne, %convert_element_type3A_11, %cond3A_12 : i32
    scf.if %cond3A_13 {
      %broadcast_in_dim3A = arith.constant 0.000000e+00 : f32
      %broadcast_in_dim3A_45 = vector.broadcast %broadcast_in_dim3A : f32 to vector<8x64xf32>
      %swap3A = arith.constant 0 : index
      %swap3A_46 = arith.constant 0 : index
      %swap3A_47 = vector.load %arg14[%swap3A, %swap3A_46] : memref<8x64xf32, #tpu.memory_space<vmem>>, vector<8x64xf32>
      tpu.vector_store %arg14[%swap3A, %swap3A_46], %broadcast_in_dim3A_45 {strides = array<i32>} : memref<8x64xf32, #tpu.memory_space<vmem>>, vector<8x64xf32>,
      %broadcast_in_dim3A_48 = arith.constant 0.000000e+00 : f32
      %broadcast_in_dim3A_49 = vector.broadcast %broadcast_in_dim3A_48 : f32 to vector<8x64xf32>
      %swap3A_50 = arith.constant 0 : index
      %swap3A_51 = arith.constant 0 : index
      %swap3A_52 = vector.load %arg15[%swap3A_50, %swap3A_51] : memref<8x64xf32, #tpu.memory_space<vmem>>, vector<8x64xf32>
      tpu.vector_store %arg15[%swap3A_50, %swap3A_51], %broadcast_in_dim3A_49 {strides = array<i32>} : memref<8x64xf32, #tpu.memory_space<vmem>>, vector<8x64xf32>,
    } else {
    }
    %eq3A_14 = arith.constant 2 : i32
    %eq3A_15 = arith.cmpi eq, %arg0, %eq3A_14 : i32
    %eq3A_16 = arith.constant 0 : i32
    %eq3A_17 = arith.cmpi eq, %arg1, %eq3A_16 : i32
    %and3A_18 = arith.andi %eq3A_15, %eq3A_17 : i1
    %convert_element_type3A_19 = arith.extui %and3A_18 : i1 to i32
    %cond3A_20 = arith.constant 0 : i32
    %cond3A_21 = arith.cmpi ne, %convert_element_type3A_19, %cond3A_20 : i32
    scf.if %cond3A_21 {
      %broadcast_in_dim3A = arith.constant 0.000000e+00 : f32
      %broadcast_in_dim3A_45 = vector.broadcast %broadcast_in_dim3A : f32 to vector<8x64xf32>
      %swap3A = arith.constant 0 : index
      %swap3A_46 = arith.constant 0 : index
      %swap3A_47 = vector.load %arg16[%swap3A, %swap3A_46] : memref<8x64xf32, #tpu.memory_space<vmem>>, vector<8x64xf32>
      tpu.vector_store %arg16[%swap3A, %swap3A_46], %broadcast_in_dim3A_45 {strides = array<i32>} : memref<8x64xf32, #tpu.memory_space<vmem>>, vector<8x64xf32>,
      %broadcast_in_dim3A_48 = arith.constant 0.000000e+00 : f32
      %broadcast_in_dim3A_49 = vector.broadcast %broadcast_in_dim3A_48 : f32 to vector<8x64xf32>
      %swap3A_50 = arith.constant 0 : index
      %swap3A_51 = arith.constant 0 : index
      %swap3A_52 = vector.load %arg17[%swap3A_50, %swap3A_51] : memref<8x64xf32, #tpu.memory_space<vmem>>, vector<8x64xf32>
      tpu.vector_store %arg17[%swap3A_50, %swap3A_51], %broadcast_in_dim3A_49 {strides = array<i32>} : memref<8x64xf32, #tpu.memory_space<vmem>>, vector<8x64xf32>,
    } else {
    }
    %eq3A_22 = arith.constant 0 : i32
    %eq3A_23 = arith.cmpi eq, %arg0, %eq3A_22 : i32
    %convert_element_type3A_24 = arith.extui %eq3A_23 : i1 to i32
    %cond3A_25 = arith.constant 0 : i32
    %cond3A_26 = arith.cmpi ne, %convert_element_type3A_24, %cond3A_25 : i32
    scf.if %cond3A_26 {
      %get3A_45 = arith.constant 0 : index
      %get3A_46 = arith.constant 0 : index
      %get3A_47 = vector.load %arg2[%get3A_45, %get3A_46] : memref<4096x32xf32, #tpu.memory_space<vmem>>, vector<4096x32xf32>
      %get3A_48 = arith.constant 0 : index
      %get3A_49 = arith.constant 0 : index
      %get3A_50 = vector.load %arg4[%get3A_48, %get3A_49] : memref<32x64xf32, #tpu.memory_space<vmem>>, vector<32x64xf32>
      %dot_general3A = arith.constant dense<0.000000e+00> : vector<4096x64xf32>
      %dot_general3A_51 = tpu.matmul %get3A_47, %get3A_50, %dot_general3A {dimension_numbers = #tpu.dot_dimension_numbers<[1], [0], [0], [1], [0, 0, 1, 1], [], []>, transpose_lhs_hint = false} : vector<4096x32xf32>, vector<32x64xf32>, vector<4096x64xf32> -> vector<4096x64xf32>
      %get3A_52 = arith.constant 0 : index
      %get3A_53 = arith.constant 0 : index
      %get3A_54 = vector.load %arg5[%get3A_52, %get3A_53] : memref<3x64xf32, #tpu.memory_space<vmem>>, vector<3x64xf32>
      %dot_general3A_55 = arith.constant dense<0.000000e+00> : vector<4096x64xf32>
      %dot_general3A_56 = tpu.matmul %get3A_1, %get3A_54, %dot_general3A_55 {dimension_numbers = #tpu.dot_dimension_numbers<[1], [0], [0], [1], [0, 0, 1, 1], [], []>, transpose_lhs_hint = false} : vector<4096x3xf32>, vector<3x64xf32>, vector<4096x64xf32> -> vector<4096x64xf32>
      %add3A = arith.addf %dot_general3A_51, %dot_general3A_56 : vector<4096x64xf32>
      %get3A_57 = arith.constant 0 : index
      %get3A_58 = arith.constant 0 : index
      %get3A_59 = vector.load %arg6[%get3A_57, %get3A_58] : memref<1x64xf32, #tpu.memory_space<vmem>>, vector<1x64xf32>
      %add3A_60 = vector.broadcast %get3A_59 : vector<1x64xf32> to vector<4096x64xf32>
      %add3A_61 = arith.addf %add3A, %add3A_60 : vector<4096x64xf32>
      %get3A_62 = arith.constant 0 : index
      %get3A_63 = arith.constant 0 : index
      %get3A_64 = vector.load %arg12[%get3A_62, %get3A_63] : memref<8x64xf32, #tpu.memory_space<vmem>>, vector<1x64xf32>
      %reduce_sum3A = arith.constant dense<0.000000e+00> : vector<64xf32>
      %reduce_sum3A_65 = vector.multi_reduction <add>, %add3A_61, %reduce_sum3A [0] : vector<4096x64xf32> to vector<64xf32>
      %broadcast_in_dim3A = vector.shape_cast %reduce_sum3A_65 : vector<64xf32> to vector<1x64xf32>
      %add3A_66 = arith.addf %get3A_64, %broadcast_in_dim3A : vector<1x64xf32>
      %swap3A = arith.constant 0 : index
      %swap3A_67 = arith.constant 0 : index
      %swap3A_68 = vector.load %arg12[%swap3A, %swap3A_67] : memref<8x64xf32, #tpu.memory_space<vmem>>, vector<1x64xf32>
      tpu.vector_store %arg12[%swap3A, %swap3A_67], %add3A_66 {strides = array<i32>} : memref<8x64xf32, #tpu.memory_space<vmem>>, vector<1x64xf32>,
      %get3A_69 = arith.constant 0 : index
      %get3A_70 = arith.constant 0 : index
      %get3A_71 = vector.load %arg13[%get3A_69, %get3A_70] : memref<8x64xf32, #tpu.memory_space<vmem>>, vector<1x64xf32>
      %mul3A = arith.mulf %add3A_61, %add3A_61 : vector<4096x64xf32>
      %reduce_sum3A_72 = arith.constant dense<0.000000e+00> : vector<64xf32>
      %reduce_sum3A_73 = vector.multi_reduction <add>, %mul3A, %reduce_sum3A_72 [0] : vector<4096x64xf32> to vector<64xf32>
      %broadcast_in_dim3A_74 = vector.shape_cast %reduce_sum3A_73 : vector<64xf32> to vector<1x64xf32>
      %add3A_75 = arith.addf %get3A_71, %broadcast_in_dim3A_74 : vector<1x64xf32>
      %swap3A_76 = arith.constant 0 : index
      %swap3A_77 = arith.constant 0 : index
      %swap3A_78 = vector.load %arg13[%swap3A_76, %swap3A_77] : memref<8x64xf32, #tpu.memory_space<vmem>>, vector<1x64xf32>
      tpu.vector_store %arg13[%swap3A_76, %swap3A_77], %add3A_75 {strides = array<i32>} : memref<8x64xf32, #tpu.memory_space<vmem>>, vector<1x64xf32>,
      %broadcast_in_dim3A_79 = arith.constant 0.000000e+00 : f32
      %broadcast_in_dim3A_80 = vector.broadcast %broadcast_in_dim3A_79 : f32 to vector<128x64xf32>
      %swap3A_81 = arith.constant 0 : index
      %swap3A_82 = arith.constant 0 : index
      %swap3A_83 = vector.load %arg11[%swap3A_81, %swap3A_82] : memref<128x64xf32, #tpu.memory_space<vmem>>, vector<128x64xf32>
      tpu.vector_store %arg11[%swap3A_81, %swap3A_82], %broadcast_in_dim3A_80 {strides = array<i32>} : memref<128x64xf32, #tpu.memory_space<vmem>>, vector<128x64xf32>,
    } else {
    }
    %eq3A_27 = arith.constant 1 : i32
    %eq3A_28 = arith.cmpi eq, %arg0, %eq3A_27 : i32
    %convert_element_type3A_29 = arith.extui %eq3A_28 : i1 to i32
    %cond3A_30 = arith.constant 3.81469727E-6 : f32
    %cond3A_31 = arith.constant 0 : i32
    %cond3A_32 = arith.cmpi ne, %convert_element_type3A_29, %cond3A_31 : i32
    scf.if %cond3A_32 {
      %get3A_45 = arith.constant 0 : index
      %get3A_46 = arith.constant 0 : index
      %get3A_47 = vector.load %arg2[%get3A_45, %get3A_46] : memref<4096x32xf32, #tpu.memory_space<vmem>>, vector<4096x32xf32>
      %get3A_48 = arith.constant 0 : index
      %get3A_49 = arith.constant 0 : index
      %get3A_50 = vector.load %arg4[%get3A_48, %get3A_49] : memref<32x64xf32, #tpu.memory_space<vmem>>, vector<32x64xf32>
      %dot_general3A = arith.constant dense<0.000000e+00> : vector<4096x64xf32>
      %dot_general3A_51 = tpu.matmul %get3A_47, %get3A_50, %dot_general3A {dimension_numbers = #tpu.dot_dimension_numbers<[1], [0], [0], [1], [0, 0, 1, 1], [], []>, transpose_lhs_hint = false} : vector<4096x32xf32>, vector<32x64xf32>, vector<4096x64xf32> -> vector<4096x64xf32>
      %get3A_52 = arith.constant 0 : index
      %get3A_53 = arith.constant 0 : index
      %get3A_54 = vector.load %arg5[%get3A_52, %get3A_53] : memref<3x64xf32, #tpu.memory_space<vmem>>, vector<3x64xf32>
      %dot_general3A_55 = arith.constant dense<0.000000e+00> : vector<4096x64xf32>
      %dot_general3A_56 = tpu.matmul %get3A_1, %get3A_54, %dot_general3A_55 {dimension_numbers = #tpu.dot_dimension_numbers<[1], [0], [0], [1], [0, 0, 1, 1], [], []>, transpose_lhs_hint = false} : vector<4096x3xf32>, vector<3x64xf32>, vector<4096x64xf32> -> vector<4096x64xf32>
      %add3A = arith.addf %dot_general3A_51, %dot_general3A_56 : vector<4096x64xf32>
      %get3A_57 = arith.constant 0 : index
      %get3A_58 = arith.constant 0 : index
      %get3A_59 = vector.load %arg6[%get3A_57, %get3A_58] : memref<1x64xf32, #tpu.memory_space<vmem>>, vector<1x64xf32>
      %add3A_60 = vector.broadcast %get3A_59 : vector<1x64xf32> to vector<4096x64xf32>
      %add3A_61 = arith.addf %add3A, %add3A_60 : vector<4096x64xf32>
      %get3A_62 = arith.constant 0 : index
      %get3A_63 = arith.constant 0 : index
      %get3A_64 = vector.load %arg12[%get3A_62, %get3A_63] : memref<8x64xf32, #tpu.memory_space<vmem>>, vector<1x64xf32>
      %mul3A = vector.broadcast %cond3A_30 : f32 to vector<1x64xf32>
      %mul3A_65 = arith.mulf %get3A_64, %mul3A : vector<1x64xf32>
      %get3A_66 = arith.constant 0 : index
      %get3A_67 = arith.constant 0 : index
      %get3A_68 = vector.load %arg13[%get3A_66, %get3A_67] : memref<8x64xf32, #tpu.memory_space<vmem>>, vector<1x64xf32>
      %mul3A_69 = vector.broadcast %cond3A_30 : f32 to vector<1x64xf32>
      %mul3A_70 = arith.mulf %get3A_68, %mul3A_69 : vector<1x64xf32>
      %mul3A_71 = arith.mulf %mul3A_65, %mul3A_65 : vector<1x64xf32>
      %sub3A = arith.subf %mul3A_70, %mul3A_71 : vector<1x64xf32>
      %sub3A_72 = vector.broadcast %mul3A_65 : vector<1x64xf32> to vector<4096x64xf32>
      %sub3A_73 = arith.subf %add3A_61, %sub3A_72 : vector<4096x64xf32>
      %add3A_74 = arith.constant 9.99999974E-6 : f32
      %add3A_75 = vector.broadcast %add3A_74 : f32 to vector<1x64xf32>
      %add3A_76 = arith.addf %sub3A, %add3A_75 : vector<1x64xf32>
      %rsqrt3A = math.rsqrt %add3A_76 : vector<1x64xf32>
      %mul3A_77 = vector.broadcast %rsqrt3A : vector<1x64xf32> to vector<4096x64xf32>
      %mul3A_78 = arith.mulf %sub3A_73, %mul3A_77 : vector<4096x64xf32>
      %ge3A = arith.constant 0.000000e+00 : f32
      %ge3A_79 = vector.broadcast %ge3A : f32 to vector<4096x64xf32>
      %ge3A_80 = arith.cmpf oge, %mul3A_78, %ge3A_79 : vector<4096x64xf32>
      %mul3A_81 = arith.constant 1.000000e-01 : f32
      %mul3A_82 = vector.broadcast %mul3A_81 : f32 to vector<4096x64xf32>
      %mul3A_83 = arith.mulf %mul3A_82, %mul3A_78 : vector<4096x64xf32>
      %select_n3A = arith.select %ge3A_80, %mul3A_78, %mul3A_83 : vector<4096x64xi1>, vector<4096x64xf32>
      %get3A_84 = arith.constant 0 : index
      %get3A_85 = arith.constant 0 : index
      %get3A_86 = vector.load %arg7[%get3A_84, %get3A_85] : memref<64x64xf32, #tpu.memory_space<vmem>>, vector<64x64xf32>
      %dot_general3A_87 = arith.constant dense<0.000000e+00> : vector<4096x64xf32>
      %dot_general3A_88 = tpu.matmul %select_n3A, %get3A_86, %dot_general3A_87 {dimension_numbers = #tpu.dot_dimension_numbers<[1], [0], [0], [1], [0, 0, 1, 1], [], []>, transpose_lhs_hint = false} : vector<4096x64xf32>, vector<64x64xf32>, vector<4096x64xf32> -> vector<4096x64xf32>
      %get3A_89 = arith.constant 0 : index
      %get3A_90 = arith.constant 0 : index
      %get3A_91 = vector.load %arg8[%get3A_89, %get3A_90] : memref<1x64xf32, #tpu.memory_space<vmem>>, vector<1x64xf32>
      %add3A_92 = vector.broadcast %get3A_91 : vector<1x64xf32> to vector<4096x64xf32>
      %add3A_93 = arith.addf %dot_general3A_88, %add3A_92 : vector<4096x64xf32>
      %get3A_94 = arith.constant 0 : index
      %get3A_95 = arith.constant 0 : index
      %get3A_96 = vector.load %arg14[%get3A_94, %get3A_95] : memref<8x64xf32, #tpu.memory_space<vmem>>, vector<1x64xf32>
      %reduce_sum3A = arith.constant dense<0.000000e+00> : vector<64xf32>
      %reduce_sum3A_97 = vector.multi_reduction <add>, %add3A_93, %reduce_sum3A [0] : vector<4096x64xf32> to vector<64xf32>
      %broadcast_in_dim3A = vector.shape_cast %reduce_sum3A_97 : vector<64xf32> to vector<1x64xf32>
      %add3A_98 = arith.addf %get3A_96, %broadcast_in_dim3A : vector<1x64xf32>
      %swap3A = arith.constant 0 : index
      %swap3A_99 = arith.constant 0 : index
      %swap3A_100 = vector.load %arg14[%swap3A, %swap3A_99] : memref<8x64xf32, #tpu.memory_space<vmem>>, vector<1x64xf32>
      tpu.vector_store %arg14[%swap3A, %swap3A_99], %add3A_98 {strides = array<i32>} : memref<8x64xf32, #tpu.memory_space<vmem>>, vector<1x64xf32>,
      %get3A_101 = arith.constant 0 : index
      %get3A_102 = arith.constant 0 : index
      %get3A_103 = vector.load %arg15[%get3A_101, %get3A_102] : memref<8x64xf32, #tpu.memory_space<vmem>>, vector<1x64xf32>
      %mul3A_104 = arith.mulf %add3A_93, %add3A_93 : vector<4096x64xf32>
      %reduce_sum3A_105 = arith.constant dense<0.000000e+00> : vector<64xf32>
      %reduce_sum3A_106 = vector.multi_reduction <add>, %mul3A_104, %reduce_sum3A_105 [0] : vector<4096x64xf32> to vector<64xf32>
      %broadcast_in_dim3A_107 = vector.shape_cast %reduce_sum3A_106 : vector<64xf32> to vector<1x64xf32>
      %add3A_108 = arith.addf %get3A_103, %broadcast_in_dim3A_107 : vector<1x64xf32>
      %swap3A_109 = arith.constant 0 : index
      %swap3A_110 = arith.constant 0 : index
      %swap3A_111 = vector.load %arg15[%swap3A_109, %swap3A_110] : memref<8x64xf32, #tpu.memory_space<vmem>>, vector<1x64xf32>
      tpu.vector_store %arg15[%swap3A_109, %swap3A_110], %add3A_108 {strides = array<i32>} : memref<8x64xf32, #tpu.memory_space<vmem>>, vector<1x64xf32>,
      %broadcast_in_dim3A_112 = arith.constant 0.000000e+00 : f32
      %broadcast_in_dim3A_113 = vector.broadcast %broadcast_in_dim3A_112 : f32 to vector<128x64xf32>
      %swap3A_114 = arith.constant 0 : index
      %swap3A_115 = arith.constant 0 : index
      %swap3A_116 = vector.load %arg11[%swap3A_114, %swap3A_115] : memref<128x64xf32, #tpu.memory_space<vmem>>, vector<128x64xf32>
      tpu.vector_store %arg11[%swap3A_114, %swap3A_115], %broadcast_in_dim3A_113 {strides = array<i32>} : memref<128x64xf32, #tpu.memory_space<vmem>>, vector<128x64xf32>,
    } else {
    }
    %eq3A_33 = arith.constant 2 : i32
    %eq3A_34 = arith.cmpi eq, %arg0, %eq3A_33 : i32
    %convert_element_type3A_35 = arith.extui %eq3A_34 : i1 to i32
    %cond3A_36 = arith.constant 3.81469727E-6 : f32
    %cond3A_37 = arith.constant 0 : i32
    %cond3A_38 = arith.cmpi ne, %convert_element_type3A_35, %cond3A_37 : i32
    scf.if %cond3A_38 {
      %get3A_45 = arith.constant 0 : index
      %get3A_46 = arith.constant 0 : index
      %get3A_47 = vector.load %arg2[%get3A_45, %get3A_46] : memref<4096x32xf32, #tpu.memory_space<vmem>>, vector<4096x32xf32>
      %get3A_48 = arith.constant 0 : index
      %get3A_49 = arith.constant 0 : index
      %get3A_50 = vector.load %arg4[%get3A_48, %get3A_49] : memref<32x64xf32, #tpu.memory_space<vmem>>, vector<32x64xf32>
      %dot_general3A = arith.constant dense<0.000000e+00> : vector<4096x64xf32>
      %dot_general3A_51 = tpu.matmul %get3A_47, %get3A_50, %dot_general3A {dimension_numbers = #tpu.dot_dimension_numbers<[1], [0], [0], [1], [0, 0, 1, 1], [], []>, transpose_lhs_hint = false} : vector<4096x32xf32>, vector<32x64xf32>, vector<4096x64xf32> -> vector<4096x64xf32>
      %get3A_52 = arith.constant 0 : index
      %get3A_53 = arith.constant 0 : index
      %get3A_54 = vector.load %arg5[%get3A_52, %get3A_53] : memref<3x64xf32, #tpu.memory_space<vmem>>, vector<3x64xf32>
      %dot_general3A_55 = arith.constant dense<0.000000e+00> : vector<4096x64xf32>
      %dot_general3A_56 = tpu.matmul %get3A_1, %get3A_54, %dot_general3A_55 {dimension_numbers = #tpu.dot_dimension_numbers<[1], [0], [0], [1], [0, 0, 1, 1], [], []>, transpose_lhs_hint = false} : vector<4096x3xf32>, vector<3x64xf32>, vector<4096x64xf32> -> vector<4096x64xf32>
      %add3A = arith.addf %dot_general3A_51, %dot_general3A_56 : vector<4096x64xf32>
      %get3A_57 = arith.constant 0 : index
      %get3A_58 = arith.constant 0 : index
      %get3A_59 = vector.load %arg6[%get3A_57, %get3A_58] : memref<1x64xf32, #tpu.memory_space<vmem>>, vector<1x64xf32>
      %add3A_60 = vector.broadcast %get3A_59 : vector<1x64xf32> to vector<4096x64xf32>
      %add3A_61 = arith.addf %add3A, %add3A_60 : vector<4096x64xf32>
      %get3A_62 = arith.constant 0 : index
      %get3A_63 = arith.constant 0 : index
      %get3A_64 = vector.load %arg12[%get3A_62, %get3A_63] : memref<8x64xf32, #tpu.memory_space<vmem>>, vector<1x64xf32>
      %mul3A = vector.broadcast %cond3A_36 : f32 to vector<1x64xf32>
      %mul3A_65 = arith.mulf %get3A_64, %mul3A : vector<1x64xf32>
      %get3A_66 = arith.constant 0 : index
      %get3A_67 = arith.constant 0 : index
      %get3A_68 = vector.load %arg13[%get3A_66, %get3A_67] : memref<8x64xf32, #tpu.memory_space<vmem>>, vector<1x64xf32>
      %mul3A_69 = vector.broadcast %cond3A_36 : f32 to vector<1x64xf32>
      %mul3A_70 = arith.mulf %get3A_68, %mul3A_69 : vector<1x64xf32>
      %mul3A_71 = arith.mulf %mul3A_65, %mul3A_65 : vector<1x64xf32>
      %sub3A = arith.subf %mul3A_70, %mul3A_71 : vector<1x64xf32>
      %sub3A_72 = vector.broadcast %mul3A_65 : vector<1x64xf32> to vector<4096x64xf32>
      %sub3A_73 = arith.subf %add3A_61, %sub3A_72 : vector<4096x64xf32>
      %add3A_74 = arith.constant 9.99999974E-6 : f32
      %add3A_75 = vector.broadcast %add3A_74 : f32 to vector<1x64xf32>
      %add3A_76 = arith.addf %sub3A, %add3A_75 : vector<1x64xf32>
      %rsqrt3A = math.rsqrt %add3A_76 : vector<1x64xf32>
      %mul3A_77 = vector.broadcast %rsqrt3A : vector<1x64xf32> to vector<4096x64xf32>
      %mul3A_78 = arith.mulf %sub3A_73, %mul3A_77 : vector<4096x64xf32>
      %ge3A = arith.constant 0.000000e+00 : f32
      %ge3A_79 = vector.broadcast %ge3A : f32 to vector<4096x64xf32>
      %ge3A_80 = arith.cmpf oge, %mul3A_78, %ge3A_79 : vector<4096x64xf32>
      %mul3A_81 = arith.constant 1.000000e-01 : f32
      %mul3A_82 = vector.broadcast %mul3A_81 : f32 to vector<4096x64xf32>
      %mul3A_83 = arith.mulf %mul3A_82, %mul3A_78 : vector<4096x64xf32>
      %select_n3A = arith.select %ge3A_80, %mul3A_78, %mul3A_83 : vector<4096x64xi1>, vector<4096x64xf32>
      %get3A_84 = arith.constant 0 : index
      %get3A_85 = arith.constant 0 : index
      %get3A_86 = vector.load %arg7[%get3A_84, %get3A_85] : memref<64x64xf32, #tpu.memory_space<vmem>>, vector<64x64xf32>
      %dot_general3A_87 = arith.constant dense<0.000000e+00> : vector<4096x64xf32>
      %dot_general3A_88 = tpu.matmul %select_n3A, %get3A_86, %dot_general3A_87 {dimension_numbers = #tpu.dot_dimension_numbers<[1], [0], [0], [1], [0, 0, 1, 1], [], []>, transpose_lhs_hint = false} : vector<4096x64xf32>, vector<64x64xf32>, vector<4096x64xf32> -> vector<4096x64xf32>
      %get3A_89 = arith.constant 0 : index
      %get3A_90 = arith.constant 0 : index
      %get3A_91 = vector.load %arg8[%get3A_89, %get3A_90] : memref<1x64xf32, #tpu.memory_space<vmem>>, vector<1x64xf32>
      %add3A_92 = vector.broadcast %get3A_91 : vector<1x64xf32> to vector<4096x64xf32>
      %add3A_93 = arith.addf %dot_general3A_88, %add3A_92 : vector<4096x64xf32>
      %get3A_94 = arith.constant 0 : index
      %get3A_95 = arith.constant 0 : index
      %get3A_96 = vector.load %arg14[%get3A_94, %get3A_95] : memref<8x64xf32, #tpu.memory_space<vmem>>, vector<1x64xf32>
      %mul3A_97 = vector.broadcast %cond3A_36 : f32 to vector<1x64xf32>
      %mul3A_98 = arith.mulf %get3A_96, %mul3A_97 : vector<1x64xf32>
      %get3A_99 = arith.constant 0 : index
      %get3A_100 = arith.constant 0 : index
      %get3A_101 = vector.load %arg15[%get3A_99, %get3A_100] : memref<8x64xf32, #tpu.memory_space<vmem>>, vector<1x64xf32>
      %mul3A_102 = vector.broadcast %cond3A_36 : f32 to vector<1x64xf32>
      %mul3A_103 = arith.mulf %get3A_101, %mul3A_102 : vector<1x64xf32>
      %mul3A_104 = arith.mulf %mul3A_98, %mul3A_98 : vector<1x64xf32>
      %sub3A_105 = arith.subf %mul3A_103, %mul3A_104 : vector<1x64xf32>
      %sub3A_106 = vector.broadcast %mul3A_98 : vector<1x64xf32> to vector<4096x64xf32>
      %sub3A_107 = arith.subf %add3A_93, %sub3A_106 : vector<4096x64xf32>
      %add3A_108 = arith.constant 9.99999974E-6 : f32
      %add3A_109 = vector.broadcast %add3A_108 : f32 to vector<1x64xf32>
      %add3A_110 = arith.addf %sub3A_105, %add3A_109 : vector<1x64xf32>
      %rsqrt3A_111 = math.rsqrt %add3A_110 : vector<1x64xf32>
      %mul3A_112 = vector.broadcast %rsqrt3A_111 : vector<1x64xf32> to vector<4096x64xf32>
      %mul3A_113 = arith.mulf %sub3A_107, %mul3A_112 : vector<4096x64xf32>
      %ge3A_114 = arith.constant 0.000000e+00 : f32
      %ge3A_115 = vector.broadcast %ge3A_114 : f32 to vector<4096x64xf32>
      %ge3A_116 = arith.cmpf oge, %mul3A_113, %ge3A_115 : vector<4096x64xf32>
      %mul3A_117 = arith.constant 1.000000e-01 : f32
      %mul3A_118 = vector.broadcast %mul3A_117 : f32 to vector<4096x64xf32>
      %mul3A_119 = arith.mulf %mul3A_118, %mul3A_113 : vector<4096x64xf32>
      %select_n3A_120 = arith.select %ge3A_116, %mul3A_113, %mul3A_119 : vector<4096x64xi1>, vector<4096x64xf32>
      %get3A_121 = arith.constant 0 : index
      %get3A_122 = arith.constant 0 : index
      %get3A_123 = vector.load %arg9[%get3A_121, %get3A_122] : memref<64x64xf32, #tpu.memory_space<vmem>>, vector<64x64xf32>
      %dot_general3A_124 = arith.constant dense<0.000000e+00> : vector<4096x64xf32>
      %dot_general3A_125 = tpu.matmul %select_n3A_120, %get3A_123, %dot_general3A_124 {dimension_numbers = #tpu.dot_dimension_numbers<[1], [0], [0], [1], [0, 0, 1, 1], [], []>, transpose_lhs_hint = false} : vector<4096x64xf32>, vector<64x64xf32>, vector<4096x64xf32> -> vector<4096x64xf32>
      %get3A_126 = arith.constant 0 : index
      %get3A_127 = arith.constant 0 : index
      %get3A_128 = vector.load %arg10[%get3A_126, %get3A_127] : memref<1x64xf32, #tpu.memory_space<vmem>>, vector<1x64xf32>
      %add3A_129 = vector.broadcast %get3A_128 : vector<1x64xf32> to vector<4096x64xf32>
      %add3A_130 = arith.addf %dot_general3A_125, %add3A_129 : vector<4096x64xf32>
      %get3A_131 = arith.constant 0 : index
      %get3A_132 = arith.constant 0 : index
      %get3A_133 = vector.load %arg16[%get3A_131, %get3A_132] : memref<8x64xf32, #tpu.memory_space<vmem>>, vector<1x64xf32>
      %reduce_sum3A = arith.constant dense<0.000000e+00> : vector<64xf32>
      %reduce_sum3A_134 = vector.multi_reduction <add>, %add3A_130, %reduce_sum3A [0] : vector<4096x64xf32> to vector<64xf32>
      %broadcast_in_dim3A = vector.shape_cast %reduce_sum3A_134 : vector<64xf32> to vector<1x64xf32>
      %add3A_135 = arith.addf %get3A_133, %broadcast_in_dim3A : vector<1x64xf32>
      %swap3A = arith.constant 0 : index
      %swap3A_136 = arith.constant 0 : index
      %swap3A_137 = vector.load %arg16[%swap3A, %swap3A_136] : memref<8x64xf32, #tpu.memory_space<vmem>>, vector<1x64xf32>
      tpu.vector_store %arg16[%swap3A, %swap3A_136], %add3A_135 {strides = array<i32>} : memref<8x64xf32, #tpu.memory_space<vmem>>, vector<1x64xf32>,
      %get3A_138 = arith.constant 0 : index
      %get3A_139 = arith.constant 0 : index
      %get3A_140 = vector.load %arg17[%get3A_138, %get3A_139] : memref<8x64xf32, #tpu.memory_space<vmem>>, vector<1x64xf32>
      %mul3A_141 = arith.mulf %add3A_130, %add3A_130 : vector<4096x64xf32>
      %reduce_sum3A_142 = arith.constant dense<0.000000e+00> : vector<64xf32>
      %reduce_sum3A_143 = vector.multi_reduction <add>, %mul3A_141, %reduce_sum3A_142 [0] : vector<4096x64xf32> to vector<64xf32>
      %broadcast_in_dim3A_144 = vector.shape_cast %reduce_sum3A_143 : vector<64xf32> to vector<1x64xf32>
      %add3A_145 = arith.addf %get3A_140, %broadcast_in_dim3A_144 : vector<1x64xf32>
      %swap3A_146 = arith.constant 0 : index
      %swap3A_147 = arith.constant 0 : index
      %swap3A_148 = vector.load %arg17[%swap3A_146, %swap3A_147] : memref<8x64xf32, #tpu.memory_space<vmem>>, vector<1x64xf32>
      tpu.vector_store %arg17[%swap3A_146, %swap3A_147], %add3A_145 {strides = array<i32>} : memref<8x64xf32, #tpu.memory_space<vmem>>, vector<1x64xf32>,
      %broadcast_in_dim3A_149 = arith.constant 0.000000e+00 : f32
      %broadcast_in_dim3A_150 = vector.broadcast %broadcast_in_dim3A_149 : f32 to vector<128x64xf32>
      %swap3A_151 = arith.constant 0 : index
      %swap3A_152 = arith.constant 0 : index
      %swap3A_153 = vector.load %arg11[%swap3A_151, %swap3A_152] : memref<128x64xf32, #tpu.memory_space<vmem>>, vector<128x64xf32>
      tpu.vector_store %arg11[%swap3A_151, %swap3A_152], %broadcast_in_dim3A_150 {strides = array<i32>} : memref<128x64xf32, #tpu.memory_space<vmem>>, vector<128x64xf32>,
    } else {
    }
    %eq3A_39 = arith.constant 3 : i32
    %eq3A_40 = arith.cmpi eq, %arg0, %eq3A_39 : i32
    %convert_element_type3A_41 = arith.extui %eq3A_40 : i1 to i32
    %cond3A_42 = arith.constant 3.81469727E-6 : f32
    %cond3A_43 = arith.constant 0 : i32
    %cond3A_44 = arith.cmpi ne, %convert_element_type3A_41, %cond3A_43 : i32
    scf.if %cond3A_44 {
      %get3A_45 = arith.constant 0 : index
      %get3A_46 = arith.constant 0 : index
      %get3A_47 = vector.load %arg2[%get3A_45, %get3A_46] : memref<4096x32xf32, #tpu.memory_space<vmem>>, vector<4096x32xf32>
      %get3A_48 = arith.constant 0 : index
      %get3A_49 = arith.constant 0 : index
      %get3A_50 = vector.load %arg4[%get3A_48, %get3A_49] : memref<32x64xf32, #tpu.memory_space<vmem>>, vector<32x64xf32>
      %dot_general3A = arith.constant dense<0.000000e+00> : vector<4096x64xf32>
      %dot_general3A_51 = tpu.matmul %get3A_47, %get3A_50, %dot_general3A {dimension_numbers = #tpu.dot_dimension_numbers<[1], [0], [0], [1], [0, 0, 1, 1], [], []>, transpose_lhs_hint = false} : vector<4096x32xf32>, vector<32x64xf32>, vector<4096x64xf32> -> vector<4096x64xf32>
      %get3A_52 = arith.constant 0 : index
      %get3A_53 = arith.constant 0 : index
      %get3A_54 = vector.load %arg5[%get3A_52, %get3A_53] : memref<3x64xf32, #tpu.memory_space<vmem>>, vector<3x64xf32>
      %dot_general3A_55 = arith.constant dense<0.000000e+00> : vector<4096x64xf32>
      %dot_general3A_56 = tpu.matmul %get3A_1, %get3A_54, %dot_general3A_55 {dimension_numbers = #tpu.dot_dimension_numbers<[1], [0], [0], [1], [0, 0, 1, 1], [], []>, transpose_lhs_hint = false} : vector<4096x3xf32>, vector<3x64xf32>, vector<4096x64xf32> -> vector<4096x64xf32>
      %add3A = arith.addf %dot_general3A_51, %dot_general3A_56 : vector<4096x64xf32>
      %get3A_57 = arith.constant 0 : index
      %get3A_58 = arith.constant 0 : index
      %get3A_59 = vector.load %arg6[%get3A_57, %get3A_58] : memref<1x64xf32, #tpu.memory_space<vmem>>, vector<1x64xf32>
      %add3A_60 = vector.broadcast %get3A_59 : vector<1x64xf32> to vector<4096x64xf32>
      %add3A_61 = arith.addf %add3A, %add3A_60 : vector<4096x64xf32>
      %get3A_62 = arith.constant 0 : index
      %get3A_63 = arith.constant 0 : index
      %get3A_64 = vector.load %arg12[%get3A_62, %get3A_63] : memref<8x64xf32, #tpu.memory_space<vmem>>, vector<1x64xf32>
      %mul3A = vector.broadcast %cond3A_42 : f32 to vector<1x64xf32>
      %mul3A_65 = arith.mulf %get3A_64, %mul3A : vector<1x64xf32>
      %get3A_66 = arith.constant 0 : index
      %get3A_67 = arith.constant 0 : index
      %get3A_68 = vector.load %arg13[%get3A_66, %get3A_67] : memref<8x64xf32, #tpu.memory_space<vmem>>, vector<1x64xf32>
      %mul3A_69 = vector.broadcast %cond3A_42 : f32 to vector<1x64xf32>
      %mul3A_70 = arith.mulf %get3A_68, %mul3A_69 : vector<1x64xf32>
      %mul3A_71 = arith.mulf %mul3A_65, %mul3A_65 : vector<1x64xf32>
      %sub3A = arith.subf %mul3A_70, %mul3A_71 : vector<1x64xf32>
      %sub3A_72 = vector.broadcast %mul3A_65 : vector<1x64xf32> to vector<4096x64xf32>
      %sub3A_73 = arith.subf %add3A_61, %sub3A_72 : vector<4096x64xf32>
      %add3A_74 = arith.constant 9.99999974E-6 : f32
      %add3A_75 = vector.broadcast %add3A_74 : f32 to vector<1x64xf32>
      %add3A_76 = arith.addf %sub3A, %add3A_75 : vector<1x64xf32>
      %rsqrt3A = math.rsqrt %add3A_76 : vector<1x64xf32>
      %mul3A_77 = vector.broadcast %rsqrt3A : vector<1x64xf32> to vector<4096x64xf32>
      %mul3A_78 = arith.mulf %sub3A_73, %mul3A_77 : vector<4096x64xf32>
      %ge3A = arith.constant 0.000000e+00 : f32
      %ge3A_79 = vector.broadcast %ge3A : f32 to vector<4096x64xf32>
      %ge3A_80 = arith.cmpf oge, %mul3A_78, %ge3A_79 : vector<4096x64xf32>
      %mul3A_81 = arith.constant 1.000000e-01 : f32
      %mul3A_82 = vector.broadcast %mul3A_81 : f32 to vector<4096x64xf32>
      %mul3A_83 = arith.mulf %mul3A_82, %mul3A_78 : vector<4096x64xf32>
      %select_n3A = arith.select %ge3A_80, %mul3A_78, %mul3A_83 : vector<4096x64xi1>, vector<4096x64xf32>
      %get3A_84 = arith.constant 0 : index
      %get3A_85 = arith.constant 0 : index
      %get3A_86 = vector.load %arg7[%get3A_84, %get3A_85] : memref<64x64xf32, #tpu.memory_space<vmem>>, vector<64x64xf32>
      %dot_general3A_87 = arith.constant dense<0.000000e+00> : vector<4096x64xf32>
      %dot_general3A_88 = tpu.matmul %select_n3A, %get3A_86, %dot_general3A_87 {dimension_numbers = #tpu.dot_dimension_numbers<[1], [0], [0], [1], [0, 0, 1, 1], [], []>, transpose_lhs_hint = false} : vector<4096x64xf32>, vector<64x64xf32>, vector<4096x64xf32> -> vector<4096x64xf32>
      %get3A_89 = arith.constant 0 : index
      %get3A_90 = arith.constant 0 : index
      %get3A_91 = vector.load %arg8[%get3A_89, %get3A_90] : memref<1x64xf32, #tpu.memory_space<vmem>>, vector<1x64xf32>
      %add3A_92 = vector.broadcast %get3A_91 : vector<1x64xf32> to vector<4096x64xf32>
      %add3A_93 = arith.addf %dot_general3A_88, %add3A_92 : vector<4096x64xf32>
      %get3A_94 = arith.constant 0 : index
      %get3A_95 = arith.constant 0 : index
      %get3A_96 = vector.load %arg14[%get3A_94, %get3A_95] : memref<8x64xf32, #tpu.memory_space<vmem>>, vector<1x64xf32>
      %mul3A_97 = vector.broadcast %cond3A_42 : f32 to vector<1x64xf32>
      %mul3A_98 = arith.mulf %get3A_96, %mul3A_97 : vector<1x64xf32>
      %get3A_99 = arith.constant 0 : index
      %get3A_100 = arith.constant 0 : index
      %get3A_101 = vector.load %arg15[%get3A_99, %get3A_100] : memref<8x64xf32, #tpu.memory_space<vmem>>, vector<1x64xf32>
      %mul3A_102 = vector.broadcast %cond3A_42 : f32 to vector<1x64xf32>
      %mul3A_103 = arith.mulf %get3A_101, %mul3A_102 : vector<1x64xf32>
      %mul3A_104 = arith.mulf %mul3A_98, %mul3A_98 : vector<1x64xf32>
      %sub3A_105 = arith.subf %mul3A_103, %mul3A_104 : vector<1x64xf32>
      %sub3A_106 = vector.broadcast %mul3A_98 : vector<1x64xf32> to vector<4096x64xf32>
      %sub3A_107 = arith.subf %add3A_93, %sub3A_106 : vector<4096x64xf32>
      %add3A_108 = arith.constant 9.99999974E-6 : f32
      %add3A_109 = vector.broadcast %add3A_108 : f32 to vector<1x64xf32>
      %add3A_110 = arith.addf %sub3A_105, %add3A_109 : vector<1x64xf32>
      %rsqrt3A_111 = math.rsqrt %add3A_110 : vector<1x64xf32>
      %mul3A_112 = vector.broadcast %rsqrt3A_111 : vector<1x64xf32> to vector<4096x64xf32>
      %mul3A_113 = arith.mulf %sub3A_107, %mul3A_112 : vector<4096x64xf32>
      %ge3A_114 = arith.constant 0.000000e+00 : f32
      %ge3A_115 = vector.broadcast %ge3A_114 : f32 to vector<4096x64xf32>
      %ge3A_116 = arith.cmpf oge, %mul3A_113, %ge3A_115 : vector<4096x64xf32>
      %mul3A_117 = arith.constant 1.000000e-01 : f32
      %mul3A_118 = vector.broadcast %mul3A_117 : f32 to vector<4096x64xf32>
      %mul3A_119 = arith.mulf %mul3A_118, %mul3A_113 : vector<4096x64xf32>
      %select_n3A_120 = arith.select %ge3A_116, %mul3A_113, %mul3A_119 : vector<4096x64xi1>, vector<4096x64xf32>
      %get3A_121 = arith.constant 0 : index
      %get3A_122 = arith.constant 0 : index
      %get3A_123 = vector.load %arg9[%get3A_121, %get3A_122] : memref<64x64xf32, #tpu.memory_space<vmem>>, vector<64x64xf32>
      %dot_general3A_124 = arith.constant dense<0.000000e+00> : vector<4096x64xf32>
      %dot_general3A_125 = tpu.matmul %select_n3A_120, %get3A_123, %dot_general3A_124 {dimension_numbers = #tpu.dot_dimension_numbers<[1], [0], [0], [1], [0, 0, 1, 1], [], []>, transpose_lhs_hint = false} : vector<4096x64xf32>, vector<64x64xf32>, vector<4096x64xf32> -> vector<4096x64xf32>
      %get3A_126 = arith.constant 0 : index
      %get3A_127 = arith.constant 0 : index
      %get3A_128 = vector.load %arg10[%get3A_126, %get3A_127] : memref<1x64xf32, #tpu.memory_space<vmem>>, vector<1x64xf32>
      %add3A_129 = vector.broadcast %get3A_128 : vector<1x64xf32> to vector<4096x64xf32>
      %add3A_130 = arith.addf %dot_general3A_125, %add3A_129 : vector<4096x64xf32>
      %get3A_131 = arith.constant 0 : index
      %get3A_132 = arith.constant 0 : index
      %get3A_133 = vector.load %arg16[%get3A_131, %get3A_132] : memref<8x64xf32, #tpu.memory_space<vmem>>, vector<1x64xf32>
      %mul3A_134 = vector.broadcast %cond3A_42 : f32 to vector<1x64xf32>
      %mul3A_135 = arith.mulf %get3A_133, %mul3A_134 : vector<1x64xf32>
      %get3A_136 = arith.constant 0 : index
      %get3A_137 = arith.constant 0 : index
      %get3A_138 = vector.load %arg17[%get3A_136, %get3A_137] : memref<8x64xf32, #tpu.memory_space<vmem>>, vector<1x64xf32>
      %mul3A_139 = vector.broadcast %cond3A_42 : f32 to vector<1x64xf32>
      %mul3A_140 = arith.mulf %get3A_138, %mul3A_139 : vector<1x64xf32>
      %mul3A_141 = arith.mulf %mul3A_135, %mul3A_135 : vector<1x64xf32>
      %sub3A_142 = arith.subf %mul3A_140, %mul3A_141 : vector<1x64xf32>
      %sub3A_143 = vector.broadcast %mul3A_135 : vector<1x64xf32> to vector<4096x64xf32>
      %sub3A_144 = arith.subf %add3A_130, %sub3A_143 : vector<4096x64xf32>
      %add3A_145 = arith.constant 9.99999974E-6 : f32
      %add3A_146 = vector.broadcast %add3A_145 : f32 to vector<1x64xf32>
      %add3A_147 = arith.addf %sub3A_142, %add3A_146 : vector<1x64xf32>
      %rsqrt3A_148 = math.rsqrt %add3A_147 : vector<1x64xf32>
      %mul3A_149 = vector.broadcast %rsqrt3A_148 : vector<1x64xf32> to vector<4096x64xf32>
      %mul3A_150 = arith.mulf %sub3A_144, %mul3A_149 : vector<4096x64xf32>
      %ge3A_151 = arith.constant 0.000000e+00 : f32
      %ge3A_152 = vector.broadcast %ge3A_151 : f32 to vector<4096x64xf32>
      %ge3A_153 = arith.cmpf oge, %mul3A_150, %ge3A_152 : vector<4096x64xf32>
      %mul3A_154 = arith.constant 1.000000e-01 : f32
      %mul3A_155 = vector.broadcast %mul3A_154 : f32 to vector<4096x64xf32>
      %mul3A_156 = arith.mulf %mul3A_155, %mul3A_150 : vector<4096x64xf32>
      %select_n3A_157 = arith.select %ge3A_153, %mul3A_150, %mul3A_156 : vector<4096x64xi1>, vector<4096x64xf32>
      %reshape3A = vector.shape_cast %select_n3A_157 : vector<4096x64xf32> to vector<128x32x64xf32>
      %reduce_max3A = arith.constant dense<0xFF800000> : vector<128x64xf32>
      %reduce_max3A_158 = vector.multi_reduction <maximumf>, %reshape3A, %reduce_max3A [1] : vector<128x32x64xf32> to vector<128x64xf32>
      %swap3A = arith.constant 0 : index
      %swap3A_159 = arith.constant 0 : index
      %swap3A_160 = vector.load %arg11[%swap3A, %swap3A_159] : memref<128x64xf32, #tpu.memory_space<vmem>>, vector<128x64xf32>
      tpu.vector_store %arg11[%swap3A, %swap3A_159], %reduce_max3A_158 {strides = array<i32>} : memref<128x64xf32, #tpu.memory_space<vmem>>, vector<128x64xf32>,
    } else {
    }
    return
  }
  func.func @transform_0(%arg0: i32, %arg1: i32) -> (i32, i32) {
    %c0_i32 = arith.constant 0 : i32
    %c0_i32_0 = arith.constant 0 : i32
    return %arg1, %c0_i32 : i32, i32
  }
  func.func @transform_1(%arg0: i32, %arg1: i32) -> (i32, i32) {
    %c0_i32 = arith.constant 0 : i32
    %c0_i32_0 = arith.constant 0 : i32
    return %arg1, %c0_i32 : i32, i32
  }
  func.func @transform_2(%arg0: i32, %arg1: i32) -> (i32, i32) {
    %c0_i32 = arith.constant 0 : i32
    %c0_i32_0 = arith.constant 0 : i32
    %c0_i32_1 = arith.constant 0 : i32
    return %c0_i32, %c0_i32_0 : i32, i32
  }
  func.func @transform_3(%arg0: i32, %arg1: i32) -> (i32, i32) {
    %c0_i32 = arith.constant 0 : i32
    %c0_i32_0 = arith.constant 0 : i32
    %c0_i32_1 = arith.constant 0 : i32
    return %c0_i32, %c0_i32_0 : i32, i32
  }
  func.func @transform_4(%arg0: i32, %arg1: i32) -> (i32, i32) {
    %c0_i32 = arith.constant 0 : i32
    %c0_i32_0 = arith.constant 0 : i32
    %c0_i32_1 = arith.constant 0 : i32
    return %c0_i32, %c0_i32_0 : i32, i32
  }
  func.func @transform_5(%arg0: i32, %arg1: i32) -> (i32, i32) {
    %c0_i32 = arith.constant 0 : i32
    %c0_i32_0 = arith.constant 0 : i32
    %c0_i32_1 = arith.constant 0 : i32
    return %c0_i32, %c0_i32_0 : i32, i32
  }
  func.func @transform_6(%arg0: i32, %arg1: i32) -> (i32, i32) {
    %c0_i32 = arith.constant 0 : i32
    %c0_i32_0 = arith.constant 0 : i32
    %c0_i32_1 = arith.constant 0 : i32
    return %c0_i32, %c0_i32_0 : i32, i32
  }
  func.func @transform_7(%arg0: i32, %arg1: i32) -> (i32, i32) {
    %c0_i32 = arith.constant 0 : i32
    %c0_i32_0 = arith.constant 0 : i32
    %c0_i32_1 = arith.constant 0 : i32
    return %c0_i32, %c0_i32_0 : i32, i32
  }
  func.func @transform_8(%arg0: i32, %arg1: i32) -> (i32, i32) {
    %c0_i32 = arith.constant 0 : i32
    %c0_i32_0 = arith.constant 0 : i32
    %c0_i32_1 = arith.constant 0 : i32
    return %c0_i32, %c0_i32_0 : i32, i32
  }
  func.func @transform_9(%arg0: i32, %arg1: i32) -> (i32, i32) {
    %c0_i32 = arith.constant 0 : i32
    %c0_i32_0 = arith.constant 0 : i32
    return %arg1, %c0_i32 : i32, i32
  }
}

module attributes {stable_mosaic.version = 14 : i64} {
  func.func @_stage_body(%arg0: i32, %arg1: i32, %arg2: memref<4096x64xf32, #tpu.memory_space<vmem>>, %arg3: memref<4096x3xf32, #tpu.memory_space<vmem>>, %arg4: memref<64x128xf32, #tpu.memory_space<vmem>>, %arg5: memref<3x128xf32, #tpu.memory_space<vmem>>, %arg6: memref<1x128xf32, #tpu.memory_space<vmem>>, %arg7: memref<128x128xf32, #tpu.memory_space<vmem>>, %arg8: memref<1x128xf32, #tpu.memory_space<vmem>>, %arg9: memref<128x128xf32, #tpu.memory_space<vmem>>, %arg10: memref<1x128xf32, #tpu.memory_space<vmem>>, %arg11: memref<128x128xf32, #tpu.memory_space<vmem>>, %arg12: memref<8x128xf32, #tpu.memory_space<vmem>>, %arg13: memref<8x128xf32, #tpu.memory_space<vmem>>, %arg14: memref<8x128xf32, #tpu.memory_space<vmem>>, %arg15: memref<8x128xf32, #tpu.memory_space<vmem>>, %arg16: memref<8x128xf32, #tpu.memory_space<vmem>>, %arg17: memref<8x128xf32, #tpu.memory_space<vmem>>) attributes {dimension_semantics = [#tpu.dimension_semantics<arbitrary>, #tpu.dimension_semantics<arbitrary>], iteration_bounds = array<i64: 4, 64>, scalar_prefetch = 0 : i64, scratch_operands = 6 : i64, tpu.core_type = #tpu.core_type<tc>, window_params = [{transform_indices = @transform_0, window_bounds = array<i64: 4096, 64>}, {transform_indices = @transform_1, window_bounds = array<i64: 4096, 3>}, {pipeline_mode = #tpu.pipeline_mode<synchronous>, transform_indices = @transform_2, window_bounds = array<i64: 64, 128>}, {pipeline_mode = #tpu.pipeline_mode<synchronous>, transform_indices = @transform_3, window_bounds = array<i64: 3, 128>}, {pipeline_mode = #tpu.pipeline_mode<synchronous>, transform_indices = @transform_4, window_bounds = array<i64: 1, 128>}, {pipeline_mode = #tpu.pipeline_mode<synchronous>, transform_indices = @transform_5, window_bounds = array<i64: 128, 128>}, {pipeline_mode = #tpu.pipeline_mode<synchronous>, transform_indices = @transform_6, window_bounds = array<i64: 1, 128>}, {pipeline_mode = #tpu.pipeline_mode<synchronous>, transform_indices = @transform_7, window_bounds = array<i64: 128, 128>}, {pipeline_mode = #tpu.pipeline_mode<synchronous>, transform_indices = @transform_8, window_bounds = array<i64: 1, 128>}, {transform_indices = @transform_9, window_bounds = array<i64: 128, 128>}]} {
    %get3A = arith.constant 0 : index
    %get3A_0 = arith.constant 0 : index
    %get3A_1 = vector.load %arg3[%get3A, %get3A_0] : memref<4096x3xf32, #tpu.memory_space<vmem>>, vector<4096x3xf32>
    %eq3A = arith.constant 0 : i32
    %eq3A_2 = arith.cmpi eq, %arg0, %eq3A : i32
    %eq3A_3 = arith.constant 0 : i32
    %eq3A_4 = arith.cmpi eq, %arg1, %eq3A_3 : i32
    %and3A = arith.andi %eq3A_2, %eq3A_4 : i1
    %convert_element_type3A = arith.extui %and3A : i1 to i32
    %cond3A = arith.constant 0 : i32
    %cond3A_5 = arith.cmpi ne, %convert_element_type3A, %cond3A : i32
    scf.if %cond3A_5 {
      %broadcast_in_dim3A = arith.constant 0.000000e+00 : f32
      %broadcast_in_dim3A_45 = vector.broadcast %broadcast_in_dim3A : f32 to vector<8x128xf32>
      %swap3A = arith.constant 0 : index
      %swap3A_46 = arith.constant 0 : index
      %swap3A_47 = vector.load %arg12[%swap3A, %swap3A_46] : memref<8x128xf32, #tpu.memory_space<vmem>>, vector<8x128xf32>
      tpu.vector_store %arg12[%swap3A, %swap3A_46], %broadcast_in_dim3A_45 {strides = array<i32>} : memref<8x128xf32, #tpu.memory_space<vmem>>, vector<8x128xf32>,
      %broadcast_in_dim3A_48 = arith.constant 0.000000e+00 : f32
      %broadcast_in_dim3A_49 = vector.broadcast %broadcast_in_dim3A_48 : f32 to vector<8x128xf32>
      %swap3A_50 = arith.constant 0 : index
      %swap3A_51 = arith.constant 0 : index
      %swap3A_52 = vector.load %arg13[%swap3A_50, %swap3A_51] : memref<8x128xf32, #tpu.memory_space<vmem>>, vector<8x128xf32>
      tpu.vector_store %arg13[%swap3A_50, %swap3A_51], %broadcast_in_dim3A_49 {strides = array<i32>} : memref<8x128xf32, #tpu.memory_space<vmem>>, vector<8x128xf32>,
    } else {
    }
    %eq3A_6 = arith.constant 1 : i32
    %eq3A_7 = arith.cmpi eq, %arg0, %eq3A_6 : i32
    %eq3A_8 = arith.constant 0 : i32
    %eq3A_9 = arith.cmpi eq, %arg1, %eq3A_8 : i32
    %and3A_10 = arith.andi %eq3A_7, %eq3A_9 : i1
    %convert_element_type3A_11 = arith.extui %and3A_10 : i1 to i32
    %cond3A_12 = arith.constant 0 : i32
    %cond3A_13 = arith.cmpi ne, %convert_element_type3A_11, %cond3A_12 : i32
    scf.if %cond3A_13 {
      %broadcast_in_dim3A = arith.constant 0.000000e+00 : f32
      %broadcast_in_dim3A_45 = vector.broadcast %broadcast_in_dim3A : f32 to vector<8x128xf32>
      %swap3A = arith.constant 0 : index
      %swap3A_46 = arith.constant 0 : index
      %swap3A_47 = vector.load %arg14[%swap3A, %swap3A_46] : memref<8x128xf32, #tpu.memory_space<vmem>>, vector<8x128xf32>
      tpu.vector_store %arg14[%swap3A, %swap3A_46], %broadcast_in_dim3A_45 {strides = array<i32>} : memref<8x128xf32, #tpu.memory_space<vmem>>, vector<8x128xf32>,
      %broadcast_in_dim3A_48 = arith.constant 0.000000e+00 : f32
      %broadcast_in_dim3A_49 = vector.broadcast %broadcast_in_dim3A_48 : f32 to vector<8x128xf32>
      %swap3A_50 = arith.constant 0 : index
      %swap3A_51 = arith.constant 0 : index
      %swap3A_52 = vector.load %arg15[%swap3A_50, %swap3A_51] : memref<8x128xf32, #tpu.memory_space<vmem>>, vector<8x128xf32>
      tpu.vector_store %arg15[%swap3A_50, %swap3A_51], %broadcast_in_dim3A_49 {strides = array<i32>} : memref<8x128xf32, #tpu.memory_space<vmem>>, vector<8x128xf32>,
    } else {
    }
    %eq3A_14 = arith.constant 2 : i32
    %eq3A_15 = arith.cmpi eq, %arg0, %eq3A_14 : i32
    %eq3A_16 = arith.constant 0 : i32
    %eq3A_17 = arith.cmpi eq, %arg1, %eq3A_16 : i32
    %and3A_18 = arith.andi %eq3A_15, %eq3A_17 : i1
    %convert_element_type3A_19 = arith.extui %and3A_18 : i1 to i32
    %cond3A_20 = arith.constant 0 : i32
    %cond3A_21 = arith.cmpi ne, %convert_element_type3A_19, %cond3A_20 : i32
    scf.if %cond3A_21 {
      %broadcast_in_dim3A = arith.constant 0.000000e+00 : f32
      %broadcast_in_dim3A_45 = vector.broadcast %broadcast_in_dim3A : f32 to vector<8x128xf32>
      %swap3A = arith.constant 0 : index
      %swap3A_46 = arith.constant 0 : index
      %swap3A_47 = vector.load %arg16[%swap3A, %swap3A_46] : memref<8x128xf32, #tpu.memory_space<vmem>>, vector<8x128xf32>
      tpu.vector_store %arg16[%swap3A, %swap3A_46], %broadcast_in_dim3A_45 {strides = array<i32>} : memref<8x128xf32, #tpu.memory_space<vmem>>, vector<8x128xf32>,
      %broadcast_in_dim3A_48 = arith.constant 0.000000e+00 : f32
      %broadcast_in_dim3A_49 = vector.broadcast %broadcast_in_dim3A_48 : f32 to vector<8x128xf32>
      %swap3A_50 = arith.constant 0 : index
      %swap3A_51 = arith.constant 0 : index
      %swap3A_52 = vector.load %arg17[%swap3A_50, %swap3A_51] : memref<8x128xf32, #tpu.memory_space<vmem>>, vector<8x128xf32>
      tpu.vector_store %arg17[%swap3A_50, %swap3A_51], %broadcast_in_dim3A_49 {strides = array<i32>} : memref<8x128xf32, #tpu.memory_space<vmem>>, vector<8x128xf32>,
    } else {
    }
    %eq3A_22 = arith.constant 0 : i32
    %eq3A_23 = arith.cmpi eq, %arg0, %eq3A_22 : i32
    %convert_element_type3A_24 = arith.extui %eq3A_23 : i1 to i32
    %cond3A_25 = arith.constant 0 : i32
    %cond3A_26 = arith.cmpi ne, %convert_element_type3A_24, %cond3A_25 : i32
    scf.if %cond3A_26 {
      %get3A_45 = arith.constant 0 : index
      %get3A_46 = arith.constant 0 : index
      %get3A_47 = vector.load %arg2[%get3A_45, %get3A_46] : memref<4096x64xf32, #tpu.memory_space<vmem>>, vector<4096x64xf32>
      %get3A_48 = arith.constant 0 : index
      %get3A_49 = arith.constant 0 : index
      %get3A_50 = vector.load %arg4[%get3A_48, %get3A_49] : memref<64x128xf32, #tpu.memory_space<vmem>>, vector<64x128xf32>
      %dot_general3A = arith.constant dense<0.000000e+00> : vector<4096x128xf32>
      %dot_general3A_51 = tpu.matmul %get3A_47, %get3A_50, %dot_general3A {dimension_numbers = #tpu.dot_dimension_numbers<[1], [0], [0], [1], [0, 0, 1, 1], [], []>, transpose_lhs_hint = false} : vector<4096x64xf32>, vector<64x128xf32>, vector<4096x128xf32> -> vector<4096x128xf32>
      %get3A_52 = arith.constant 0 : index
      %get3A_53 = arith.constant 0 : index
      %get3A_54 = vector.load %arg5[%get3A_52, %get3A_53] : memref<3x128xf32, #tpu.memory_space<vmem>>, vector<3x128xf32>
      %dot_general3A_55 = arith.constant dense<0.000000e+00> : vector<4096x128xf32>
      %dot_general3A_56 = tpu.matmul %get3A_1, %get3A_54, %dot_general3A_55 {dimension_numbers = #tpu.dot_dimension_numbers<[1], [0], [0], [1], [0, 0, 1, 1], [], []>, transpose_lhs_hint = false} : vector<4096x3xf32>, vector<3x128xf32>, vector<4096x128xf32> -> vector<4096x128xf32>
      %add3A = arith.addf %dot_general3A_51, %dot_general3A_56 : vector<4096x128xf32>
      %get3A_57 = arith.constant 0 : index
      %get3A_58 = arith.constant 0 : index
      %get3A_59 = vector.load %arg6[%get3A_57, %get3A_58] : memref<1x128xf32, #tpu.memory_space<vmem>>, vector<1x128xf32>
      %add3A_60 = vector.broadcast %get3A_59 : vector<1x128xf32> to vector<4096x128xf32>
      %add3A_61 = arith.addf %add3A, %add3A_60 : vector<4096x128xf32>
      %get3A_62 = arith.constant 0 : index
      %get3A_63 = arith.constant 0 : index
      %get3A_64 = vector.load %arg12[%get3A_62, %get3A_63] : memref<8x128xf32, #tpu.memory_space<vmem>>, vector<1x128xf32>
      %reduce_sum3A = arith.constant dense<0.000000e+00> : vector<128xf32>
      %reduce_sum3A_65 = vector.multi_reduction <add>, %add3A_61, %reduce_sum3A [0] : vector<4096x128xf32> to vector<128xf32>
      %broadcast_in_dim3A = vector.shape_cast %reduce_sum3A_65 : vector<128xf32> to vector<1x128xf32>
      %add3A_66 = arith.addf %get3A_64, %broadcast_in_dim3A : vector<1x128xf32>
      %swap3A = arith.constant 0 : index
      %swap3A_67 = arith.constant 0 : index
      %swap3A_68 = vector.load %arg12[%swap3A, %swap3A_67] : memref<8x128xf32, #tpu.memory_space<vmem>>, vector<1x128xf32>
      tpu.vector_store %arg12[%swap3A, %swap3A_67], %add3A_66 {strides = array<i32>} : memref<8x128xf32, #tpu.memory_space<vmem>>, vector<1x128xf32>,
      %get3A_69 = arith.constant 0 : index
      %get3A_70 = arith.constant 0 : index
      %get3A_71 = vector.load %arg13[%get3A_69, %get3A_70] : memref<8x128xf32, #tpu.memory_space<vmem>>, vector<1x128xf32>
      %mul3A = arith.mulf %add3A_61, %add3A_61 : vector<4096x128xf32>
      %reduce_sum3A_72 = arith.constant dense<0.000000e+00> : vector<128xf32>
      %reduce_sum3A_73 = vector.multi_reduction <add>, %mul3A, %reduce_sum3A_72 [0] : vector<4096x128xf32> to vector<128xf32>
      %broadcast_in_dim3A_74 = vector.shape_cast %reduce_sum3A_73 : vector<128xf32> to vector<1x128xf32>
      %add3A_75 = arith.addf %get3A_71, %broadcast_in_dim3A_74 : vector<1x128xf32>
      %swap3A_76 = arith.constant 0 : index
      %swap3A_77 = arith.constant 0 : index
      %swap3A_78 = vector.load %arg13[%swap3A_76, %swap3A_77] : memref<8x128xf32, #tpu.memory_space<vmem>>, vector<1x128xf32>
      tpu.vector_store %arg13[%swap3A_76, %swap3A_77], %add3A_75 {strides = array<i32>} : memref<8x128xf32, #tpu.memory_space<vmem>>, vector<1x128xf32>,
      %broadcast_in_dim3A_79 = arith.constant 0.000000e+00 : f32
      %broadcast_in_dim3A_80 = vector.broadcast %broadcast_in_dim3A_79 : f32 to vector<128x128xf32>
      %swap3A_81 = arith.constant 0 : index
      %swap3A_82 = arith.constant 0 : index
      %swap3A_83 = vector.load %arg11[%swap3A_81, %swap3A_82] : memref<128x128xf32, #tpu.memory_space<vmem>>, vector<128x128xf32>
      tpu.vector_store %arg11[%swap3A_81, %swap3A_82], %broadcast_in_dim3A_80 {strides = array<i32>} : memref<128x128xf32, #tpu.memory_space<vmem>>, vector<128x128xf32>,
    } else {
    }
    %eq3A_27 = arith.constant 1 : i32
    %eq3A_28 = arith.cmpi eq, %arg0, %eq3A_27 : i32
    %convert_element_type3A_29 = arith.extui %eq3A_28 : i1 to i32
    %cond3A_30 = arith.constant 3.81469727E-6 : f32
    %cond3A_31 = arith.constant 0 : i32
    %cond3A_32 = arith.cmpi ne, %convert_element_type3A_29, %cond3A_31 : i32
    scf.if %cond3A_32 {
      %get3A_45 = arith.constant 0 : index
      %get3A_46 = arith.constant 0 : index
      %get3A_47 = vector.load %arg2[%get3A_45, %get3A_46] : memref<4096x64xf32, #tpu.memory_space<vmem>>, vector<4096x64xf32>
      %get3A_48 = arith.constant 0 : index
      %get3A_49 = arith.constant 0 : index
      %get3A_50 = vector.load %arg4[%get3A_48, %get3A_49] : memref<64x128xf32, #tpu.memory_space<vmem>>, vector<64x128xf32>
      %dot_general3A = arith.constant dense<0.000000e+00> : vector<4096x128xf32>
      %dot_general3A_51 = tpu.matmul %get3A_47, %get3A_50, %dot_general3A {dimension_numbers = #tpu.dot_dimension_numbers<[1], [0], [0], [1], [0, 0, 1, 1], [], []>, transpose_lhs_hint = false} : vector<4096x64xf32>, vector<64x128xf32>, vector<4096x128xf32> -> vector<4096x128xf32>
      %get3A_52 = arith.constant 0 : index
      %get3A_53 = arith.constant 0 : index
      %get3A_54 = vector.load %arg5[%get3A_52, %get3A_53] : memref<3x128xf32, #tpu.memory_space<vmem>>, vector<3x128xf32>
      %dot_general3A_55 = arith.constant dense<0.000000e+00> : vector<4096x128xf32>
      %dot_general3A_56 = tpu.matmul %get3A_1, %get3A_54, %dot_general3A_55 {dimension_numbers = #tpu.dot_dimension_numbers<[1], [0], [0], [1], [0, 0, 1, 1], [], []>, transpose_lhs_hint = false} : vector<4096x3xf32>, vector<3x128xf32>, vector<4096x128xf32> -> vector<4096x128xf32>
      %add3A = arith.addf %dot_general3A_51, %dot_general3A_56 : vector<4096x128xf32>
      %get3A_57 = arith.constant 0 : index
      %get3A_58 = arith.constant 0 : index
      %get3A_59 = vector.load %arg6[%get3A_57, %get3A_58] : memref<1x128xf32, #tpu.memory_space<vmem>>, vector<1x128xf32>
      %add3A_60 = vector.broadcast %get3A_59 : vector<1x128xf32> to vector<4096x128xf32>
      %add3A_61 = arith.addf %add3A, %add3A_60 : vector<4096x128xf32>
      %get3A_62 = arith.constant 0 : index
      %get3A_63 = arith.constant 0 : index
      %get3A_64 = vector.load %arg12[%get3A_62, %get3A_63] : memref<8x128xf32, #tpu.memory_space<vmem>>, vector<1x128xf32>
      %mul3A = vector.broadcast %cond3A_30 : f32 to vector<1x128xf32>
      %mul3A_65 = arith.mulf %get3A_64, %mul3A : vector<1x128xf32>
      %get3A_66 = arith.constant 0 : index
      %get3A_67 = arith.constant 0 : index
      %get3A_68 = vector.load %arg13[%get3A_66, %get3A_67] : memref<8x128xf32, #tpu.memory_space<vmem>>, vector<1x128xf32>
      %mul3A_69 = vector.broadcast %cond3A_30 : f32 to vector<1x128xf32>
      %mul3A_70 = arith.mulf %get3A_68, %mul3A_69 : vector<1x128xf32>
      %mul3A_71 = arith.mulf %mul3A_65, %mul3A_65 : vector<1x128xf32>
      %sub3A = arith.subf %mul3A_70, %mul3A_71 : vector<1x128xf32>
      %sub3A_72 = vector.broadcast %mul3A_65 : vector<1x128xf32> to vector<4096x128xf32>
      %sub3A_73 = arith.subf %add3A_61, %sub3A_72 : vector<4096x128xf32>
      %add3A_74 = arith.constant 9.99999974E-6 : f32
      %add3A_75 = vector.broadcast %add3A_74 : f32 to vector<1x128xf32>
      %add3A_76 = arith.addf %sub3A, %add3A_75 : vector<1x128xf32>
      %rsqrt3A = math.rsqrt %add3A_76 : vector<1x128xf32>
      %mul3A_77 = vector.broadcast %rsqrt3A : vector<1x128xf32> to vector<4096x128xf32>
      %mul3A_78 = arith.mulf %sub3A_73, %mul3A_77 : vector<4096x128xf32>
      %ge3A = arith.constant 0.000000e+00 : f32
      %ge3A_79 = vector.broadcast %ge3A : f32 to vector<4096x128xf32>
      %ge3A_80 = arith.cmpf oge, %mul3A_78, %ge3A_79 : vector<4096x128xf32>
      %mul3A_81 = arith.constant 1.000000e-01 : f32
      %mul3A_82 = vector.broadcast %mul3A_81 : f32 to vector<4096x128xf32>
      %mul3A_83 = arith.mulf %mul3A_82, %mul3A_78 : vector<4096x128xf32>
      %select_n3A = arith.select %ge3A_80, %mul3A_78, %mul3A_83 : vector<4096x128xi1>, vector<4096x128xf32>
      %get3A_84 = arith.constant 0 : index
      %get3A_85 = arith.constant 0 : index
      %get3A_86 = vector.load %arg7[%get3A_84, %get3A_85] : memref<128x128xf32, #tpu.memory_space<vmem>>, vector<128x128xf32>
      %dot_general3A_87 = arith.constant dense<0.000000e+00> : vector<4096x128xf32>
      %dot_general3A_88 = tpu.matmul %select_n3A, %get3A_86, %dot_general3A_87 {dimension_numbers = #tpu.dot_dimension_numbers<[1], [0], [0], [1], [0, 0, 1, 1], [], []>, transpose_lhs_hint = false} : vector<4096x128xf32>, vector<128x128xf32>, vector<4096x128xf32> -> vector<4096x128xf32>
      %get3A_89 = arith.constant 0 : index
      %get3A_90 = arith.constant 0 : index
      %get3A_91 = vector.load %arg8[%get3A_89, %get3A_90] : memref<1x128xf32, #tpu.memory_space<vmem>>, vector<1x128xf32>
      %add3A_92 = vector.broadcast %get3A_91 : vector<1x128xf32> to vector<4096x128xf32>
      %add3A_93 = arith.addf %dot_general3A_88, %add3A_92 : vector<4096x128xf32>
      %get3A_94 = arith.constant 0 : index
      %get3A_95 = arith.constant 0 : index
      %get3A_96 = vector.load %arg14[%get3A_94, %get3A_95] : memref<8x128xf32, #tpu.memory_space<vmem>>, vector<1x128xf32>
      %reduce_sum3A = arith.constant dense<0.000000e+00> : vector<128xf32>
      %reduce_sum3A_97 = vector.multi_reduction <add>, %add3A_93, %reduce_sum3A [0] : vector<4096x128xf32> to vector<128xf32>
      %broadcast_in_dim3A = vector.shape_cast %reduce_sum3A_97 : vector<128xf32> to vector<1x128xf32>
      %add3A_98 = arith.addf %get3A_96, %broadcast_in_dim3A : vector<1x128xf32>
      %swap3A = arith.constant 0 : index
      %swap3A_99 = arith.constant 0 : index
      %swap3A_100 = vector.load %arg14[%swap3A, %swap3A_99] : memref<8x128xf32, #tpu.memory_space<vmem>>, vector<1x128xf32>
      tpu.vector_store %arg14[%swap3A, %swap3A_99], %add3A_98 {strides = array<i32>} : memref<8x128xf32, #tpu.memory_space<vmem>>, vector<1x128xf32>,
      %get3A_101 = arith.constant 0 : index
      %get3A_102 = arith.constant 0 : index
      %get3A_103 = vector.load %arg15[%get3A_101, %get3A_102] : memref<8x128xf32, #tpu.memory_space<vmem>>, vector<1x128xf32>
      %mul3A_104 = arith.mulf %add3A_93, %add3A_93 : vector<4096x128xf32>
      %reduce_sum3A_105 = arith.constant dense<0.000000e+00> : vector<128xf32>
      %reduce_sum3A_106 = vector.multi_reduction <add>, %mul3A_104, %reduce_sum3A_105 [0] : vector<4096x128xf32> to vector<128xf32>
      %broadcast_in_dim3A_107 = vector.shape_cast %reduce_sum3A_106 : vector<128xf32> to vector<1x128xf32>
      %add3A_108 = arith.addf %get3A_103, %broadcast_in_dim3A_107 : vector<1x128xf32>
      %swap3A_109 = arith.constant 0 : index
      %swap3A_110 = arith.constant 0 : index
      %swap3A_111 = vector.load %arg15[%swap3A_109, %swap3A_110] : memref<8x128xf32, #tpu.memory_space<vmem>>, vector<1x128xf32>
      tpu.vector_store %arg15[%swap3A_109, %swap3A_110], %add3A_108 {strides = array<i32>} : memref<8x128xf32, #tpu.memory_space<vmem>>, vector<1x128xf32>,
      %broadcast_in_dim3A_112 = arith.constant 0.000000e+00 : f32
      %broadcast_in_dim3A_113 = vector.broadcast %broadcast_in_dim3A_112 : f32 to vector<128x128xf32>
      %swap3A_114 = arith.constant 0 : index
      %swap3A_115 = arith.constant 0 : index
      %swap3A_116 = vector.load %arg11[%swap3A_114, %swap3A_115] : memref<128x128xf32, #tpu.memory_space<vmem>>, vector<128x128xf32>
      tpu.vector_store %arg11[%swap3A_114, %swap3A_115], %broadcast_in_dim3A_113 {strides = array<i32>} : memref<128x128xf32, #tpu.memory_space<vmem>>, vector<128x128xf32>,
    } else {
    }
    %eq3A_33 = arith.constant 2 : i32
    %eq3A_34 = arith.cmpi eq, %arg0, %eq3A_33 : i32
    %convert_element_type3A_35 = arith.extui %eq3A_34 : i1 to i32
    %cond3A_36 = arith.constant 3.81469727E-6 : f32
    %cond3A_37 = arith.constant 0 : i32
    %cond3A_38 = arith.cmpi ne, %convert_element_type3A_35, %cond3A_37 : i32
    scf.if %cond3A_38 {
      %get3A_45 = arith.constant 0 : index
      %get3A_46 = arith.constant 0 : index
      %get3A_47 = vector.load %arg2[%get3A_45, %get3A_46] : memref<4096x64xf32, #tpu.memory_space<vmem>>, vector<4096x64xf32>
      %get3A_48 = arith.constant 0 : index
      %get3A_49 = arith.constant 0 : index
      %get3A_50 = vector.load %arg4[%get3A_48, %get3A_49] : memref<64x128xf32, #tpu.memory_space<vmem>>, vector<64x128xf32>
      %dot_general3A = arith.constant dense<0.000000e+00> : vector<4096x128xf32>
      %dot_general3A_51 = tpu.matmul %get3A_47, %get3A_50, %dot_general3A {dimension_numbers = #tpu.dot_dimension_numbers<[1], [0], [0], [1], [0, 0, 1, 1], [], []>, transpose_lhs_hint = false} : vector<4096x64xf32>, vector<64x128xf32>, vector<4096x128xf32> -> vector<4096x128xf32>
      %get3A_52 = arith.constant 0 : index
      %get3A_53 = arith.constant 0 : index
      %get3A_54 = vector.load %arg5[%get3A_52, %get3A_53] : memref<3x128xf32, #tpu.memory_space<vmem>>, vector<3x128xf32>
      %dot_general3A_55 = arith.constant dense<0.000000e+00> : vector<4096x128xf32>
      %dot_general3A_56 = tpu.matmul %get3A_1, %get3A_54, %dot_general3A_55 {dimension_numbers = #tpu.dot_dimension_numbers<[1], [0], [0], [1], [0, 0, 1, 1], [], []>, transpose_lhs_hint = false} : vector<4096x3xf32>, vector<3x128xf32>, vector<4096x128xf32> -> vector<4096x128xf32>
      %add3A = arith.addf %dot_general3A_51, %dot_general3A_56 : vector<4096x128xf32>
      %get3A_57 = arith.constant 0 : index
      %get3A_58 = arith.constant 0 : index
      %get3A_59 = vector.load %arg6[%get3A_57, %get3A_58] : memref<1x128xf32, #tpu.memory_space<vmem>>, vector<1x128xf32>
      %add3A_60 = vector.broadcast %get3A_59 : vector<1x128xf32> to vector<4096x128xf32>
      %add3A_61 = arith.addf %add3A, %add3A_60 : vector<4096x128xf32>
      %get3A_62 = arith.constant 0 : index
      %get3A_63 = arith.constant 0 : index
      %get3A_64 = vector.load %arg12[%get3A_62, %get3A_63] : memref<8x128xf32, #tpu.memory_space<vmem>>, vector<1x128xf32>
      %mul3A = vector.broadcast %cond3A_36 : f32 to vector<1x128xf32>
      %mul3A_65 = arith.mulf %get3A_64, %mul3A : vector<1x128xf32>
      %get3A_66 = arith.constant 0 : index
      %get3A_67 = arith.constant 0 : index
      %get3A_68 = vector.load %arg13[%get3A_66, %get3A_67] : memref<8x128xf32, #tpu.memory_space<vmem>>, vector<1x128xf32>
      %mul3A_69 = vector.broadcast %cond3A_36 : f32 to vector<1x128xf32>
      %mul3A_70 = arith.mulf %get3A_68, %mul3A_69 : vector<1x128xf32>
      %mul3A_71 = arith.mulf %mul3A_65, %mul3A_65 : vector<1x128xf32>
      %sub3A = arith.subf %mul3A_70, %mul3A_71 : vector<1x128xf32>
      %sub3A_72 = vector.broadcast %mul3A_65 : vector<1x128xf32> to vector<4096x128xf32>
      %sub3A_73 = arith.subf %add3A_61, %sub3A_72 : vector<4096x128xf32>
      %add3A_74 = arith.constant 9.99999974E-6 : f32
      %add3A_75 = vector.broadcast %add3A_74 : f32 to vector<1x128xf32>
      %add3A_76 = arith.addf %sub3A, %add3A_75 : vector<1x128xf32>
      %rsqrt3A = math.rsqrt %add3A_76 : vector<1x128xf32>
      %mul3A_77 = vector.broadcast %rsqrt3A : vector<1x128xf32> to vector<4096x128xf32>
      %mul3A_78 = arith.mulf %sub3A_73, %mul3A_77 : vector<4096x128xf32>
      %ge3A = arith.constant 0.000000e+00 : f32
      %ge3A_79 = vector.broadcast %ge3A : f32 to vector<4096x128xf32>
      %ge3A_80 = arith.cmpf oge, %mul3A_78, %ge3A_79 : vector<4096x128xf32>
      %mul3A_81 = arith.constant 1.000000e-01 : f32
      %mul3A_82 = vector.broadcast %mul3A_81 : f32 to vector<4096x128xf32>
      %mul3A_83 = arith.mulf %mul3A_82, %mul3A_78 : vector<4096x128xf32>
      %select_n3A = arith.select %ge3A_80, %mul3A_78, %mul3A_83 : vector<4096x128xi1>, vector<4096x128xf32>
      %get3A_84 = arith.constant 0 : index
      %get3A_85 = arith.constant 0 : index
      %get3A_86 = vector.load %arg7[%get3A_84, %get3A_85] : memref<128x128xf32, #tpu.memory_space<vmem>>, vector<128x128xf32>
      %dot_general3A_87 = arith.constant dense<0.000000e+00> : vector<4096x128xf32>
      %dot_general3A_88 = tpu.matmul %select_n3A, %get3A_86, %dot_general3A_87 {dimension_numbers = #tpu.dot_dimension_numbers<[1], [0], [0], [1], [0, 0, 1, 1], [], []>, transpose_lhs_hint = false} : vector<4096x128xf32>, vector<128x128xf32>, vector<4096x128xf32> -> vector<4096x128xf32>
      %get3A_89 = arith.constant 0 : index
      %get3A_90 = arith.constant 0 : index
      %get3A_91 = vector.load %arg8[%get3A_89, %get3A_90] : memref<1x128xf32, #tpu.memory_space<vmem>>, vector<1x128xf32>
      %add3A_92 = vector.broadcast %get3A_91 : vector<1x128xf32> to vector<4096x128xf32>
      %add3A_93 = arith.addf %dot_general3A_88, %add3A_92 : vector<4096x128xf32>
      %get3A_94 = arith.constant 0 : index
      %get3A_95 = arith.constant 0 : index
      %get3A_96 = vector.load %arg14[%get3A_94, %get3A_95] : memref<8x128xf32, #tpu.memory_space<vmem>>, vector<1x128xf32>
      %mul3A_97 = vector.broadcast %cond3A_36 : f32 to vector<1x128xf32>
      %mul3A_98 = arith.mulf %get3A_96, %mul3A_97 : vector<1x128xf32>
      %get3A_99 = arith.constant 0 : index
      %get3A_100 = arith.constant 0 : index
      %get3A_101 = vector.load %arg15[%get3A_99, %get3A_100] : memref<8x128xf32, #tpu.memory_space<vmem>>, vector<1x128xf32>
      %mul3A_102 = vector.broadcast %cond3A_36 : f32 to vector<1x128xf32>
      %mul3A_103 = arith.mulf %get3A_101, %mul3A_102 : vector<1x128xf32>
      %mul3A_104 = arith.mulf %mul3A_98, %mul3A_98 : vector<1x128xf32>
      %sub3A_105 = arith.subf %mul3A_103, %mul3A_104 : vector<1x128xf32>
      %sub3A_106 = vector.broadcast %mul3A_98 : vector<1x128xf32> to vector<4096x128xf32>
      %sub3A_107 = arith.subf %add3A_93, %sub3A_106 : vector<4096x128xf32>
      %add3A_108 = arith.constant 9.99999974E-6 : f32
      %add3A_109 = vector.broadcast %add3A_108 : f32 to vector<1x128xf32>
      %add3A_110 = arith.addf %sub3A_105, %add3A_109 : vector<1x128xf32>
      %rsqrt3A_111 = math.rsqrt %add3A_110 : vector<1x128xf32>
      %mul3A_112 = vector.broadcast %rsqrt3A_111 : vector<1x128xf32> to vector<4096x128xf32>
      %mul3A_113 = arith.mulf %sub3A_107, %mul3A_112 : vector<4096x128xf32>
      %ge3A_114 = arith.constant 0.000000e+00 : f32
      %ge3A_115 = vector.broadcast %ge3A_114 : f32 to vector<4096x128xf32>
      %ge3A_116 = arith.cmpf oge, %mul3A_113, %ge3A_115 : vector<4096x128xf32>
      %mul3A_117 = arith.constant 1.000000e-01 : f32
      %mul3A_118 = vector.broadcast %mul3A_117 : f32 to vector<4096x128xf32>
      %mul3A_119 = arith.mulf %mul3A_118, %mul3A_113 : vector<4096x128xf32>
      %select_n3A_120 = arith.select %ge3A_116, %mul3A_113, %mul3A_119 : vector<4096x128xi1>, vector<4096x128xf32>
      %get3A_121 = arith.constant 0 : index
      %get3A_122 = arith.constant 0 : index
      %get3A_123 = vector.load %arg9[%get3A_121, %get3A_122] : memref<128x128xf32, #tpu.memory_space<vmem>>, vector<128x128xf32>
      %dot_general3A_124 = arith.constant dense<0.000000e+00> : vector<4096x128xf32>
      %dot_general3A_125 = tpu.matmul %select_n3A_120, %get3A_123, %dot_general3A_124 {dimension_numbers = #tpu.dot_dimension_numbers<[1], [0], [0], [1], [0, 0, 1, 1], [], []>, transpose_lhs_hint = false} : vector<4096x128xf32>, vector<128x128xf32>, vector<4096x128xf32> -> vector<4096x128xf32>
      %get3A_126 = arith.constant 0 : index
      %get3A_127 = arith.constant 0 : index
      %get3A_128 = vector.load %arg10[%get3A_126, %get3A_127] : memref<1x128xf32, #tpu.memory_space<vmem>>, vector<1x128xf32>
      %add3A_129 = vector.broadcast %get3A_128 : vector<1x128xf32> to vector<4096x128xf32>
      %add3A_130 = arith.addf %dot_general3A_125, %add3A_129 : vector<4096x128xf32>
      %get3A_131 = arith.constant 0 : index
      %get3A_132 = arith.constant 0 : index
      %get3A_133 = vector.load %arg16[%get3A_131, %get3A_132] : memref<8x128xf32, #tpu.memory_space<vmem>>, vector<1x128xf32>
      %reduce_sum3A = arith.constant dense<0.000000e+00> : vector<128xf32>
      %reduce_sum3A_134 = vector.multi_reduction <add>, %add3A_130, %reduce_sum3A [0] : vector<4096x128xf32> to vector<128xf32>
      %broadcast_in_dim3A = vector.shape_cast %reduce_sum3A_134 : vector<128xf32> to vector<1x128xf32>
      %add3A_135 = arith.addf %get3A_133, %broadcast_in_dim3A : vector<1x128xf32>
      %swap3A = arith.constant 0 : index
      %swap3A_136 = arith.constant 0 : index
      %swap3A_137 = vector.load %arg16[%swap3A, %swap3A_136] : memref<8x128xf32, #tpu.memory_space<vmem>>, vector<1x128xf32>
      tpu.vector_store %arg16[%swap3A, %swap3A_136], %add3A_135 {strides = array<i32>} : memref<8x128xf32, #tpu.memory_space<vmem>>, vector<1x128xf32>,
      %get3A_138 = arith.constant 0 : index
      %get3A_139 = arith.constant 0 : index
      %get3A_140 = vector.load %arg17[%get3A_138, %get3A_139] : memref<8x128xf32, #tpu.memory_space<vmem>>, vector<1x128xf32>
      %mul3A_141 = arith.mulf %add3A_130, %add3A_130 : vector<4096x128xf32>
      %reduce_sum3A_142 = arith.constant dense<0.000000e+00> : vector<128xf32>
      %reduce_sum3A_143 = vector.multi_reduction <add>, %mul3A_141, %reduce_sum3A_142 [0] : vector<4096x128xf32> to vector<128xf32>
      %broadcast_in_dim3A_144 = vector.shape_cast %reduce_sum3A_143 : vector<128xf32> to vector<1x128xf32>
      %add3A_145 = arith.addf %get3A_140, %broadcast_in_dim3A_144 : vector<1x128xf32>
      %swap3A_146 = arith.constant 0 : index
      %swap3A_147 = arith.constant 0 : index
      %swap3A_148 = vector.load %arg17[%swap3A_146, %swap3A_147] : memref<8x128xf32, #tpu.memory_space<vmem>>, vector<1x128xf32>
      tpu.vector_store %arg17[%swap3A_146, %swap3A_147], %add3A_145 {strides = array<i32>} : memref<8x128xf32, #tpu.memory_space<vmem>>, vector<1x128xf32>,
      %broadcast_in_dim3A_149 = arith.constant 0.000000e+00 : f32
      %broadcast_in_dim3A_150 = vector.broadcast %broadcast_in_dim3A_149 : f32 to vector<128x128xf32>
      %swap3A_151 = arith.constant 0 : index
      %swap3A_152 = arith.constant 0 : index
      %swap3A_153 = vector.load %arg11[%swap3A_151, %swap3A_152] : memref<128x128xf32, #tpu.memory_space<vmem>>, vector<128x128xf32>
      tpu.vector_store %arg11[%swap3A_151, %swap3A_152], %broadcast_in_dim3A_150 {strides = array<i32>} : memref<128x128xf32, #tpu.memory_space<vmem>>, vector<128x128xf32>,
    } else {
    }
    %eq3A_39 = arith.constant 3 : i32
    %eq3A_40 = arith.cmpi eq, %arg0, %eq3A_39 : i32
    %convert_element_type3A_41 = arith.extui %eq3A_40 : i1 to i32
    %cond3A_42 = arith.constant 3.81469727E-6 : f32
    %cond3A_43 = arith.constant 0 : i32
    %cond3A_44 = arith.cmpi ne, %convert_element_type3A_41, %cond3A_43 : i32
    scf.if %cond3A_44 {
      %get3A_45 = arith.constant 0 : index
      %get3A_46 = arith.constant 0 : index
      %get3A_47 = vector.load %arg2[%get3A_45, %get3A_46] : memref<4096x64xf32, #tpu.memory_space<vmem>>, vector<4096x64xf32>
      %get3A_48 = arith.constant 0 : index
      %get3A_49 = arith.constant 0 : index
      %get3A_50 = vector.load %arg4[%get3A_48, %get3A_49] : memref<64x128xf32, #tpu.memory_space<vmem>>, vector<64x128xf32>
      %dot_general3A = arith.constant dense<0.000000e+00> : vector<4096x128xf32>
      %dot_general3A_51 = tpu.matmul %get3A_47, %get3A_50, %dot_general3A {dimension_numbers = #tpu.dot_dimension_numbers<[1], [0], [0], [1], [0, 0, 1, 1], [], []>, transpose_lhs_hint = false} : vector<4096x64xf32>, vector<64x128xf32>, vector<4096x128xf32> -> vector<4096x128xf32>
      %get3A_52 = arith.constant 0 : index
      %get3A_53 = arith.constant 0 : index
      %get3A_54 = vector.load %arg5[%get3A_52, %get3A_53] : memref<3x128xf32, #tpu.memory_space<vmem>>, vector<3x128xf32>
      %dot_general3A_55 = arith.constant dense<0.000000e+00> : vector<4096x128xf32>
      %dot_general3A_56 = tpu.matmul %get3A_1, %get3A_54, %dot_general3A_55 {dimension_numbers = #tpu.dot_dimension_numbers<[1], [0], [0], [1], [0, 0, 1, 1], [], []>, transpose_lhs_hint = false} : vector<4096x3xf32>, vector<3x128xf32>, vector<4096x128xf32> -> vector<4096x128xf32>
      %add3A = arith.addf %dot_general3A_51, %dot_general3A_56 : vector<4096x128xf32>
      %get3A_57 = arith.constant 0 : index
      %get3A_58 = arith.constant 0 : index
      %get3A_59 = vector.load %arg6[%get3A_57, %get3A_58] : memref<1x128xf32, #tpu.memory_space<vmem>>, vector<1x128xf32>
      %add3A_60 = vector.broadcast %get3A_59 : vector<1x128xf32> to vector<4096x128xf32>
      %add3A_61 = arith.addf %add3A, %add3A_60 : vector<4096x128xf32>
      %get3A_62 = arith.constant 0 : index
      %get3A_63 = arith.constant 0 : index
      %get3A_64 = vector.load %arg12[%get3A_62, %get3A_63] : memref<8x128xf32, #tpu.memory_space<vmem>>, vector<1x128xf32>
      %mul3A = vector.broadcast %cond3A_42 : f32 to vector<1x128xf32>
      %mul3A_65 = arith.mulf %get3A_64, %mul3A : vector<1x128xf32>
      %get3A_66 = arith.constant 0 : index
      %get3A_67 = arith.constant 0 : index
      %get3A_68 = vector.load %arg13[%get3A_66, %get3A_67] : memref<8x128xf32, #tpu.memory_space<vmem>>, vector<1x128xf32>
      %mul3A_69 = vector.broadcast %cond3A_42 : f32 to vector<1x128xf32>
      %mul3A_70 = arith.mulf %get3A_68, %mul3A_69 : vector<1x128xf32>
      %mul3A_71 = arith.mulf %mul3A_65, %mul3A_65 : vector<1x128xf32>
      %sub3A = arith.subf %mul3A_70, %mul3A_71 : vector<1x128xf32>
      %sub3A_72 = vector.broadcast %mul3A_65 : vector<1x128xf32> to vector<4096x128xf32>
      %sub3A_73 = arith.subf %add3A_61, %sub3A_72 : vector<4096x128xf32>
      %add3A_74 = arith.constant 9.99999974E-6 : f32
      %add3A_75 = vector.broadcast %add3A_74 : f32 to vector<1x128xf32>
      %add3A_76 = arith.addf %sub3A, %add3A_75 : vector<1x128xf32>
      %rsqrt3A = math.rsqrt %add3A_76 : vector<1x128xf32>
      %mul3A_77 = vector.broadcast %rsqrt3A : vector<1x128xf32> to vector<4096x128xf32>
      %mul3A_78 = arith.mulf %sub3A_73, %mul3A_77 : vector<4096x128xf32>
      %ge3A = arith.constant 0.000000e+00 : f32
      %ge3A_79 = vector.broadcast %ge3A : f32 to vector<4096x128xf32>
      %ge3A_80 = arith.cmpf oge, %mul3A_78, %ge3A_79 : vector<4096x128xf32>
      %mul3A_81 = arith.constant 1.000000e-01 : f32
      %mul3A_82 = vector.broadcast %mul3A_81 : f32 to vector<4096x128xf32>
      %mul3A_83 = arith.mulf %mul3A_82, %mul3A_78 : vector<4096x128xf32>
      %select_n3A = arith.select %ge3A_80, %mul3A_78, %mul3A_83 : vector<4096x128xi1>, vector<4096x128xf32>
      %get3A_84 = arith.constant 0 : index
      %get3A_85 = arith.constant 0 : index
      %get3A_86 = vector.load %arg7[%get3A_84, %get3A_85] : memref<128x128xf32, #tpu.memory_space<vmem>>, vector<128x128xf32>
      %dot_general3A_87 = arith.constant dense<0.000000e+00> : vector<4096x128xf32>
      %dot_general3A_88 = tpu.matmul %select_n3A, %get3A_86, %dot_general3A_87 {dimension_numbers = #tpu.dot_dimension_numbers<[1], [0], [0], [1], [0, 0, 1, 1], [], []>, transpose_lhs_hint = false} : vector<4096x128xf32>, vector<128x128xf32>, vector<4096x128xf32> -> vector<4096x128xf32>
      %get3A_89 = arith.constant 0 : index
      %get3A_90 = arith.constant 0 : index
      %get3A_91 = vector.load %arg8[%get3A_89, %get3A_90] : memref<1x128xf32, #tpu.memory_space<vmem>>, vector<1x128xf32>
      %add3A_92 = vector.broadcast %get3A_91 : vector<1x128xf32> to vector<4096x128xf32>
      %add3A_93 = arith.addf %dot_general3A_88, %add3A_92 : vector<4096x128xf32>
      %get3A_94 = arith.constant 0 : index
      %get3A_95 = arith.constant 0 : index
      %get3A_96 = vector.load %arg14[%get3A_94, %get3A_95] : memref<8x128xf32, #tpu.memory_space<vmem>>, vector<1x128xf32>
      %mul3A_97 = vector.broadcast %cond3A_42 : f32 to vector<1x128xf32>
      %mul3A_98 = arith.mulf %get3A_96, %mul3A_97 : vector<1x128xf32>
      %get3A_99 = arith.constant 0 : index
      %get3A_100 = arith.constant 0 : index
      %get3A_101 = vector.load %arg15[%get3A_99, %get3A_100] : memref<8x128xf32, #tpu.memory_space<vmem>>, vector<1x128xf32>
      %mul3A_102 = vector.broadcast %cond3A_42 : f32 to vector<1x128xf32>
      %mul3A_103 = arith.mulf %get3A_101, %mul3A_102 : vector<1x128xf32>
      %mul3A_104 = arith.mulf %mul3A_98, %mul3A_98 : vector<1x128xf32>
      %sub3A_105 = arith.subf %mul3A_103, %mul3A_104 : vector<1x128xf32>
      %sub3A_106 = vector.broadcast %mul3A_98 : vector<1x128xf32> to vector<4096x128xf32>
      %sub3A_107 = arith.subf %add3A_93, %sub3A_106 : vector<4096x128xf32>
      %add3A_108 = arith.constant 9.99999974E-6 : f32
      %add3A_109 = vector.broadcast %add3A_108 : f32 to vector<1x128xf32>
      %add3A_110 = arith.addf %sub3A_105, %add3A_109 : vector<1x128xf32>
      %rsqrt3A_111 = math.rsqrt %add3A_110 : vector<1x128xf32>
      %mul3A_112 = vector.broadcast %rsqrt3A_111 : vector<1x128xf32> to vector<4096x128xf32>
      %mul3A_113 = arith.mulf %sub3A_107, %mul3A_112 : vector<4096x128xf32>
      %ge3A_114 = arith.constant 0.000000e+00 : f32
      %ge3A_115 = vector.broadcast %ge3A_114 : f32 to vector<4096x128xf32>
      %ge3A_116 = arith.cmpf oge, %mul3A_113, %ge3A_115 : vector<4096x128xf32>
      %mul3A_117 = arith.constant 1.000000e-01 : f32
      %mul3A_118 = vector.broadcast %mul3A_117 : f32 to vector<4096x128xf32>
      %mul3A_119 = arith.mulf %mul3A_118, %mul3A_113 : vector<4096x128xf32>
      %select_n3A_120 = arith.select %ge3A_116, %mul3A_113, %mul3A_119 : vector<4096x128xi1>, vector<4096x128xf32>
      %get3A_121 = arith.constant 0 : index
      %get3A_122 = arith.constant 0 : index
      %get3A_123 = vector.load %arg9[%get3A_121, %get3A_122] : memref<128x128xf32, #tpu.memory_space<vmem>>, vector<128x128xf32>
      %dot_general3A_124 = arith.constant dense<0.000000e+00> : vector<4096x128xf32>
      %dot_general3A_125 = tpu.matmul %select_n3A_120, %get3A_123, %dot_general3A_124 {dimension_numbers = #tpu.dot_dimension_numbers<[1], [0], [0], [1], [0, 0, 1, 1], [], []>, transpose_lhs_hint = false} : vector<4096x128xf32>, vector<128x128xf32>, vector<4096x128xf32> -> vector<4096x128xf32>
      %get3A_126 = arith.constant 0 : index
      %get3A_127 = arith.constant 0 : index
      %get3A_128 = vector.load %arg10[%get3A_126, %get3A_127] : memref<1x128xf32, #tpu.memory_space<vmem>>, vector<1x128xf32>
      %add3A_129 = vector.broadcast %get3A_128 : vector<1x128xf32> to vector<4096x128xf32>
      %add3A_130 = arith.addf %dot_general3A_125, %add3A_129 : vector<4096x128xf32>
      %get3A_131 = arith.constant 0 : index
      %get3A_132 = arith.constant 0 : index
      %get3A_133 = vector.load %arg16[%get3A_131, %get3A_132] : memref<8x128xf32, #tpu.memory_space<vmem>>, vector<1x128xf32>
      %mul3A_134 = vector.broadcast %cond3A_42 : f32 to vector<1x128xf32>
      %mul3A_135 = arith.mulf %get3A_133, %mul3A_134 : vector<1x128xf32>
      %get3A_136 = arith.constant 0 : index
      %get3A_137 = arith.constant 0 : index
      %get3A_138 = vector.load %arg17[%get3A_136, %get3A_137] : memref<8x128xf32, #tpu.memory_space<vmem>>, vector<1x128xf32>
      %mul3A_139 = vector.broadcast %cond3A_42 : f32 to vector<1x128xf32>
      %mul3A_140 = arith.mulf %get3A_138, %mul3A_139 : vector<1x128xf32>
      %mul3A_141 = arith.mulf %mul3A_135, %mul3A_135 : vector<1x128xf32>
      %sub3A_142 = arith.subf %mul3A_140, %mul3A_141 : vector<1x128xf32>
      %sub3A_143 = vector.broadcast %mul3A_135 : vector<1x128xf32> to vector<4096x128xf32>
      %sub3A_144 = arith.subf %add3A_130, %sub3A_143 : vector<4096x128xf32>
      %add3A_145 = arith.constant 9.99999974E-6 : f32
      %add3A_146 = vector.broadcast %add3A_145 : f32 to vector<1x128xf32>
      %add3A_147 = arith.addf %sub3A_142, %add3A_146 : vector<1x128xf32>
      %rsqrt3A_148 = math.rsqrt %add3A_147 : vector<1x128xf32>
      %mul3A_149 = vector.broadcast %rsqrt3A_148 : vector<1x128xf32> to vector<4096x128xf32>
      %mul3A_150 = arith.mulf %sub3A_144, %mul3A_149 : vector<4096x128xf32>
      %ge3A_151 = arith.constant 0.000000e+00 : f32
      %ge3A_152 = vector.broadcast %ge3A_151 : f32 to vector<4096x128xf32>
      %ge3A_153 = arith.cmpf oge, %mul3A_150, %ge3A_152 : vector<4096x128xf32>
      %mul3A_154 = arith.constant 1.000000e-01 : f32
      %mul3A_155 = vector.broadcast %mul3A_154 : f32 to vector<4096x128xf32>
      %mul3A_156 = arith.mulf %mul3A_155, %mul3A_150 : vector<4096x128xf32>
      %select_n3A_157 = arith.select %ge3A_153, %mul3A_150, %mul3A_156 : vector<4096x128xi1>, vector<4096x128xf32>
      %reshape3A = vector.shape_cast %select_n3A_157 : vector<4096x128xf32> to vector<128x32x128xf32>
      %reduce_max3A = arith.constant dense<0xFF800000> : vector<128x128xf32>
      %reduce_max3A_158 = vector.multi_reduction <maximumf>, %reshape3A, %reduce_max3A [1] : vector<128x32x128xf32> to vector<128x128xf32>
      %swap3A = arith.constant 0 : index
      %swap3A_159 = arith.constant 0 : index
      %swap3A_160 = vector.load %arg11[%swap3A, %swap3A_159] : memref<128x128xf32, #tpu.memory_space<vmem>>, vector<128x128xf32>
      tpu.vector_store %arg11[%swap3A, %swap3A_159], %reduce_max3A_158 {strides = array<i32>} : memref<128x128xf32, #tpu.memory_space<vmem>>, vector<128x128xf32>,
    } else {
    }
    return
  }
  func.func @transform_0(%arg0: i32, %arg1: i32) -> (i32, i32) {
    %c0_i32 = arith.constant 0 : i32
    %c0_i32_0 = arith.constant 0 : i32
    return %arg1, %c0_i32 : i32, i32
  }
  func.func @transform_1(%arg0: i32, %arg1: i32) -> (i32, i32) {
    %c0_i32 = arith.constant 0 : i32
    %c0_i32_0 = arith.constant 0 : i32
    return %arg1, %c0_i32 : i32, i32
  }
  func.func @transform_2(%arg0: i32, %arg1: i32) -> (i32, i32) {
    %c0_i32 = arith.constant 0 : i32
    %c0_i32_0 = arith.constant 0 : i32
    %c0_i32_1 = arith.constant 0 : i32
    return %c0_i32, %c0_i32_0 : i32, i32
  }
  func.func @transform_3(%arg0: i32, %arg1: i32) -> (i32, i32) {
    %c0_i32 = arith.constant 0 : i32
    %c0_i32_0 = arith.constant 0 : i32
    %c0_i32_1 = arith.constant 0 : i32
    return %c0_i32, %c0_i32_0 : i32, i32
  }
  func.func @transform_4(%arg0: i32, %arg1: i32) -> (i32, i32) {
    %c0_i32 = arith.constant 0 : i32
    %c0_i32_0 = arith.constant 0 : i32
    %c0_i32_1 = arith.constant 0 : i32
    return %c0_i32, %c0_i32_0 : i32, i32
  }
  func.func @transform_5(%arg0: i32, %arg1: i32) -> (i32, i32) {
    %c0_i32 = arith.constant 0 : i32
    %c0_i32_0 = arith.constant 0 : i32
    %c0_i32_1 = arith.constant 0 : i32
    return %c0_i32, %c0_i32_0 : i32, i32
  }
  func.func @transform_6(%arg0: i32, %arg1: i32) -> (i32, i32) {
    %c0_i32 = arith.constant 0 : i32
    %c0_i32_0 = arith.constant 0 : i32
    %c0_i32_1 = arith.constant 0 : i32
    return %c0_i32, %c0_i32_0 : i32, i32
  }
  func.func @transform_7(%arg0: i32, %arg1: i32) -> (i32, i32) {
    %c0_i32 = arith.constant 0 : i32
    %c0_i32_0 = arith.constant 0 : i32
    %c0_i32_1 = arith.constant 0 : i32
    return %c0_i32, %c0_i32_0 : i32, i32
  }
  func.func @transform_8(%arg0: i32, %arg1: i32) -> (i32, i32) {
    %c0_i32 = arith.constant 0 : i32
    %c0_i32_0 = arith.constant 0 : i32
    %c0_i32_1 = arith.constant 0 : i32
    return %c0_i32, %c0_i32_0 : i32, i32
  }
  func.func @transform_9(%arg0: i32, %arg1: i32) -> (i32, i32) {
    %c0_i32 = arith.constant 0 : i32
    %c0_i32_0 = arith.constant 0 : i32
    return %arg1, %c0_i32 : i32, i32
  }
}

</mosaic_0001>

<sc_bundles>
// kernel: kernel.11.cloned.1.call-start
scs
__scs_entry_jumppad:
0x0: {  	(pc) =	sbr.rel $0x88, $3  }
0x1: {  	(tag) =	ssettag $0x0;
	lr =	simm.s32 $0x1  }
0x2: {  	[smem:$0x3F8D] =	sst lr;
	_ =	strace $0xD0000000  }
0x3: {  	_ = 	snop  }
0x4: {  	_ = 	snop  }
0x5: {  	_ = 	snop  }
0x6: {  	_ = 	snop  }
0x7: {  	_ = 	snop  }
__scs_overlays_trampoline_lowered:
0x8: {  	[smem:$0x3F9C] =	sst s0  }
0x9: {  	[smem:$0x3F9D] =	sst s1  }
0xa: {  	[smem:$0x3F9E] =	sst s2  }
0xb: {  	[smem:$0x3F9F] =	sst s3  }
0xc: {  	[smem:$0x3FA0] =	sst s4  }
0xd: {  	[smem:$0x3FA1] =	sst s5  }
0xe: {  	[smem:$0x3FA2] =	sst s6  }
0xf: {  	[smem:$0x3FA3] =	sst s7  }
0x10: {  	[smem:$0x3FA4] =	sst s8  }
0x11: {  	[smem:$0x3FA5] =	sst s9;
	s0 =	simm.s32 @!p0 $0x0  }
0x12: {  	s1 =	sld [smem:$0x3F8B];
	s0 =	simm.s32 @p0 $0x1  }
0x13: {  	[smem:$0x3FA6] =	sst s0;
	s0 =	simm.s32 @!p1 $0x0  }
0x14: {  	s2 =	sld [smem:$0x3F8A];
	s0 =	simm.s32 @p1 $0x1  }
0x15: {  	[smem:$0x3FA7] =	sst s0;
	s0 =	simm.s32 @!p2 $0x0  }
0x16: {  	s3 =	sld [smem:$0x3FDB];
	s0 =	simm.s32 @p2 $0x1  }
0x17: {  	s4 =	simm.s32 $0x1BF5;
	[smem:$0x3FA9] =	sst s0  }
0x18: {  	s0 =	sld [smem:$0x3F8C];
	_ =	swait.ge [sflag:s4], $0x0  }
0x19: {  	s7 =	sld [smem:$0x3F8D]  }
0x1a: {  	s8 =	sadd.s32 $0xFFFFE003, lr  }
0x1b: {  	s9 =	sadd.s32 $0xFFFFFEF7, lr;
	s5 =	simm.s32 $0xFFFFFFFF;
	p2 =	slt.u32 s8, $0xFFFFF086  }
0x1c: {  	p1 =	slt.u32 s9, $0xF7A;
	s5 =	simm.s32 @!p2 $0x0  }
0x1d: {  	s5 =	simm.s32 @p1 $0x1;
	p0 =	seq.s32 s7, s2  }
0x1e: {  	s7 =	smul.u32 @!p0 $0xF7A, s2;
	p2 =	seq.s32 @!p0 s5, $0x0  }
0x1f: {  	s9 =	smul.u32 $0xF7A, s1;
	s8 =	simm.s32 @!p0 $0x1BF5;
	p2 =	por !p2, p0  }
0x20: {  	[sflag:s8] =	ssyncset.s32 @!p0 $0xFFFFF086;
	s6 =	sadd.s32 @!p0 s3, s7;
	s7 =	simm.s32 @!p0 $0x108  }
0x21: {  	s3 =	sadd.s32 s3, s9;
	s6 =	sadd.s32 @!p0 $0x88, s6;
	s7 =	simm.s32 @p2 $0x1082  }
0x22: {  	[simem:s7], [sflag:s8] =	dma.local @!p0 [hbm:s6], $0xF7A  }
0x23: {  	s9 =	sor.u32 $0xD0000000, s2;
	s6 =	simm.s32 $0x108;
	_ =	swait.ge @!p0 [sflag:s8], $0x0  }
0x24: {  	s3 =	sadd.s32 $0x88, s3;
	s6 =	simm.s32 @!p1 $0x1082;
	[sflag:s4] =	ssyncset.s32 $0xFFFFF086  }
0x25: {  	[simem:s6], [sflag:s4] =	dma.local [hbm:s3], $0xF7A  }
0x26: {  	[smem:$0x3F8D] =	sst s1;
	(tag) =	ssettag s2;
	_ =	strace s9  }
0x27: {  	s1 =	sld [smem:$0x3F9D]  }
0x28: {  	s2 =	sld [smem:$0x3F9E]  }
0x29: {  	s4 =	sld [smem:$0x3FA0]  }
0x2a: {  	p0 =	seq.s32 s5, $0x0;
	s5 =	sld [smem:$0x3FA1]  }
0x2b: {  	s6 =	sld [smem:$0x3FA2]  }
0x2c: {  	s7 =	sld [smem:$0x3FA3]  }
0x2d: {  	s3 =	simm.s32 $0x108;
	s8 =	sld [smem:$0x3FA4]  }
0x2e: {  	s3 =	simm.s32 @!p0 $0x1082;
	s9 =	sld [smem:$0x3FA5]  }
0x2f: {  	lr =	sadd.s32 s0, s3;
	s0 =	sld [smem:$0x3F9C]  }
0x30: {  	s3 =	sld [smem:$0x3F9F]  }
0x31: {  	[smem:$0x3FA8] =	sst s10  }
0x32: {  	s10 =	sld [smem:$0x3FA6];
	_ =	sdelay $0x3  }
0x33: {  	p0 =	seq.s32 s10, $0x1;
	s10 =	sld [smem:$0x3FA8];
	_ =	sdelay $0x3  }
0x34: {  	[smem:$0x3FA8] =	sst s10  }
0x35: {  	s10 =	sld [smem:$0x3FA7];
	_ =	sdelay $0x3  }
0x36: {  	p1 =	seq.s32 s10, $0x1;
	s10 =	sld [smem:$0x3FA8];
	_ =	sdelay $0x3  }
0x37: {  	[smem:$0x3FA8] =	sst s10  }
0x38: {  	s10 =	sld [smem:$0x3FA9]  }
0x39: {  	_ = 	snop;
	(pc) =	sbr.ind lr, $3  }
0x3a: {  	_ = 	snop  }
0x3b: {  	_ = 	snop  }
0x3c: {  	p2 =	seq.s32 s10, $0x1;
	s10 =	sld [smem:$0x3FA8]  }
0x3d: {  	_ =	shalt  }
0x3e: {  	_ =	shalt  }
0x3f: {  	_ =	shalt  }
0x40: {  	_ =	shalt  }
0x41: {  	_ =	shalt  }
0x42: {  	_ =	shalt  }
0x43: {  	_ =	shalt  }
0x44: {  	_ =	shalt  }
0x45: {  	_ =	shalt  }
0x46: {  	_ =	shalt  }
0x47: {  	_ =	shalt  }
0x48: {  	_ =	shalt  }
0x49: {  	_ =	shalt  }
0x4a: {  	_ =	shalt  }
0x4b: {  	_ =	shalt  }
0x4c: {  	_ =	shalt  }
0x4d: {  	_ =	shalt  }
0x4e: {  	_ =	shalt  }
0x4f: {  	_ =	shalt  }
0x50: {  	_ =	shalt  }
0x51: {  	_ =	shalt  }
0x52: {  	_ =	shalt  }
0x53: {  	_ =	shalt  }
0x54: {  	_ =	shalt  }
0x55: {  	_ =	shalt  }
0x56: {  	_ =	shalt  }
0x57: {  	_ =	shalt  }
0x58: {  	_ =	shalt  }
0x59: {  	_ =	shalt  }
0x5a: {  	_ =	shalt  }
0x5b: {  	_ =	shalt  }
0x5c: {  	_ =	shalt  }
0x5d: {  	_ =	shalt  }
0x5e: {  	_ =	shalt  }
0x5f: {  	_ =	shalt  }
0x60: {  	_ =	shalt  }
0x61: {  	_ =	shalt  }
0x62: {  	_ =	shalt  }
0x63: {  	_ =	shalt  }
0x64: {  	_ =	shalt  }
0x65: {  	_ =	shalt  }
0x66: {  	_ =	shalt  }
0x67: {  	_ =	shalt  }
0x68: {  	_ =	shalt  }
0x69: {  	_ =	shalt  }
0x6a: {  	_ =	shalt  }
0x6b: {  	_ =	shalt  }
0x6c: {  	_ =	shalt  }
0x6d: {  	_ =	shalt  }
0x6e: {  	_ =	shalt  }
0x6f: {  	_ =	shalt  }
0x70: {  	_ =	shalt  }
0x71: {  	_ =	shalt  }
0x72: {  	_ =	shalt  }
0x73: {  	_ =	shalt  }
0x74: {  	_ =	shalt  }
0x75: {  	_ =	shalt  }
0x76: {  	_ =	shalt  }
0x77: {  	_ =	shalt  }
0x78: {  	_ =	shalt  }
0x79: {  	_ =	shalt  }
0x7a: {  	_ =	shalt  }
0x7b: {  	_ =	shalt  }
0x7c: {  	_ =	shalt  }
0x7d: {  	_ =	shalt  }
0x7e: {  	_ =	shalt  }
0x7f: {  	_ =	shalt  }
0x80: {  	_ =	shalt  }
0x81: {  	_ =	shalt  }
0x82: {  	_ =	shalt  }
0x83: {  	_ =	shalt  }
0x84: {  	_ =	shalt  }
0x85: {  	_ =	shalt  }
0x86: {  	_ =	shalt  }
0x87: {  	_ =	shalt  }
.Lfunc_end0:
.L_simem_size_0:
called_computation_lowered:
.L_overlay_start_0:
0x88: {  	s2 =	sld [smem:$0x3FD9]  }
0x89: {  	s3 =	sld [smem:$0x3FFE];
	_ =	sdelay $0x1  }
0x8a: {  	s1 =	srdreg.scid  }
0x8b: {  	s0 =	sand.u32 $0x1, s1  }
0x8c: {  	s14 =	sshll.u32 s0, $0xA;
	s2 =	sadd.s32 s3, s2  }
0x8d: {  	s2 =	sadd.s32 s2, s14  }
0x8e: {  	[smem:$0x3FB4] =	sst s2  }
0x8f: {  	_ = 	snop  }
0x90: {  	s2 =	sld [smem:$0x3FD0];
	_ =	sdelay $0x2  }
0x91: {  	s15 =	simm.s32 $0xA;
	s4 =	simm.s32 $0x10  }
0x92: {  	[smem:s4], [sflag:s15] =	dma.local [hbm:s2], $0x1  }
0x93: {  	_ =	swait.eq [sflag:s15], $0x1  }
0x94: {  	[sflag:s15] =	ssyncset.done $0x0  }
0x95: {  	s16 =	sld [smem:$0x10];
	[sflag:s15] =	ssyncadd.s32 $0xFFFFFFFF  }
0x96: {  	s17 =	sld [smem:$0x11];
	(tm) =	ssettm $0x1  }
0x97: {  	s18 =	sld [smem:$0x3FFB];
	_ =	sdelay $0x3  }
0x98: {  	_ =	strace s18  }
0x99: {  	s4 =	sld [smem:$0x3FFC];
	_ =	sdelay $0x3  }
0x9a: {  	_ =	strace s4  }
0x9b: {  	s4 =	sld [smem:$0x3FFD];
	_ =	sdelay $0x3  }
0x9c: {  	_ =	strace s4  }
0x9d: {  	_ =	strace $0x8FFFFFFF  }
0x9e: {  	s19 =	sld [smem:$0x3FDB];
	_ =	sdelay $0x1  }
0x9f: {  	s5 =	simm.s32 $_scs_section_size  }
0xa0: {  	s6 =	simm.s32 $_size__tile_overlayer_lowered;
	s7 =	simm.s32 $_tile_overlayer_lowered  }
0xa1: {  	s22 =	simm.s32 $0x1BFF;
	s21 =	sshll.u32 s7, $0x1;
	s4 =	sadd.s32 s5, s19  }
0xa2: {  	s8 =	simm.s32 $0x0;
	s20 =	sshll.u32 s6, $0x1;
	s6 =	sadd.s32 s21, s4  }
0xa3: {  	[timem:s8], [sflag:s22] =	dma.local [hbm:s6], s20  }
0xa4: {  	_ =	swait.ge [sflag:s22], s20  }
0xa5: {  	s5 =	ssub.s32 $0x0, s20;
	[sflag:s22] =	ssyncset.done $0x0  }
0xa6: {  	[sflag:s22] =	ssyncadd.s32 s5;
	_ =	sdelay $0x1  }
0xa7: {  	s23 =	simm.s32 $0x1B8B  }
0xa8: {  	_ =	swait.ge [sflag:s23], $0x1  }
0xa9: {  	[sflag:s23] =	ssyncset.done $0x0  }
0xaa: {  	s25 =	simm.s32 $0x1B8E;
	s24 =	sld [smem:$0x3FFE];
	[sflag:s23] =	ssyncadd.s32 $0xFFFFFFFF  }
0xab: {  	s26 =	simm.s32 $execute0_lowered;
	[smem:$0x3FD2] =	sst s25  }
0xac: {  	s6 =	sshll.u32 s26, $0x1;
	_ =	strace $0x80000046;
	[dreg:$0x1] =	wrdreg $0xFFFFFFFF  }
0xad: {  	s28 =	simm.s32 $_size_execute0_lowered;
	s4 =	sadd.s32 s4, s6;
	[dreg:$0x0] =	wrdreg $0x0  }
0xae: {  	s6 =	sshll.u32 s28, $0x1;
	[dreg:$0x2] =	wrdreg s4  }
0xaf: {  	[dreg:$0x3] =	wrdreg s6  }
0xb0: {  	[dreg:$0x4] =	wrdreg $0xC0  }
0xb1: {  	_ =	task [dreg:s8], $0x5FFFF  }
0xb2: {  	[dreg:$0x1] =	wrdreg $0xFFFFFFFF  }
0xb3: {  	[dreg:$0x0] =	wrdreg $0x60  }
0xb4: {  	[dreg:$0x2] =	wrdreg s24  }
0xb5: {  	[dreg:$0x3] =	wrdreg s17  }
0xb6: {  	[dreg:$0x4] =	wrdreg s16  }
0xb7: {  	[dreg:$0x5] =	wrdreg $0x9  }
0xb8: {  	_ =	task.clear_ibuf [dreg:s8], $0x6FFFF;
	_ =	strace $0x90000046  }
0xb9: {  	s29 =	simm.s32 $0x9;
	_ =	strace $0x80000048  }
0xba: {  	_ =	swait.ge [sflag:s29], $0x1  }
0xbb: {  	[sflag:s29] =	ssyncadd.s32 $0xFFFFFFFF  }
0xbc: {  	_ =	strace $0x90000048  }
0xbd: {  	_ =	sfence  }
0xbe: {  	s30 =	sld [smem:$0x0];
	_ =	sdelay $0x2  }
0xbf: {  	s31 =	sshll.u32 s1, $0xD;
	s1 =	sshrl.u32 s1, $0x2  }
0xc0: {  	s3 =	sand.u32 $0x4000, s31;
	s1 =	sadd.s32 s1, s30  }
0xc1: {  	s0 =	sor.u32 s3, s0;
	s1 =	sshll.u32 s1, $0x11  }
0xc2: {  	s0 =	sor.u32 s1, s0  }
0xc3: {  	s0 =	sadd.s32 $0x8F2B, s0  }
0xc4: {  	[sflag:s0] =	ssyncadd.remote.s32 $0x1  }
0xc5: {  	_ =	sfence.sel $0xFFFF  }
0xc6: {  	[dreg:$0x0] =	wrdreg $0xFFFFFFFF;
	(pc) =	sbr.abs _section_cstart, $3  }
0xc7: {  	[dreg:$0x1] =	wrdreg $0xFFFFFFFF  }
0xc8: {  	_ =	task.clear_ibuf [dreg:s8], $0x2FFFF;
	_ =	strace $0x9FFFFFFF  }
0xc9: {  	(tm) =	ssettm $0x7FFFFFFF  }
tec
execute0_lowered:
.L_overlay_start_1:
0x0: {  	(tag) =	ssettag $0x1  }
0x1: {  	s0 =	rddreg [dreg:$0x0]  }
0x2: {  	s1 =	rddreg [dreg:$0x1]  }
0x3: {  	s2 =	rddreg [dreg:$0x2]  }
0x4: {  	s9 =	simm.s32 $0x0;
	s3 =	srdreg.scid;
	s4 =	stileid.u32  }
0x5: {  	s28 =	simm.s32 $0x80;
	s29 =	simm.s32 $0x400;
	s30 =	simm.s32 $0x2000  }
0x6: {  	s31 =	simm.s32 $0x1;
	[smem:$0x7FF] =	sst s9;
	s3 =	sand.u32 $0x1, s3  }
0x7: {  	s5 =	sadd.s32 $0x3A00, s0;
	s21 =	sshll.u32 s4, $0x9;
	s4 =	sadd.s32 $0x803A00, s0  }
0x8: {  	s22 =	sadd.s32 $0x3A10, s0;
	s23 =	sadd.s32 $0x3A20, s0;
	s24 =	sadd.s32 $0x3A30, s0  }
0x9: {  	s11 =	sadd.s32 $0x3A40, s0;
	s12 =	sadd.s32 $0x3A50, s0;
	s13 =	sadd.s32 $0x3A60, s0  }
0xa: {  	s14 =	sadd.s32 $0x3A70, s0;
	s15 =	sadd.s32 $0x5A00, s0;
	s16 =	sadd.s32 $0x5A10, s0  }
0xb: {  	s17 =	sadd.s32 $0x5A20, s0;
	_ =	strace $0x80000047;
	[dreg:$0x4] =	wrdreg s5  }
0xc: {  	s18 =	sadd.s32 $0x5A30, s0;
	s19 =	sadd.s32 $0x5A40, s0;
	[dreg:$0x6] =	wrdreg s22  }
0xd: {  	s20 =	sadd.s32 $0x5A50, s0;
	s6 =	sshll.u32 s3, $0x8;
	[dreg:$0x7] =	wrdreg s23  }
0xe: {  	s3 =	ssub.s32 $0x2, s3;
	[dreg:$0x8] =	wrdreg s24;
	s5 =	sor.u32 s6, s21  }
0xf: {  	s22 =	sadd.s32 $0x5A70, s0;
	s6 =	sadd.s32 $0x903A00, s0;
	s8 =	sshrl.u32 s5, $0x3  }
0x10: {  	s7 =	sshrl.u32 s3, $0x1;
	s21 =	sadd.s32 $0x5A60, s0;
	s1 =	sadd.s32 s1, s8  }
0x11: {  	s3 =	ssub.s32 s3, s7;
	s25 =	sadd.s32 s2, s8;
	[dreg:$0x5] =	wrdreg s1  }
0x12: {  	s0 =	simm.s32 $0x4100;
	s26 =	smax.u32 s3, $0x1;
	[dreg:$0x9] =	wrdreg s25  }
0x13: {  	s7 =	simm.s32 $0x0;
	s2 =	simm.s32 $0x2;
	[dreg:$0xa] =	wrdreg s26  }
0x14: {  	v0 =	vimm.s32 $0x0;
	v1 =	vlaneseq.u32;
	s26 =	simm.s32 $0x3;
	s1 =	simm.s32 $0x4500;
	s25 =	simm.s32 $0x4900  }
.LBB2_1:
0x15: {  	[dreg:$0xb] =	wrdreg s7  }
0x16: {  	s3 =	rddreg [dreg:$0x5];
	s24 =	simm.s32 $0x4000  }
0x17: {  	[tilespmem:s24], [sflag:$0x3] =	stream.linear.gather [hbm4b:s3+s9], $0x100, $0x38;
	[tilespmem:$0x4A00] =	vst v63  }
0x18: {  	_ =	swait.ge [sflag:s26], $0x100  }
0x19: {  	[sflag:s26] =	ssyncset.done $0x0  }
0x1a: {  	s23 =	simm.s32 $0x0;
	[sflag:s26] =	ssyncadd.s32 $0xFFFFFF00  }
.LBB2_2:
0x1b: {  	s24 =	sshll.u32 s23, $0x4  }
0x1c: {  	s3 =	sor.u32 s5, s24  }
0x1d: {  	s8 =	rddreg [dreg:$0x4];
	s7 =	sshll.u32 s3, $0xA  }
0x1e: {  	s10 =	rddreg [dreg:$0x6];
	s9 =	sadd.s32 s8, s7;
	s8 =	simm.s32 $0x0  }
0x1f: {  	v2 =	vld [tilespmem:s24+$0x4000];
	[tilespmem:s8], [sflag:$0x1] =	stream.strided.gather [hbm4b:s9+s28], $0x2000, s29, s28, $0x38  }
0x20: {  	s9 =	sadd.s32 s7, s10  }
0x21: {  	[tilespmem:s30], [sflag:$0x2] =	stream.strided.gather [hbm4b:s9+s28], $0x2000, s29, s28, $0x38;
	[tilespmem:$0x4A00] =	vst v63  }
0x22: {  	_ =	swait.ge [sflag:s31], $0x2000  }
0x23: {  	[sflag:s31] =	ssyncset.done $0x0  }
0x24: {  	[sflag:s31] =	ssyncadd.s32 $0xFFFFE000  }
0x25: {  	v4 =	vld [tilespmem:s8+$0x0]  }
0x26: {  	v3 =	vimm.s32 $0x0;
	v6 =	vimm.s32 $0x0;
	s10 =	simm.s32 $0x0;
	v5 =	vbroadcast v2, $0x0;
	s9 =	simm.s32 $0x10  }
.LBB2_3:
0x27: {  	p0 =	sne.s32 s9, $0x1FF0;
	_ =	sdelay $0x2  }
0x28: {  	vm0 =	vle.f32 v4, v5  }
0x29: {  	v7 =	vmpcnt.ones.xlane vm0;
	v8 =	vsel vm0, $0x1, v0  }
0x2a: {  	(xrf0) =	vadd.scan.msk.s32 $0xffff, v8  }
0x2b: {  	v3 =	vadd.s32 v3, v7;
	_ =	sdelay $0x4  }
0x2c: {  	v7, _, _ =	vpop (xrf0)  }
0x2d: {  	v7 =	vadd.s32 v7, v6;
	v6 =	vmov v3  }
0x2e: {  	v7 =	vadd.s32 $0xFFFFFFFF, v7  }
0x2f: {  	vm1 =	vlt.s32 v7, $0x400  }
0x30: {  	vm0 =	vmand vm0, vm1;
	_ =	sdelay $0x4  }
.Ltmp0:
0x31: {  	(pc) =	sbr.rel @p0 .LBB2_3-.Ltmp0, $4  }
0x32: {  	[tilespmem:v7+s0+$0x0] =	vst.idx.msk vm0, v4;
	v4 =	vor.u32 s8, v1;
	s8 =	smov.u32 s9  }
0x33: {  	s10 =	sadd.s32 $0x10, s10;
	[tilespmem:v7+s1+$0x0] =	vst.idx.msk vm0, v4  }
0x34: {  	v4 =	vld [tilespmem:s10+$0x0]  }
0x35: {  	s9 =	sadd.s32 $0x10, s9  }
0x36: {  	_ =	sdelay $0x2  }
0x37: {  	vm0 =	vle.f32 v4, v5  }
0x38: {  	v5 =	vsel vm0, $0x1, v0  }
0x39: {  	(xrf0) =	vadd.scan.msk.s32 $0xffff, v5;
	_ =	sdelay $0x5  }
0x3a: {  	v5, _, _ =	vpop (xrf0)  }
0x3b: {  	v5 =	vadd.s32 v5, v6  }
0x3c: {  	v5 =	vadd.s32 $0xFFFFFFFF, v5  }
0x3d: {  	vm1 =	vlt.s32 v5, $0x400  }
0x3e: {  	v6 =	vmov s24;
	vm1 =	vmand vm0, vm1  }
0x3f: {  	v6 =	vand.u32 $0xFFFFFFF0, v6  }
0x40: {  	v6 =	vbroadcast v6, $0x0;
	_ =	sdelay $0x2  }
0x41: {  	v7 =	vmpcnt.ones.xlane vm0  }
0x42: {  	[tilespmem:v5+s0+$0x0] =	vst.idx.msk vm1, v4;
	v4 =	vor.u32 s8, v1  }
0x43: {  	s3 =	sshll.u32 s3, $0x7;
	v3 =	vadd.s32 v3, v7;
	[tilespmem:v5+s1+$0x0] =	vst.idx.msk vm1, v4  }
0x44: {  	s10 =	sadd.s32 s4, s3;
	[tilespmem:v6+s25+$0x0] =	vst.idx.msk $0x1, v3  }
0x45: {  	[hbm4b:s10+s28] =	stream.strided.scatter [tilespmem:s0], [sflag:$0x3], $0x400, s29, s28, $0x38;
	[tilespmem:$0x4A00] =	vst v63  }
0x46: {  	_ =	swait.ge [sflag:s26], $0x400  }
0x47: {  	[sflag:s26] =	ssyncset.done $0x0  }
0x48: {  	s9 =	sadd.s32 s6, s3;
	[sflag:s26] =	ssyncadd.s32 $0xFFFFFC00  }
0x49: {  	[hbm4b:s9+s28] =	stream.strided.scatter [tilespmem:s1], [sflag:$0x3], $0x400, s29, s28, $0x38;
	[tilespmem:$0x4A00] =	vst v63  }
0x4a: {  	_ =	swait.ge [sflag:s26], $0x400  }
0x4b: {  	[sflag:s26] =	ssyncset.done $0x0;
	s10 =	rddreg [dreg:$0x7]  }
0x4c: {  	s8 =	simm.s32 $0x0;
	[sflag:s26] =	ssyncadd.s32 $0xFFFFFC00;
	s9 =	sadd.s32 s7, s10  }
0x4d: {  	[tilespmem:s8], [sflag:$0x1] =	stream.strided.gather [hbm4b:s9+s28], $0x2000, s29, s28, $0x38;
	[tilespmem:$0x4A00] =	vst v63  }
0x4e: {  	_ =	swait.ge [sflag:s2], $0x2000  }
0x4f: {  	[sflag:s2] =	ssyncset.done $0x0  }
0x50: {  	s9 =	simm.s32 $0x2000;
	[sflag:s2] =	ssyncadd.s32 $0xFFFFE000  }
0x51: {  	v4 =	vld [tilespmem:s9+$0x0]  }
0x52: {  	v5 =	vbroadcast v2, $0x1;
	v3 =	vimm.s32 $0x0;
	v6 =	vimm.s32 $0x0;
	s10 =	simm.s32 $0x10  }
.LBB2_5:
0x53: {  	p0 =	sne.s32 s10, $0x1FF0;
	_ =	sdelay $0x2  }
0x54: {  	vm0 =	vle.f32 v4, v5  }
0x55: {  	v7 =	vmpcnt.ones.xlane vm0;
	v8 =	vsel vm0, $0x1, v0  }
0x56: {  	(xrf0) =	vadd.scan.msk.s32 $0xffff, v8  }
0x57: {  	v3 =	vadd.s32 v3, v7;
	_ =	sdelay $0x4  }
0x58: {  	v7, _, _ =	vpop (xrf0)  }
0x59: {  	v7 =	vadd.s32 v7, v6;
	v6 =	vmov v3  }
0x5a: {  	v7 =	vadd.s32 $0xFFFFFFFF, v7  }
0x5b: {  	vm1 =	vlt.s32 v7, $0x400  }
0x5c: {  	vm0 =	vmand vm0, vm1;
	_ =	sdelay $0x4  }
.Ltmp1:
0x5d: {  	(pc) =	sbr.rel @p0 .LBB2_5-.Ltmp1, $4  }
0x5e: {  	[tilespmem:v7+s0+$0x0] =	vst.idx.msk vm0, v4;
	v4 =	vor.u32 s8, v1;
	s8 =	smov.u32 s10  }
0x5f: {  	s9 =	sadd.s32 $0x10, s9;
	[tilespmem:v7+s1+$0x0] =	vst.idx.msk vm0, v4  }
0x60: {  	v4 =	vld [tilespmem:s9+$0x0]  }
0x61: {  	s10 =	sadd.s32 $0x10, s10  }
0x62: {  	_ =	sdelay $0x2  }
0x63: {  	vm0 =	vle.f32 v4, v5  }
0x64: {  	v5 =	vsel vm0, $0x1, v0  }
0x65: {  	(xrf0) =	vadd.scan.msk.s32 $0xffff, v5;
	_ =	sdelay $0x5  }
0x66: {  	v5, _, _ =	vpop (xrf0)  }
0x67: {  	v5 =	vadd.s32 v5, v6  }
0x68: {  	v5 =	vadd.s32 $0xFFFFFFFF, v5  }
0x69: {  	s9 =	sor.u32 $0x1, s24;
	vm1 =	vlt.s32 v5, $0x400  }
0x6a: {  	v6 =	vmov s9;
	vm1 =	vmand vm0, vm1  }
0x6b: {  	v6 =	vand.u32 $0xFFFFFFF1, v6  }
0x6c: {  	v6 =	vbroadcast v6, $0x0;
	_ =	sdelay $0x2  }
0x6d: {  	v7 =	vmpcnt.ones.xlane vm0  }
0x6e: {  	[tilespmem:v5+s0+$0x0] =	vst.idx.msk vm1, v4;
	v4 =	vor.u32 s8, v1  }
0x6f: {  	v3 =	vadd.s32 v3, v7;
	s8 =	sor.u32 $0x10, s3;
	[tilespmem:v5+s1+$0x0] =	vst.idx.msk vm1, v4  }
0x70: {  	s10 =	sadd.s32 s4, s8;
	[tilespmem:v6+s25+$0x0] =	vst.idx.msk $0x1, v3  }
0x71: {  	[hbm4b:s10+s28] =	stream.strided.scatter [tilespmem:s0], [sflag:$0x3], $0x400, s29, s28, $0x38;
	[tilespmem:$0x4A00] =	vst v63  }
0x72: {  	_ =	swait.ge [sflag:s26], $0x400  }
0x73: {  	[sflag:s26] =	ssyncset.done $0x0  }
0x74: {  	s8 =	sadd.s32 s6, s8;
	[sflag:s26] =	ssyncadd.s32 $0xFFFFFC00  }
0x75: {  	[hbm4b:s8+s28] =	stream.strided.scatter [tilespmem:s1], [sflag:$0x3], $0x400, s29, s28, $0x38;
	[tilespmem:$0x4A00] =	vst v63  }
0x76: {  	_ =	swait.ge [sflag:s26], $0x400  }
0x77: {  	[sflag:s26] =	ssyncset.done $0x0;
	s10 =	rddreg [dreg:$0x8]  }
0x78: {  	[sflag:s26] =	ssyncadd.s32 $0xFFFFFC00;
	s8 =	sadd.s32 s7, s10  }
0x79: {  	[tilespmem:s30], [sflag:$0x2] =	stream.strided.gather [hbm4b:s8+s28], $0x2000, s29, s28, $0x38;
	[tilespmem:$0x4A00] =	vst v63  }
0x7a: {  	_ =	swait.ge [sflag:s31], $0x2000  }
0x7b: {  	[sflag:s31] =	ssyncset.done $0x0  }
0x7c: {  	s8 =	simm.s32 $0x0;
	[sflag:s31] =	ssyncadd.s32 $0xFFFFE000  }
0x7d: {  	v4 =	vld [tilespmem:s8+$0x0]  }
0x7e: {  	s9 =	simm.s32 $0x10;
	v5 =	vbroadcast v2, $0x2;
	v3 =	vimm.s32 $0x0;
	v6 =	vimm.s32 $0x0;
	s10 =	simm.s32 $0x0  }
.LBB2_7:
0x7f: {  	p0 =	sne.s32 s9, $0x1FF0;
	_ =	sdelay $0x2  }
0x80: {  	vm0 =	vle.f32 v4, v5  }
0x81: {  	v7 =	vmpcnt.ones.xlane vm0;
	v8 =	vsel vm0, $0x1, v0  }
0x82: {  	(xrf0) =	vadd.scan.msk.s32 $0xffff, v8  }
0x83: {  	v3 =	vadd.s32 v3, v7;
	_ =	sdelay $0x4  }
0x84: {  	v7, _, _ =	vpop (xrf0)  }
0x85: {  	v7 =	vadd.s32 v7, v6;
	v6 =	vmov v3  }
0x86: {  	v7 =	vadd.s32 $0xFFFFFFFF, v7  }
0x87: {  	vm1 =	vlt.s32 v7, $0x400  }
0x88: {  	vm0 =	vmand vm0, vm1;
	_ =	sdelay $0x4  }
.Ltmp2:
0x89: {  	(pc) =	sbr.rel @p0 .LBB2_7-.Ltmp2, $4  }
0x8a: {  	[tilespmem:v7+s0+$0x0] =	vst.idx.msk vm0, v4;
	v4 =	vor.u32 s8, v1;
	s8 =	smov.u32 s9  }
0x8b: {  	s10 =	sadd.s32 $0x10, s10;
	[tilespmem:v7+s1+$0x0] =	vst.idx.msk vm0, v4  }
0x8c: {  	v4 =	vld [tilespmem:s10+$0x0]  }
0x8d: {  	s9 =	sadd.s32 $0x10, s9  }
0x8e: {  	_ =	sdelay $0x2  }
0x8f: {  	vm0 =	vle.f32 v4, v5  }
0x90: {  	v5 =	vsel vm0, $0x1, v0  }
0x91: {  	(xrf0) =	vadd.scan.msk.s32 $0xffff, v5;
	_ =	sdelay $0x5  }
0x92: {  	v5, _, _ =	vpop (xrf0)  }
0x93: {  	v5 =	vadd.s32 v5, v6  }
0x94: {  	v5 =	vadd.s32 $0xFFFFFFFF, v5  }
0x95: {  	s9 =	sor.u32 $0x2, s24;
	vm1 =	vlt.s32 v5, $0x400  }
0x96: {  	v6 =	vmov s9;
	vm1 =	vmand vm0, vm1  }
0x97: {  	v6 =	vand.u32 $0xFFFFFFF2, v6  }
0x98: {  	v6 =	vbroadcast v6, $0x0;
	_ =	sdelay $0x2  }
0x99: {  	v7 =	vmpcnt.ones.xlane vm0  }
0x9a: {  	[tilespmem:v5+s0+$0x0] =	vst.idx.msk vm1, v4;
	v4 =	vor.u32 s8, v1  }
0x9b: {  	v3 =	vadd.s32 v3, v7;
	s8 =	sor.u32 $0x20, s3;
	[tilespmem:v5+s1+$0x0] =	vst.idx.msk vm1, v4  }
0x9c: {  	s10 =	sadd.s32 s4, s8;
	[tilespmem:v6+s25+$0x0] =	vst.idx.msk $0x1, v3  }
0x9d: {  	[hbm4b:s10+s28] =	stream.strided.scatter [tilespmem:s0], [sflag:$0x3], $0x400, s29, s28, $0x38;
	[tilespmem:$0x4A00] =	vst v63  }
0x9e: {  	_ =	swait.ge [sflag:s26], $0x400  }
0x9f: {  	[sflag:s26] =	ssyncset.done $0x0  }
0xa0: {  	s8 =	sadd.s32 s6, s8;
	[sflag:s26] =	ssyncadd.s32 $0xFFFFFC00  }
0xa1: {  	[hbm4b:s8+s28] =	stream.strided.scatter [tilespmem:s1], [sflag:$0x3], $0x400, s29, s28, $0x38;
	[tilespmem:$0x4A00] =	vst v63  }
0xa2: {  	_ =	swait.ge [sflag:s26], $0x400  }
0xa3: {  	[sflag:s26] =	ssyncset.done $0x0  }
0xa4: {  	s10 =	sadd.s32 s7, s11;
	s8 =	simm.s32 $0x0;
	[sflag:s26] =	ssyncadd.s32 $0xFFFFFC00  }
0xa5: {  	[tilespmem:s8], [sflag:$0x1] =	stream.strided.gather [hbm4b:s10+s28], $0x2000, s29, s28, $0x38;
	[tilespmem:$0x4A00] =	vst v63  }
0xa6: {  	_ =	swait.ge [sflag:s2], $0x2000  }
0xa7: {  	[sflag:s2] =	ssyncset.done $0x0  }
0xa8: {  	s9 =	simm.s32 $0x2000;
	[sflag:s2] =	ssyncadd.s32 $0xFFFFE000  }
0xa9: {  	v4 =	vld [tilespmem:s9+$0x0]  }
0xaa: {  	v5 =	vbroadcast v2, $0x3;
	v3 =	vimm.s32 $0x0;
	v6 =	vimm.s32 $0x0;
	s10 =	simm.s32 $0x10  }
.LBB2_9:
0xab: {  	p0 =	sne.s32 s10, $0x1FF0;
	_ =	sdelay $0x2  }
0xac: {  	vm0 =	vle.f32 v4, v5  }
0xad: {  	v7 =	vmpcnt.ones.xlane vm0;
	v8 =	vsel vm0, $0x1, v0  }
0xae: {  	(xrf0) =	vadd.scan.msk.s32 $0xffff, v8  }
0xaf: {  	v3 =	vadd.s32 v3, v7;
	_ =	sdelay $0x4  }
0xb0: {  	v7, _, _ =	vpop (xrf0)  }
0xb1: {  	v7 =	vadd.s32 v7, v6;
	v6 =	vmov v3  }
0xb2: {  	v7 =	vadd.s32 $0xFFFFFFFF, v7  }
0xb3: {  	vm1 =	vlt.s32 v7, $0x400  }
0xb4: {  	vm0 =	vmand vm0, vm1;
	_ =	sdelay $0x4  }
.Ltmp3:
0xb5: {  	(pc) =	sbr.rel @p0 .LBB2_9-.Ltmp3, $4  }
0xb6: {  	[tilespmem:v7+s0+$0x0] =	vst.idx.msk vm0, v4;
	v4 =	vor.u32 s8, v1;
	s8 =	smov.u32 s10  }
0xb7: {  	s9 =	sadd.s32 $0x10, s9;
	[tilespmem:v7+s1+$0x0] =	vst.idx.msk vm0, v4  }
0xb8: {  	v4 =	vld [tilespmem:s9+$0x0]  }
0xb9: {  	s10 =	sadd.s32 $0x10, s10  }
0xba: {  	_ =	sdelay $0x2  }
0xbb: {  	vm0 =	vle.f32 v4, v5  }
0xbc: {  	v5 =	vsel vm0, $0x1, v0  }
0xbd: {  	(xrf0) =	vadd.scan.msk.s32 $0xffff, v5;
	_ =	sdelay $0x5  }
0xbe: {  	v5, _, _ =	vpop (xrf0)  }
0xbf: {  	v5 =	vadd.s32 v5, v6  }
0xc0: {  	v5 =	vadd.s32 $0xFFFFFFFF, v5  }
0xc1: {  	s9 =	sor.u32 $0x3, s24;
	vm1 =	vlt.s32 v5, $0x400  }
0xc2: {  	v6 =	vmov s9;
	vm1 =	vmand vm0, vm1  }
0xc3: {  	v6 =	vand.u32 $0xFFFFFFF3, v6  }
0xc4: {  	v6 =	vbroadcast v6, $0x0;
	_ =	sdelay $0x2  }
0xc5: {  	v7 =	vmpcnt.ones.xlane vm0  }
0xc6: {  	[tilespmem:v5+s0+$0x0] =	vst.idx.msk vm1, v4;
	v4 =	vor.u32 s8, v1  }
0xc7: {  	v3 =	vadd.s32 v3, v7;
	s8 =	sor.u32 $0x30, s3;
	[tilespmem:v5+s1+$0x0] =	vst.idx.msk vm1, v4  }
0xc8: {  	s10 =	sadd.s32 s4, s8;
	[tilespmem:v6+s25+$0x0] =	vst.idx.msk $0x1, v3  }
0xc9: {  	[hbm4b:s10+s28] =	stream.strided.scatter [tilespmem:s0], [sflag:$0x3], $0x400, s29, s28, $0x38;
	[tilespmem:$0x4A00] =	vst v63  }
0xca: {  	_ =	swait.ge [sflag:s26], $0x400  }
0xcb: {  	[sflag:s26] =	ssyncset.done $0x0  }
0xcc: {  	s8 =	sadd.s32 s6, s8;
	[sflag:s26] =	ssyncadd.s32 $0xFFFFFC00  }
0xcd: {  	[hbm4b:s8+s28] =	stream.strided.scatter [tilespmem:s1], [sflag:$0x3], $0x400, s29, s28, $0x38;
	[tilespmem:$0x4A00] =	vst v63  }
0xce: {  	_ =	swait.ge [sflag:s26], $0x400  }
0xcf: {  	[sflag:s26] =	ssyncset.done $0x0  }
0xd0: {  	s10 =	sadd.s32 s7, s12;
	[sflag:s26] =	ssyncadd.s32 $0xFFFFFC00  }
0xd1: {  	[tilespmem:s30], [sflag:$0x2] =	stream.strided.gather [hbm4b:s10+s28], $0x2000, s29, s28, $0x38;
	[tilespmem:$0x4A00] =	vst v63  }
0xd2: {  	_ =	swait.ge [sflag:s31], $0x2000  }
0xd3: {  	[sflag:s31] =	ssyncset.done $0x0  }
0xd4: {  	s8 =	simm.s32 $0x0;
	[sflag:s31] =	ssyncadd.s32 $0xFFFFE000  }
0xd5: {  	v4 =	vld [tilespmem:s8+$0x0]  }
0xd6: {  	s9 =	simm.s32 $0x10;
	v5 =	vbroadcast v2, $0x4;
	v3 =	vimm.s32 $0x0;
	v6 =	vimm.s32 $0x0;
	s10 =	simm.s32 $0x0  }
.LBB2_11:
0xd7: {  	p0 =	sne.s32 s9, $0x1FF0;
	_ =	sdelay $0x2  }
0xd8: {  	vm0 =	vle.f32 v4, v5  }
0xd9: {  	v7 =	vmpcnt.ones.xlane vm0;
	v8 =	vsel vm0, $0x1, v0  }
0xda: {  	(xrf0) =	vadd.scan.msk.s32 $0xffff, v8  }
0xdb: {  	v3 =	vadd.s32 v3, v7;
	_ =	sdelay $0x4  }
0xdc: {  	v7, _, _ =	vpop (xrf0)  }
0xdd: {  	v7 =	vadd.s32 v7, v6;
	v6 =	vmov v3  }
0xde: {  	v7 =	vadd.s32 $0xFFFFFFFF, v7  }
0xdf: {  	vm1 =	vlt.s32 v7, $0x400  }
0xe0: {  	vm0 =	vmand vm0, vm1;
	_ =	sdelay $0x4  }
.Ltmp4:
0xe1: {  	(pc) =	sbr.rel @p0 .LBB2_11-.Ltmp4, $4  }
0xe2: {  	[tilespmem:v7+s0+$0x0] =	vst.idx.msk vm0, v4;
	v4 =	vor.u32 s8, v1;
	s8 =	smov.u32 s9  }
0xe3: {  	s10 =	sadd.s32 $0x10, s10;
	[tilespmem:v7+s1+$0x0] =	vst.idx.msk vm0, v4  }
0xe4: {  	v4 =	vld [tilespmem:s10+$0x0]  }
0xe5: {  	s9 =	sadd.s32 $0x10, s9  }
0xe6: {  	_ =	sdelay $0x2  }
0xe7: {  	vm0 =	vle.f32 v4, v5  }
0xe8: {  	v5 =	vsel vm0, $0x1, v0  }
0xe9: {  	(xrf0) =	vadd.scan.msk.s32 $0xffff, v5;
	_ =	sdelay $0x5  }
0xea: {  	v5, _, _ =	vpop (xrf0)  }
0xeb: {  	v5 =	vadd.s32 v5, v6  }
0xec: {  	v5 =	vadd.s32 $0xFFFFFFFF, v5  }
0xed: {  	s9 =	sor.u32 $0x4, s24;
	vm1 =	vlt.s32 v5, $0x400  }
0xee: {  	v6 =	vmov s9;
	vm1 =	vmand vm0, vm1  }
0xef: {  	v6 =	vand.u32 $0xFFFFFFF4, v6  }
0xf0: {  	v6 =	vbroadcast v6, $0x0;
	_ =	sdelay $0x2  }
0xf1: {  	v7 =	vmpcnt.ones.xlane vm0  }
0xf2: {  	[tilespmem:v5+s0+$0x0] =	vst.idx.msk vm1, v4;
	v4 =	vor.u32 s8, v1  }
0xf3: {  	v3 =	vadd.s32 v3, v7;
	s8 =	sor.u32 $0x40, s3;
	[tilespmem:v5+s1+$0x0] =	vst.idx.msk vm1, v4  }
0xf4: {  	s10 =	sadd.s32 s4, s8;
	[tilespmem:v6+s25+$0x0] =	vst.idx.msk $0x1, v3  }
0xf5: {  	[hbm4b:s10+s28] =	stream.strided.scatter [tilespmem:s0], [sflag:$0x3], $0x400, s29, s28, $0x38;
	[tilespmem:$0x4A00] =	vst v63  }
0xf6: {  	_ =	swait.ge [sflag:s26], $0x400  }
0xf7: {  	[sflag:s26] =	ssyncset.done $0x0  }
0xf8: {  	s8 =	sadd.s32 s6, s8;
	[sflag:s26] =	ssyncadd.s32 $0xFFFFFC00  }
0xf9: {  	[hbm4b:s8+s28] =	stream.strided.scatter [tilespmem:s1], [sflag:$0x3], $0x400, s29, s28, $0x38;
	[tilespmem:$0x4A00] =	vst v63  }
0xfa: {  	_ =	swait.ge [sflag:s26], $0x400  }
0xfb: {  	[sflag:s26] =	ssyncset.done $0x0  }
0xfc: {  	s10 =	sadd.s32 s7, s13;
	s8 =	simm.s32 $0x0;
	[sflag:s26] =	ssyncadd.s32 $0xFFFFFC00  }
0xfd: {  	[tilespmem:s8], [sflag:$0x1] =	stream.strided.gather [hbm4b:s10+s28], $0x2000, s29, s28, $0x38;
	[tilespmem:$0x4A00] =	vst v63  }
0xfe: {  	_ =	swait.ge [sflag:s2], $0x2000  }
0xff: {  	[sflag:s2] =	ssyncset.done $0x0  }
0x100: {  	s9 =	simm.s32 $0x2000;
	[sflag:s2] =	ssyncadd.s32 $0xFFFFE000  }
0x101: {  	v4 =	vld [tilespmem:s9+$0x0]  }
0x102: {  	v5 =	vbroadcast v2, $0x5;
	v3 =	vimm.s32 $0x0;
	v6 =	vimm.s32 $0x0;
	s10 =	simm.s32 $0x10  }
.LBB2_13:
0x103: {  	p0 =	sne.s32 s10, $0x1FF0;
	_ =	sdelay $0x2  }
0x104: {  	vm0 =	vle.f32 v4, v5  }
0x105: {  	v7 =	vmpcnt.ones.xlane vm0;
	v8 =	vsel vm0, $0x1, v0  }
0x106: {  	(xrf0) =	vadd.scan.msk.s32 $0xffff, v8  }
0x107: {  	v3 =	vadd.s32 v3, v7;
	_ =	sdelay $0x4  }
0x108: {  	v7, _, _ =	vpop (xrf0)  }
0x109: {  	v7 =	vadd.s32 v7, v6;
	v6 =	vmov v3  }
0x10a: {  	v7 =	vadd.s32 $0xFFFFFFFF, v7  }
0x10b: {  	vm1 =	vlt.s32 v7, $0x400  }
0x10c: {  	vm0 =	vmand vm0, vm1;
	_ =	sdelay $0x4  }
.Ltmp5:
0x10d: {  	(pc) =	sbr.rel @p0 .LBB2_13-.Ltmp5, $4  }
0x10e: {  	[tilespmem:v7+s0+$0x0] =	vst.idx.msk vm0, v4;
	v4 =	vor.u32 s8, v1;
	s8 =	smov.u32 s10  }
0x10f: {  	s9 =	sadd.s32 $0x10, s9;
	[tilespmem:v7+s1+$0x0] =	vst.idx.msk vm0, v4  }
0x110: {  	v4 =	vld [tilespmem:s9+$0x0]  }
0x111: {  	s10 =	sadd.s32 $0x10, s10  }
0x112: {  	_ =	sdelay $0x2  }
0x113: {  	vm0 =	vle.f32 v4, v5  }
0x114: {  	v5 =	vsel vm0, $0x1, v0  }
0x115: {  	(xrf0) =	vadd.scan.msk.s32 $0xffff, v5;
	_ =	sdelay $0x5  }
0x116: {  	v5, _, _ =	vpop (xrf0)  }
0x117: {  	v5 =	vadd.s32 v5, v6  }
0x118: {  	v5 =	vadd.s32 $0xFFFFFFFF, v5  }
0x119: {  	s9 =	sor.u32 $0x5, s24;
	vm1 =	vlt.s32 v5, $0x400  }
0x11a: {  	v6 =	vmov s9;
	vm1 =	vmand vm0, vm1  }
0x11b: {  	v6 =	vand.u32 $0xFFFFFFF5, v6  }
0x11c: {  	v6 =	vbroadcast v6, $0x0;
	_ =	sdelay $0x2  }
0x11d: {  	v7 =	vmpcnt.ones.xlane vm0  }
0x11e: {  	[tilespmem:v5+s0+$0x0] =	vst.idx.msk vm1, v4;
	v4 =	vor.u32 s8, v1  }
0x11f: {  	v3 =	vadd.s32 v3, v7;
	s8 =	sor.u32 $0x50, s3;
	[tilespmem:v5+s1+$0x0] =	vst.idx.msk vm1, v4  }
0x120: {  	s10 =	sadd.s32 s4, s8;
	[tilespmem:v6+s25+$0x0] =	vst.idx.msk $0x1, v3  }
0x121: {  	[hbm4b:s10+s28] =	stream.strided.scatter [tilespmem:s0], [sflag:$0x3], $0x400, s29, s28, $0x38;
	[tilespmem:$0x4A00] =	vst v63  }
0x122: {  	_ =	swait.ge [sflag:s26], $0x400  }
0x123: {  	[sflag:s26] =	ssyncset.done $0x0  }
0x124: {  	s8 =	sadd.s32 s6, s8;
	[sflag:s26] =	ssyncadd.s32 $0xFFFFFC00  }
0x125: {  	[hbm4b:s8+s28] =	stream.strided.scatter [tilespmem:s1], [sflag:$0x3], $0x400, s29, s28, $0x38;
	[tilespmem:$0x4A00] =	vst v63  }
0x126: {  	_ =	swait.ge [sflag:s26], $0x400  }
0x127: {  	[sflag:s26] =	ssyncset.done $0x0  }
0x128: {  	s10 =	sadd.s32 s7, s14;
	[sflag:s26] =	ssyncadd.s32 $0xFFFFFC00  }
0x129: {  	[tilespmem:s30], [sflag:$0x2] =	stream.strided.gather [hbm4b:s10+s28], $0x2000, s29, s28, $0x38;
	[tilespmem:$0x4A00] =	vst v63  }
0x12a: {  	_ =	swait.ge [sflag:s31], $0x2000  }
0x12b: {  	[sflag:s31] =	ssyncset.done $0x0  }
0x12c: {  	s8 =	simm.s32 $0x0;
	[sflag:s31] =	ssyncadd.s32 $0xFFFFE000  }
0x12d: {  	v4 =	vld [tilespmem:s8+$0x0]  }
0x12e: {  	s9 =	simm.s32 $0x10;
	v5 =	vbroadcast v2, $0x6;
	v3 =	vimm.s32 $0x0;
	v6 =	vimm.s32 $0x0;
	s10 =	simm.s32 $0x0  }
.LBB2_15:
0x12f: {  	p0 =	sne.s32 s9, $0x1FF0;
	_ =	sdelay $0x2  }
0x130: {  	vm0 =	vle.f32 v4, v5  }
0x131: {  	v7 =	vmpcnt.ones.xlane vm0;
	v8 =	vsel vm0, $0x1, v0  }
0x132: {  	(xrf0) =	vadd.scan.msk.s32 $0xffff, v8  }
0x133: {  	v3 =	vadd.s32 v3, v7;
	_ =	sdelay $0x4  }
0x134: {  	v7, _, _ =	vpop (xrf0)  }
0x135: {  	v7 =	vadd.s32 v7, v6;
	v6 =	vmov v3  }
0x136: {  	v7 =	vadd.s32 $0xFFFFFFFF, v7  }
0x137: {  	vm1 =	vlt.s32 v7, $0x400  }
0x138: {  	vm0 =	vmand vm0, vm1;
	_ =	sdelay $0x4  }
.Ltmp6:
0x139: {  	(pc) =	sbr.rel @p0 .LBB2_15-.Ltmp6, $4  }
0x13a: {  	[tilespmem:v7+s0+$0x0] =	vst.idx.msk vm0, v4;
	v4 =	vor.u32 s8, v1;
	s8 =	smov.u32 s9  }
0x13b: {  	s10 =	sadd.s32 $0x10, s10;
	[tilespmem:v7+s1+$0x0] =	vst.idx.msk vm0, v4  }
0x13c: {  	v4 =	vld [tilespmem:s10+$0x0]  }
0x13d: {  	s9 =	sadd.s32 $0x10, s9  }
0x13e: {  	_ =	sdelay $0x2  }
0x13f: {  	vm0 =	vle.f32 v4, v5  }
0x140: {  	v5 =	vsel vm0, $0x1, v0  }
0x141: {  	(xrf0) =	vadd.scan.msk.s32 $0xffff, v5;
	_ =	sdelay $0x5  }
0x142: {  	v5, _, _ =	vpop (xrf0)  }
0x143: {  	v5 =	vadd.s32 v5, v6  }
0x144: {  	v5 =	vadd.s32 $0xFFFFFFFF, v5  }
0x145: {  	s9 =	sor.u32 $0x6, s24;
	vm1 =	vlt.s32 v5, $0x400  }
0x146: {  	v6 =	vmov s9;
	vm1 =	vmand vm0, vm1  }
0x147: {  	v6 =	vand.u32 $0xFFFFFFF6, v6  }
0x148: {  	v6 =	vbroadcast v6, $0x0;
	_ =	sdelay $0x2  }
0x149: {  	v7 =	vmpcnt.ones.xlane vm0  }
0x14a: {  	[tilespmem:v5+s0+$0x0] =	vst.idx.msk vm1, v4;
	v4 =	vor.u32 s8, v1  }
0x14b: {  	v3 =	vadd.s32 v3, v7;
	s8 =	sor.u32 $0x60, s3;
	[tilespmem:v5+s1+$0x0] =	vst.idx.msk vm1, v4  }
0x14c: {  	s10 =	sadd.s32 s4, s8;
	[tilespmem:v6+s25+$0x0] =	vst.idx.msk $0x1, v3  }
0x14d: {  	[hbm4b:s10+s28] =	stream.strided.scatter [tilespmem:s0], [sflag:$0x3], $0x400, s29, s28, $0x38;
	[tilespmem:$0x4A00] =	vst v63  }
0x14e: {  	_ =	swait.ge [sflag:s26], $0x400  }
0x14f: {  	[sflag:s26] =	ssyncset.done $0x0  }
0x150: {  	s8 =	sadd.s32 s6, s8;
	[sflag:s26] =	ssyncadd.s32 $0xFFFFFC00  }
0x151: {  	[hbm4b:s8+s28] =	stream.strided.scatter [tilespmem:s1], [sflag:$0x3], $0x400, s29, s28, $0x38;
	[tilespmem:$0x4A00] =	vst v63  }
0x152: {  	_ =	swait.ge [sflag:s26], $0x400  }
0x153: {  	[sflag:s26] =	ssyncset.done $0x0  }
0x154: {  	s10 =	sadd.s32 s7, s15;
	s8 =	simm.s32 $0x0;
	[sflag:s26] =	ssyncadd.s32 $0xFFFFFC00  }
0x155: {  	[tilespmem:s8], [sflag:$0x1] =	stream.strided.gather [hbm4b:s10+s28], $0x2000, s29, s28, $0x38;
	[tilespmem:$0x4A00] =	vst v63  }
0x156: {  	_ =	swait.ge [sflag:s2], $0x2000  }
0x157: {  	[sflag:s2] =	ssyncset.done $0x0  }
0x158: {  	s9 =	simm.s32 $0x2000;
	[sflag:s2] =	ssyncadd.s32 $0xFFFFE000  }
0x159: {  	v4 =	vld [tilespmem:s9+$0x0]  }
0x15a: {  	v5 =	vbroadcast v2, $0x7;
	v3 =	vimm.s32 $0x0;
	v6 =	vimm.s32 $0x0;
	s10 =	simm.s32 $0x10  }
.LBB2_17:
0x15b: {  	p0 =	sne.s32 s10, $0x1FF0;
	_ =	sdelay $0x2  }
0x15c: {  	vm0 =	vle.f32 v4, v5  }
0x15d: {  	v7 =	vmpcnt.ones.xlane vm0;
	v8 =	vsel vm0, $0x1, v0  }
0x15e: {  	(xrf0) =	vadd.scan.msk.s32 $0xffff, v8  }
0x15f: {  	v3 =	vadd.s32 v3, v7;
	_ =	sdelay $0x4  }
0x160: {  	v7, _, _ =	vpop (xrf0)  }
0x161: {  	v7 =	vadd.s32 v7, v6;
	v6 =	vmov v3  }
0x162: {  	v7 =	vadd.s32 $0xFFFFFFFF, v7  }
0x163: {  	vm1 =	vlt.s32 v7, $0x400  }
0x164: {  	vm0 =	vmand vm0, vm1;
	_ =	sdelay $0x4  }
.Ltmp7:
0x165: {  	(pc) =	sbr.rel @p0 .LBB2_17-.Ltmp7, $4  }
0x166: {  	[tilespmem:v7+s0+$0x0] =	vst.idx.msk vm0, v4;
	v4 =	vor.u32 s8, v1;
	s8 =	smov.u32 s10  }
0x167: {  	s9 =	sadd.s32 $0x10, s9;
	[tilespmem:v7+s1+$0x0] =	vst.idx.msk vm0, v4  }
0x168: {  	v4 =	vld [tilespmem:s9+$0x0]  }
0x169: {  	s10 =	sadd.s32 $0x10, s10  }
0x16a: {  	_ =	sdelay $0x2  }
0x16b: {  	vm0 =	vle.f32 v4, v5  }
0x16c: {  	v5 =	vsel vm0, $0x1, v0  }
0x16d: {  	(xrf0) =	vadd.scan.msk.s32 $0xffff, v5;
	_ =	sdelay $0x5  }
0x16e: {  	v5, _, _ =	vpop (xrf0)  }
0x16f: {  	v5 =	vadd.s32 v5, v6  }
0x170: {  	v5 =	vadd.s32 $0xFFFFFFFF, v5  }
0x171: {  	s9 =	sor.u32 $0x7, s24;
	vm1 =	vlt.s32 v5, $0x400  }
0x172: {  	v6 =	vmov s9;
	vm1 =	vmand vm0, vm1  }
0x173: {  	v6 =	vand.u32 $0xFFFFFFF7, v6  }
0x174: {  	v6 =	vbroadcast v6, $0x0;
	_ =	sdelay $0x2  }
0x175: {  	v7 =	vmpcnt.ones.xlane vm0  }
0x176: {  	[tilespmem:v5+s0+$0x0] =	vst.idx.msk vm1, v4;
	v4 =	vor.u32 s8, v1  }
0x177: {  	s3 =	sor.u32 $0x70, s3;
	v3 =	vadd.s32 v3, v7;
	[tilespmem:v5+s1+$0x0] =	vst.idx.msk vm1, v4  }
0x178: {  	s9 =	sadd.s32 s4, s3;
	[tilespmem:v6+s25+$0x0] =	vst.idx.msk $0x1, v3  }
0x179: {  	[hbm4b:s9+s28] =	stream.strided.scatter [tilespmem:s0], [sflag:$0x3], $0x400, s29, s28, $0x38;
	[tilespmem:$0x4A00] =	vst v63  }
0x17a: {  	_ =	swait.ge [sflag:s26], $0x400  }
0x17b: {  	[sflag:s26] =	ssyncset.done $0x0  }
0x17c: {  	s3 =	sadd.s32 s6, s3;
	[sflag:s26] =	ssyncadd.s32 $0xFFFFFC00  }
0x17d: {  	[hbm4b:s3+s28] =	stream.strided.scatter [tilespmem:s1], [sflag:$0x3], $0x400, s29, s28, $0x38;
	[tilespmem:$0x4A00] =	vst v63  }
0x17e: {  	_ =	swait.ge [sflag:s26], $0x400  }
0x17f: {  	[sflag:s26] =	ssyncset.done $0x0  }
0x180: {  	s10 =	sadd.s32 s7, s16;
	[sflag:s26] =	ssyncadd.s32 $0xFFFFFC00  }
0x181: {  	[tilespmem:s30], [sflag:$0x2] =	stream.strided.gather [hbm4b:s10+s28], $0x2000, s29, s28, $0x38;
	[tilespmem:$0x4A00] =	vst v63  }
0x182: {  	_ =	swait.ge [sflag:s31], $0x2000  }
0x183: {  	[sflag:s31] =	ssyncset.done $0x0  }
0x184: {  	s3 =	simm.s32 $0x0;
	[sflag:s31] =	ssyncadd.s32 $0xFFFFE000  }
0x185: {  	v4 =	vld [tilespmem:s3+$0x0]  }
0x186: {  	s8 =	simm.s32 $0x10;
	v5 =	vbroadcast v2, $0x8;
	v3 =	vimm.s32 $0x0;
	v6 =	vimm.s32 $0x0;
	s9 =	simm.s32 $0x0  }
.LBB2_19:
0x187: {  	p0 =	sne.s32 s8, $0x1FF0;
	_ =	sdelay $0x2  }
0x188: {  	vm0 =	vle.f32 v4, v5  }
0x189: {  	v7 =	vmpcnt.ones.xlane vm0;
	v8 =	vsel vm0, $0x1, v0  }
0x18a: {  	(xrf0) =	vadd.scan.msk.s32 $0xffff, v8  }
0x18b: {  	v3 =	vadd.s32 v3, v7;
	_ =	sdelay $0x4  }
0x18c: {  	v7, _, _ =	vpop (xrf0)  }
0x18d: {  	v7 =	vadd.s32 v7, v6;
	v6 =	vmov v3  }
0x18e: {  	v7 =	vadd.s32 $0xFFFFFFFF, v7  }
0x18f: {  	vm1 =	vlt.s32 v7, $0x400  }
0x190: {  	vm0 =	vmand vm0, vm1;
	_ =	sdelay $0x4  }
.Ltmp8:
0x191: {  	(pc) =	sbr.rel @p0 .LBB2_19-.Ltmp8, $4  }
0x192: {  	[tilespmem:v7+s0+$0x0] =	vst.idx.msk vm0, v4;
	v4 =	vor.u32 s3, v1;
	s3 =	smov.u32 s8  }
0x193: {  	s9 =	sadd.s32 $0x10, s9;
	[tilespmem:v7+s1+$0x0] =	vst.idx.msk vm0, v4  }
0x194: {  	v4 =	vld [tilespmem:s9+$0x0]  }
0x195: {  	s8 =	sadd.s32 $0x10, s8  }
0x196: {  	_ =	sdelay $0x2  }
0x197: {  	vm0 =	vle.f32 v4, v5  }
0x198: {  	v5 =	vsel vm0, $0x1, v0  }
0x199: {  	(xrf0) =	vadd.scan.msk.s32 $0xffff, v5;
	_ =	sdelay $0x5  }
0x19a: {  	v5, _, _ =	vpop (xrf0)  }
0x19b: {  	v5 =	vadd.s32 v5, v6  }
0x19c: {  	v5 =	vadd.s32 $0xFFFFFFFF, v5  }
0x19d: {  	s8 =	sor.u32 $0x8, s24;
	vm1 =	vlt.s32 v5, $0x400  }
0x19e: {  	v6 =	vmov s8;
	vm1 =	vmand vm0, vm1  }
0x19f: {  	v6 =	vand.u32 $0xFFFFFFF8, v6  }
0x1a0: {  	v6 =	vbroadcast v6, $0x0;
	_ =	sdelay $0x2  }
0x1a1: {  	v7 =	vmpcnt.ones.xlane vm0  }
0x1a2: {  	s8 =	sor.u32 s5, s8;
	[tilespmem:v5+s0+$0x0] =	vst.idx.msk vm1, v4;
	v4 =	vor.u32 s3, v1  }
0x1a3: {  	v3 =	vadd.s32 v3, v7;
	s3 =	sshll.u32 s8, $0x7;
	[tilespmem:v5+s1+$0x0] =	vst.idx.msk vm1, v4  }
0x1a4: {  	s9 =	sadd.s32 s4, s3;
	[tilespmem:v6+s25+$0x0] =	vst.idx.msk $0x1, v3  }
0x1a5: {  	[hbm4b:s9+s28] =	stream.strided.scatter [tilespmem:s0], [sflag:$0x3], $0x400, s29, s28, $0x38;
	[tilespmem:$0x4A00] =	vst v63  }
0x1a6: {  	_ =	swait.ge [sflag:s26], $0x400  }
0x1a7: {  	[sflag:s26] =	ssyncset.done $0x0  }
0x1a8: {  	s3 =	sadd.s32 s6, s3;
	[sflag:s26] =	ssyncadd.s32 $0xFFFFFC00  }
0x1a9: {  	[hbm4b:s3+s28] =	stream.strided.scatter [tilespmem:s1], [sflag:$0x3], $0x400, s29, s28, $0x38;
	[tilespmem:$0x4A00] =	vst v63  }
0x1aa: {  	_ =	swait.ge [sflag:s26], $0x400  }
0x1ab: {  	[sflag:s26] =	ssyncset.done $0x0  }
0x1ac: {  	s10 =	sadd.s32 s7, s17;
	s3 =	simm.s32 $0x0;
	[sflag:s26] =	ssyncadd.s32 $0xFFFFFC00  }
0x1ad: {  	[tilespmem:s3], [sflag:$0x1] =	stream.strided.gather [hbm4b:s10+s28], $0x2000, s29, s28, $0x38;
	[tilespmem:$0x4A00] =	vst v63  }
0x1ae: {  	_ =	swait.ge [sflag:s2], $0x2000  }
0x1af: {  	[sflag:s2] =	ssyncset.done $0x0  }
0x1b0: {  	s8 =	simm.s32 $0x2000;
	[sflag:s2] =	ssyncadd.s32 $0xFFFFE000  }
0x1b1: {  	v4 =	vld [tilespmem:s8+$0x0]  }
0x1b2: {  	v5 =	vbroadcast v2, $0x9;
	v3 =	vimm.s32 $0x0;
	v6 =	vimm.s32 $0x0;
	s9 =	simm.s32 $0x10  }
.LBB2_21:
0x1b3: {  	p0 =	sne.s32 s9, $0x1FF0;
	_ =	sdelay $0x2  }
0x1b4: {  	vm0 =	vle.f32 v4, v5  }
0x1b5: {  	v7 =	vmpcnt.ones.xlane vm0;
	v8 =	vsel vm0, $0x1, v0  }
0x1b6: {  	(xrf0) =	vadd.scan.msk.s32 $0xffff, v8  }
0x1b7: {  	v3 =	vadd.s32 v3, v7;
	_ =	sdelay $0x4  }
0x1b8: {  	v7, _, _ =	vpop (xrf0)  }
0x1b9: {  	v7 =	vadd.s32 v7, v6;
	v6 =	vmov v3  }
0x1ba: {  	v7 =	vadd.s32 $0xFFFFFFFF, v7  }
0x1bb: {  	vm1 =	vlt.s32 v7, $0x400  }
0x1bc: {  	vm0 =	vmand vm0, vm1;
	_ =	sdelay $0x4  }
.Ltmp9:
0x1bd: {  	(pc) =	sbr.rel @p0 .LBB2_21-.Ltmp9, $4  }
0x1be: {  	[tilespmem:v7+s0+$0x0] =	vst.idx.msk vm0, v4;
	v4 =	vor.u32 s3, v1;
	s3 =	smov.u32 s9  }
0x1bf: {  	s8 =	sadd.s32 $0x10, s8;
	[tilespmem:v7+s1+$0x0] =	vst.idx.msk vm0, v4  }
0x1c0: {  	v4 =	vld [tilespmem:s8+$0x0]  }
0x1c1: {  	s9 =	sadd.s32 $0x10, s9  }
0x1c2: {  	_ =	sdelay $0x2  }
0x1c3: {  	vm0 =	vle.f32 v4, v5  }
0x1c4: {  	v5 =	vsel vm0, $0x1, v0  }
0x1c5: {  	(xrf0) =	vadd.scan.msk.s32 $0xffff, v5;
	_ =	sdelay $0x5  }
0x1c6: {  	v5, _, _ =	vpop (xrf0)  }
0x1c7: {  	v5 =	vadd.s32 v5, v6  }
0x1c8: {  	v5 =	vadd.s32 $0xFFFFFFFF, v5  }
0x1c9: {  	s8 =	sor.u32 $0x9, s24;
	vm1 =	vlt.s32 v5, $0x400  }
0x1ca: {  	v6 =	vmov s8;
	vm1 =	vmand vm0, vm1  }
0x1cb: {  	v6 =	vand.u32 $0xFFFFFFF9, v6  }
0x1cc: {  	v6 =	vbroadcast v6, $0x0;
	_ =	sdelay $0x1  }
0x1cd: {  	s8 =	sadd.s32 s5, s8  }
0x1ce: {  	v7 =	vmpcnt.ones.xlane vm0;
	s8 =	sshll.u32 s8, $0x7  }
0x1cf: {  	s8 =	sand.u32 $0xFFC00, s8;
	[tilespmem:v5+s0+$0x0] =	vst.idx.msk vm1, v4;
	v4 =	vor.u32 s3, v1  }
0x1d0: {  	v3 =	vadd.s32 v3, v7;
	s3 =	sor.u32 $0x10, s8;
	[tilespmem:v5+s1+$0x0] =	vst.idx.msk vm1, v4  }
0x1d1: {  	s9 =	sadd.s32 s4, s3;
	[tilespmem:v6+s25+$0x0] =	vst.idx.msk $0x1, v3  }
0x1d2: {  	[hbm4b:s9+s28] =	stream.strided.scatter [tilespmem:s0], [sflag:$0x3], $0x400, s29, s28, $0x38;
	[tilespmem:$0x4A00] =	vst v63  }
0x1d3: {  	_ =	swait.ge [sflag:s26], $0x400  }
0x1d4: {  	[sflag:s26] =	ssyncset.done $0x0  }
0x1d5: {  	s3 =	sadd.s32 s6, s3;
	[sflag:s26] =	ssyncadd.s32 $0xFFFFFC00  }
0x1d6: {  	[hbm4b:s3+s28] =	stream.strided.scatter [tilespmem:s1], [sflag:$0x3], $0x400, s29, s28, $0x38;
	[tilespmem:$0x4A00] =	vst v63  }
0x1d7: {  	_ =	swait.ge [sflag:s26], $0x400  }
0x1d8: {  	[sflag:s26] =	ssyncset.done $0x0  }
0x1d9: {  	s10 =	sadd.s32 s7, s18;
	[sflag:s26] =	ssyncadd.s32 $0xFFFFFC00  }
0x1da: {  	[tilespmem:s30], [sflag:$0x2] =	stream.strided.gather [hbm4b:s10+s28], $0x2000, s29, s28, $0x38;
	[tilespmem:$0x4A00] =	vst v63  }
0x1db: {  	_ =	swait.ge [sflag:s31], $0x2000  }
0x1dc: {  	[sflag:s31] =	ssyncset.done $0x0  }
0x1dd: {  	s3 =	simm.s32 $0x0;
	[sflag:s31] =	ssyncadd.s32 $0xFFFFE000  }
0x1de: {  	v4 =	vld [tilespmem:s3+$0x0]  }
0x1df: {  	s8 =	simm.s32 $0x10;
	v5 =	vbroadcast v2, $0xA;
	v3 =	vimm.s32 $0x0;
	v6 =	vimm.s32 $0x0;
	s9 =	simm.s32 $0x0  }
.LBB2_23:
0x1e0: {  	p0 =	sne.s32 s8, $0x1FF0;
	_ =	sdelay $0x2  }
0x1e1: {  	vm0 =	vle.f32 v4, v5  }
0x1e2: {  	v7 =	vmpcnt.ones.xlane vm0;
	v8 =	vsel vm0, $0x1, v0  }
0x1e3: {  	(xrf0) =	vadd.scan.msk.s32 $0xffff, v8  }
0x1e4: {  	v3 =	vadd.s32 v3, v7;
	_ =	sdelay $0x4  }
0x1e5: {  	v7, _, _ =	vpop (xrf0)  }
0x1e6: {  	v7 =	vadd.s32 v7, v6;
	v6 =	vmov v3  }
0x1e7: {  	v7 =	vadd.s32 $0xFFFFFFFF, v7  }
0x1e8: {  	vm1 =	vlt.s32 v7, $0x400  }
0x1e9: {  	vm0 =	vmand vm0, vm1;
	_ =	sdelay $0x4  }
.Ltmp10:
0x1ea: {  	(pc) =	sbr.rel @p0 .LBB2_23-.Ltmp10, $4  }
0x1eb: {  	[tilespmem:v7+s0+$0x0] =	vst.idx.msk vm0, v4;
	v4 =	vor.u32 s3, v1;
	s3 =	smov.u32 s8  }
0x1ec: {  	s9 =	sadd.s32 $0x10, s9;
	[tilespmem:v7+s1+$0x0] =	vst.idx.msk vm0, v4  }
0x1ed: {  	v4 =	vld [tilespmem:s9+$0x0]  }
0x1ee: {  	s8 =	sadd.s32 $0x10, s8  }
0x1ef: {  	_ =	sdelay $0x2  }
0x1f0: {  	vm0 =	vle.f32 v4, v5  }
0x1f1: {  	v5 =	vsel vm0, $0x1, v0  }
0x1f2: {  	(xrf0) =	vadd.scan.msk.s32 $0xffff, v5;
	_ =	sdelay $0x5  }
0x1f3: {  	v5, _, _ =	vpop (xrf0)  }
0x1f4: {  	v5 =	vadd.s32 v5, v6  }
0x1f5: {  	v5 =	vadd.s32 $0xFFFFFFFF, v5  }
0x1f6: {  	s8 =	sor.u32 $0xA, s24;
	vm1 =	vlt.s32 v5, $0x400  }
0x1f7: {  	v6 =	vmov s8;
	vm1 =	vmand vm0, vm1  }
0x1f8: {  	v6 =	vand.u32 $0xFFFFFFFA, v6  }
0x1f9: {  	v6 =	vbroadcast v6, $0x0;
	_ =	sdelay $0x1  }
0x1fa: {  	s8 =	sadd.s32 s5, s8  }
0x1fb: {  	v7 =	vmpcnt.ones.xlane vm0;
	s8 =	sshll.u32 s8, $0x7  }
0x1fc: {  	s8 =	sand.u32 $0xFFC00, s8;
	[tilespmem:v5+s0+$0x0] =	vst.idx.msk vm1, v4;
	v4 =	vor.u32 s3, v1  }
0x1fd: {  	v3 =	vadd.s32 v3, v7;
	s3 =	sor.u32 $0x20, s8;
	[tilespmem:v5+s1+$0x0] =	vst.idx.msk vm1, v4  }
0x1fe: {  	s9 =	sadd.s32 s4, s3;
	[tilespmem:v6+s25+$0x0] =	vst.idx.msk $0x1, v3  }
0x1ff: {  	[hbm4b:s9+s28] =	stream.strided.scatter [tilespmem:s0], [sflag:$0x3], $0x400, s29, s28, $0x38;
	[tilespmem:$0x4A00] =	vst v63  }
0x200: {  	_ =	swait.ge [sflag:s26], $0x400  }
0x201: {  	[sflag:s26] =	ssyncset.done $0x0  }
0x202: {  	s3 =	sadd.s32 s6, s3;
	[sflag:s26] =	ssyncadd.s32 $0xFFFFFC00  }
0x203: {  	[hbm4b:s3+s28] =	stream.strided.scatter [tilespmem:s1], [sflag:$0x3], $0x400, s29, s28, $0x38;
	[tilespmem:$0x4A00] =	vst v63  }
0x204: {  	_ =	swait.ge [sflag:s26], $0x400  }
0x205: {  	[sflag:s26] =	ssyncset.done $0x0  }
0x206: {  	s10 =	sadd.s32 s7, s19;
	s3 =	simm.s32 $0x0;
	[sflag:s26] =	ssyncadd.s32 $0xFFFFFC00  }
0x207: {  	[tilespmem:s3], [sflag:$0x1] =	stream.strided.gather [hbm4b:s10+s28], $0x2000, s29, s28, $0x38;
	[tilespmem:$0x4A00] =	vst v63  }
0x208: {  	_ =	swait.ge [sflag:s2], $0x2000  }
0x209: {  	[sflag:s2] =	ssyncset.done $0x0  }
0x20a: {  	s8 =	simm.s32 $0x2000;
	[sflag:s2] =	ssyncadd.s32 $0xFFFFE000  }
0x20b: {  	v4 =	vld [tilespmem:s8+$0x0]  }
0x20c: {  	v5 =	vbroadcast v2, $0xB;
	v3 =	vimm.s32 $0x0;
	v6 =	vimm.s32 $0x0;
	s9 =	simm.s32 $0x10  }
.LBB2_25:
0x20d: {  	p0 =	sne.s32 s9, $0x1FF0;
	_ =	sdelay $0x2  }
0x20e: {  	vm0 =	vle.f32 v4, v5  }
0x20f: {  	v7 =	vmpcnt.ones.xlane vm0;
	v8 =	vsel vm0, $0x1, v0  }
0x210: {  	(xrf0) =	vadd.scan.msk.s32 $0xffff, v8  }
0x211: {  	v3 =	vadd.s32 v3, v7;
	_ =	sdelay $0x4  }
0x212: {  	v7, _, _ =	vpop (xrf0)  }
0x213: {  	v7 =	vadd.s32 v7, v6;
	v6 =	vmov v3  }
0x214: {  	v7 =	vadd.s32 $0xFFFFFFFF, v7  }
0x215: {  	vm1 =	vlt.s32 v7, $0x400  }
0x216: {  	vm0 =	vmand vm0, vm1;
	_ =	sdelay $0x4  }
.Ltmp11:
0x217: {  	(pc) =	sbr.rel @p0 .LBB2_25-.Ltmp11, $4  }
0x218: {  	[tilespmem:v7+s0+$0x0] =	vst.idx.msk vm0, v4;
	v4 =	vor.u32 s3, v1;
	s3 =	smov.u32 s9  }
0x219: {  	s8 =	sadd.s32 $0x10, s8;
	[tilespmem:v7+s1+$0x0] =	vst.idx.msk vm0, v4  }
0x21a: {  	v4 =	vld [tilespmem:s8+$0x0]  }
0x21b: {  	s9 =	sadd.s32 $0x10, s9  }
0x21c: {  	_ =	sdelay $0x2  }
0x21d: {  	vm0 =	vle.f32 v4, v5  }
0x21e: {  	v5 =	vsel vm0, $0x1, v0  }
0x21f: {  	(xrf0) =	vadd.scan.msk.s32 $0xffff, v5;
	_ =	sdelay $0x5  }
0x220: {  	v5, _, _ =	vpop (xrf0)  }
0x221: {  	v5 =	vadd.s32 v5, v6  }
0x222: {  	v5 =	vadd.s32 $0xFFFFFFFF, v5  }
0x223: {  	s8 =	sor.u32 $0xB, s24;
	vm1 =	vlt.s32 v5, $0x400  }
0x224: {  	v6 =	vmov s8;
	vm1 =	vmand vm0, vm1  }
0x225: {  	v6 =	vand.u32 $0xFFFFFFFB, v6  }
0x226: {  	v6 =	vbroadcast v6, $0x0;
	_ =	sdelay $0x1  }
0x227: {  	s8 =	sadd.s32 s5, s8  }
0x228: {  	v7 =	vmpcnt.ones.xlane vm0;
	s8 =	sshll.u32 s8, $0x7  }
0x229: {  	s8 =	sand.u32 $0xFFC00, s8;
	[tilespmem:v5+s0+$0x0] =	vst.idx.msk vm1, v4;
	v4 =	vor.u32 s3, v1  }
0x22a: {  	v3 =	vadd.s32 v3, v7;
	s3 =	sor.u32 $0x30, s8;
	[tilespmem:v5+s1+$0x0] =	vst.idx.msk vm1, v4  }
0x22b: {  	s9 =	sadd.s32 s4, s3;
	[tilespmem:v6+s25+$0x0] =	vst.idx.msk $0x1, v3  }
0x22c: {  	[hbm4b:s9+s28] =	stream.strided.scatter [tilespmem:s0], [sflag:$0x3], $0x400, s29, s28, $0x38;
	[tilespmem:$0x4A00] =	vst v63  }
0x22d: {  	_ =	swait.ge [sflag:s26], $0x400  }
0x22e: {  	[sflag:s26] =	ssyncset.done $0x0  }
0x22f: {  	s3 =	sadd.s32 s6, s3;
	[sflag:s26] =	ssyncadd.s32 $0xFFFFFC00  }
0x230: {  	[hbm4b:s3+s28] =	stream.strided.scatter [tilespmem:s1], [sflag:$0x3], $0x400, s29, s28, $0x38;
	[tilespmem:$0x4A00] =	vst v63  }
0x231: {  	_ =	swait.ge [sflag:s26], $0x400  }
0x232: {  	[sflag:s26] =	ssyncset.done $0x0  }
0x233: {  	s10 =	sadd.s32 s7, s20;
	[sflag:s26] =	ssyncadd.s32 $0xFFFFFC00  }
0x234: {  	[tilespmem:s30], [sflag:$0x2] =	stream.strided.gather [hbm4b:s10+s28], $0x2000, s29, s28, $0x38;
	[tilespmem:$0x4A00] =	vst v63  }
0x235: {  	_ =	swait.ge [sflag:s31], $0x2000  }
0x236: {  	[sflag:s31] =	ssyncset.done $0x0  }
0x237: {  	s3 =	simm.s32 $0x0;
	[sflag:s31] =	ssyncadd.s32 $0xFFFFE000  }
0x238: {  	v4 =	vld [tilespmem:s3+$0x0]  }
0x239: {  	s8 =	simm.s32 $0x10;
	v5 =	vbroadcast v2, $0xC;
	v3 =	vimm.s32 $0x0;
	v6 =	vimm.s32 $0x0;
	s9 =	simm.s32 $0x0  }
.LBB2_27:
0x23a: {  	p0 =	sne.s32 s8, $0x1FF0;
	_ =	sdelay $0x2  }
0x23b: {  	vm0 =	vle.f32 v4, v5  }
0x23c: {  	v7 =	vmpcnt.ones.xlane vm0;
	v8 =	vsel vm0, $0x1, v0  }
0x23d: {  	(xrf0) =	vadd.scan.msk.s32 $0xffff, v8  }
0x23e: {  	v3 =	vadd.s32 v3, v7;
	_ =	sdelay $0x4  }
0x23f: {  	v7, _, _ =	vpop (xrf0)  }
0x240: {  	v7 =	vadd.s32 v7, v6;
	v6 =	vmov v3  }
0x241: {  	v7 =	vadd.s32 $0xFFFFFFFF, v7  }
0x242: {  	vm1 =	vlt.s32 v7, $0x400  }
0x243: {  	vm0 =	vmand vm0, vm1;
	_ =	sdelay $0x4  }
.Ltmp12:
0x244: {  	(pc) =	sbr.rel @p0 .LBB2_27-.Ltmp12, $4  }
0x245: {  	[tilespmem:v7+s0+$0x0] =	vst.idx.msk vm0, v4;
	v4 =	vor.u32 s3, v1;
	s3 =	smov.u32 s8  }
0x246: {  	s9 =	sadd.s32 $0x10, s9;
	[tilespmem:v7+s1+$0x0] =	vst.idx.msk vm0, v4  }
0x247: {  	v4 =	vld [tilespmem:s9+$0x0]  }
0x248: {  	s8 =	sadd.s32 $0x10, s8  }
0x249: {  	_ =	sdelay $0x2  }
0x24a: {  	vm0 =	vle.f32 v4, v5  }
0x24b: {  	v5 =	vsel vm0, $0x1, v0  }
0x24c: {  	(xrf0) =	vadd.scan.msk.s32 $0xffff, v5;
	_ =	sdelay $0x5  }
0x24d: {  	v5, _, _ =	vpop (xrf0)  }
0x24e: {  	v5 =	vadd.s32 v5, v6  }
0x24f: {  	v5 =	vadd.s32 $0xFFFFFFFF, v5  }
0x250: {  	s8 =	sor.u32 $0xC, s24;
	vm1 =	vlt.s32 v5, $0x400  }
0x251: {  	v6 =	vmov s8;
	vm1 =	vmand vm0, vm1  }
0x252: {  	v6 =	vand.u32 $0xFFFFFFFC, v6  }
0x253: {  	v6 =	vbroadcast v6, $0x0;
	_ =	sdelay $0x1  }
0x254: {  	s8 =	sadd.s32 s5, s8  }
0x255: {  	v7 =	vmpcnt.ones.xlane vm0;
	s8 =	sshll.u32 s8, $0x7  }
0x256: {  	s8 =	sand.u32 $0xFFC00, s8;
	[tilespmem:v5+s0+$0x0] =	vst.idx.msk vm1, v4;
	v4 =	vor.u32 s3, v1  }
0x257: {  	v3 =	vadd.s32 v3, v7;
	s3 =	sor.u32 $0x40, s8;
	[tilespmem:v5+s1+$0x0] =	vst.idx.msk vm1, v4  }
0x258: {  	s9 =	sadd.s32 s4, s3;
	[tilespmem:v6+s25+$0x0] =	vst.idx.msk $0x1, v3  }
0x259: {  	[hbm4b:s9+s28] =	stream.strided.scatter [tilespmem:s0], [sflag:$0x3], $0x400, s29, s28, $0x38;
	[tilespmem:$0x4A00] =	vst v63  }
0x25a: {  	_ =	swait.ge [sflag:s26], $0x400  }
0x25b: {  	[sflag:s26] =	ssyncset.done $0x0  }
0x25c: {  	s3 =	sadd.s32 s6, s3;
	[sflag:s26] =	ssyncadd.s32 $0xFFFFFC00  }
0x25d: {  	[hbm4b:s3+s28] =	stream.strided.scatter [tilespmem:s1], [sflag:$0x3], $0x400, s29, s28, $0x38;
	[tilespmem:$0x4A00] =	vst v63  }
0x25e: {  	_ =	swait.ge [sflag:s26], $0x400  }
0x25f: {  	[sflag:s26] =	ssyncset.done $0x0  }
0x260: {  	s10 =	sadd.s32 s7, s21;
	s3 =	simm.s32 $0x0;
	[sflag:s26] =	ssyncadd.s32 $0xFFFFFC00  }
0x261: {  	[tilespmem:s3], [sflag:$0x1] =	stream.strided.gather [hbm4b:s10+s28], $0x2000, s29, s28, $0x38;
	[tilespmem:$0x4A00] =	vst v63  }
0x262: {  	_ =	swait.ge [sflag:s2], $0x2000  }
0x263: {  	[sflag:s2] =	ssyncset.done $0x0  }
0x264: {  	s8 =	simm.s32 $0x2000;
	[sflag:s2] =	ssyncadd.s32 $0xFFFFE000  }
0x265: {  	v4 =	vld [tilespmem:s8+$0x0]  }
0x266: {  	v5 =	vbroadcast v2, $0xD;
	v3 =	vimm.s32 $0x0;
	v6 =	vimm.s32 $0x0;
	s9 =	simm.s32 $0x10  }
.LBB2_29:
0x267: {  	p0 =	sne.s32 s9, $0x1FF0;
	_ =	sdelay $0x2  }
0x268: {  	vm0 =	vle.f32 v4, v5  }
0x269: {  	v7 =	vmpcnt.ones.xlane vm0;
	v8 =	vsel vm0, $0x1, v0  }
0x26a: {  	(xrf0) =	vadd.scan.msk.s32 $0xffff, v8  }
0x26b: {  	v3 =	vadd.s32 v3, v7;
	_ =	sdelay $0x4  }
0x26c: {  	v7, _, _ =	vpop (xrf0)  }
0x26d: {  	v7 =	vadd.s32 v7, v6;
	v6 =	vmov v3  }
0x26e: {  	v7 =	vadd.s32 $0xFFFFFFFF, v7  }
0x26f: {  	vm1 =	vlt.s32 v7, $0x400  }
0x270: {  	vm0 =	vmand vm0, vm1;
	_ =	sdelay $0x4  }
.Ltmp13:
0x271: {  	(pc) =	sbr.rel @p0 .LBB2_29-.Ltmp13, $4  }
0x272: {  	[tilespmem:v7+s0+$0x0] =	vst.idx.msk vm0, v4;
	v4 =	vor.u32 s3, v1;
	s3 =	smov.u32 s9  }
0x273: {  	s8 =	sadd.s32 $0x10, s8;
	[tilespmem:v7+s1+$0x0] =	vst.idx.msk vm0, v4  }
0x274: {  	v4 =	vld [tilespmem:s8+$0x0]  }
0x275: {  	s9 =	sadd.s32 $0x10, s9  }
0x276: {  	_ =	sdelay $0x2  }
0x277: {  	vm0 =	vle.f32 v4, v5  }
0x278: {  	v5 =	vsel vm0, $0x1, v0  }
0x279: {  	(xrf0) =	vadd.scan.msk.s32 $0xffff, v5;
	_ =	sdelay $0x5  }
0x27a: {  	v5, _, _ =	vpop (xrf0)  }
0x27b: {  	v5 =	vadd.s32 v5, v6  }
0x27c: {  	v5 =	vadd.s32 $0xFFFFFFFF, v5  }
0x27d: {  	s8 =	sor.u32 $0xD, s24;
	vm1 =	vlt.s32 v5, $0x400  }
0x27e: {  	v6 =	vmov s8;
	vm1 =	vmand vm0, vm1  }
0x27f: {  	v6 =	vand.u32 $0xFFFFFFFD, v6  }
0x280: {  	v6 =	vbroadcast v6, $0x0;
	_ =	sdelay $0x1  }
0x281: {  	s8 =	sadd.s32 s5, s8  }
0x282: {  	v7 =	vmpcnt.ones.xlane vm0;
	s8 =	sshll.u32 s8, $0x7  }
0x283: {  	s8 =	sand.u32 $0xFFC00, s8;
	[tilespmem:v5+s0+$0x0] =	vst.idx.msk vm1, v4;
	v4 =	vor.u32 s3, v1  }
0x284: {  	v3 =	vadd.s32 v3, v7;
	s3 =	sor.u32 $0x50, s8;
	[tilespmem:v5+s1+$0x0] =	vst.idx.msk vm1, v4  }
0x285: {  	s9 =	sadd.s32 s4, s3;
	[tilespmem:v6+s25+$0x0] =	vst.idx.msk $0x1, v3  }
0x286: {  	[hbm4b:s9+s28] =	stream.strided.scatter [tilespmem:s0], [sflag:$0x3], $0x400, s29, s28, $0x38;
	[tilespmem:$0x4A00] =	vst v63  }
0x287: {  	_ =	swait.ge [sflag:s26], $0x400  }
0x288: {  	[sflag:s26] =	ssyncset.done $0x0  }
0x289: {  	s3 =	sadd.s32 s6, s3;
	[sflag:s26] =	ssyncadd.s32 $0xFFFFFC00  }
0x28a: {  	[hbm4b:s3+s28] =	stream.strided.scatter [tilespmem:s1], [sflag:$0x3], $0x400, s29, s28, $0x38;
	[tilespmem:$0x4A00] =	vst v63  }
0x28b: {  	_ =	swait.ge [sflag:s26], $0x400  }
0x28c: {  	[sflag:s26] =	ssyncset.done $0x0  }
0x28d: {  	s10 =	sadd.s32 s7, s22;
	[sflag:s26] =	ssyncadd.s32 $0xFFFFFC00  }
0x28e: {  	[tilespmem:s30], [sflag:$0x2] =	stream.strided.gather [hbm4b:s10+s28], $0x2000, s29, s28, $0x38;
	[tilespmem:$0x4A00] =	vst v63  }
0x28f: {  	_ =	swait.ge [sflag:s31], $0x2000  }
0x290: {  	[sflag:s31] =	ssyncset.done $0x0  }
0x291: {  	s3 =	simm.s32 $0x0;
	[sflag:s31] =	ssyncadd.s32 $0xFFFFE000  }
0x292: {  	v4 =	vld [tilespmem:s3+$0x0]  }
0x293: {  	s7 =	simm.s32 $0x10;
	s8 =	simm.s32 $0x0;
	v5 =	vbroadcast v2, $0xE;
	v3 =	vimm.s32 $0x0;
	v6 =	vimm.s32 $0x0  }
.LBB2_31:
0x294: {  	p0 =	sne.s32 s7, $0x1FF0;
	_ =	sdelay $0x2  }
0x295: {  	vm0 =	vle.f32 v4, v5  }
0x296: {  	v7 =	vmpcnt.ones.xlane vm0;
	v8 =	vsel vm0, $0x1, v0  }
0x297: {  	(xrf0) =	vadd.scan.msk.s32 $0xffff, v8  }
0x298: {  	v3 =	vadd.s32 v3, v7;
	_ =	sdelay $0x4  }
0x299: {  	v7, _, _ =	vpop (xrf0)  }
0x29a: {  	v7 =	vadd.s32 v7, v6;
	v6 =	vmov v3  }
0x29b: {  	v7 =	vadd.s32 $0xFFFFFFFF, v7  }
0x29c: {  	vm1 =	vlt.s32 v7, $0x400  }
0x29d: {  	vm0 =	vmand vm0, vm1;
	_ =	sdelay $0x4  }
.Ltmp14:
0x29e: {  	(pc) =	sbr.rel @p0 .LBB2_31-.Ltmp14, $4  }
0x29f: {  	[tilespmem:v7+s0+$0x0] =	vst.idx.msk vm0, v4;
	v4 =	vor.u32 s3, v1;
	s3 =	smov.u32 s7  }
0x2a0: {  	s8 =	sadd.s32 $0x10, s8;
	[tilespmem:v7+s1+$0x0] =	vst.idx.msk vm0, v4  }
0x2a1: {  	v4 =	vld [tilespmem:s8+$0x0]  }
0x2a2: {  	s7 =	sadd.s32 $0x10, s7  }
0x2a3: {  	_ =	sdelay $0x2  }
0x2a4: {  	vm0 =	vle.f32 v4, v5  }
0x2a5: {  	v5 =	vsel vm0, $0x1, v0  }
0x2a6: {  	(xrf0) =	vadd.scan.msk.s32 $0xffff, v5;
	_ =	sdelay $0x5  }
0x2a7: {  	v5, _, _ =	vpop (xrf0)  }
0x2a8: {  	v5 =	vadd.s32 v5, v6  }
0x2a9: {  	v5 =	vadd.s32 $0xFFFFFFFF, v5  }
0x2aa: {  	s7 =	sor.u32 $0xE, s24;
	vm1 =	vlt.s32 v5, $0x400  }
0x2ab: {  	v6 =	vmov s7;
	vm1 =	vmand vm0, vm1  }
0x2ac: {  	v6 =	vand.u32 $0xFFFFFFFE, v6  }
0x2ad: {  	v6 =	vbroadcast v6, $0x0;
	_ =	sdelay $0x1  }
0x2ae: {  	s7 =	sadd.s32 s5, s7  }
0x2af: {  	v7 =	vmpcnt.ones.xlane vm0;
	s7 =	sshll.u32 s7, $0x7  }
0x2b0: {  	s9 =	sand.u32 $0xFFC00, s7;
	[tilespmem:v5+s0+$0x0] =	vst.idx.msk vm1, v4;
	v4 =	vor.u32 s3, v1  }
0x2b1: {  	v3 =	vadd.s32 v3, v7;
	s3 =	sor.u32 $0x60, s9;
	[tilespmem:v5+s1+$0x0] =	vst.idx.msk vm1, v4  }
0x2b2: {  	s10 =	sadd.s32 s4, s3;
	[tilespmem:v6+s25+$0x0] =	vst.idx.msk $0x1, v3  }
0x2b3: {  	[hbm4b:s10+s28] =	stream.strided.scatter [tilespmem:s0], [sflag:$0x3], $0x400, s29, s28, $0x38;
	[tilespmem:$0x4A00] =	vst v63  }
0x2b4: {  	_ =	swait.ge [sflag:s26], $0x400  }
0x2b5: {  	[sflag:s26] =	ssyncset.done $0x0  }
0x2b6: {  	s3 =	sadd.s32 s6, s3;
	[sflag:s26] =	ssyncadd.s32 $0xFFFFFC00  }
0x2b7: {  	[hbm4b:s3+s28] =	stream.strided.scatter [tilespmem:s1], [sflag:$0x3], $0x400, s29, s28, $0x38;
	[tilespmem:$0x4A00] =	vst v63  }
0x2b8: {  	_ =	swait.ge [sflag:s26], $0x400  }
0x2b9: {  	[sflag:s26] =	ssyncset.done $0x0  }
0x2ba: {  	[sflag:s26] =	ssyncadd.s32 $0xFFFFFC00  }
0x2bb: {  	_ =	swait.ge [sflag:s2], $0x2000  }
0x2bc: {  	[sflag:s2] =	ssyncset.done $0x0  }
0x2bd: {  	s7 =	simm.s32 $0x2000;
	[sflag:s2] =	ssyncadd.s32 $0xFFFFE000  }
0x2be: {  	v3 =	vld [tilespmem:s7+$0x0]  }
0x2bf: {  	s8 =	simm.s32 $0x10;
	v4 =	vbroadcast v2, $0xF;
	v2 =	vimm.s32 $0x0;
	v5 =	vimm.s32 $0x0;
	s3 =	simm.s32 $0x0  }
.LBB2_33:
0x2c0: {  	p0 =	sne.s32 s8, $0x1FF0;
	_ =	sdelay $0x2  }
0x2c1: {  	vm0 =	vle.f32 v3, v4  }
0x2c2: {  	v6 =	vmpcnt.ones.xlane vm0;
	v7 =	vsel vm0, $0x1, v0  }
0x2c3: {  	(xrf0) =	vadd.scan.msk.s32 $0xffff, v7  }
0x2c4: {  	v2 =	vadd.s32 v2, v6;
	_ =	sdelay $0x4  }
0x2c5: {  	v6, _, _ =	vpop (xrf0)  }
0x2c6: {  	v6 =	vadd.s32 v6, v5;
	v5 =	vmov v2  }
0x2c7: {  	v6 =	vadd.s32 $0xFFFFFFFF, v6  }
0x2c8: {  	vm1 =	vlt.s32 v6, $0x400  }
0x2c9: {  	vm0 =	vmand vm0, vm1;
	_ =	sdelay $0x4  }
.Ltmp15:
0x2ca: {  	(pc) =	sbr.rel @p0 .LBB2_33-.Ltmp15, $4  }
0x2cb: {  	[tilespmem:v6+s0+$0x0] =	vst.idx.msk vm0, v3;
	v3 =	vor.u32 s3, v1;
	s3 =	smov.u32 s8  }
0x2cc: {  	s7 =	sadd.s32 $0x10, s7;
	[tilespmem:v6+s1+$0x0] =	vst.idx.msk vm0, v3  }
0x2cd: {  	v3 =	vld [tilespmem:s7+$0x0]  }
0x2ce: {  	s8 =	sadd.s32 $0x10, s8  }
0x2cf: {  	_ =	sdelay $0x2  }
0x2d0: {  	vm0 =	vle.f32 v3, v4  }
0x2d1: {  	v4 =	vsel vm0, $0x1, v0  }
0x2d2: {  	(xrf0) =	vadd.scan.msk.s32 $0xffff, v4;
	_ =	sdelay $0x5  }
0x2d3: {  	v4, _, _ =	vpop (xrf0)  }
0x2d4: {  	v4 =	vadd.s32 v4, v5  }
0x2d5: {  	v4 =	vadd.s32 $0xFFFFFFFF, v4  }
0x2d6: {  	vm1 =	vlt.s32 v4, $0x400  }
0x2d7: {  	vm1 =	vmand vm0, vm1;
	_ =	sdelay $0x1  }
0x2d8: {  	s7 =	sor.u32 $0xF, s24  }
0x2d9: {  	v63 =	vmov s7  }
0x2da: {  	s7 =	sadd.s32 s5, s7  }
0x2db: {  	s7 =	sshll.u32 s7, $0x7;
	v6 =	vmpcnt.ones.xlane vm0  }
0x2dc: {  	s10 =	sand.u32 $0xFFC00, s7;
	[tilespmem:v4+s0+$0x0] =	vst.idx.msk vm1, v3;
	v3 =	vor.u32 s3, v1  }
0x2dd: {  	v2 =	vadd.s32 v2, v6;
	s3 =	sor.u32 $0x70, s10;
	[tilespmem:v4+s1+$0x0] =	vst.idx.msk vm1, v3  }
0x2de: {  	s24 =	sadd.s32 s4, s3;
	[tilespmem:v63+s25+$0x0] =	vst.idx.msk $0x1, v2  }
0x2df: {  	[hbm4b:s24+s28] =	stream.strided.scatter [tilespmem:s0], [sflag:$0x3], $0x400, s29, s28, $0x38;
	[tilespmem:$0x4A00] =	vst v63  }
0x2e0: {  	s23 =	sadd.s32 $0x1, s23;
	_ =	swait.ge [sflag:s26], $0x400  }
0x2e1: {  	p0 =	sne.s32 s23, $0x10;
	[sflag:s26] =	ssyncset.done $0x0  }
.Ltmp16:
0x2e2: {  	s3 =	sadd.s32 s6, s3;
	[sflag:s26] =	ssyncadd.s32 $0xFFFFFC00;
	(pc) =	sbr.rel @p0 .LBB2_2-.Ltmp16, $4  }
0x2e3: {  	[hbm4b:s3+s28] =	stream.strided.scatter [tilespmem:s1], [sflag:$0x3], $0x400, s29, s28, $0x38;
	[tilespmem:$0x4A00] =	vst v63  }
0x2e4: {  	_ =	swait.ge [sflag:s26], $0x400  }
0x2e5: {  	[sflag:s26] =	ssyncset.done $0x0  }
0x2e6: {  	[sflag:s26] =	ssyncadd.s32 $0xFFFFFC00  }
0x2e7: {  	s9 =	simm.s32 $0x0;
	s3 =	rddreg [dreg:$0x9]  }
0x2e8: {  	[hbm4b:s3+s9] =	stream.linear.scatter [tilespmem:s25], [sflag:$0x3], $0x100, $0x38;
	[tilespmem:$0x4A00] =	vst v63  }
0x2e9: {  	_ =	swait.ge [sflag:s26], $0x100  }
0x2ea: {  	s7 =	rddreg [dreg:$0xb]  }
0x2eb: {  	s24 =	rddreg [dreg:$0xa];
	s7 =	sadd.s32 $0x1, s7  }
0x2ec: {  	p0 =	sne.s32 s7, s24  }
.Ltmp17:
0x2ed: {  	_ = 	snop;
	(pc) =	sbr.rel @p0 .LBB2_1-.Ltmp17, $3  }
0x2ee: {  	_ =	sdelay $0x1  }
0x2ef: {  	[sflag:s26] =	ssyncset.done $0x0  }
0x2f0: {  	[sflag:s26] =	ssyncadd.s32 $0xFFFFFF00  }
0x2f1: {  	_ =	sfence.sel $0x180000  }
0x2f2: {  	[bflag:$0x0] =	sbarrier.arrive $0xFFFF  }
0x2f3: {  	_ =	strace $0x90000047  }
0x2f4: {  	s0 =	stileid.u32;
	[bflag:$0x2] =	sbarrier.arrive $0xFFFF  }
0x2f5: {  	p0 =	sne.s32 s0, $0x0;
	s0 =	rddreg [dreg:$0x3]  }
0x2f6: {  	s0 =	sadd.s32 @!p0 $0x100000, s0  }
0x2f7: {  	[sflag:s0] =	ssyncadd.tile.s32 @!p0 $0x1;
	_ =	shalt  }
.Lfunc_end2:
_tile_overlayer_lowered:
.L_overlay_start_2:
0x2f8: {  	(tag) =	ssettag $0x2  }
0x2f9: {  	s0 =	rddreg [dreg:$0x0];
	s2 =	stileid.u32  }
0x2fa: {  	s1 =	rddreg [dreg:$0x1];
	p0 =	sne.s32 s2, $0x0  }
0x2fb: {  	s3 =	rddreg [dreg:$0x2];
	[bflag:$0x3] =	sbarrier.arrive $0xFFFF;
	s2 =	simm.s32 @!p0 $0x1C03  }
0x2fc: {  	[timem:s3], [sflag:s2] =	dma.local @!p0 [hbm:s0], s1  }
0x2fd: {  	s0 =	simm.s32 @!p0 $0x3  }
0x2fe: {  	_ =	swait.ge @!p0 [sflag:s0], s1  }
0x2ff: {  	s1 =	ssub.s32 @!p0 $0x0, s1;
	[sflag:s0] =	ssyncset.done @!p0 $0x0  }
0x300: {  	[sflag:s0] =	ssyncadd.s32 @!p0 s1  }
0x301: {  	[bflag:$0x3] =	sbarrier.arrive $0xFFFF  }
0x302: {  	_ =	shalt  }

// kernel: kernel.14.cloned.1.call-start
scs
__scs_entry_jumppad:
0x0: {  	(pc) =	sbr.rel $0x88, $3  }
0x1: {  	(tag) =	ssettag $0x0;
	lr =	simm.s32 $0x1  }
0x2: {  	[smem:$0x3F8D] =	sst lr;
	_ =	strace $0xD0000000  }
0x3: {  	_ = 	snop  }
0x4: {  	_ = 	snop  }
0x5: {  	_ = 	snop  }
0x6: {  	_ = 	snop  }
0x7: {  	_ = 	snop  }
__scs_overlays_trampoline_lowered:
0x8: {  	[smem:$0x3F9C] =	sst s0  }
0x9: {  	[smem:$0x3F9D] =	sst s1  }
0xa: {  	[smem:$0x3F9E] =	sst s2  }
0xb: {  	[smem:$0x3F9F] =	sst s3  }
0xc: {  	[smem:$0x3FA0] =	sst s4  }
0xd: {  	[smem:$0x3FA1] =	sst s5  }
0xe: {  	[smem:$0x3FA2] =	sst s6  }
0xf: {  	[smem:$0x3FA3] =	sst s7  }
0x10: {  	[smem:$0x3FA4] =	sst s8  }
0x11: {  	[smem:$0x3FA5] =	sst s9;
	s0 =	simm.s32 @!p0 $0x0  }
0x12: {  	s1 =	sld [smem:$0x3F8B];
	s0 =	simm.s32 @p0 $0x1  }
0x13: {  	[smem:$0x3FA6] =	sst s0;
	s0 =	simm.s32 @!p1 $0x0  }
0x14: {  	s2 =	sld [smem:$0x3F8A];
	s0 =	simm.s32 @p1 $0x1  }
0x15: {  	[smem:$0x3FA7] =	sst s0;
	s0 =	simm.s32 @!p2 $0x0  }
0x16: {  	s3 =	sld [smem:$0x3FDB];
	s0 =	simm.s32 @p2 $0x1  }
0x17: {  	s4 =	simm.s32 $0x1BF5;
	[smem:$0x3FA9] =	sst s0  }
0x18: {  	s0 =	sld [smem:$0x3F8C];
	_ =	swait.ge [sflag:s4], $0x0  }
0x19: {  	s7 =	sld [smem:$0x3F8D]  }
0x1a: {  	s8 =	sadd.s32 $0xFFFFE003, lr  }
0x1b: {  	s9 =	sadd.s32 $0xFFFFFEF7, lr;
	s5 =	simm.s32 $0xFFFFFFFF;
	p2 =	slt.u32 s8, $0xFFFFF086  }
0x1c: {  	p1 =	slt.u32 s9, $0xF7A;
	s5 =	simm.s32 @!p2 $0x0  }
0x1d: {  	s5 =	simm.s32 @p1 $0x1;
	p0 =	seq.s32 s7, s2  }
0x1e: {  	s7 =	smul.u32 @!p0 $0xF7A, s2;
	p2 =	seq.s32 @!p0 s5, $0x0  }
0x1f: {  	s9 =	smul.u32 $0xF7A, s1;
	s8 =	simm.s32 @!p0 $0x1BF5;
	p2 =	por !p2, p0  }
0x20: {  	[sflag:s8] =	ssyncset.s32 @!p0 $0xFFFFF086;
	s6 =	sadd.s32 @!p0 s3, s7;
	s7 =	simm.s32 @!p0 $0x108  }
0x21: {  	s3 =	sadd.s32 s3, s9;
	s6 =	sadd.s32 @!p0 $0x88, s6;
	s7 =	simm.s32 @p2 $0x1082  }
0x22: {  	[simem:s7], [sflag:s8] =	dma.local @!p0 [hbm:s6], $0xF7A  }
0x23: {  	s9 =	sor.u32 $0xD0000000, s2;
	s6 =	simm.s32 $0x108;
	_ =	swait.ge @!p0 [sflag:s8], $0x0  }
0x24: {  	s3 =	sadd.s32 $0x88, s3;
	s6 =	simm.s32 @!p1 $0x1082;
	[sflag:s4] =	ssyncset.s32 $0xFFFFF086  }
0x25: {  	[simem:s6], [sflag:s4] =	dma.local [hbm:s3], $0xF7A  }
0x26: {  	[smem:$0x3F8D] =	sst s1;
	(tag) =	ssettag s2;
	_ =	strace s9  }
0x27: {  	s1 =	sld [smem:$0x3F9D]  }
0x28: {  	s2 =	sld [smem:$0x3F9E]  }
0x29: {  	s4 =	sld [smem:$0x3FA0]  }
0x2a: {  	p0 =	seq.s32 s5, $0x0;
	s5 =	sld [smem:$0x3FA1]  }
0x2b: {  	s6 =	sld [smem:$0x3FA2]  }
0x2c: {  	s7 =	sld [smem:$0x3FA3]  }
0x2d: {  	s3 =	simm.s32 $0x108;
	s8 =	sld [smem:$0x3FA4]  }
0x2e: {  	s3 =	simm.s32 @!p0 $0x1082;
	s9 =	sld [smem:$0x3FA5]  }
0x2f: {  	lr =	sadd.s32 s0, s3;
	s0 =	sld [smem:$0x3F9C]  }
0x30: {  	s3 =	sld [smem:$0x3F9F]  }
0x31: {  	[smem:$0x3FA8] =	sst s10  }
0x32: {  	s10 =	sld [smem:$0x3FA6];
	_ =	sdelay $0x3  }
0x33: {  	p0 =	seq.s32 s10, $0x1;
	s10 =	sld [smem:$0x3FA8];
	_ =	sdelay $0x3  }
0x34: {  	[smem:$0x3FA8] =	sst s10  }
0x35: {  	s10 =	sld [smem:$0x3FA7];
	_ =	sdelay $0x3  }
0x36: {  	p1 =	seq.s32 s10, $0x1;
	s10 =	sld [smem:$0x3FA8];
	_ =	sdelay $0x3  }
0x37: {  	[smem:$0x3FA8] =	sst s10  }
0x38: {  	s10 =	sld [smem:$0x3FA9]  }
0x39: {  	_ = 	snop;
	(pc) =	sbr.ind lr, $3  }
0x3a: {  	_ = 	snop  }
0x3b: {  	_ = 	snop  }
0x3c: {  	p2 =	seq.s32 s10, $0x1;
	s10 =	sld [smem:$0x3FA8]  }
0x3d: {  	_ =	shalt  }
0x3e: {  	_ =	shalt  }
0x3f: {  	_ =	shalt  }
0x40: {  	_ =	shalt  }
0x41: {  	_ =	shalt  }
0x42: {  	_ =	shalt  }
0x43: {  	_ =	shalt  }
0x44: {  	_ =	shalt  }
0x45: {  	_ =	shalt  }
0x46: {  	_ =	shalt  }
0x47: {  	_ =	shalt  }
0x48: {  	_ =	shalt  }
0x49: {  	_ =	shalt  }
0x4a: {  	_ =	shalt  }
0x4b: {  	_ =	shalt  }
0x4c: {  	_ =	shalt  }
0x4d: {  	_ =	shalt  }
0x4e: {  	_ =	shalt  }
0x4f: {  	_ =	shalt  }
0x50: {  	_ =	shalt  }
0x51: {  	_ =	shalt  }
0x52: {  	_ =	shalt  }
0x53: {  	_ =	shalt  }
0x54: {  	_ =	shalt  }
0x55: {  	_ =	shalt  }
0x56: {  	_ =	shalt  }
0x57: {  	_ =	shalt  }
0x58: {  	_ =	shalt  }
0x59: {  	_ =	shalt  }
0x5a: {  	_ =	shalt  }
0x5b: {  	_ =	shalt  }
0x5c: {  	_ =	shalt  }
0x5d: {  	_ =	shalt  }
0x5e: {  	_ =	shalt  }
0x5f: {  	_ =	shalt  }
0x60: {  	_ =	shalt  }
0x61: {  	_ =	shalt  }
0x62: {  	_ =	shalt  }
0x63: {  	_ =	shalt  }
0x64: {  	_ =	shalt  }
0x65: {  	_ =	shalt  }
0x66: {  	_ =	shalt  }
0x67: {  	_ =	shalt  }
0x68: {  	_ =	shalt  }
0x69: {  	_ =	shalt  }
0x6a: {  	_ =	shalt  }
0x6b: {  	_ =	shalt  }
0x6c: {  	_ =	shalt  }
0x6d: {  	_ =	shalt  }
0x6e: {  	_ =	shalt  }
0x6f: {  	_ =	shalt  }
0x70: {  	_ =	shalt  }
0x71: {  	_ =	shalt  }
0x72: {  	_ =	shalt  }
0x73: {  	_ =	shalt  }
0x74: {  	_ =	shalt  }
0x75: {  	_ =	shalt  }
0x76: {  	_ =	shalt  }
0x77: {  	_ =	shalt  }
0x78: {  	_ =	shalt  }
0x79: {  	_ =	shalt  }
0x7a: {  	_ =	shalt  }
0x7b: {  	_ =	shalt  }
0x7c: {  	_ =	shalt  }
0x7d: {  	_ =	shalt  }
0x7e: {  	_ =	shalt  }
0x7f: {  	_ =	shalt  }
0x80: {  	_ =	shalt  }
0x81: {  	_ =	shalt  }
0x82: {  	_ =	shalt  }
0x83: {  	_ =	shalt  }
0x84: {  	_ =	shalt  }
0x85: {  	_ =	shalt  }
0x86: {  	_ =	shalt  }
0x87: {  	_ =	shalt  }
.Lfunc_end0:
.L_simem_size_0:
called_computation.1_lowered:
.L_overlay_start_0:
0x88: {  	s2 =	sld [smem:$0x3FD9]  }
0x89: {  	s3 =	sld [smem:$0x3FFE];
	_ =	sdelay $0x1  }
0x8a: {  	s1 =	srdreg.scid  }
0x8b: {  	s0 =	sand.u32 $0x1, s1  }
0x8c: {  	s14 =	sshll.u32 s0, $0xA;
	s2 =	sadd.s32 s3, s2  }
0x8d: {  	s2 =	sadd.s32 s2, s14  }
0x8e: {  	[smem:$0x3FB4] =	sst s2  }
0x8f: {  	_ = 	snop  }
0x90: {  	s2 =	sld [smem:$0x3FD0];
	_ =	sdelay $0x2  }
0x91: {  	s15 =	simm.s32 $0xA;
	s4 =	simm.s32 $0x10  }
0x92: {  	[smem:s4], [sflag:s15] =	dma.local [hbm:s2], $0x1  }
0x93: {  	_ =	swait.eq [sflag:s15], $0x1  }
0x94: {  	[sflag:s15] =	ssyncset.done $0x0  }
0x95: {  	s16 =	sld [smem:$0x11];
	[sflag:s15] =	ssyncadd.s32 $0xFFFFFFFF  }
0x96: {  	s17 =	sld [smem:$0x12];
	(tm) =	ssettm $0x1  }
0x97: {  	s18 =	sld [smem:$0x3FFB];
	_ =	sdelay $0x3  }
0x98: {  	_ =	strace s18  }
0x99: {  	s4 =	sld [smem:$0x3FFC];
	_ =	sdelay $0x3  }
0x9a: {  	_ =	strace s4  }
0x9b: {  	s4 =	sld [smem:$0x3FFD];
	_ =	sdelay $0x3  }
0x9c: {  	_ =	strace s4  }
0x9d: {  	_ =	strace $0x8FFFFFFF  }
0x9e: {  	s19 =	sld [smem:$0x3FDB];
	_ =	sdelay $0x1  }
0x9f: {  	s5 =	simm.s32 $_scs_section_size  }
0xa0: {  	s6 =	simm.s32 $_size__tile_overlayer_lowered;
	s7 =	simm.s32 $_tile_overlayer_lowered  }
0xa1: {  	s22 =	simm.s32 $0x1BFF;
	s21 =	sshll.u32 s7, $0x1;
	s4 =	sadd.s32 s5, s19  }
0xa2: {  	s8 =	simm.s32 $0x0;
	s20 =	sshll.u32 s6, $0x1;
	s6 =	sadd.s32 s21, s4  }
0xa3: {  	[timem:s8], [sflag:s22] =	dma.local [hbm:s6], s20  }
0xa4: {  	_ =	swait.ge [sflag:s22], s20  }
0xa5: {  	s5 =	ssub.s32 $0x0, s20;
	[sflag:s22] =	ssyncset.done $0x0  }
0xa6: {  	[sflag:s22] =	ssyncadd.s32 s5;
	_ =	sdelay $0x1  }
0xa7: {  	s23 =	simm.s32 $0x1B8B  }
0xa8: {  	_ =	swait.ge [sflag:s23], $0x1  }
0xa9: {  	[sflag:s23] =	ssyncset.done $0x0  }
0xaa: {  	s25 =	simm.s32 $0x1B8E;
	s24 =	sld [smem:$0x3FFE];
	[sflag:s23] =	ssyncadd.s32 $0xFFFFFFFF  }
0xab: {  	s26 =	simm.s32 $execute0_lowered;
	[smem:$0x3FD2] =	sst s25  }
0xac: {  	s6 =	sshll.u32 s26, $0x1;
	_ =	strace $0x80000049;
	[dreg:$0x1] =	wrdreg $0xFFFFFFFF  }
0xad: {  	s28 =	simm.s32 $_size_execute0_lowered;
	s4 =	sadd.s32 s4, s6;
	[dreg:$0x0] =	wrdreg $0x0  }
0xae: {  	s6 =	sshll.u32 s28, $0x1;
	[dreg:$0x2] =	wrdreg s4  }
0xaf: {  	[dreg:$0x3] =	wrdreg s6  }
0xb0: {  	[dreg:$0x4] =	wrdreg $0xC0  }
0xb1: {  	_ =	task [dreg:s8], $0x5FFFF  }
0xb2: {  	[dreg:$0x1] =	wrdreg $0xFFFFFFFF  }
0xb3: {  	[dreg:$0x0] =	wrdreg $0x60  }
0xb4: {  	[dreg:$0x2] =	wrdreg s17  }
0xb5: {  	[dreg:$0x3] =	wrdreg s16  }
0xb6: {  	[dreg:$0x4] =	wrdreg s24  }
0xb7: {  	[dreg:$0x5] =	wrdreg $0x9  }
0xb8: {  	_ =	task.clear_ibuf [dreg:s8], $0x6FFFF;
	_ =	strace $0x90000049  }
0xb9: {  	s29 =	simm.s32 $0x9;
	_ =	strace $0x8000004B  }
0xba: {  	_ =	swait.ge [sflag:s29], $0x1  }
0xbb: {  	[sflag:s29] =	ssyncadd.s32 $0xFFFFFFFF  }
0xbc: {  	_ =	strace $0x9000004B  }
0xbd: {  	_ =	sfence  }
0xbe: {  	s30 =	sld [smem:$0x0];
	_ =	sdelay $0x2  }
0xbf: {  	s31 =	sshll.u32 s1, $0xD;
	s1 =	sshrl.u32 s1, $0x2  }
0xc0: {  	s3 =	sand.u32 $0x4000, s31;
	s1 =	sadd.s32 s1, s30  }
0xc1: {  	s0 =	sor.u32 s3, s0;
	s1 =	sshll.u32 s1, $0x11  }
0xc2: {  	s0 =	sor.u32 s1, s0  }
0xc3: {  	s0 =	sadd.s32 $0x8F2B, s0  }
0xc4: {  	[sflag:s0] =	ssyncadd.remote.s32 $0x1  }
0xc5: {  	_ =	sfence.sel $0xFFFF  }
0xc6: {  	[dreg:$0x0] =	wrdreg $0xFFFFFFFF;
	(pc) =	sbr.abs _section_cstart, $3  }
0xc7: {  	[dreg:$0x1] =	wrdreg $0xFFFFFFFF  }
0xc8: {  	_ =	task.clear_ibuf [dreg:s8], $0x2FFFF;
	_ =	strace $0x9FFFFFFF  }
0xc9: {  	(tm) =	ssettm $0x7FFFFFFF  }
tec
execute0_lowered:
.L_overlay_start_1:
0x0: {  	(tag) =	ssettag $0x1  }
0x1: {  	s1 =	rddreg [dreg:$0x0]  }
0x2: {  	s4 =	rddreg [dreg:$0x1]  }
0x3: {  	s5 =	rddreg [dreg:$0x2]  }
0x4: {  	s0 =	rddreg [dreg:$0x3]  }
0x5: {  	s3 =	simm.s32 $0x0;
	s6 =	srdreg.scid;
	s2 =	stileid.u32  }
0x6: {  	s10 =	simm.s32 $0x2800;
	s11 =	simm.s32 $0x1;
	s12 =	simm.s32 $0x2  }
0x7: {  	s13 =	simm.s32 $0x0;
	[smem:$0x7FF] =	sst s3;
	s6 =	sand.u32 $0x1, s6  }
0x8: {  	s7 =	sshll.u32 s2, $0xF;
	s8 =	sshll.u32 s2, $0xE;
	_ =	strace $0x8000004A  }
0x9: {  	s9 =	sshll.u32 s6, $0xD;
	s5 =	sadd.s32 s7, s5;
	s30 =	ssub.s32 $0x2, s6  }
0xa: {  	s6 =	sshll.u32 s6, $0xE;
	s8 =	sor.u32 s9, s8;
	s31 =	sshrl.u32 s30, $0x1  }
0xb: {  	s6 =	sadd.s32 s6, s5;
	s9 =	simm.s32 $0x2000;
	s8 =	sshrl.u32 s8, $0x3  }
0xc: {  	s7 =	ssub.s32 s30, s31;
	s6 =	sadd.s32 $0x3A00, s6;
	s4 =	sadd.s32 s4, s8  }
0xd: {  	s5 =	smax.u32 s7, $0x1;
	s7 =	simm.s32 $0x3;
	s8 =	simm.s32 $0x80  }
.LBB2_1:
0xe: {  	[tilespmem:s3], [sflag:$0x3] =	stream.linear.gather [hbm4b:s4+s3], $0x2000, $0x38;
	[tilespmem:$0x3000] =	vst v63  }
0xf: {  	_ =	swait.ge [sflag:s7], $0x2000  }
0x10: {  	[sflag:s7] =	ssyncset.done $0x0  }
0x11: {  	[sflag:s7] =	ssyncadd.s32 $0xFFFFE000  }
0x12: {  	[tilespmem:s9], [sflag:$0x1] =	stream.indirect.gather [hbm4b:s1+s8], $0x10, s3, s8, $0xb8;
	[tilespmem:$0x3000] =	vst v63  }
0x13: {  	s14 =	simm.s32 $0x80  }
0x14: {  	[tilespmem:s10], [sflag:$0x2] =	stream.indirect.gather [hbm4b:s1+s8], $0x10, s14, s8, $0xb8;
	[tilespmem:$0x3000] =	vst v63  }
0x15: {  	_ =	swait.ge [sflag:s11], $0x800  }
0x16: {  	[sflag:s11] =	ssyncset.done $0x0  }
0x17: {  	s31 =	sadd.s32 $0x0, s6;
	[sflag:s11] =	ssyncadd.s32 $0xFFFFF800  }
0x18: {  	[hbm4b:s31+s3] =	stream.linear.scatter [tilespmem:s9], [sflag:$0x3], $0x800, $0x38;
	[tilespmem:$0x3000] =	vst v63  }
0x19: {  	_ =	swait.ge [sflag:s7], $0x800  }
0x1a: {  	[sflag:s7] =	ssyncset.done $0x0  }
0x1b: {  	[sflag:s7] =	ssyncadd.s32 $0xFFFFF800  }
0x1c: {  	_ =	swait.ge [sflag:s12], $0x800  }
0x1d: {  	[sflag:s12] =	ssyncset.done $0x0  }
0x1e: {  	s14 =	sadd.s32 $0x100, s31;
	[sflag:s12] =	ssyncadd.s32 $0xFFFFF800  }
0x1f: {  	[hbm4b:s14+s3] =	stream.linear.scatter [tilespmem:s10], [sflag:$0x3], $0x800, $0x38;
	[tilespmem:$0x3000] =	vst v63  }
0x20: {  	_ =	swait.ge [sflag:s7], $0x800  }
0x21: {  	s15 =	simm.s32 $0x0;
	s14 =	simm.s32 $0x200;
	[sflag:s7] =	ssyncset.done $0x0  }
.LBB2_2:
0x22: {  	p0 =	sne.s32 s14, $0x3E00;
	[sflag:s7] =	ssyncadd.s32 $0xFFFFF800;
	s15 =	sadd.s32 $0x100, s15  }
0x23: {  	[tilespmem:s9], [sflag:$0x1] =	stream.indirect.gather [hbm4b:s1+s8], $0x10, s15, s8, $0xb8;
	[tilespmem:$0x3000] =	vst v63  }
0x24: {  	s17 =	smov.u32 s14;
	s14 =	sadd.s32 $0x200, s14;
	s16 =	sadd.s32 $0x80, s15  }
0x25: {  	[tilespmem:s10], [sflag:$0x2] =	stream.indirect.gather [hbm4b:s1+s8], $0x10, s16, s8, $0xb8;
	[tilespmem:$0x3000] =	vst v63  }
0x26: {  	_ =	swait.ge [sflag:s11], $0x800  }
0x27: {  	[sflag:s11] =	ssyncset.done $0x0  }
0x28: {  	s16 =	sadd.s32 s17, s6;
	[sflag:s11] =	ssyncadd.s32 $0xFFFFF800  }
0x29: {  	[hbm4b:s16+s3] =	stream.linear.scatter [tilespmem:s9], [sflag:$0x3], $0x800, $0x38;
	[tilespmem:$0x3000] =	vst v63  }
0x2a: {  	_ =	swait.ge [sflag:s7], $0x800  }
0x2b: {  	[sflag:s7] =	ssyncset.done $0x0  }
0x2c: {  	[sflag:s7] =	ssyncadd.s32 $0xFFFFF800  }
0x2d: {  	_ =	swait.ge [sflag:s12], $0x800  }
.Ltmp0:
0x2e: {  	[sflag:s12] =	ssyncset.done $0x0;
	(pc) =	sbr.rel @p0 .LBB2_2-.Ltmp0, $4  }
0x2f: {  	s16 =	sadd.s32 $0x100, s16;
	[sflag:s12] =	ssyncadd.s32 $0xFFFFF800  }
0x30: {  	[hbm4b:s16+s3] =	stream.linear.scatter [tilespmem:s10], [sflag:$0x3], $0x800, $0x38;
	[tilespmem:$0x3000] =	vst v63  }
0x31: {  	_ =	swait.ge [sflag:s7], $0x800  }
0x32: {  	[sflag:s7] =	ssyncset.done $0x0  }
0x33: {  	s13 =	sadd.s32 $0x1, s13  }
0x34: {  	p0 =	sne.s32 s13, s5  }
.Ltmp1:
0x35: {  	_ = 	snop;
	(pc) =	sbr.rel @p0 .LBB2_1-.Ltmp1, $2  }
0x36: {  	_ =	sdelay $0x2  }
0x37: {  	[sflag:s7] =	ssyncadd.s32 $0xFFFFF800  }
0x38: {  	_ =	sfence.sel $0x180000  }
0x39: {  	[bflag:$0x0] =	sbarrier.arrive $0xFFFF  }
0x3a: {  	p0 =	sne.s32 s2, $0x0;
	_ =	strace $0x9000004A  }
0x3b: {  	s0 =	sadd.s32 @!p0 $0x100000, s0;
	[bflag:$0x2] =	sbarrier.arrive $0xFFFF  }
0x3c: {  	[sflag:s0] =	ssyncadd.tile.s32 @!p0 $0x1;
	_ =	shalt  }
.Lfunc_end2:
_tile_overlayer_lowered:
.L_overlay_start_2:
0x3d: {  	(tag) =	ssettag $0x2  }
0x3e: {  	s0 =	rddreg [dreg:$0x0];
	s2 =	stileid.u32  }
0x3f: {  	s1 =	rddreg [dreg:$0x1];
	p0 =	sne.s32 s2, $0x0  }
0x40: {  	s3 =	rddreg [dreg:$0x2];
	[bflag:$0x3] =	sbarrier.arrive $0xFFFF;
	s2 =	simm.s32 @!p0 $0x1C03  }
0x41: {  	[timem:s3], [sflag:s2] =	dma.local @!p0 [hbm:s0], s1  }
0x42: {  	s0 =	simm.s32 @!p0 $0x3  }
0x43: {  	_ =	swait.ge @!p0 [sflag:s0], s1  }
0x44: {  	s1 =	ssub.s32 @!p0 $0x0, s1;
	[sflag:s0] =	ssyncset.done @!p0 $0x0  }
0x45: {  	[sflag:s0] =	ssyncadd.s32 @!p0 s1  }
0x46: {  	[bflag:$0x3] =	sbarrier.arrive $0xFFFF  }
0x47: {  	_ =	shalt  }

// kernel: kernel.17.cloned.1.call-start
scs
__scs_entry_jumppad:
0x0: {  	(pc) =	sbr.rel $0x88, $3  }
0x1: {  	(tag) =	ssettag $0x0;
	lr =	simm.s32 $0x1  }
0x2: {  	[smem:$0x3F8D] =	sst lr;
	_ =	strace $0xD0000000  }
0x3: {  	_ = 	snop  }
0x4: {  	_ = 	snop  }
0x5: {  	_ = 	snop  }
0x6: {  	_ = 	snop  }
0x7: {  	_ = 	snop  }
__scs_overlays_trampoline_lowered:
0x8: {  	[smem:$0x3F9C] =	sst s0  }
0x9: {  	[smem:$0x3F9D] =	sst s1  }
0xa: {  	[smem:$0x3F9E] =	sst s2  }
0xb: {  	[smem:$0x3F9F] =	sst s3  }
0xc: {  	[smem:$0x3FA0] =	sst s4  }
0xd: {  	[smem:$0x3FA1] =	sst s5  }
0xe: {  	[smem:$0x3FA2] =	sst s6  }
0xf: {  	[smem:$0x3FA3] =	sst s7  }
0x10: {  	[smem:$0x3FA4] =	sst s8  }
0x11: {  	[smem:$0x3FA5] =	sst s9;
	s0 =	simm.s32 @!p0 $0x0  }
0x12: {  	s1 =	sld [smem:$0x3F8B];
	s0 =	simm.s32 @p0 $0x1  }
0x13: {  	[smem:$0x3FA6] =	sst s0;
	s0 =	simm.s32 @!p1 $0x0  }
0x14: {  	s2 =	sld [smem:$0x3F8A];
	s0 =	simm.s32 @p1 $0x1  }
0x15: {  	[smem:$0x3FA7] =	sst s0;
	s0 =	simm.s32 @!p2 $0x0  }
0x16: {  	s3 =	sld [smem:$0x3FDB];
	s0 =	simm.s32 @p2 $0x1  }
0x17: {  	s4 =	simm.s32 $0x1BF5;
	[smem:$0x3FA9] =	sst s0  }
0x18: {  	s0 =	sld [smem:$0x3F8C];
	_ =	swait.ge [sflag:s4], $0x0  }
0x19: {  	s7 =	sld [smem:$0x3F8D]  }
0x1a: {  	s8 =	sadd.s32 $0xFFFFE003, lr  }
0x1b: {  	s9 =	sadd.s32 $0xFFFFFEF7, lr;
	s5 =	simm.s32 $0xFFFFFFFF;
	p2 =	slt.u32 s8, $0xFFFFF086  }
0x1c: {  	p1 =	slt.u32 s9, $0xF7A;
	s5 =	simm.s32 @!p2 $0x0  }
0x1d: {  	s5 =	simm.s32 @p1 $0x1;
	p0 =	seq.s32 s7, s2  }
0x1e: {  	s7 =	smul.u32 @!p0 $0xF7A, s2;
	p2 =	seq.s32 @!p0 s5, $0x0  }
0x1f: {  	s9 =	smul.u32 $0xF7A, s1;
	s8 =	simm.s32 @!p0 $0x1BF5;
	p2 =	por !p2, p0  }
0x20: {  	[sflag:s8] =	ssyncset.s32 @!p0 $0xFFFFF086;
	s6 =	sadd.s32 @!p0 s3, s7;
	s7 =	simm.s32 @!p0 $0x108  }
0x21: {  	s3 =	sadd.s32 s3, s9;
	s6 =	sadd.s32 @!p0 $0x88, s6;
	s7 =	simm.s32 @p2 $0x1082  }
0x22: {  	[simem:s7], [sflag:s8] =	dma.local @!p0 [hbm:s6], $0xF7A  }
0x23: {  	s9 =	sor.u32 $0xD0000000, s2;
	s6 =	simm.s32 $0x108;
	_ =	swait.ge @!p0 [sflag:s8], $0x0  }
0x24: {  	s3 =	sadd.s32 $0x88, s3;
	s6 =	simm.s32 @!p1 $0x1082;
	[sflag:s4] =	ssyncset.s32 $0xFFFFF086  }
0x25: {  	[simem:s6], [sflag:s4] =	dma.local [hbm:s3], $0xF7A  }
0x26: {  	[smem:$0x3F8D] =	sst s1;
	(tag) =	ssettag s2;
	_ =	strace s9  }
0x27: {  	s1 =	sld [smem:$0x3F9D]  }
0x28: {  	s2 =	sld [smem:$0x3F9E]  }
0x29: {  	s4 =	sld [smem:$0x3FA0]  }
0x2a: {  	p0 =	seq.s32 s5, $0x0;
	s5 =	sld [smem:$0x3FA1]  }
0x2b: {  	s6 =	sld [smem:$0x3FA2]  }
0x2c: {  	s7 =	sld [smem:$0x3FA3]  }
0x2d: {  	s3 =	simm.s32 $0x108;
	s8 =	sld [smem:$0x3FA4]  }
0x2e: {  	s3 =	simm.s32 @!p0 $0x1082;
	s9 =	sld [smem:$0x3FA5]  }
0x2f: {  	lr =	sadd.s32 s0, s3;
	s0 =	sld [smem:$0x3F9C]  }
0x30: {  	s3 =	sld [smem:$0x3F9F]  }
0x31: {  	[smem:$0x3FA8] =	sst s10  }
0x32: {  	s10 =	sld [smem:$0x3FA6];
	_ =	sdelay $0x3  }
0x33: {  	p0 =	seq.s32 s10, $0x1;
	s10 =	sld [smem:$0x3FA8];
	_ =	sdelay $0x3  }
0x34: {  	[smem:$0x3FA8] =	sst s10  }
0x35: {  	s10 =	sld [smem:$0x3FA7];
	_ =	sdelay $0x3  }
0x36: {  	p1 =	seq.s32 s10, $0x1;
	s10 =	sld [smem:$0x3FA8];
	_ =	sdelay $0x3  }
0x37: {  	[smem:$0x3FA8] =	sst s10  }
0x38: {  	s10 =	sld [smem:$0x3FA9]  }
0x39: {  	_ = 	snop;
	(pc) =	sbr.ind lr, $3  }
0x3a: {  	_ = 	snop  }
0x3b: {  	_ = 	snop  }
0x3c: {  	p2 =	seq.s32 s10, $0x1;
	s10 =	sld [smem:$0x3FA8]  }
0x3d: {  	_ =	shalt  }
0x3e: {  	_ =	shalt  }
0x3f: {  	_ =	shalt  }
0x40: {  	_ =	shalt  }
0x41: {  	_ =	shalt  }
0x42: {  	_ =	shalt  }
0x43: {  	_ =	shalt  }
0x44: {  	_ =	shalt  }
0x45: {  	_ =	shalt  }
0x46: {  	_ =	shalt  }
0x47: {  	_ =	shalt  }
0x48: {  	_ =	shalt  }
0x49: {  	_ =	shalt  }
0x4a: {  	_ =	shalt  }
0x4b: {  	_ =	shalt  }
0x4c: {  	_ =	shalt  }
0x4d: {  	_ =	shalt  }
0x4e: {  	_ =	shalt  }
0x4f: {  	_ =	shalt  }
0x50: {  	_ =	shalt  }
0x51: {  	_ =	shalt  }
0x52: {  	_ =	shalt  }
0x53: {  	_ =	shalt  }
0x54: {  	_ =	shalt  }
0x55: {  	_ =	shalt  }
0x56: {  	_ =	shalt  }
0x57: {  	_ =	shalt  }
0x58: {  	_ =	shalt  }
0x59: {  	_ =	shalt  }
0x5a: {  	_ =	shalt  }
0x5b: {  	_ =	shalt  }
0x5c: {  	_ =	shalt  }
0x5d: {  	_ =	shalt  }
0x5e: {  	_ =	shalt  }
0x5f: {  	_ =	shalt  }
0x60: {  	_ =	shalt  }
0x61: {  	_ =	shalt  }
0x62: {  	_ =	shalt  }
0x63: {  	_ =	shalt  }
0x64: {  	_ =	shalt  }
0x65: {  	_ =	shalt  }
0x66: {  	_ =	shalt  }
0x67: {  	_ =	shalt  }
0x68: {  	_ =	shalt  }
0x69: {  	_ =	shalt  }
0x6a: {  	_ =	shalt  }
0x6b: {  	_ =	shalt  }
0x6c: {  	_ =	shalt  }
0x6d: {  	_ =	shalt  }
0x6e: {  	_ =	shalt  }
0x6f: {  	_ =	shalt  }
0x70: {  	_ =	shalt  }
0x71: {  	_ =	shalt  }
0x72: {  	_ =	shalt  }
0x73: {  	_ =	shalt  }
0x74: {  	_ =	shalt  }
0x75: {  	_ =	shalt  }
0x76: {  	_ =	shalt  }
0x77: {  	_ =	shalt  }
0x78: {  	_ =	shalt  }
0x79: {  	_ =	shalt  }
0x7a: {  	_ =	shalt  }
0x7b: {  	_ =	shalt  }
0x7c: {  	_ =	shalt  }
0x7d: {  	_ =	shalt  }
0x7e: {  	_ =	shalt  }
0x7f: {  	_ =	shalt  }
0x80: {  	_ =	shalt  }
0x81: {  	_ =	shalt  }
0x82: {  	_ =	shalt  }
0x83: {  	_ =	shalt  }
0x84: {  	_ =	shalt  }
0x85: {  	_ =	shalt  }
0x86: {  	_ =	shalt  }
0x87: {  	_ =	shalt  }
.Lfunc_end0:
.L_simem_size_0:
called_computation.2_lowered:
.L_overlay_start_0:
0x88: {  	s2 =	sld [smem:$0x3FD9]  }
0x89: {  	s3 =	sld [smem:$0x3FFE];
	_ =	sdelay $0x1  }
0x8a: {  	s1 =	srdreg.scid  }
0x8b: {  	s0 =	sand.u32 $0x1, s1  }
0x8c: {  	s14 =	sshll.u32 s0, $0xA;
	s2 =	sadd.s32 s3, s2  }
0x8d: {  	s2 =	sadd.s32 s2, s14  }
0x8e: {  	[smem:$0x3FB4] =	sst s2  }
0x8f: {  	_ = 	snop  }
0x90: {  	s2 =	sld [smem:$0x3FD0];
	_ =	sdelay $0x2  }
0x91: {  	s15 =	simm.s32 $0xA;
	s4 =	simm.s32 $0x10  }
0x92: {  	[smem:s4], [sflag:s15] =	dma.local [hbm:s2], $0x1  }
0x93: {  	_ =	swait.eq [sflag:s15], $0x1  }
0x94: {  	[sflag:s15] =	ssyncset.done $0x0  }
0x95: {  	s16 =	sld [smem:$0x11];
	[sflag:s15] =	ssyncadd.s32 $0xFFFFFFFF  }
0x96: {  	s17 =	sld [smem:$0x12];
	(tm) =	ssettm $0x1  }
0x97: {  	s18 =	sld [smem:$0x3FFB];
	_ =	sdelay $0x3  }
0x98: {  	_ =	strace s18  }
0x99: {  	s4 =	sld [smem:$0x3FFC];
	_ =	sdelay $0x3  }
0x9a: {  	_ =	strace s4  }
0x9b: {  	s4 =	sld [smem:$0x3FFD];
	_ =	sdelay $0x3  }
0x9c: {  	_ =	strace s4  }
0x9d: {  	_ =	strace $0x8FFFFFFF  }
0x9e: {  	s19 =	sld [smem:$0x3FDB];
	_ =	sdelay $0x1  }
0x9f: {  	s5 =	simm.s32 $_scs_section_size  }
0xa0: {  	s6 =	simm.s32 $_size__tile_overlayer_lowered;
	s7 =	simm.s32 $_tile_overlayer_lowered  }
0xa1: {  	s22 =	simm.s32 $0x1BFF;
	s21 =	sshll.u32 s7, $0x1;
	s4 =	sadd.s32 s5, s19  }
0xa2: {  	s8 =	simm.s32 $0x0;
	s20 =	sshll.u32 s6, $0x1;
	s6 =	sadd.s32 s21, s4  }
0xa3: {  	[timem:s8], [sflag:s22] =	dma.local [hbm:s6], s20  }
0xa4: {  	_ =	swait.ge [sflag:s22], s20  }
0xa5: {  	s5 =	ssub.s32 $0x0, s20;
	[sflag:s22] =	ssyncset.done $0x0  }
0xa6: {  	[sflag:s22] =	ssyncadd.s32 s5;
	_ =	sdelay $0x1  }
0xa7: {  	s23 =	simm.s32 $0x1B8B  }
0xa8: {  	_ =	swait.ge [sflag:s23], $0x1  }
0xa9: {  	[sflag:s23] =	ssyncset.done $0x0  }
0xaa: {  	s25 =	simm.s32 $0x1B8E;
	s24 =	sld [smem:$0x3FFE];
	[sflag:s23] =	ssyncadd.s32 $0xFFFFFFFF  }
0xab: {  	s26 =	simm.s32 $execute0_lowered;
	[smem:$0x3FD2] =	sst s25  }
0xac: {  	s6 =	sshll.u32 s26, $0x1;
	_ =	strace $0x8000004C;
	[dreg:$0x1] =	wrdreg $0xFFFFFFFF  }
0xad: {  	s28 =	simm.s32 $_size_execute0_lowered;
	s4 =	sadd.s32 s4, s6;
	[dreg:$0x0] =	wrdreg $0x0  }
0xae: {  	s6 =	sshll.u32 s28, $0x1;
	[dreg:$0x2] =	wrdreg s4  }
0xaf: {  	[dreg:$0x3] =	wrdreg s6  }
0xb0: {  	[dreg:$0x4] =	wrdreg $0xC0  }
0xb1: {  	_ =	task [dreg:s8], $0x5FFFF  }
0xb2: {  	[dreg:$0x1] =	wrdreg $0xFFFFFFFF  }
0xb3: {  	[dreg:$0x0] =	wrdreg $0x60  }
0xb4: {  	[dreg:$0x2] =	wrdreg s17  }
0xb5: {  	[dreg:$0x3] =	wrdreg s16  }
0xb6: {  	[dreg:$0x4] =	wrdreg s24  }
0xb7: {  	[dreg:$0x5] =	wrdreg $0x9  }
0xb8: {  	_ =	task.clear_ibuf [dreg:s8], $0x6FFFF;
	_ =	strace $0x9000004C  }
0xb9: {  	s29 =	simm.s32 $0x9;
	_ =	strace $0x8000004E  }
0xba: {  	_ =	swait.ge [sflag:s29], $0x1  }
0xbb: {  	[sflag:s29] =	ssyncadd.s32 $0xFFFFFFFF  }
0xbc: {  	_ =	strace $0x9000004E  }
0xbd: {  	_ =	sfence  }
0xbe: {  	s30 =	sld [smem:$0x0];
	_ =	sdelay $0x2  }
0xbf: {  	s31 =	sshll.u32 s1, $0xD;
	s1 =	sshrl.u32 s1, $0x2  }
0xc0: {  	s3 =	sand.u32 $0x4000, s31;
	s1 =	sadd.s32 s1, s30  }
0xc1: {  	s0 =	sor.u32 s3, s0;
	s1 =	sshll.u32 s1, $0x11  }
0xc2: {  	s0 =	sor.u32 s1, s0  }
0xc3: {  	s0 =	sadd.s32 $0x8F2B, s0  }
0xc4: {  	[sflag:s0] =	ssyncadd.remote.s32 $0x1  }
0xc5: {  	_ =	sfence.sel $0xFFFF  }
0xc6: {  	[dreg:$0x0] =	wrdreg $0xFFFFFFFF;
	(pc) =	sbr.abs _section_cstart, $3  }
0xc7: {  	[dreg:$0x1] =	wrdreg $0xFFFFFFFF  }
0xc8: {  	_ =	task.clear_ibuf [dreg:s8], $0x2FFFF;
	_ =	strace $0x9FFFFFFF  }
0xc9: {  	(tm) =	ssettm $0x7FFFFFFF  }
tec
execute0_lowered:
.L_overlay_start_1:
0x0: {  	(tag) =	ssettag $0x1  }
0x1: {  	s1 =	rddreg [dreg:$0x0]  }
0x2: {  	s4 =	rddreg [dreg:$0x1]  }
0x3: {  	s5 =	rddreg [dreg:$0x2]  }
0x4: {  	s0 =	rddreg [dreg:$0x3]  }
0x5: {  	s3 =	simm.s32 $0x0;
	s6 =	srdreg.scid;
	s2 =	stileid.u32  }
0x6: {  	s10 =	simm.s32 $0x3000;
	s11 =	simm.s32 $0x1;
	s12 =	simm.s32 $0x2  }
0x7: {  	s13 =	simm.s32 $0x0;
	[smem:$0x7FF] =	sst s3;
	s6 =	sand.u32 $0x1, s6  }
0x8: {  	s7 =	sshll.u32 s2, $0x10;
	s8 =	sshll.u32 s2, $0xE;
	_ =	strace $0x8000004D  }
0x9: {  	s9 =	sshll.u32 s6, $0xD;
	s5 =	sadd.s32 s7, s5;
	s30 =	ssub.s32 $0x2, s6  }
0xa: {  	s6 =	sshll.u32 s6, $0xF;
	s8 =	sor.u32 s9, s8;
	s31 =	sshrl.u32 s30, $0x1  }
0xb: {  	s6 =	sadd.s32 s6, s5;
	s9 =	simm.s32 $0x2000;
	s8 =	sshrl.u32 s8, $0x3  }
0xc: {  	s7 =	ssub.s32 s30, s31;
	s6 =	sadd.s32 $0x3A00, s6;
	s4 =	sadd.s32 s4, s8  }
0xd: {  	s5 =	smax.u32 s7, $0x1;
	s7 =	simm.s32 $0x3;
	s8 =	simm.s32 $0x80  }
.LBB2_1:
0xe: {  	[tilespmem:s3], [sflag:$0x3] =	stream.linear.gather [hbm4b:s4+s3], $0x2000, $0x38;
	[tilespmem:$0x4000] =	vst v63  }
0xf: {  	_ =	swait.ge [sflag:s7], $0x2000  }
0x10: {  	[sflag:s7] =	ssyncset.done $0x0  }
0x11: {  	s14 =	simm.s32 $0x0;
	[sflag:s7] =	ssyncadd.s32 $0xFFFFE000  }
0x12: {  	[tilespmem:s9], [sflag:$0x1] =	stream.indirect.gather [hbm4b:s1+s8], $0x20, s14, s8, $0xb8;
	[tilespmem:$0x4000] =	vst v63  }
0x13: {  	s30 =	simm.s32 $0x80  }
0x14: {  	[tilespmem:s10], [sflag:$0x2] =	stream.indirect.gather [hbm4b:s1+s8], $0x20, s30, s8, $0xb8;
	[tilespmem:$0x4000] =	vst v63  }
0x15: {  	_ =	swait.ge [sflag:s11], $0x1000  }
0x16: {  	[sflag:s11] =	ssyncset.done $0x0  }
0x17: {  	s31 =	sadd.s32 $0x0, s6;
	[sflag:s11] =	ssyncadd.s32 $0xFFFFF000  }
0x18: {  	[hbm4b:s31+s3] =	stream.linear.scatter [tilespmem:s9], [sflag:$0x3], $0x1000, $0x38;
	[tilespmem:$0x4000] =	vst v63  }
0x19: {  	_ =	swait.ge [sflag:s7], $0x1000  }
0x1a: {  	[sflag:s7] =	ssyncset.done $0x0  }
0x1b: {  	[sflag:s7] =	ssyncadd.s32 $0xFFFFF000  }
0x1c: {  	_ =	swait.ge [sflag:s12], $0x1000  }
0x1d: {  	[sflag:s12] =	ssyncset.done $0x0  }
0x1e: {  	s14 =	sadd.s32 $0x200, s31;
	[sflag:s12] =	ssyncadd.s32 $0xFFFFF000  }
0x1f: {  	[hbm4b:s14+s3] =	stream.linear.scatter [tilespmem:s10], [sflag:$0x3], $0x1000, $0x38;
	[tilespmem:$0x4000] =	vst v63  }
0x20: {  	_ =	swait.ge [sflag:s7], $0x1000  }
0x21: {  	s15 =	simm.s32 $0x800;
	s14 =	simm.s32 $0x400;
	[sflag:s7] =	ssyncset.done $0x0  }
.LBB2_2:
0x22: {  	s16 =	sshra.s32 s14, $0x2  }
0x23: {  	[sflag:s7] =	ssyncadd.s32 $0xFFFFF000;
	s17 =	smov.u32 s15;
	s18 =	sadd.s32 $0x400, s15  }
0x24: {  	[tilespmem:s9], [sflag:$0x1] =	stream.indirect.gather [hbm4b:s1+s8], $0x20, s16, s8, $0xb8;
	[tilespmem:$0x4000] =	vst v63  }
0x25: {  	p0 =	sne.s32 s15, $0x7C00;
	s15 =	sadd.s32 $0x80, s16  }
0x26: {  	[tilespmem:s10], [sflag:$0x2] =	stream.indirect.gather [hbm4b:s1+s8], $0x20, s15, s8, $0xb8;
	[tilespmem:$0x4000] =	vst v63  }
0x27: {  	_ =	swait.ge [sflag:s11], $0x1000  }
0x28: {  	[sflag:s11] =	ssyncset.done $0x0  }
0x29: {  	s15 =	sadd.s32 s14, s6;
	s14 =	smov.u32 s17;
	[sflag:s11] =	ssyncadd.s32 $0xFFFFF000  }
0x2a: {  	[hbm4b:s15+s3] =	stream.linear.scatter [tilespmem:s9], [sflag:$0x3], $0x1000, $0x38;
	[tilespmem:$0x4000] =	vst v63  }
0x2b: {  	_ =	swait.ge [sflag:s7], $0x1000  }
0x2c: {  	[sflag:s7] =	ssyncset.done $0x0  }
0x2d: {  	[sflag:s7] =	ssyncadd.s32 $0xFFFFF000  }
0x2e: {  	_ =	swait.ge [sflag:s12], $0x1000  }
.Ltmp0:
0x2f: {  	[sflag:s12] =	ssyncset.done $0x0;
	(pc) =	sbr.rel @p0 .LBB2_2-.Ltmp0, $4  }
0x30: {  	s15 =	sadd.s32 $0x200, s15;
	[sflag:s12] =	ssyncadd.s32 $0xFFFFF000  }
0x31: {  	[hbm4b:s15+s3] =	stream.linear.scatter [tilespmem:s10], [sflag:$0x3], $0x1000, $0x38;
	[tilespmem:$0x4000] =	vst v63  }
0x32: {  	_ =	swait.ge [sflag:s7], $0x1000  }
0x33: {  	s15 =	smov.u32 s18;
	[sflag:s7] =	ssyncset.done $0x0  }
0x34: {  	s15 =	sshra.s32 s14, $0x2;
	[sflag:s7] =	ssyncadd.s32 $0xFFFFF000  }
0x35: {  	[tilespmem:s9], [sflag:$0x1] =	stream.indirect.gather [hbm4b:s1+s8], $0x20, s15, s8, $0xb8;
	[tilespmem:$0x4000] =	vst v63  }
0x36: {  	s15 =	sadd.s32 $0x80, s15  }
0x37: {  	[tilespmem:s10], [sflag:$0x2] =	stream.indirect.gather [hbm4b:s1+s8], $0x20, s15, s8, $0xb8;
	[tilespmem:$0x4000] =	vst v63  }
0x38: {  	_ =	swait.ge [sflag:s11], $0x1000  }
0x39: {  	[sflag:s11] =	ssyncset.done $0x0  }
0x3a: {  	s31 =	sadd.s32 s14, s6;
	[sflag:s11] =	ssyncadd.s32 $0xFFFFF000  }
0x3b: {  	[hbm4b:s31+s3] =	stream.linear.scatter [tilespmem:s9], [sflag:$0x3], $0x1000, $0x38;
	[tilespmem:$0x4000] =	vst v63  }
0x3c: {  	_ =	swait.ge [sflag:s7], $0x1000  }
0x3d: {  	[sflag:s7] =	ssyncset.done $0x0  }
0x3e: {  	[sflag:s7] =	ssyncadd.s32 $0xFFFFF000  }
0x3f: {  	s13 =	sadd.s32 $0x1, s13;
	_ =	swait.ge [sflag:s12], $0x1000  }
0x40: {  	p0 =	sne.s32 s13, s5;
	[sflag:s12] =	ssyncset.done $0x0  }
.Ltmp1:
0x41: {  	s14 =	sadd.s32 $0x200, s31;
	[sflag:s12] =	ssyncadd.s32 $0xFFFFF000;
	(pc) =	sbr.rel @p0 .LBB2_1-.Ltmp1, $4  }
0x42: {  	[hbm4b:s14+s3] =	stream.linear.scatter [tilespmem:s10], [sflag:$0x3], $0x1000, $0x38;
	[tilespmem:$0x4000] =	vst v63  }
0x43: {  	_ =	swait.ge [sflag:s7], $0x1000  }
0x44: {  	[sflag:s7] =	ssyncset.done $0x0  }
0x45: {  	[sflag:s7] =	ssyncadd.s32 $0xFFFFF000  }
0x46: {  	_ =	sfence.sel $0x180000  }
0x47: {  	[bflag:$0x0] =	sbarrier.arrive $0xFFFF  }
0x48: {  	p0 =	sne.s32 s2, $0x0;
	_ =	strace $0x9000004D  }
0x49: {  	s0 =	sadd.s32 @!p0 $0x100000, s0;
	[bflag:$0x2] =	sbarrier.arrive $0xFFFF  }
0x4a: {  	[sflag:s0] =	ssyncadd.tile.s32 @!p0 $0x1;
	_ =	shalt  }
.Lfunc_end2:
_tile_overlayer_lowered:
.L_overlay_start_2:
0x4b: {  	(tag) =	ssettag $0x2  }
0x4c: {  	s0 =	rddreg [dreg:$0x0];
	s2 =	stileid.u32  }
0x4d: {  	s1 =	rddreg [dreg:$0x1];
	p0 =	sne.s32 s2, $0x0  }
0x4e: {  	s3 =	rddreg [dreg:$0x2];
	[bflag:$0x3] =	sbarrier.arrive $0xFFFF;
	s2 =	simm.s32 @!p0 $0x1C03  }
0x4f: {  	[timem:s3], [sflag:s2] =	dma.local @!p0 [hbm:s0], s1  }
0x50: {  	s0 =	simm.s32 @!p0 $0x3  }
0x51: {  	_ =	swait.ge @!p0 [sflag:s0], s1  }
0x52: {  	s1 =	ssub.s32 @!p0 $0x0, s1;
	[sflag:s0] =	ssyncset.done @!p0 $0x0  }
0x53: {  	[sflag:s0] =	ssyncadd.s32 @!p0 s1  }
0x54: {  	[bflag:$0x3] =	sbarrier.arrive $0xFFFF  }
0x55: {  	_ =	shalt  }

// kernel: kernel.20.cloned.1.call-start
scs
__scs_entry_jumppad:
0x0: {  	(pc) =	sbr.rel $0x88, $3  }
0x1: {  	(tag) =	ssettag $0x0;
	lr =	simm.s32 $0x1  }
0x2: {  	[smem:$0x3F8D] =	sst lr;
	_ =	strace $0xD0000000  }
0x3: {  	_ = 	snop  }
0x4: {  	_ = 	snop  }
0x5: {  	_ = 	snop  }
0x6: {  	_ = 	snop  }
0x7: {  	_ = 	snop  }
__scs_overlays_trampoline_lowered:
0x8: {  	[smem:$0x3F9C] =	sst s0  }
0x9: {  	[smem:$0x3F9D] =	sst s1  }
0xa: {  	[smem:$0x3F9E] =	sst s2  }
0xb: {  	[smem:$0x3F9F] =	sst s3  }
0xc: {  	[smem:$0x3FA0] =	sst s4  }
0xd: {  	[smem:$0x3FA1] =	sst s5  }
0xe: {  	[smem:$0x3FA2] =	sst s6  }
0xf: {  	[smem:$0x3FA3] =	sst s7  }
0x10: {  	[smem:$0x3FA4] =	sst s8  }
0x11: {  	[smem:$0x3FA5] =	sst s9;
	s0 =	simm.s32 @!p0 $0x0  }
0x12: {  	s1 =	sld [smem:$0x3F8B];
	s0 =	simm.s32 @p0 $0x1  }
0x13: {  	[smem:$0x3FA6] =	sst s0;
	s0 =	simm.s32 @!p1 $0x0  }
0x14: {  	s2 =	sld [smem:$0x3F8A];
	s0 =	simm.s32 @p1 $0x1  }
0x15: {  	[smem:$0x3FA7] =	sst s0;
	s0 =	simm.s32 @!p2 $0x0  }
0x16: {  	s3 =	sld [smem:$0x3FDB];
	s0 =	simm.s32 @p2 $0x1  }
0x17: {  	s4 =	simm.s32 $0x1BF5;
	[smem:$0x3FA9] =	sst s0  }
0x18: {  	s0 =	sld [smem:$0x3F8C];
	_ =	swait.ge [sflag:s4], $0x0  }
0x19: {  	s7 =	sld [smem:$0x3F8D]  }
0x1a: {  	s8 =	sadd.s32 $0xFFFFE003, lr  }
0x1b: {  	s9 =	sadd.s32 $0xFFFFFEF7, lr;
	s5 =	simm.s32 $0xFFFFFFFF;
	p2 =	slt.u32 s8, $0xFFFFF086  }
0x1c: {  	p1 =	slt.u32 s9, $0xF7A;
	s5 =	simm.s32 @!p2 $0x0  }
0x1d: {  	s5 =	simm.s32 @p1 $0x1;
	p0 =	seq.s32 s7, s2  }
0x1e: {  	s7 =	smul.u32 @!p0 $0xF7A, s2;
	p2 =	seq.s32 @!p0 s5, $0x0  }
0x1f: {  	s9 =	smul.u32 $0xF7A, s1;
	s8 =	simm.s32 @!p0 $0x1BF5;
	p2 =	por !p2, p0  }
0x20: {  	[sflag:s8] =	ssyncset.s32 @!p0 $0xFFFFF086;
	s6 =	sadd.s32 @!p0 s3, s7;
	s7 =	simm.s32 @!p0 $0x108  }
0x21: {  	s3 =	sadd.s32 s3, s9;
	s6 =	sadd.s32 @!p0 $0x88, s6;
	s7 =	simm.s32 @p2 $0x1082  }
0x22: {  	[simem:s7], [sflag:s8] =	dma.local @!p0 [hbm:s6], $0xF7A  }
0x23: {  	s9 =	sor.u32 $0xD0000000, s2;
	s6 =	simm.s32 $0x108;
	_ =	swait.ge @!p0 [sflag:s8], $0x0  }
0x24: {  	s3 =	sadd.s32 $0x88, s3;
	s6 =	simm.s32 @!p1 $0x1082;
	[sflag:s4] =	ssyncset.s32 $0xFFFFF086  }
0x25: {  	[simem:s6], [sflag:s4] =	dma.local [hbm:s3], $0xF7A  }
0x26: {  	[smem:$0x3F8D] =	sst s1;
	(tag) =	ssettag s2;
	_ =	strace s9  }
0x27: {  	s1 =	sld [smem:$0x3F9D]  }
0x28: {  	s2 =	sld [smem:$0x3F9E]  }
0x29: {  	s4 =	sld [smem:$0x3FA0]  }
0x2a: {  	p0 =	seq.s32 s5, $0x0;
	s5 =	sld [smem:$0x3FA1]  }
0x2b: {  	s6 =	sld [smem:$0x3FA2]  }
0x2c: {  	s7 =	sld [smem:$0x3FA3]  }
0x2d: {  	s3 =	simm.s32 $0x108;
	s8 =	sld [smem:$0x3FA4]  }
0x2e: {  	s3 =	simm.s32 @!p0 $0x1082;
	s9 =	sld [smem:$0x3FA5]  }
0x2f: {  	lr =	sadd.s32 s0, s3;
	s0 =	sld [smem:$0x3F9C]  }
0x30: {  	s3 =	sld [smem:$0x3F9F]  }
0x31: {  	[smem:$0x3FA8] =	sst s10  }
0x32: {  	s10 =	sld [smem:$0x3FA6];
	_ =	sdelay $0x3  }
0x33: {  	p0 =	seq.s32 s10, $0x1;
	s10 =	sld [smem:$0x3FA8];
	_ =	sdelay $0x3  }
0x34: {  	[smem:$0x3FA8] =	sst s10  }
0x35: {  	s10 =	sld [smem:$0x3FA7];
	_ =	sdelay $0x3  }
0x36: {  	p1 =	seq.s32 s10, $0x1;
	s10 =	sld [smem:$0x3FA8];
	_ =	sdelay $0x3  }
0x37: {  	[smem:$0x3FA8] =	sst s10  }
0x38: {  	s10 =	sld [smem:$0x3FA9]  }
0x39: {  	_ = 	snop;
	(pc) =	sbr.ind lr, $3  }
0x3a: {  	_ = 	snop  }
0x3b: {  	_ = 	snop  }
0x3c: {  	p2 =	seq.s32 s10, $0x1;
	s10 =	sld [smem:$0x3FA8]  }
0x3d: {  	_ =	shalt  }
0x3e: {  	_ =	shalt  }
0x3f: {  	_ =	shalt  }
0x40: {  	_ =	shalt  }
0x41: {  	_ =	shalt  }
0x42: {  	_ =	shalt  }
0x43: {  	_ =	shalt  }
0x44: {  	_ =	shalt  }
0x45: {  	_ =	shalt  }
0x46: {  	_ =	shalt  }
0x47: {  	_ =	shalt  }
0x48: {  	_ =	shalt  }
0x49: {  	_ =	shalt  }
0x4a: {  	_ =	shalt  }
0x4b: {  	_ =	shalt  }
0x4c: {  	_ =	shalt  }
0x4d: {  	_ =	shalt  }
0x4e: {  	_ =	shalt  }
0x4f: {  	_ =	shalt  }
0x50: {  	_ =	shalt  }
0x51: {  	_ =	shalt  }
0x52: {  	_ =	shalt  }
0x53: {  	_ =	shalt  }
0x54: {  	_ =	shalt  }
0x55: {  	_ =	shalt  }
0x56: {  	_ =	shalt  }
0x57: {  	_ =	shalt  }
0x58: {  	_ =	shalt  }
0x59: {  	_ =	shalt  }
0x5a: {  	_ =	shalt  }
0x5b: {  	_ =	shalt  }
0x5c: {  	_ =	shalt  }
0x5d: {  	_ =	shalt  }
0x5e: {  	_ =	shalt  }
0x5f: {  	_ =	shalt  }
0x60: {  	_ =	shalt  }
0x61: {  	_ =	shalt  }
0x62: {  	_ =	shalt  }
0x63: {  	_ =	shalt  }
0x64: {  	_ =	shalt  }
0x65: {  	_ =	shalt  }
0x66: {  	_ =	shalt  }
0x67: {  	_ =	shalt  }
0x68: {  	_ =	shalt  }
0x69: {  	_ =	shalt  }
0x6a: {  	_ =	shalt  }
0x6b: {  	_ =	shalt  }
0x6c: {  	_ =	shalt  }
0x6d: {  	_ =	shalt  }
0x6e: {  	_ =	shalt  }
0x6f: {  	_ =	shalt  }
0x70: {  	_ =	shalt  }
0x71: {  	_ =	shalt  }
0x72: {  	_ =	shalt  }
0x73: {  	_ =	shalt  }
0x74: {  	_ =	shalt  }
0x75: {  	_ =	shalt  }
0x76: {  	_ =	shalt  }
0x77: {  	_ =	shalt  }
0x78: {  	_ =	shalt  }
0x79: {  	_ =	shalt  }
0x7a: {  	_ =	shalt  }
0x7b: {  	_ =	shalt  }
0x7c: {  	_ =	shalt  }
0x7d: {  	_ =	shalt  }
0x7e: {  	_ =	shalt  }
0x7f: {  	_ =	shalt  }
0x80: {  	_ =	shalt  }
0x81: {  	_ =	shalt  }
0x82: {  	_ =	shalt  }
0x83: {  	_ =	shalt  }
0x84: {  	_ =	shalt  }
0x85: {  	_ =	shalt  }
0x86: {  	_ =	shalt  }
0x87: {  	_ =	shalt  }
.Lfunc_end0:
.L_simem_size_0:
called_computation.3_lowered:
.L_overlay_start_0:
0x88: {  	s2 =	sld [smem:$0x3FD9]  }
0x89: {  	s3 =	sld [smem:$0x3FFE];
	_ =	sdelay $0x1  }
0x8a: {  	s1 =	srdreg.scid  }
0x8b: {  	s0 =	sand.u32 $0x1, s1  }
0x8c: {  	s14 =	sshll.u32 s0, $0xA;
	s2 =	sadd.s32 s3, s2  }
0x8d: {  	s2 =	sadd.s32 s2, s14  }
0x8e: {  	[smem:$0x3FB4] =	sst s2  }
0x8f: {  	_ = 	snop  }
0x90: {  	s2 =	sld [smem:$0x3FD0];
	_ =	sdelay $0x2  }
0x91: {  	s15 =	simm.s32 $0xA;
	s4 =	simm.s32 $0x10  }
0x92: {  	[smem:s4], [sflag:s15] =	dma.local [hbm:s2], $0x1  }
0x93: {  	_ =	swait.eq [sflag:s15], $0x1  }
0x94: {  	[sflag:s15] =	ssyncset.done $0x0  }
0x95: {  	s16 =	sld [smem:$0x10];
	[sflag:s15] =	ssyncadd.s32 $0xFFFFFFFF  }
0x96: {  	s17 =	sld [smem:$0x11];
	(tm) =	ssettm $0x1  }
0x97: {  	s18 =	sld [smem:$0x3FFB];
	_ =	sdelay $0x3  }
0x98: {  	_ =	strace s18  }
0x99: {  	s4 =	sld [smem:$0x3FFC];
	_ =	sdelay $0x3  }
0x9a: {  	_ =	strace s4  }
0x9b: {  	s4 =	sld [smem:$0x3FFD];
	_ =	sdelay $0x3  }
0x9c: {  	_ =	strace s4  }
0x9d: {  	_ =	strace $0x8FFFFFFF  }
0x9e: {  	s19 =	sld [smem:$0x3FDB];
	_ =	sdelay $0x1  }
0x9f: {  	s5 =	simm.s32 $_scs_section_size  }
0xa0: {  	s6 =	simm.s32 $_size__tile_overlayer_lowered;
	s7 =	simm.s32 $_tile_overlayer_lowered  }
0xa1: {  	s22 =	simm.s32 $0x1BFF;
	s21 =	sshll.u32 s7, $0x1;
	s4 =	sadd.s32 s5, s19  }
0xa2: {  	s8 =	simm.s32 $0x0;
	s20 =	sshll.u32 s6, $0x1;
	s6 =	sadd.s32 s21, s4  }
0xa3: {  	[timem:s8], [sflag:s22] =	dma.local [hbm:s6], s20  }
0xa4: {  	_ =	swait.ge [sflag:s22], s20  }
0xa5: {  	s5 =	ssub.s32 $0x0, s20;
	[sflag:s22] =	ssyncset.done $0x0  }
0xa6: {  	[sflag:s22] =	ssyncadd.s32 s5;
	_ =	sdelay $0x1  }
0xa7: {  	s23 =	simm.s32 $0x1B8B  }
0xa8: {  	_ =	swait.ge [sflag:s23], $0x1  }
0xa9: {  	[sflag:s23] =	ssyncset.done $0x0  }
0xaa: {  	s25 =	simm.s32 $0x1B8E;
	s24 =	sld [smem:$0x3FFE];
	[sflag:s23] =	ssyncadd.s32 $0xFFFFFFFF  }
0xab: {  	s26 =	simm.s32 $execute0_lowered;
	[smem:$0x3FD2] =	sst s25  }
0xac: {  	s6 =	sshll.u32 s26, $0x1;
	_ =	strace $0x8000004F;
	[dreg:$0x1] =	wrdreg $0xFFFFFFFF  }
0xad: {  	s28 =	simm.s32 $_size_execute0_lowered;
	s4 =	sadd.s32 s4, s6;
	[dreg:$0x0] =	wrdreg $0x0  }
0xae: {  	s6 =	sshll.u32 s28, $0x1;
	[dreg:$0x2] =	wrdreg s4  }
0xaf: {  	[dreg:$0x3] =	wrdreg s6  }
0xb0: {  	[dreg:$0x4] =	wrdreg $0xC0  }
0xb1: {  	_ =	task [dreg:s8], $0x5FFFF  }
0xb2: {  	[dreg:$0x1] =	wrdreg $0xFFFFFFFF  }
0xb3: {  	[dreg:$0x0] =	wrdreg $0x60  }
0xb4: {  	[dreg:$0x2] =	wrdreg s16  }
0xb5: {  	[dreg:$0x3] =	wrdreg s17  }
0xb6: {  	[dreg:$0x4] =	wrdreg s24  }
0xb7: {  	[dreg:$0x5] =	wrdreg $0x9  }
0xb8: {  	_ =	task.clear_ibuf [dreg:s8], $0x6FFFF;
	_ =	strace $0x9000004F  }
0xb9: {  	s29 =	simm.s32 $0x9;
	_ =	strace $0x80000051  }
0xba: {  	_ =	swait.ge [sflag:s29], $0x1  }
0xbb: {  	[sflag:s29] =	ssyncadd.s32 $0xFFFFFFFF  }
0xbc: {  	_ =	strace $0x90000051  }
0xbd: {  	_ =	sfence  }
0xbe: {  	s30 =	sld [smem:$0x0];
	_ =	sdelay $0x2  }
0xbf: {  	s31 =	sshll.u32 s1, $0xD;
	s1 =	sshrl.u32 s1, $0x2  }
0xc0: {  	s3 =	sand.u32 $0x4000, s31;
	s1 =	sadd.s32 s1, s30  }
0xc1: {  	s0 =	sor.u32 s3, s0;
	s1 =	sshll.u32 s1, $0x11  }
0xc2: {  	s0 =	sor.u32 s1, s0  }
0xc3: {  	s0 =	sadd.s32 $0x8F2B, s0  }
0xc4: {  	[sflag:s0] =	ssyncadd.remote.s32 $0x1  }
0xc5: {  	_ =	sfence.sel $0xFFFF  }
0xc6: {  	[dreg:$0x0] =	wrdreg $0xFFFFFFFF;
	(pc) =	sbr.abs _section_cstart, $3  }
0xc7: {  	[dreg:$0x1] =	wrdreg $0xFFFFFFFF  }
0xc8: {  	_ =	task.clear_ibuf [dreg:s8], $0x2FFFF;
	_ =	strace $0x9FFFFFFF  }
0xc9: {  	(tm) =	ssettm $0x7FFFFFFF  }
tec
execute0_lowered:
.L_overlay_start_1:
0x0: {  	(tag) =	ssettag $0x1  }
0x1: {  	s1 =	rddreg [dreg:$0x0]  }
0x2: {  	s4 =	rddreg [dreg:$0x1]  }
0x3: {  	s5 =	rddreg [dreg:$0x2]  }
0x4: {  	s0 =	rddreg [dreg:$0x3]  }
0x5: {  	s3 =	simm.s32 $0x0;
	s6 =	srdreg.scid;
	s2 =	stileid.u32  }
0x6: {  	s10 =	simm.s32 $0x4000;
	s11 =	simm.s32 $0x1;
	s12 =	simm.s32 $0x2  }
0x7: {  	s13 =	simm.s32 $0x0;
	[smem:$0x7FF] =	sst s3;
	s6 =	sand.u32 $0x1, s6  }
0x8: {  	s7 =	sshll.u32 s2, $0x11;
	s8 =	sshll.u32 s2, $0xE;
	_ =	strace $0x80000050  }
0x9: {  	s9 =	sshll.u32 s6, $0xD;
	s5 =	sadd.s32 s7, s5;
	s30 =	ssub.s32 $0x2, s6  }
0xa: {  	s6 =	sshll.u32 s6, $0x10;
	s8 =	sor.u32 s9, s8;
	s31 =	sshrl.u32 s30, $0x1  }
0xb: {  	s6 =	sadd.s32 s6, s5;
	s9 =	simm.s32 $0x2000;
	s8 =	sshrl.u32 s8, $0x3  }
0xc: {  	s7 =	ssub.s32 s30, s31;
	s6 =	sadd.s32 $0x3A00, s6;
	s4 =	sadd.s32 s4, s8  }
0xd: {  	s5 =	smax.u32 s7, $0x1;
	s7 =	simm.s32 $0x3;
	s8 =	simm.s32 $0x80  }
.LBB2_1:
0xe: {  	[tilespmem:s3], [sflag:$0x3] =	stream.linear.gather [hbm4b:s4+s3], $0x2000, $0x38;
	[tilespmem:$0x6000] =	vst v63  }
0xf: {  	_ =	swait.ge [sflag:s7], $0x2000  }
0x10: {  	[sflag:s7] =	ssyncset.done $0x0  }
0x11: {  	s14 =	simm.s32 $0x0;
	[sflag:s7] =	ssyncadd.s32 $0xFFFFE000  }
0x12: {  	[tilespmem:s9], [sflag:$0x1] =	stream.indirect.gather [hbm4b:s1+s8], $0x40, s14, s8, $0xb8;
	[tilespmem:$0x6000] =	vst v63  }
0x13: {  	s30 =	simm.s32 $0x80  }
0x14: {  	[tilespmem:s10], [sflag:$0x2] =	stream.indirect.gather [hbm4b:s1+s8], $0x40, s30, s8, $0xb8;
	[tilespmem:$0x6000] =	vst v63  }
0x15: {  	_ =	swait.ge [sflag:s11], $0x2000  }
0x16: {  	[sflag:s11] =	ssyncset.done $0x0  }
0x17: {  	[sflag:s11] =	ssyncadd.s32 $0xFFFFE000  }
0x18: {  	[hbm4b:s6+s3] =	stream.linear.scatter [tilespmem:s9], [sflag:$0x3], $0x2000, $0x38;
	[tilespmem:$0x6000] =	vst v63  }
0x19: {  	_ =	swait.ge [sflag:s7], $0x2000  }
0x1a: {  	[sflag:s7] =	ssyncset.done $0x0  }
0x1b: {  	[sflag:s7] =	ssyncadd.s32 $0xFFFFE000  }
0x1c: {  	_ =	swait.ge [sflag:s12], $0x2000  }
0x1d: {  	[sflag:s12] =	ssyncset.done $0x0  }
0x1e: {  	s31 =	sadd.s32 $0x400, s6;
	[sflag:s12] =	ssyncadd.s32 $0xFFFFE000  }
0x1f: {  	[hbm4b:s31+s3] =	stream.linear.scatter [tilespmem:s10], [sflag:$0x3], $0x2000, $0x38;
	[tilespmem:$0x6000] =	vst v63  }
0x20: {  	s15 =	simm.s32 $0x400;
	_ =	swait.ge [sflag:s7], $0x2000  }
0x21: {  	s16 =	simm.s32 $0x800;
	s14 =	sadd.s32 $0x800, s6;
	[sflag:s7] =	ssyncset.done $0x0  }
.LBB2_2:
0x22: {  	s17 =	sshra.s32 s15, $0x2  }
0x23: {  	[sflag:s7] =	ssyncadd.s32 $0xFFFFE000;
	s15 =	smov.u32 s16;
	s18 =	sadd.s32 $0x400, s16  }
0x24: {  	[tilespmem:s9], [sflag:$0x1] =	stream.indirect.gather [hbm4b:s1+s8], $0x40, s17, s8, $0xb8;
	[tilespmem:$0x6000] =	vst v63  }
0x25: {  	p0 =	sne.s32 s16, $0x7C00;
	s16 =	sadd.s32 $0x80, s17  }
0x26: {  	[tilespmem:s10], [sflag:$0x2] =	stream.indirect.gather [hbm4b:s1+s8], $0x40, s16, s8, $0xb8;
	[tilespmem:$0x6000] =	vst v63  }
0x27: {  	_ =	swait.ge [sflag:s11], $0x2000  }
0x28: {  	[sflag:s11] =	ssyncset.done $0x0  }
0x29: {  	[sflag:s11] =	ssyncadd.s32 $0xFFFFE000  }
0x2a: {  	[hbm4b:s14+s3] =	stream.linear.scatter [tilespmem:s9], [sflag:$0x3], $0x2000, $0x38;
	[tilespmem:$0x6000] =	vst v63  }
0x2b: {  	_ =	swait.ge [sflag:s7], $0x2000  }
0x2c: {  	[sflag:s7] =	ssyncset.done $0x0  }
0x2d: {  	[sflag:s7] =	ssyncadd.s32 $0xFFFFE000  }
0x2e: {  	_ =	swait.ge [sflag:s12], $0x2000  }
.Ltmp0:
0x2f: {  	[sflag:s12] =	ssyncset.done $0x0;
	(pc) =	sbr.rel @p0 .LBB2_2-.Ltmp0, $4  }
0x30: {  	s16 =	sadd.s32 $0x400, s14;
	[sflag:s12] =	ssyncadd.s32 $0xFFFFE000  }
0x31: {  	[hbm4b:s16+s3] =	stream.linear.scatter [tilespmem:s10], [sflag:$0x3], $0x2000, $0x38;
	[tilespmem:$0x6000] =	vst v63  }
0x32: {  	_ =	swait.ge [sflag:s7], $0x2000  }
0x33: {  	s14 =	sadd.s32 $0x800, s14;
	s16 =	smov.u32 s18;
	[sflag:s7] =	ssyncset.done $0x0  }
0x34: {  	s15 =	sshra.s32 s15, $0x2;
	[sflag:s7] =	ssyncadd.s32 $0xFFFFE000  }
0x35: {  	[tilespmem:s9], [sflag:$0x1] =	stream.indirect.gather [hbm4b:s1+s8], $0x40, s15, s8, $0xb8;
	[tilespmem:$0x6000] =	vst v63  }
0x36: {  	s15 =	sadd.s32 $0x80, s15  }
0x37: {  	[tilespmem:s10], [sflag:$0x2] =	stream.indirect.gather [hbm4b:s1+s8], $0x40, s15, s8, $0xb8;
	[tilespmem:$0x6000] =	vst v63  }
0x38: {  	_ =	swait.ge [sflag:s11], $0x2000  }
0x39: {  	[sflag:s11] =	ssyncset.done $0x0  }
0x3a: {  	[sflag:s11] =	ssyncadd.s32 $0xFFFFE000  }
0x3b: {  	[hbm4b:s14+s3] =	stream.linear.scatter [tilespmem:s9], [sflag:$0x3], $0x2000, $0x38;
	[tilespmem:$0x6000] =	vst v63  }
0x3c: {  	_ =	swait.ge [sflag:s7], $0x2000  }
0x3d: {  	[sflag:s7] =	ssyncset.done $0x0  }
0x3e: {  	[sflag:s7] =	ssyncadd.s32 $0xFFFFE000  }
0x3f: {  	s13 =	sadd.s32 $0x1, s13;
	_ =	swait.ge [sflag:s12], $0x2000  }
0x40: {  	p0 =	sne.s32 s13, s5;
	[sflag:s12] =	ssyncset.done $0x0  }
.Ltmp1:
0x41: {  	s31 =	sadd.s32 $0x400, s14;
	[sflag:s12] =	ssyncadd.s32 $0xFFFFE000;
	(pc) =	sbr.rel @p0 .LBB2_1-.Ltmp1, $4  }
0x42: {  	[hbm4b:s31+s3] =	stream.linear.scatter [tilespmem:s10], [sflag:$0x3], $0x2000, $0x38;
	[tilespmem:$0x6000] =	vst v63  }
0x43: {  	_ =	swait.ge [sflag:s7], $0x2000  }
0x44: {  	[sflag:s7] =	ssyncset.done $0x0  }
0x45: {  	[sflag:s7] =	ssyncadd.s32 $0xFFFFE000  }
0x46: {  	_ =	sfence.sel $0x180000  }
0x47: {  	[bflag:$0x0] =	sbarrier.arrive $0xFFFF  }
0x48: {  	p0 =	sne.s32 s2, $0x0;
	_ =	strace $0x90000050  }
0x49: {  	s0 =	sadd.s32 @!p0 $0x100000, s0;
	[bflag:$0x2] =	sbarrier.arrive $0xFFFF  }
0x4a: {  	[sflag:s0] =	ssyncadd.tile.s32 @!p0 $0x1;
	_ =	shalt  }
.Lfunc_end2:
_tile_overlayer_lowered:
.L_overlay_start_2:
0x4b: {  	(tag) =	ssettag $0x2  }
0x4c: {  	s0 =	rddreg [dreg:$0x0];
	s2 =	stileid.u32  }
0x4d: {  	s1 =	rddreg [dreg:$0x1];
	p0 =	sne.s32 s2, $0x0  }
0x4e: {  	s3 =	rddreg [dreg:$0x2];
	[bflag:$0x3] =	sbarrier.arrive $0xFFFF;
	s2 =	simm.s32 @!p0 $0x1C03  }
0x4f: {  	[timem:s3], [sflag:s2] =	dma.local @!p0 [hbm:s0], s1  }
0x50: {  	s0 =	simm.s32 @!p0 $0x3  }
0x51: {  	_ =	swait.ge @!p0 [sflag:s0], s1  }
0x52: {  	s1 =	ssub.s32 @!p0 $0x0, s1;
	[sflag:s0] =	ssyncset.done @!p0 $0x0  }
0x53: {  	[sflag:s0] =	ssyncadd.s32 @!p0 s1  }
0x54: {  	[bflag:$0x3] =	sbarrier.arrive $0xFFFF  }
0x55: {  	_ =	shalt  }

</sc_bundles>
